<compile_context>
chip_gen: v7x
topology: tpu7x:2x2x1
jax: 0.10.2.dev20260603
libtpu: 0.0.44.dev20260713+nightly
codegen_flags: <defaults>
</compile_context>

<pallas_src>
import functools

import jax
import jax.numpy as jnp
from jax import lax
from jax.experimental import pallas as pl
from jax.experimental.pallas import tpu as pltpu
from jax.experimental.pallas import tpu_sc as plsc

N_NODES = 10000
N_EDGES = 320000
D = 128
DH = D // 2

NUM_CORES = 2
NUM_SUBCORES = 16
E_PER_TILE = N_EDGES // NUM_SUBCORES
CHUNK = 40
N_CHUNKS = E_PER_TILE // CHUNK
NBUF = 5
LA = 3
ROWS_PER_TILE = 624
TAIL_ROWS = N_NODES - NUM_SUBCORES * ROWS_PER_TILE
DROWS = 48


def _sc_agg(src0, src1, edge, src_idx, dst_idx, z64, z16):
    mesh = plsc.VectorSubcoreMesh(core_axis_name="c", subcore_axis_name="s")

    scratch = (
        [pltpu.VMEM((1, CHUNK), jnp.int32)] * NBUF
        + [pltpu.VMEM((1, CHUNK), jnp.int32)] * NBUF
        + [pltpu.VMEM((CHUNK, DH), jnp.float32)] * NBUF
        + [pltpu.VMEM((CHUNK, DH), jnp.float32)] * NBUF
        + [
            pltpu.VMEM((CHUNK, 16), jnp.float32),
            pltpu.VMEM((DROWS, DH), jnp.float32),
            pltpu.VMEM((DROWS, 16), jnp.float32),
            pltpu.VMEM_SHARED((N_NODES, DH), jnp.float32),
            pltpu.VMEM_SHARED((N_NODES, 16), jnp.float32),
        ]
        + [pltpu.SemaphoreType.DMA] * (3 * NBUF)
    )

    @functools.partial(
        pl.kernel,
        mesh=mesh,
        out_type=jax.ShapeDtypeStruct((N_NODES, D), jnp.float32),
        scratch_types=scratch,
        compiler_params=pltpu.CompilerParams(use_tc_tiling_on_sc=False,
                                             needs_layout_passes=False),
    )
    def ker(src0_hbm, src1_hbm, edge_hbm, sidx_hbm, didx_hbm, z64_hbm,
            z16_hbm, out_hbm, *scr):
        sidx = scr[0:NBUF]
        didx = scr[NBUF:2 * NBUF]
        srows = scr[2 * NBUF:3 * NBUF]
        erows = scr[3 * NBUF:4 * NBUF]
        ones_v, sbuf, dbuf, ssum, sdeg = scr[4 * NBUF:4 * NBUF + 5]
        sem_i = scr[4 * NBUF + 5:5 * NBUF + 5]
        sem_g = scr[5 * NBUF + 5:6 * NBUF + 5]
        sem_s = scr[6 * NBUF + 5:7 * NBUF + 5]

        cid = lax.axis_index("c")
        sid = lax.axis_index("s")

        onevec = jnp.where(lax.iota(jnp.int32, 16) == 0, 1.0, 0.0)

        def ones_body(j, _):
            ones_v[j, pl.ds(0, 16)] = onevec
            return 0

        lax.fori_loop(0, CHUNK, ones_body, 0)

        row0 = sid * ROWS_PER_TILE
        pltpu.sync_copy(z64_hbm, ssum.at[pl.ds(row0, ROWS_PER_TILE)])
        pltpu.sync_copy(z16_hbm, sdeg.at[pl.ds(row0, ROWS_PER_TILE)])

        tail0 = NUM_SUBCORES * ROWS_PER_TILE

        @pl.when(sid == NUM_SUBCORES - 1)
        def _zero_tail():
            pltpu.sync_copy(z64_hbm.at[pl.ds(0, TAIL_ROWS)],
                            ssum.at[pl.ds(tail0, TAIL_ROWS)])
            pltpu.sync_copy(z16_hbm.at[pl.ds(0, TAIL_ROWS)],
                            sdeg.at[pl.ds(tail0, TAIL_ROWS)])

        plsc.subcore_barrier()

        def issue_idx(c, b):
            base = sid * E_PER_TILE + c * CHUNK
            pltpu.async_copy(sidx_hbm.at[pl.ds(base, CHUNK)], sidx[b].at[0],
                             sem_i[b])
            pltpu.async_copy(didx_hbm.at[pl.ds(base, CHUNK)], didx[b].at[0],
                             sem_i[b])

        def wait_idx(c, b):
            base = sid * E_PER_TILE + c * CHUNK
            pltpu.make_async_copy(sidx_hbm.at[pl.ds(base, CHUNK)],
                                  sidx[b].at[0], sem_i[b]).wait()
            pltpu.make_async_copy(didx_hbm.at[pl.ds(base, CHUNK)],
                                  didx[b].at[0], sem_i[b]).wait()

        def issue_loads(c, b):
            idx = sidx[b].at[0]
            row_sl = pl.ds(sid * E_PER_TILE + c * CHUNK, CHUNK)

            @pl.when(cid == 0)
            def _g0():
                pltpu.async_copy(src0_hbm.at[idx], srows[b], sem_g[b])
                pltpu.async_copy(edge_hbm.at[row_sl, pl.ds(0, DH)],
                                 erows[b], sem_g[b])

            @pl.when(cid == 1)
            def _g1():
                pltpu.async_copy(src1_hbm.at[idx], srows[b], sem_g[b])
                pltpu.async_copy(edge_hbm.at[row_sl, pl.ds(DH, DH)],
                                 erows[b], sem_g[b])

        def wait_loads(c, b):
            pltpu.make_async_copy(src0_hbm.at[sidx[b].at[0]], srows[b],
                                  sem_g[b]).wait()
            pltpu.make_async_copy(
                edge_hbm.at[pl.ds(sid * E_PER_TILE + c * CHUNK, CHUNK),
                            pl.ds(0, DH)],
                erows[b], sem_g[b]).wait()

        def issue_scatters(c, b):
            idx = didx[b].at[0]
            pltpu.async_copy(srows[b], ssum.at[idx], sem_s[b], add=True)
            pltpu.async_copy(erows[b], ssum.at[idx], sem_s[b], add=True)
            pltpu.async_copy(ones_v, sdeg.at[idx], sem_s[b], add=True)

        def wait_scatters(c, b):
            idx = didx[b].at[0]
            pltpu.make_async_copy(srows[b], ssum.at[idx], sem_s[b]).wait()
            pltpu.make_async_copy(erows[b], ssum.at[idx], sem_s[b]).wait()
            pltpu.make_async_copy(ones_v, sdeg.at[idx], sem_s[b]).wait()

        for c in range(LA):
            issue_idx(c, c % NBUF)
        for c in range(LA):
            wait_idx(c, c % NBUF)
            issue_loads(c, c % NBUF)
        issue_idx(LA, LA % NBUF)

        def ring_body(g, _):
            for b in range(NBUF):
                c = g * NBUF + b
                wait_loads(c, b)
                issue_scatters(c, b)

                c3 = c + LA + 1
                b3 = (b + LA + 1) % NBUF

                @pl.when(c3 < N_CHUNKS)
                def _idx_prefetch():
                    issue_idx(c3, b3)

                c2 = c + LA
                b2 = (b + LA) % NBUF

                @pl.when(c2 < N_CHUNKS)
                def _load_prefetch():
                    @pl.when(c >= NBUF - LA)
                    def _drain_prev():
                        wait_scatters(c - (NBUF - LA), b2)

                    wait_idx(c2, b2)
                    issue_loads(c2, b2)

            return 0

        lax.fori_loop(0, N_CHUNKS // NBUF, ring_body, 0)

        for k in range(NBUF):
            cw = N_CHUNKS - NBUF + k
            wait_scatters(cw, cw % NBUF)

        plsc.subcore_barrier()

        col_sl = pl.ds(0, DH)

        def divide_rows(r, n):
            pltpu.sync_copy(ssum.at[pl.ds(r, n)], sbuf.at[pl.ds(0, n)])
            pltpu.sync_copy(sdeg.at[pl.ds(r, n)], dbuf.at[pl.ds(0, n)])

            def row_body(j, _):
                dvec = plsc.cumsum(dbuf[j, pl.ds(0, 16)])
                rv = 1.0 / jnp.maximum(dvec, 1.0)
                for k in range(DH // 16):
                    sl = pl.ds(k * 16, 16)
                    sbuf[j, sl] = sbuf[j, sl] * rv
                return 0

            lax.fori_loop(0, n, row_body, 0)

            @pl.when(cid == 0)
            def _w0():
                pltpu.sync_copy(sbuf.at[pl.ds(0, n)],
                                out_hbm.at[pl.ds(r, n), pl.ds(0, DH)])

            @pl.when(cid == 1)
            def _w1():
                pltpu.sync_copy(sbuf.at[pl.ds(0, n)],
                                out_hbm.at[pl.ds(r, n), pl.ds(DH, DH)])

        for i in range(ROWS_PER_TILE // DROWS):
            divide_rows(row0 + i * DROWS, DROWS)

        @pl.when(sid == NUM_SUBCORES - 1)
        def _div_tail():
            divide_rows(tail0, TAIL_ROWS)

    return ker(src0, src1, edge, src_idx, dst_idx, z64, z16)


@jax.jit
def kernel(src_embedding, edge_embedding, edge_index):
    src_idx = edge_index[0].astype(jnp.int32)
    dst_idx = edge_index[1].astype(jnp.int32)
    src0 = src_embedding[:, :DH]
    src1 = src_embedding[:, DH:]
    z64 = jnp.zeros((ROWS_PER_TILE, DH), jnp.float32)
    z16 = jnp.zeros((ROWS_PER_TILE, 16), jnp.float32)
    return _sc_agg(src0, src1, edge_embedding, src_idx, dst_idx, z64, z16)

# --- scband reference (transcript-rebuilt; emitter-appended) ---
"""Pipeline reference for scband-agglayer-73976516706889 (READ-ONLY COPY).

The authoritative reference and input builder live on the scoring server;
editing this copy changes nothing except your own understanding.
"""

import jax, jax.numpy as jnp
import numpy as np

N_NODES = 10000
N_EDGES = 320000
D_FEAT = 128


def setup_inputs(seed: int = 0) -> dict:
    key = jax.random.key(seed)
    k1, k2, k3 = jax.random.split(key, 3)
    src_embedding = jax.random.normal(k1, (N_NODES, D_FEAT), dtype=jnp.float32)
    edge_embedding = jax.random.normal(k2, (N_EDGES, D_FEAT), dtype=jnp.float32)
    edge_index = jax.random.randint(k3, (2, N_EDGES), 0, N_NODES, dtype=jnp.int64)
    return {
        "src_embedding": src_embedding,
        "edge_embedding": edge_embedding,
        "edge_index": edge_index,
    }


def reference(src_embedding, edge_embedding, edge_index):
    # DGL semantics: message_func: msg = src['h1'] + edge['h1']
    # reduce_func: mean over mailbox (incoming messages) per dst node.
    # Zero in-degree nodes receive zeros (DGL leaves them uninitialized/zero).
    src = edge_index[0]
    dst = edge_index[1]
    n_nodes = src_embedding.shape[0]
    msg = jnp.take(src_embedding, src, axis=0) + edge_embedding  # gather + add
    summed = jax.ops.segment_sum(msg, dst, num_segments=n_nodes)  # scatter-add
    deg = jax.ops.segment_sum(
        jnp.ones((msg.shape[0],), dtype=msg.dtype), dst, num_segments=n_nodes
    )
    agg = summed / jnp.maximum(deg, 1.0)[:, None]
    return agg

if __name__ == "__main__":
    import jax
    _d = setup_inputs()
    print(jax.jit(kernel)(*tuple(_d.values())))

</pallas_src>

<mosaic_0001>
#map = affine_map<(d0, d1) -> (0, 0)>
#map1 = affine_map<(d0, d1) -> (0)>
module attributes {stable_mosaic.version = 14 : i64} {
  func.func @ker(%arg0: i32, %arg1: i32, %arg2: memref<10000x64xf32, #tpu.memory_space<hbm>>, %arg3: memref<10000x64xf32, #tpu.memory_space<hbm>>, %arg4: memref<320000x128xf32, #tpu.memory_space<hbm>>, %arg5: memref<320000xi32, #tpu.memory_space<hbm>>, %arg6: memref<320000xi32, #tpu.memory_space<hbm>>, %arg7: memref<624x64xf32, #tpu.memory_space<hbm>>, %arg8: memref<624x16xf32, #tpu.memory_space<hbm>>, %arg9: memref<10000x128xf32, #tpu.memory_space<hbm>>, %arg10: memref<1x40xi32, #tpu.memory_space<vmem>>, %arg11: memref<1x40xi32, #tpu.memory_space<vmem>>, %arg12: memref<1x40xi32, #tpu.memory_space<vmem>>, %arg13: memref<1x40xi32, #tpu.memory_space<vmem>>, %arg14: memref<1x40xi32, #tpu.memory_space<vmem>>, %arg15: memref<1x40xi32, #tpu.memory_space<vmem>>, %arg16: memref<1x40xi32, #tpu.memory_space<vmem>>, %arg17: memref<1x40xi32, #tpu.memory_space<vmem>>, %arg18: memref<1x40xi32, #tpu.memory_space<vmem>>, %arg19: memref<1x40xi32, #tpu.memory_space<vmem>>, %arg20: memref<40x64xf32, #tpu.memory_space<vmem>>, %arg21: memref<40x64xf32, #tpu.memory_space<vmem>>, %arg22: memref<40x64xf32, #tpu.memory_space<vmem>>, %arg23: memref<40x64xf32, #tpu.memory_space<vmem>>, %arg24: memref<40x64xf32, #tpu.memory_space<vmem>>, %arg25: memref<40x64xf32, #tpu.memory_space<vmem>>, %arg26: memref<40x64xf32, #tpu.memory_space<vmem>>, %arg27: memref<40x64xf32, #tpu.memory_space<vmem>>, %arg28: memref<40x64xf32, #tpu.memory_space<vmem>>, %arg29: memref<40x64xf32, #tpu.memory_space<vmem>>, %arg30: memref<40x16xf32, #tpu.memory_space<vmem>>, %arg31: memref<48x64xf32, #tpu.memory_space<vmem>>, %arg32: memref<48x16xf32, #tpu.memory_space<vmem>>, %arg33: memref<10000x64xf32, #tpu.memory_space<vmem_shared>>, %arg34: memref<10000x16xf32, #tpu.memory_space<vmem_shared>>, %arg35: memref<!tpu.dma_semaphore, #tpu.memory_space<semaphore_mem>>, %arg36: memref<!tpu.dma_semaphore, #tpu.memory_space<semaphore_mem>>, %arg37: memref<!tpu.dma_semaphore, #tpu.memory_space<semaphore_mem>>, %arg38: memref<!tpu.dma_semaphore, #tpu.memory_space<semaphore_mem>>, %arg39: memref<!tpu.dma_semaphore, #tpu.memory_space<semaphore_mem>>, %arg40: memref<!tpu.dma_semaphore, #tpu.memory_space<semaphore_mem>>, %arg41: memref<!tpu.dma_semaphore, #tpu.memory_space<semaphore_mem>>, %arg42: memref<!tpu.dma_semaphore, #tpu.memory_space<semaphore_mem>>, %arg43: memref<!tpu.dma_semaphore, #tpu.memory_space<semaphore_mem>>, %arg44: memref<!tpu.dma_semaphore, #tpu.memory_space<semaphore_mem>>, %arg45: memref<!tpu.dma_semaphore, #tpu.memory_space<semaphore_mem>>, %arg46: memref<!tpu.dma_semaphore, #tpu.memory_space<semaphore_mem>>, %arg47: memref<!tpu.dma_semaphore, #tpu.memory_space<semaphore_mem>>, %arg48: memref<!tpu.dma_semaphore, #tpu.memory_space<semaphore_mem>>, %arg49: memref<!tpu.dma_semaphore, #tpu.memory_space<semaphore_mem>>) attributes {dimension_semantics = [#tpu.dimension_semantics<core_parallel>, #tpu.dimension_semantics<subcore_parallel>], iteration_bounds = array<i64: 2, 16>, scalar_prefetch = 0 : i64, scratch_operands = 40 : i64, tpu.core_type = #tpu.core_type<sc_vector_subcore>, window_params = [{transform_indices = #map}, {transform_indices = #map}, {transform_indices = #map}, {transform_indices = #map1}, {transform_indices = #map1}, {transform_indices = #map}, {transform_indices = #map}, {transform_indices = #map}]} {
    %iota3A = tpu.iota {dimensions = array<i32: 0>} : vector<16xi32>
    %eq3A = arith.constant 0 : i32
    %eq3A_0 = vector.broadcast %eq3A : i32 to vector<16xi32>
    %eq3A_1 = arith.cmpi eq, %iota3A, %eq3A_0 : vector<16xi32>
    %jit3A = arith.constant 1.000000e+00 : f32
    %jit3A_2 = arith.constant 0.000000e+00 : f32
    %broadcast_in_dim3A = vector.broadcast %jit3A : f32 to vector<16xf32>
    %broadcast_in_dim3A_3 = vector.broadcast %jit3A_2 : f32 to vector<16xf32>
    %select_n3A = arith.select %eq3A_1, %broadcast_in_dim3A, %broadcast_in_dim3A_3 : vector<16xi1>, vector<16xf32>
    %scan3A = arith.constant 0 : i32
    %scan3A_4 = arith.constant 0 : i32
    %scan3A_5 = arith.constant 40 : i32
    %scan3A_6 = arith.addi %scan3A_4, %scan3A_5 : i32
    %scan3A_7 = arith.constant 1 : i32
    %scan3A_8 = scf.for %scan3A_578 = %scan3A_4 to %scan3A_6 step %scan3A_7 iter_args(%scan3A_579 = %scan3A) -> (i32)  : i32 {
      %swap3A = arith.index_cast %scan3A_578 : i32 to index
      %swap3A_580 = arith.constant 0 : index
      %swap3A_581 = tpu.vector_load %arg30[%swap3A, %swap3A_580] {strides = array<i32>} : memref<40x16xf32, #tpu.memory_space<vmem>>, vector<16xf32>,
      tpu.vector_store %arg30[%swap3A, %swap3A_580], %select_n3A {strides = array<i32>} : memref<40x16xf32, #tpu.memory_space<vmem>>, vector<16xf32>,
      %scan3A_582 = arith.constant 0 : i32
      scf.yield %scan3A_582 : i32
    }
    %scan3A_9 = arith.constant 40 : i32
    %mul3A = arith.constant 624 : i32
    %mul3A_10 = arith.muli %arg1, %mul3A : i32
    "tpu.region"() ({
      %run_scoped3A = tpu.sem_alloc : memref<!tpu.dma_semaphore, #tpu.memory_space<semaphore_mem>>
      %dma_start3A_578 = arith.constant 0 : i32
      %dma_start3A_579 = tpu.memref_slice %arg33[%mul3A_10, %dma_start3A_578] : memref<10000x64xf32, #tpu.memory_space<vmem_shared>> -> memref<624x64xf32, #tpu.memory_space<vmem_shared>>
      tpu.enqueue_dma source(%arg7 : memref<624x64xf32, #tpu.memory_space<hbm>>) target(%dma_start3A_579 : memref<624x64xf32, #tpu.memory_space<vmem_shared>>) target_semaphore(%run_scoped3A : memref<!tpu.dma_semaphore, #tpu.memory_space<semaphore_mem>>)
      %dma_wait3A_580 = arith.constant 0 : i32
      %dma_wait3A_581 = tpu.memref_slice %arg33[%mul3A_10, %dma_wait3A_580] : memref<10000x64xf32, #tpu.memory_space<vmem_shared>> -> memref<624x64xf32, #tpu.memory_space<vmem_shared>>
      tpu.wait_dma2 semaphore(%run_scoped3A : memref<!tpu.dma_semaphore, #tpu.memory_space<semaphore_mem>>) src(%arg7 : memref<624x64xf32, #tpu.memory_space<hbm>>) dst(%dma_wait3A_581 : memref<624x64xf32, #tpu.memory_space<vmem_shared>>)
      tpu.yield
    }) : () -> ()
    "tpu.region"() ({
      %run_scoped3A = tpu.sem_alloc : memref<!tpu.dma_semaphore, #tpu.memory_space<semaphore_mem>>
      %dma_start3A_578 = arith.constant 0 : i32
      %dma_start3A_579 = tpu.memref_slice %arg34[%mul3A_10, %dma_start3A_578] : memref<10000x16xf32, #tpu.memory_space<vmem_shared>> -> memref<624x16xf32, #tpu.memory_space<vmem_shared>>
      tpu.enqueue_dma source(%arg8 : memref<624x16xf32, #tpu.memory_space<hbm>>) target(%dma_start3A_579 : memref<624x16xf32, #tpu.memory_space<vmem_shared>>) target_semaphore(%run_scoped3A : memref<!tpu.dma_semaphore, #tpu.memory_space<semaphore_mem>>)
      %dma_wait3A_580 = arith.constant 0 : i32
      %dma_wait3A_581 = tpu.memref_slice %arg34[%mul3A_10, %dma_wait3A_580] : memref<10000x16xf32, #tpu.memory_space<vmem_shared>> -> memref<624x16xf32, #tpu.memory_space<vmem_shared>>
      tpu.wait_dma2 semaphore(%run_scoped3A : memref<!tpu.dma_semaphore, #tpu.memory_space<semaphore_mem>>) src(%arg8 : memref<624x16xf32, #tpu.memory_space<hbm>>) dst(%dma_wait3A_581 : memref<624x16xf32, #tpu.memory_space<vmem_shared>>)
      tpu.yield
    }) : () -> ()
    %eq3A_11 = arith.constant 15 : i32
    %eq3A_12 = arith.cmpi eq, %arg1, %eq3A_11 : i32
    %convert_element_type3A = arith.extui %eq3A_12 : i1 to i32
    %cond3A = arith.constant 0 : i32
    %cond3A_13 = arith.cmpi ne, %convert_element_type3A, %cond3A : i32
    scf.if %cond3A_13 {
      "tpu.region"() ({
        %run_scoped3A = tpu.sem_alloc : memref<!tpu.dma_semaphore, #tpu.memory_space<semaphore_mem>>
        %dma_start3A_578 = arith.constant 9984 : i32
        %dma_start3A_579 = arith.constant 0 : i32
        %dma_start3A_580 = tpu.memref_slice %arg33[%dma_start3A_578, %dma_start3A_579] : memref<10000x64xf32, #tpu.memory_space<vmem_shared>> -> memref<16x64xf32, #tpu.memory_space<vmem_shared>>
        %dma_start3A_581 = arith.constant 0 : i32
        %dma_start3A_582 = arith.constant 0 : i32
        %dma_start3A_583 = tpu.memref_slice %arg7[%dma_start3A_581, %dma_start3A_582] : memref<624x64xf32, #tpu.memory_space<hbm>> -> memref<16x64xf32, #tpu.memory_space<hbm>>
        tpu.enqueue_dma source(%dma_start3A_583 : memref<16x64xf32, #tpu.memory_space<hbm>>) target(%dma_start3A_580 : memref<16x64xf32, #tpu.memory_space<vmem_shared>>) target_semaphore(%run_scoped3A : memref<!tpu.dma_semaphore, #tpu.memory_space<semaphore_mem>>)
        %dma_wait3A_584 = arith.constant 9984 : i32
        %dma_wait3A_585 = arith.constant 0 : i32
        %dma_wait3A_586 = tpu.memref_slice %arg33[%dma_wait3A_584, %dma_wait3A_585] : memref<10000x64xf32, #tpu.memory_space<vmem_shared>> -> memref<16x64xf32, #tpu.memory_space<vmem_shared>>
        %dma_wait3A_587 = arith.constant 0 : i32
        %dma_wait3A_588 = arith.constant 0 : i32
        %dma_wait3A_589 = tpu.memref_slice %arg7[%dma_wait3A_587, %dma_wait3A_588] : memref<624x64xf32, #tpu.memory_space<hbm>> -> memref<16x64xf32, #tpu.memory_space<hbm>>
        tpu.wait_dma2 semaphore(%run_scoped3A : memref<!tpu.dma_semaphore, #tpu.memory_space<semaphore_mem>>) src(%dma_wait3A_589 : memref<16x64xf32, #tpu.memory_space<hbm>>) dst(%dma_wait3A_586 : memref<16x64xf32, #tpu.memory_space<vmem_shared>>)
        tpu.yield
      }) : () -> ()
      "tpu.region"() ({
        %run_scoped3A = tpu.sem_alloc : memref<!tpu.dma_semaphore, #tpu.memory_space<semaphore_mem>>
        %dma_start3A_578 = arith.constant 9984 : i32
        %dma_start3A_579 = arith.constant 0 : i32
        %dma_start3A_580 = tpu.memref_slice %arg34[%dma_start3A_578, %dma_start3A_579] : memref<10000x16xf32, #tpu.memory_space<vmem_shared>> -> memref<16x16xf32, #tpu.memory_space<vmem_shared>>
        %dma_start3A_581 = arith.constant 0 : i32
        %dma_start3A_582 = arith.constant 0 : i32
        %dma_start3A_583 = tpu.memref_slice %arg8[%dma_start3A_581, %dma_start3A_582] : memref<624x16xf32, #tpu.memory_space<hbm>> -> memref<16x16xf32, #tpu.memory_space<hbm>>
        tpu.enqueue_dma source(%dma_start3A_583 : memref<16x16xf32, #tpu.memory_space<hbm>>) target(%dma_start3A_580 : memref<16x16xf32, #tpu.memory_space<vmem_shared>>) target_semaphore(%run_scoped3A : memref<!tpu.dma_semaphore, #tpu.memory_space<semaphore_mem>>)
        %dma_wait3A_584 = arith.constant 9984 : i32
        %dma_wait3A_585 = arith.constant 0 : i32
        %dma_wait3A_586 = tpu.memref_slice %arg34[%dma_wait3A_584, %dma_wait3A_585] : memref<10000x16xf32, #tpu.memory_space<vmem_shared>> -> memref<16x16xf32, #tpu.memory_space<vmem_shared>>
        %dma_wait3A_587 = arith.constant 0 : i32
        %dma_wait3A_588 = arith.constant 0 : i32
        %dma_wait3A_589 = tpu.memref_slice %arg8[%dma_wait3A_587, %dma_wait3A_588] : memref<624x16xf32, #tpu.memory_space<hbm>> -> memref<16x16xf32, #tpu.memory_space<hbm>>
        tpu.wait_dma2 semaphore(%run_scoped3A : memref<!tpu.dma_semaphore, #tpu.memory_space<semaphore_mem>>) src(%dma_wait3A_589 : memref<16x16xf32, #tpu.memory_space<hbm>>) dst(%dma_wait3A_586 : memref<16x16xf32, #tpu.memory_space<vmem_shared>>)
        tpu.yield
      }) : () -> ()
    } else {
    }
    %barrier3A = arith.constant 0 : index
    tpu.barrier barrier_id(%barrier3A)
    %mul3A_14 = arith.constant 20000 : i32
    %mul3A_15 = arith.muli %arg1, %mul3A_14 : i32
    %add3A = arith.constant 0 : i32
    %add3A_16 = arith.addi %mul3A_15, %add3A : i32
    %dma_start3A = arith.constant 0 : i32
    %dma_start3A_17 = arith.constant 0 : i32
    %dma_start3A_18 = tpu.memref_slice %arg10[%dma_start3A, %dma_start3A_17] : memref<1x40xi32, #tpu.memory_space<vmem>> -> memref<1x40xi32, #tpu.memory_space<vmem>>
    %dma_start3A_19 = tpu.memref_squeeze %dma_start3A_18 : memref<1x40xi32, #tpu.memory_space<vmem>> -> memref<40xi32, #tpu.memory_space<vmem>>
    %dma_start3A_20 = tpu.memref_slice %arg5[%add3A_16] : memref<320000xi32, #tpu.memory_space<hbm>> -> memref<40xi32, #tpu.memory_space<hbm>>
    %dma_start3A_21 = arith.constant 0 : i32
    %dma_start3A_22 = tpu.memref_slice %arg10[%dma_start3A, %dma_start3A_21] : memref<1x40xi32, #tpu.memory_space<vmem>> -> memref<1x40xi32, #tpu.memory_space<vmem>>
    %dma_start3A_23 = tpu.memref_squeeze %dma_start3A_22 : memref<1x40xi32, #tpu.memory_space<vmem>> -> memref<40xi32, #tpu.memory_space<vmem>>
    %dma_start3A_24 = tpu.memref_slice %arg5[%add3A_16] : memref<320000xi32, #tpu.memory_space<hbm>> -> memref<40xi32, #tpu.memory_space<hbm>>
    tpu.enqueue_dma source(%dma_start3A_24 : memref<40xi32, #tpu.memory_space<hbm>>) target(%dma_start3A_23 : memref<40xi32, #tpu.memory_space<vmem>>) target_semaphore(%arg35 : memref<!tpu.dma_semaphore, #tpu.memory_space<semaphore_mem>>)
    %dma_start3A_25 = arith.constant 0 : i32
    %dma_start3A_26 = arith.constant 0 : i32
    %dma_start3A_27 = tpu.memref_slice %arg15[%dma_start3A_25, %dma_start3A_26] : memref<1x40xi32, #tpu.memory_space<vmem>> -> memref<1x40xi32, #tpu.memory_space<vmem>>
    %dma_start3A_28 = tpu.memref_squeeze %dma_start3A_27 : memref<1x40xi32, #tpu.memory_space<vmem>> -> memref<40xi32, #tpu.memory_space<vmem>>
    %dma_start3A_29 = tpu.memref_slice %arg6[%add3A_16] : memref<320000xi32, #tpu.memory_space<hbm>> -> memref<40xi32, #tpu.memory_space<hbm>>
    %dma_start3A_30 = arith.constant 0 : i32
    %dma_start3A_31 = tpu.memref_slice %arg15[%dma_start3A_25, %dma_start3A_30] : memref<1x40xi32, #tpu.memory_space<vmem>> -> memref<1x40xi32, #tpu.memory_space<vmem>>
    %dma_start3A_32 = tpu.memref_squeeze %dma_start3A_31 : memref<1x40xi32, #tpu.memory_space<vmem>> -> memref<40xi32, #tpu.memory_space<vmem>>
    %dma_start3A_33 = tpu.memref_slice %arg6[%add3A_16] : memref<320000xi32, #tpu.memory_space<hbm>> -> memref<40xi32, #tpu.memory_space<hbm>>
    tpu.enqueue_dma source(%dma_start3A_33 : memref<40xi32, #tpu.memory_space<hbm>>) target(%dma_start3A_32 : memref<40xi32, #tpu.memory_space<vmem>>) target_semaphore(%arg35 : memref<!tpu.dma_semaphore, #tpu.memory_space<semaphore_mem>>)
    %mul3A_34 = arith.constant 20000 : i32
    %mul3A_35 = arith.muli %arg1, %mul3A_34 : i32
    %add3A_36 = arith.constant 40 : i32
    %add3A_37 = arith.addi %mul3A_35, %add3A_36 : i32
    %dma_start3A_38 = arith.constant 0 : i32
    %dma_start3A_39 = arith.constant 0 : i32
    %dma_start3A_40 = tpu.memref_slice %arg11[%dma_start3A_38, %dma_start3A_39] : memref<1x40xi32, #tpu.memory_space<vmem>> -> memref<1x40xi32, #tpu.memory_space<vmem>>
    %dma_start3A_41 = tpu.memref_squeeze %dma_start3A_40 : memref<1x40xi32, #tpu.memory_space<vmem>> -> memref<40xi32, #tpu.memory_space<vmem>>
    %dma_start3A_42 = tpu.memref_slice %arg5[%add3A_37] : memref<320000xi32, #tpu.memory_space<hbm>> -> memref<40xi32, #tpu.memory_space<hbm>>
    %dma_start3A_43 = arith.constant 0 : i32
    %dma_start3A_44 = tpu.memref_slice %arg11[%dma_start3A_38, %dma_start3A_43] : memref<1x40xi32, #tpu.memory_space<vmem>> -> memref<1x40xi32, #tpu.memory_space<vmem>>
    %dma_start3A_45 = tpu.memref_squeeze %dma_start3A_44 : memref<1x40xi32, #tpu.memory_space<vmem>> -> memref<40xi32, #tpu.memory_space<vmem>>
    %dma_start3A_46 = tpu.memref_slice %arg5[%add3A_37] : memref<320000xi32, #tpu.memory_space<hbm>> -> memref<40xi32, #tpu.memory_space<hbm>>
    tpu.enqueue_dma source(%dma_start3A_46 : memref<40xi32, #tpu.memory_space<hbm>>) target(%dma_start3A_45 : memref<40xi32, #tpu.memory_space<vmem>>) target_semaphore(%arg36 : memref<!tpu.dma_semaphore, #tpu.memory_space<semaphore_mem>>)
    %dma_start3A_47 = arith.constant 0 : i32
    %dma_start3A_48 = arith.constant 0 : i32
    %dma_start3A_49 = tpu.memref_slice %arg16[%dma_start3A_47, %dma_start3A_48] : memref<1x40xi32, #tpu.memory_space<vmem>> -> memref<1x40xi32, #tpu.memory_space<vmem>>
    %dma_start3A_50 = tpu.memref_squeeze %dma_start3A_49 : memref<1x40xi32, #tpu.memory_space<vmem>> -> memref<40xi32, #tpu.memory_space<vmem>>
    %dma_start3A_51 = tpu.memref_slice %arg6[%add3A_37] : memref<320000xi32, #tpu.memory_space<hbm>> -> memref<40xi32, #tpu.memory_space<hbm>>
    %dma_start3A_52 = arith.constant 0 : i32
    %dma_start3A_53 = tpu.memref_slice %arg16[%dma_start3A_47, %dma_start3A_52] : memref<1x40xi32, #tpu.memory_space<vmem>> -> memref<1x40xi32, #tpu.memory_space<vmem>>
    %dma_start3A_54 = tpu.memref_squeeze %dma_start3A_53 : memref<1x40xi32, #tpu.memory_space<vmem>> -> memref<40xi32, #tpu.memory_space<vmem>>
    %dma_start3A_55 = tpu.memref_slice %arg6[%add3A_37] : memref<320000xi32, #tpu.memory_space<hbm>> -> memref<40xi32, #tpu.memory_space<hbm>>
    tpu.enqueue_dma source(%dma_start3A_55 : memref<40xi32, #tpu.memory_space<hbm>>) target(%dma_start3A_54 : memref<40xi32, #tpu.memory_space<vmem>>) target_semaphore(%arg36 : memref<!tpu.dma_semaphore, #tpu.memory_space<semaphore_mem>>)
    %mul3A_56 = arith.constant 20000 : i32
    %mul3A_57 = arith.muli %arg1, %mul3A_56 : i32
    %add3A_58 = arith.constant 80 : i32
    %add3A_59 = arith.addi %mul3A_57, %add3A_58 : i32
    %dma_start3A_60 = arith.constant 0 : i32
    %dma_start3A_61 = arith.constant 0 : i32
    %dma_start3A_62 = tpu.memref_slice %arg12[%dma_start3A_60, %dma_start3A_61] : memref<1x40xi32, #tpu.memory_space<vmem>> -> memref<1x40xi32, #tpu.memory_space<vmem>>
    %dma_start3A_63 = tpu.memref_squeeze %dma_start3A_62 : memref<1x40xi32, #tpu.memory_space<vmem>> -> memref<40xi32, #tpu.memory_space<vmem>>
    %dma_start3A_64 = tpu.memref_slice %arg5[%add3A_59] : memref<320000xi32, #tpu.memory_space<hbm>> -> memref<40xi32, #tpu.memory_space<hbm>>
    %dma_start3A_65 = arith.constant 0 : i32
    %dma_start3A_66 = tpu.memref_slice %arg12[%dma_start3A_60, %dma_start3A_65] : memref<1x40xi32, #tpu.memory_space<vmem>> -> memref<1x40xi32, #tpu.memory_space<vmem>>
    %dma_start3A_67 = tpu.memref_squeeze %dma_start3A_66 : memref<1x40xi32, #tpu.memory_space<vmem>> -> memref<40xi32, #tpu.memory_space<vmem>>
    %dma_start3A_68 = tpu.memref_slice %arg5[%add3A_59] : memref<320000xi32, #tpu.memory_space<hbm>> -> memref<40xi32, #tpu.memory_space<hbm>>
    tpu.enqueue_dma source(%dma_start3A_68 : memref<40xi32, #tpu.memory_space<hbm>>) target(%dma_start3A_67 : memref<40xi32, #tpu.memory_space<vmem>>) target_semaphore(%arg37 : memref<!tpu.dma_semaphore, #tpu.memory_space<semaphore_mem>>)
    %dma_start3A_69 = arith.constant 0 : i32
    %dma_start3A_70 = arith.constant 0 : i32
    %dma_start3A_71 = tpu.memref_slice %arg17[%dma_start3A_69, %dma_start3A_70] : memref<1x40xi32, #tpu.memory_space<vmem>> -> memref<1x40xi32, #tpu.memory_space<vmem>>
    %dma_start3A_72 = tpu.memref_squeeze %dma_start3A_71 : memref<1x40xi32, #tpu.memory_space<vmem>> -> memref<40xi32, #tpu.memory_space<vmem>>
    %dma_start3A_73 = tpu.memref_slice %arg6[%add3A_59] : memref<320000xi32, #tpu.memory_space<hbm>> -> memref<40xi32, #tpu.memory_space<hbm>>
    %dma_start3A_74 = arith.constant 0 : i32
    %dma_start3A_75 = tpu.memref_slice %arg17[%dma_start3A_69, %dma_start3A_74] : memref<1x40xi32, #tpu.memory_space<vmem>> -> memref<1x40xi32, #tpu.memory_space<vmem>>
    %dma_start3A_76 = tpu.memref_squeeze %dma_start3A_75 : memref<1x40xi32, #tpu.memory_space<vmem>> -> memref<40xi32, #tpu.memory_space<vmem>>
    %dma_start3A_77 = tpu.memref_slice %arg6[%add3A_59] : memref<320000xi32, #tpu.memory_space<hbm>> -> memref<40xi32, #tpu.memory_space<hbm>>
    tpu.enqueue_dma source(%dma_start3A_77 : memref<40xi32, #tpu.memory_space<hbm>>) target(%dma_start3A_76 : memref<40xi32, #tpu.memory_space<vmem>>) target_semaphore(%arg37 : memref<!tpu.dma_semaphore, #tpu.memory_space<semaphore_mem>>)
    %mul3A_78 = arith.constant 20000 : i32
    %mul3A_79 = arith.muli %arg1, %mul3A_78 : i32
    %add3A_80 = arith.constant 0 : i32
    %add3A_81 = arith.addi %mul3A_79, %add3A_80 : i32
    %dma_wait3A = arith.constant 0 : i32
    %dma_wait3A_82 = arith.constant 0 : i32
    %dma_wait3A_83 = tpu.memref_slice %arg10[%dma_wait3A, %dma_wait3A_82] : memref<1x40xi32, #tpu.memory_space<vmem>> -> memref<1x40xi32, #tpu.memory_space<vmem>>
    %dma_wait3A_84 = tpu.memref_squeeze %dma_wait3A_83 : memref<1x40xi32, #tpu.memory_space<vmem>> -> memref<40xi32, #tpu.memory_space<vmem>>
    %dma_wait3A_85 = tpu.memref_slice %arg5[%add3A_81] : memref<320000xi32, #tpu.memory_space<hbm>> -> memref<40xi32, #tpu.memory_space<hbm>>
    %dma_wait3A_86 = arith.constant 0 : i32
    %dma_wait3A_87 = tpu.memref_slice %arg10[%dma_wait3A, %dma_wait3A_86] : memref<1x40xi32, #tpu.memory_space<vmem>> -> memref<1x40xi32, #tpu.memory_space<vmem>>
    %dma_wait3A_88 = tpu.memref_squeeze %dma_wait3A_87 : memref<1x40xi32, #tpu.memory_space<vmem>> -> memref<40xi32, #tpu.memory_space<vmem>>
    %dma_wait3A_89 = tpu.memref_slice %arg5[%add3A_81] : memref<320000xi32, #tpu.memory_space<hbm>> -> memref<40xi32, #tpu.memory_space<hbm>>
    tpu.wait_dma2 semaphore(%arg35 : memref<!tpu.dma_semaphore, #tpu.memory_space<semaphore_mem>>) src(%dma_wait3A_89 : memref<40xi32, #tpu.memory_space<hbm>>) dst(%dma_wait3A_88 : memref<40xi32, #tpu.memory_space<vmem>>)
    %dma_wait3A_90 = arith.constant 0 : i32
    %dma_wait3A_91 = arith.constant 0 : i32
    %dma_wait3A_92 = tpu.memref_slice %arg15[%dma_wait3A_90, %dma_wait3A_91] : memref<1x40xi32, #tpu.memory_space<vmem>> -> memref<1x40xi32, #tpu.memory_space<vmem>>
    %dma_wait3A_93 = tpu.memref_squeeze %dma_wait3A_92 : memref<1x40xi32, #tpu.memory_space<vmem>> -> memref<40xi32, #tpu.memory_space<vmem>>
    %dma_wait3A_94 = tpu.memref_slice %arg6[%add3A_81] : memref<320000xi32, #tpu.memory_space<hbm>> -> memref<40xi32, #tpu.memory_space<hbm>>
    %dma_wait3A_95 = arith.constant 0 : i32
    %dma_wait3A_96 = tpu.memref_slice %arg15[%dma_wait3A_90, %dma_wait3A_95] : memref<1x40xi32, #tpu.memory_space<vmem>> -> memref<1x40xi32, #tpu.memory_space<vmem>>
    %dma_wait3A_97 = tpu.memref_squeeze %dma_wait3A_96 : memref<1x40xi32, #tpu.memory_space<vmem>> -> memref<40xi32, #tpu.memory_space<vmem>>
    %dma_wait3A_98 = tpu.memref_slice %arg6[%add3A_81] : memref<320000xi32, #tpu.memory_space<hbm>> -> memref<40xi32, #tpu.memory_space<hbm>>
    tpu.wait_dma2 semaphore(%arg35 : memref<!tpu.dma_semaphore, #tpu.memory_space<semaphore_mem>>) src(%dma_wait3A_98 : memref<40xi32, #tpu.memory_space<hbm>>) dst(%dma_wait3A_97 : memref<40xi32, #tpu.memory_space<vmem>>)
    %mul3A_99 = arith.constant 20000 : i32
    %mul3A_100 = arith.muli %arg1, %mul3A_99 : i32
    %add3A_101 = arith.constant 0 : i32
    %add3A_102 = arith.addi %mul3A_100, %add3A_101 : i32
    %eq3A_103 = arith.constant 0 : i32
    %eq3A_104 = arith.cmpi eq, %arg0, %eq3A_103 : i32
    %convert_element_type3A_105 = arith.extui %eq3A_104 : i1 to i32
    %cond3A_106 = arith.constant 0 : i32
    %cond3A_107 = arith.constant 0 : i32
    %cond3A_108 = arith.cmpi ne, %convert_element_type3A_105, %cond3A_107 : i32
    scf.if %cond3A_108 {
      %dma_start3A_578 = arith.constant 0 : i32
      %dma_start3A_579 = tpu.memref_slice %arg10[%cond3A_106, %dma_start3A_578] : memref<1x40xi32, #tpu.memory_space<vmem>> -> memref<1x40xi32, #tpu.memory_space<vmem>>
      %dma_start3A_580 = tpu.memref_squeeze %dma_start3A_579 : memref<1x40xi32, #tpu.memory_space<vmem>> -> memref<40xi32, #tpu.memory_space<vmem>>
      %dma_start3A_581 = arith.constant 0 : i32
      %dma_start3A_582 = arith.constant 0 : i32
      %dma_start3A_583 = tpu.memref_slice %arg2[%dma_start3A_581, %dma_start3A_582] : memref<10000x64xf32, #tpu.memory_space<hbm>> -> memref<10000x64xf32, #tpu.memory_space<hbm>>
      tpu.enqueue_indirect_dma source(%dma_start3A_583 : memref<10000x64xf32, #tpu.memory_space<hbm>>) target(%arg20 : memref<40x64xf32, #tpu.memory_space<vmem>>) offsets(%dma_start3A_580 : memref<40xi32, #tpu.memory_space<vmem>>) semaphore(%arg40 : memref<!tpu.dma_semaphore, #tpu.memory_space<semaphore_mem>>)
      %dma_start3A_584 = arith.constant 0 : i32
      %dma_start3A_585 = tpu.memref_slice %arg4[%add3A_102, %dma_start3A_584] : memref<320000x128xf32, #tpu.memory_space<hbm>> -> memref<40x64xf32, #tpu.memory_space<hbm>>
      %dma_start3A_586 = arith.constant 0 : i32
      %dma_start3A_587 = tpu.memref_slice %arg4[%add3A_102, %dma_start3A_586] : memref<320000x128xf32, #tpu.memory_space<hbm>> -> memref<40x64xf32, #tpu.memory_space<hbm>>
      tpu.enqueue_dma source(%dma_start3A_587 : memref<40x64xf32, #tpu.memory_space<hbm>>) target(%arg25 : memref<40x64xf32, #tpu.memory_space<vmem>>) target_semaphore(%arg40 : memref<!tpu.dma_semaphore, #tpu.memory_space<semaphore_mem>>)
    } else {
    }
    %eq3A_109 = arith.constant 1 : i32
    %eq3A_110 = arith.cmpi eq, %arg0, %eq3A_109 : i32
    %convert_element_type3A_111 = arith.extui %eq3A_110 : i1 to i32
    %cond3A_112 = arith.constant 0 : i32
    %cond3A_113 = arith.constant 0 : i32
    %cond3A_114 = arith.cmpi ne, %convert_element_type3A_111, %cond3A_113 : i32
    scf.if %cond3A_114 {
      %dma_start3A_578 = arith.constant 0 : i32
      %dma_start3A_579 = tpu.memref_slice %arg10[%cond3A_112, %dma_start3A_578] : memref<1x40xi32, #tpu.memory_space<vmem>> -> memref<1x40xi32, #tpu.memory_space<vmem>>
      %dma_start3A_580 = tpu.memref_squeeze %dma_start3A_579 : memref<1x40xi32, #tpu.memory_space<vmem>> -> memref<40xi32, #tpu.memory_space<vmem>>
      %dma_start3A_581 = arith.constant 0 : i32
      %dma_start3A_582 = arith.constant 0 : i32
      %dma_start3A_583 = tpu.memref_slice %arg3[%dma_start3A_581, %dma_start3A_582] : memref<10000x64xf32, #tpu.memory_space<hbm>> -> memref<10000x64xf32, #tpu.memory_space<hbm>>
      tpu.enqueue_indirect_dma source(%dma_start3A_583 : memref<10000x64xf32, #tpu.memory_space<hbm>>) target(%arg20 : memref<40x64xf32, #tpu.memory_space<vmem>>) offsets(%dma_start3A_580 : memref<40xi32, #tpu.memory_space<vmem>>) semaphore(%arg40 : memref<!tpu.dma_semaphore, #tpu.memory_space<semaphore_mem>>)
      %dma_start3A_584 = arith.constant 64 : i32
      %dma_start3A_585 = tpu.memref_slice %arg4[%add3A_102, %dma_start3A_584] : memref<320000x128xf32, #tpu.memory_space<hbm>> -> memref<40x64xf32, #tpu.memory_space<hbm>>
      %dma_start3A_586 = arith.constant 64 : i32
      %dma_start3A_587 = tpu.memref_slice %arg4[%add3A_102, %dma_start3A_586] : memref<320000x128xf32, #tpu.memory_space<hbm>> -> memref<40x64xf32, #tpu.memory_space<hbm>>
      tpu.enqueue_dma source(%dma_start3A_587 : memref<40x64xf32, #tpu.memory_space<hbm>>) target(%arg25 : memref<40x64xf32, #tpu.memory_space<vmem>>) target_semaphore(%arg40 : memref<!tpu.dma_semaphore, #tpu.memory_space<semaphore_mem>>)
    } else {
    }
    %mul3A_115 = arith.constant 20000 : i32
    %mul3A_116 = arith.muli %arg1, %mul3A_115 : i32
    %add3A_117 = arith.constant 40 : i32
    %add3A_118 = arith.addi %mul3A_116, %add3A_117 : i32
    %dma_wait3A_119 = arith.constant 0 : i32
    %dma_wait3A_120 = arith.constant 0 : i32
    %dma_wait3A_121 = tpu.memref_slice %arg11[%dma_wait3A_119, %dma_wait3A_120] : memref<1x40xi32, #tpu.memory_space<vmem>> -> memref<1x40xi32, #tpu.memory_space<vmem>>
    %dma_wait3A_122 = tpu.memref_squeeze %dma_wait3A_121 : memref<1x40xi32, #tpu.memory_space<vmem>> -> memref<40xi32, #tpu.memory_space<vmem>>
    %dma_wait3A_123 = tpu.memref_slice %arg5[%add3A_118] : memref<320000xi32, #tpu.memory_space<hbm>> -> memref<40xi32, #tpu.memory_space<hbm>>
    %dma_wait3A_124 = arith.constant 0 : i32
    %dma_wait3A_125 = tpu.memref_slice %arg11[%dma_wait3A_119, %dma_wait3A_124] : memref<1x40xi32, #tpu.memory_space<vmem>> -> memref<1x40xi32, #tpu.memory_space<vmem>>
    %dma_wait3A_126 = tpu.memref_squeeze %dma_wait3A_125 : memref<1x40xi32, #tpu.memory_space<vmem>> -> memref<40xi32, #tpu.memory_space<vmem>>
    %dma_wait3A_127 = tpu.memref_slice %arg5[%add3A_118] : memref<320000xi32, #tpu.memory_space<hbm>> -> memref<40xi32, #tpu.memory_space<hbm>>
    tpu.wait_dma2 semaphore(%arg36 : memref<!tpu.dma_semaphore, #tpu.memory_space<semaphore_mem>>) src(%dma_wait3A_127 : memref<40xi32, #tpu.memory_space<hbm>>) dst(%dma_wait3A_126 : memref<40xi32, #tpu.memory_space<vmem>>)
    %dma_wait3A_128 = arith.constant 0 : i32
    %dma_wait3A_129 = arith.constant 0 : i32
    %dma_wait3A_130 = tpu.memref_slice %arg16[%dma_wait3A_128, %dma_wait3A_129] : memref<1x40xi32, #tpu.memory_space<vmem>> -> memref<1x40xi32, #tpu.memory_space<vmem>>
    %dma_wait3A_131 = tpu.memref_squeeze %dma_wait3A_130 : memref<1x40xi32, #tpu.memory_space<vmem>> -> memref<40xi32, #tpu.memory_space<vmem>>
    %dma_wait3A_132 = tpu.memref_slice %arg6[%add3A_118] : memref<320000xi32, #tpu.memory_space<hbm>> -> memref<40xi32, #tpu.memory_space<hbm>>
    %dma_wait3A_133 = arith.constant 0 : i32
    %dma_wait3A_134 = tpu.memref_slice %arg16[%dma_wait3A_128, %dma_wait3A_133] : memref<1x40xi32, #tpu.memory_space<vmem>> -> memref<1x40xi32, #tpu.memory_space<vmem>>
    %dma_wait3A_135 = tpu.memref_squeeze %dma_wait3A_134 : memref<1x40xi32, #tpu.memory_space<vmem>> -> memref<40xi32, #tpu.memory_space<vmem>>
    %dma_wait3A_136 = tpu.memref_slice %arg6[%add3A_118] : memref<320000xi32, #tpu.memory_space<hbm>> -> memref<40xi32, #tpu.memory_space<hbm>>
    tpu.wait_dma2 semaphore(%arg36 : memref<!tpu.dma_semaphore, #tpu.memory_space<semaphore_mem>>) src(%dma_wait3A_136 : memref<40xi32, #tpu.memory_space<hbm>>) dst(%dma_wait3A_135 : memref<40xi32, #tpu.memory_space<vmem>>)
    %mul3A_137 = arith.constant 20000 : i32
    %mul3A_138 = arith.muli %arg1, %mul3A_137 : i32
    %add3A_139 = arith.constant 40 : i32
    %add3A_140 = arith.addi %mul3A_138, %add3A_139 : i32
    %eq3A_141 = arith.constant 0 : i32
    %eq3A_142 = arith.cmpi eq, %arg0, %eq3A_141 : i32
    %convert_element_type3A_143 = arith.extui %eq3A_142 : i1 to i32
    %cond3A_144 = arith.constant 0 : i32
    %cond3A_145 = arith.constant 0 : i32
    %cond3A_146 = arith.cmpi ne, %convert_element_type3A_143, %cond3A_145 : i32
    scf.if %cond3A_146 {
      %dma_start3A_578 = arith.constant 0 : i32
      %dma_start3A_579 = tpu.memref_slice %arg11[%cond3A_144, %dma_start3A_578] : memref<1x40xi32, #tpu.memory_space<vmem>> -> memref<1x40xi32, #tpu.memory_space<vmem>>
      %dma_start3A_580 = tpu.memref_squeeze %dma_start3A_579 : memref<1x40xi32, #tpu.memory_space<vmem>> -> memref<40xi32, #tpu.memory_space<vmem>>
      %dma_start3A_581 = arith.constant 0 : i32
      %dma_start3A_582 = arith.constant 0 : i32
      %dma_start3A_583 = tpu.memref_slice %arg2[%dma_start3A_581, %dma_start3A_582] : memref<10000x64xf32, #tpu.memory_space<hbm>> -> memref<10000x64xf32, #tpu.memory_space<hbm>>
      tpu.enqueue_indirect_dma source(%dma_start3A_583 : memref<10000x64xf32, #tpu.memory_space<hbm>>) target(%arg21 : memref<40x64xf32, #tpu.memory_space<vmem>>) offsets(%dma_start3A_580 : memref<40xi32, #tpu.memory_space<vmem>>) semaphore(%arg41 : memref<!tpu.dma_semaphore, #tpu.memory_space<semaphore_mem>>)
      %dma_start3A_584 = arith.constant 0 : i32
      %dma_start3A_585 = tpu.memref_slice %arg4[%add3A_140, %dma_start3A_584] : memref<320000x128xf32, #tpu.memory_space<hbm>> -> memref<40x64xf32, #tpu.memory_space<hbm>>
      %dma_start3A_586 = arith.constant 0 : i32
      %dma_start3A_587 = tpu.memref_slice %arg4[%add3A_140, %dma_start3A_586] : memref<320000x128xf32, #tpu.memory_space<hbm>> -> memref<40x64xf32, #tpu.memory_space<hbm>>
      tpu.enqueue_dma source(%dma_start3A_587 : memref<40x64xf32, #tpu.memory_space<hbm>>) target(%arg26 : memref<40x64xf32, #tpu.memory_space<vmem>>) target_semaphore(%arg41 : memref<!tpu.dma_semaphore, #tpu.memory_space<semaphore_mem>>)
    } else {
    }
    %eq3A_147 = arith.constant 1 : i32
    %eq3A_148 = arith.cmpi eq, %arg0, %eq3A_147 : i32
    %convert_element_type3A_149 = arith.extui %eq3A_148 : i1 to i32
    %cond3A_150 = arith.constant 0 : i32
    %cond3A_151 = arith.constant 0 : i32
    %cond3A_152 = arith.cmpi ne, %convert_element_type3A_149, %cond3A_151 : i32
    scf.if %cond3A_152 {
      %dma_start3A_578 = arith.constant 0 : i32
      %dma_start3A_579 = tpu.memref_slice %arg11[%cond3A_150, %dma_start3A_578] : memref<1x40xi32, #tpu.memory_space<vmem>> -> memref<1x40xi32, #tpu.memory_space<vmem>>
      %dma_start3A_580 = tpu.memref_squeeze %dma_start3A_579 : memref<1x40xi32, #tpu.memory_space<vmem>> -> memref<40xi32, #tpu.memory_space<vmem>>
      %dma_start3A_581 = arith.constant 0 : i32
      %dma_start3A_582 = arith.constant 0 : i32
      %dma_start3A_583 = tpu.memref_slice %arg3[%dma_start3A_581, %dma_start3A_582] : memref<10000x64xf32, #tpu.memory_space<hbm>> -> memref<10000x64xf32, #tpu.memory_space<hbm>>
      tpu.enqueue_indirect_dma source(%dma_start3A_583 : memref<10000x64xf32, #tpu.memory_space<hbm>>) target(%arg21 : memref<40x64xf32, #tpu.memory_space<vmem>>) offsets(%dma_start3A_580 : memref<40xi32, #tpu.memory_space<vmem>>) semaphore(%arg41 : memref<!tpu.dma_semaphore, #tpu.memory_space<semaphore_mem>>)
      %dma_start3A_584 = arith.constant 64 : i32
      %dma_start3A_585 = tpu.memref_slice %arg4[%add3A_140, %dma_start3A_584] : memref<320000x128xf32, #tpu.memory_space<hbm>> -> memref<40x64xf32, #tpu.memory_space<hbm>>
      %dma_start3A_586 = arith.constant 64 : i32
      %dma_start3A_587 = tpu.memref_slice %arg4[%add3A_140, %dma_start3A_586] : memref<320000x128xf32, #tpu.memory_space<hbm>> -> memref<40x64xf32, #tpu.memory_space<hbm>>
      tpu.enqueue_dma source(%dma_start3A_587 : memref<40x64xf32, #tpu.memory_space<hbm>>) target(%arg26 : memref<40x64xf32, #tpu.memory_space<vmem>>) target_semaphore(%arg41 : memref<!tpu.dma_semaphore, #tpu.memory_space<semaphore_mem>>)
    } else {
    }
    %mul3A_153 = arith.constant 20000 : i32
    %mul3A_154 = arith.muli %arg1, %mul3A_153 : i32
    %add3A_155 = arith.constant 80 : i32
    %add3A_156 = arith.addi %mul3A_154, %add3A_155 : i32
    %dma_wait3A_157 = arith.constant 0 : i32
    %dma_wait3A_158 = arith.constant 0 : i32
    %dma_wait3A_159 = tpu.memref_slice %arg12[%dma_wait3A_157, %dma_wait3A_158] : memref<1x40xi32, #tpu.memory_space<vmem>> -> memref<1x40xi32, #tpu.memory_space<vmem>>
    %dma_wait3A_160 = tpu.memref_squeeze %dma_wait3A_159 : memref<1x40xi32, #tpu.memory_space<vmem>> -> memref<40xi32, #tpu.memory_space<vmem>>
    %dma_wait3A_161 = tpu.memref_slice %arg5[%add3A_156] : memref<320000xi32, #tpu.memory_space<hbm>> -> memref<40xi32, #tpu.memory_space<hbm>>
    %dma_wait3A_162 = arith.constant 0 : i32
    %dma_wait3A_163 = tpu.memref_slice %arg12[%dma_wait3A_157, %dma_wait3A_162] : memref<1x40xi32, #tpu.memory_space<vmem>> -> memref<1x40xi32, #tpu.memory_space<vmem>>
    %dma_wait3A_164 = tpu.memref_squeeze %dma_wait3A_163 : memref<1x40xi32, #tpu.memory_space<vmem>> -> memref<40xi32, #tpu.memory_space<vmem>>
    %dma_wait3A_165 = tpu.memref_slice %arg5[%add3A_156] : memref<320000xi32, #tpu.memory_space<hbm>> -> memref<40xi32, #tpu.memory_space<hbm>>
    tpu.wait_dma2 semaphore(%arg37 : memref<!tpu.dma_semaphore, #tpu.memory_space<semaphore_mem>>) src(%dma_wait3A_165 : memref<40xi32, #tpu.memory_space<hbm>>) dst(%dma_wait3A_164 : memref<40xi32, #tpu.memory_space<vmem>>)
    %dma_wait3A_166 = arith.constant 0 : i32
    %dma_wait3A_167 = arith.constant 0 : i32
    %dma_wait3A_168 = tpu.memref_slice %arg17[%dma_wait3A_166, %dma_wait3A_167] : memref<1x40xi32, #tpu.memory_space<vmem>> -> memref<1x40xi32, #tpu.memory_space<vmem>>
    %dma_wait3A_169 = tpu.memref_squeeze %dma_wait3A_168 : memref<1x40xi32, #tpu.memory_space<vmem>> -> memref<40xi32, #tpu.memory_space<vmem>>
    %dma_wait3A_170 = tpu.memref_slice %arg6[%add3A_156] : memref<320000xi32, #tpu.memory_space<hbm>> -> memref<40xi32, #tpu.memory_space<hbm>>
    %dma_wait3A_171 = arith.constant 0 : i32
    %dma_wait3A_172 = tpu.memref_slice %arg17[%dma_wait3A_166, %dma_wait3A_171] : memref<1x40xi32, #tpu.memory_space<vmem>> -> memref<1x40xi32, #tpu.memory_space<vmem>>
    %dma_wait3A_173 = tpu.memref_squeeze %dma_wait3A_172 : memref<1x40xi32, #tpu.memory_space<vmem>> -> memref<40xi32, #tpu.memory_space<vmem>>
    %dma_wait3A_174 = tpu.memref_slice %arg6[%add3A_156] : memref<320000xi32, #tpu.memory_space<hbm>> -> memref<40xi32, #tpu.memory_space<hbm>>
    tpu.wait_dma2 semaphore(%arg37 : memref<!tpu.dma_semaphore, #tpu.memory_space<semaphore_mem>>) src(%dma_wait3A_174 : memref<40xi32, #tpu.memory_space<hbm>>) dst(%dma_wait3A_173 : memref<40xi32, #tpu.memory_space<vmem>>)
    %mul3A_175 = arith.constant 20000 : i32
    %mul3A_176 = arith.muli %arg1, %mul3A_175 : i32
    %add3A_177 = arith.constant 80 : i32
    %add3A_178 = arith.addi %mul3A_176, %add3A_177 : i32
    %eq3A_179 = arith.constant 0 : i32
    %eq3A_180 = arith.cmpi eq, %arg0, %eq3A_179 : i32
    %convert_element_type3A_181 = arith.extui %eq3A_180 : i1 to i32
    %cond3A_182 = arith.constant 0 : i32
    %cond3A_183 = arith.constant 0 : i32
    %cond3A_184 = arith.cmpi ne, %convert_element_type3A_181, %cond3A_183 : i32
    scf.if %cond3A_184 {
      %dma_start3A_578 = arith.constant 0 : i32
      %dma_start3A_579 = tpu.memref_slice %arg12[%cond3A_182, %dma_start3A_578] : memref<1x40xi32, #tpu.memory_space<vmem>> -> memref<1x40xi32, #tpu.memory_space<vmem>>
      %dma_start3A_580 = tpu.memref_squeeze %dma_start3A_579 : memref<1x40xi32, #tpu.memory_space<vmem>> -> memref<40xi32, #tpu.memory_space<vmem>>
      %dma_start3A_581 = arith.constant 0 : i32
      %dma_start3A_582 = arith.constant 0 : i32
      %dma_start3A_583 = tpu.memref_slice %arg2[%dma_start3A_581, %dma_start3A_582] : memref<10000x64xf32, #tpu.memory_space<hbm>> -> memref<10000x64xf32, #tpu.memory_space<hbm>>
      tpu.enqueue_indirect_dma source(%dma_start3A_583 : memref<10000x64xf32, #tpu.memory_space<hbm>>) target(%arg22 : memref<40x64xf32, #tpu.memory_space<vmem>>) offsets(%dma_start3A_580 : memref<40xi32, #tpu.memory_space<vmem>>) semaphore(%arg42 : memref<!tpu.dma_semaphore, #tpu.memory_space<semaphore_mem>>)
      %dma_start3A_584 = arith.constant 0 : i32
      %dma_start3A_585 = tpu.memref_slice %arg4[%add3A_178, %dma_start3A_584] : memref<320000x128xf32, #tpu.memory_space<hbm>> -> memref<40x64xf32, #tpu.memory_space<hbm>>
      %dma_start3A_586 = arith.constant 0 : i32
      %dma_start3A_587 = tpu.memref_slice %arg4[%add3A_178, %dma_start3A_586] : memref<320000x128xf32, #tpu.memory_space<hbm>> -> memref<40x64xf32, #tpu.memory_space<hbm>>
      tpu.enqueue_dma source(%dma_start3A_587 : memref<40x64xf32, #tpu.memory_space<hbm>>) target(%arg27 : memref<40x64xf32, #tpu.memory_space<vmem>>) target_semaphore(%arg42 : memref<!tpu.dma_semaphore, #tpu.memory_space<semaphore_mem>>)
    } else {
    }
    %eq3A_185 = arith.constant 1 : i32
    %eq3A_186 = arith.cmpi eq, %arg0, %eq3A_185 : i32
    %convert_element_type3A_187 = arith.extui %eq3A_186 : i1 to i32
    %cond3A_188 = arith.constant 0 : i32
    %cond3A_189 = arith.constant 0 : i32
    %cond3A_190 = arith.cmpi ne, %convert_element_type3A_187, %cond3A_189 : i32
    scf.if %cond3A_190 {
      %dma_start3A_578 = arith.constant 0 : i32
      %dma_start3A_579 = tpu.memref_slice %arg12[%cond3A_188, %dma_start3A_578] : memref<1x40xi32, #tpu.memory_space<vmem>> -> memref<1x40xi32, #tpu.memory_space<vmem>>
      %dma_start3A_580 = tpu.memref_squeeze %dma_start3A_579 : memref<1x40xi32, #tpu.memory_space<vmem>> -> memref<40xi32, #tpu.memory_space<vmem>>
      %dma_start3A_581 = arith.constant 0 : i32
      %dma_start3A_582 = arith.constant 0 : i32
      %dma_start3A_583 = tpu.memref_slice %arg3[%dma_start3A_581, %dma_start3A_582] : memref<10000x64xf32, #tpu.memory_space<hbm>> -> memref<10000x64xf32, #tpu.memory_space<hbm>>
      tpu.enqueue_indirect_dma source(%dma_start3A_583 : memref<10000x64xf32, #tpu.memory_space<hbm>>) target(%arg22 : memref<40x64xf32, #tpu.memory_space<vmem>>) offsets(%dma_start3A_580 : memref<40xi32, #tpu.memory_space<vmem>>) semaphore(%arg42 : memref<!tpu.dma_semaphore, #tpu.memory_space<semaphore_mem>>)
      %dma_start3A_584 = arith.constant 64 : i32
      %dma_start3A_585 = tpu.memref_slice %arg4[%add3A_178, %dma_start3A_584] : memref<320000x128xf32, #tpu.memory_space<hbm>> -> memref<40x64xf32, #tpu.memory_space<hbm>>
      %dma_start3A_586 = arith.constant 64 : i32
      %dma_start3A_587 = tpu.memref_slice %arg4[%add3A_178, %dma_start3A_586] : memref<320000x128xf32, #tpu.memory_space<hbm>> -> memref<40x64xf32, #tpu.memory_space<hbm>>
      tpu.enqueue_dma source(%dma_start3A_587 : memref<40x64xf32, #tpu.memory_space<hbm>>) target(%arg27 : memref<40x64xf32, #tpu.memory_space<vmem>>) target_semaphore(%arg42 : memref<!tpu.dma_semaphore, #tpu.memory_space<semaphore_mem>>)
    } else {
    }
    %mul3A_191 = arith.constant 20000 : i32
    %mul3A_192 = arith.muli %arg1, %mul3A_191 : i32
    %add3A_193 = arith.constant 120 : i32
    %add3A_194 = arith.addi %mul3A_192, %add3A_193 : i32
    %dma_start3A_195 = arith.constant 0 : i32
    %dma_start3A_196 = arith.constant 0 : i32
    %dma_start3A_197 = tpu.memref_slice %arg13[%dma_start3A_195, %dma_start3A_196] : memref<1x40xi32, #tpu.memory_space<vmem>> -> memref<1x40xi32, #tpu.memory_space<vmem>>
    %dma_start3A_198 = tpu.memref_squeeze %dma_start3A_197 : memref<1x40xi32, #tpu.memory_space<vmem>> -> memref<40xi32, #tpu.memory_space<vmem>>
    %dma_start3A_199 = tpu.memref_slice %arg5[%add3A_194] : memref<320000xi32, #tpu.memory_space<hbm>> -> memref<40xi32, #tpu.memory_space<hbm>>
    %dma_start3A_200 = arith.constant 0 : i32
    %dma_start3A_201 = tpu.memref_slice %arg13[%dma_start3A_195, %dma_start3A_200] : memref<1x40xi32, #tpu.memory_space<vmem>> -> memref<1x40xi32, #tpu.memory_space<vmem>>
    %dma_start3A_202 = tpu.memref_squeeze %dma_start3A_201 : memref<1x40xi32, #tpu.memory_space<vmem>> -> memref<40xi32, #tpu.memory_space<vmem>>
    %dma_start3A_203 = tpu.memref_slice %arg5[%add3A_194] : memref<320000xi32, #tpu.memory_space<hbm>> -> memref<40xi32, #tpu.memory_space<hbm>>
    tpu.enqueue_dma source(%dma_start3A_203 : memref<40xi32, #tpu.memory_space<hbm>>) target(%dma_start3A_202 : memref<40xi32, #tpu.memory_space<vmem>>) target_semaphore(%arg38 : memref<!tpu.dma_semaphore, #tpu.memory_space<semaphore_mem>>)
    %dma_start3A_204 = arith.constant 0 : i32
    %dma_start3A_205 = arith.constant 0 : i32
    %dma_start3A_206 = tpu.memref_slice %arg18[%dma_start3A_204, %dma_start3A_205] : memref<1x40xi32, #tpu.memory_space<vmem>> -> memref<1x40xi32, #tpu.memory_space<vmem>>
    %dma_start3A_207 = tpu.memref_squeeze %dma_start3A_206 : memref<1x40xi32, #tpu.memory_space<vmem>> -> memref<40xi32, #tpu.memory_space<vmem>>
    %dma_start3A_208 = tpu.memref_slice %arg6[%add3A_194] : memref<320000xi32, #tpu.memory_space<hbm>> -> memref<40xi32, #tpu.memory_space<hbm>>
    %dma_start3A_209 = arith.constant 0 : i32
    %dma_start3A_210 = tpu.memref_slice %arg18[%dma_start3A_204, %dma_start3A_209] : memref<1x40xi32, #tpu.memory_space<vmem>> -> memref<1x40xi32, #tpu.memory_space<vmem>>
    %dma_start3A_211 = tpu.memref_squeeze %dma_start3A_210 : memref<1x40xi32, #tpu.memory_space<vmem>> -> memref<40xi32, #tpu.memory_space<vmem>>
    %dma_start3A_212 = tpu.memref_slice %arg6[%add3A_194] : memref<320000xi32, #tpu.memory_space<hbm>> -> memref<40xi32, #tpu.memory_space<hbm>>
    tpu.enqueue_dma source(%dma_start3A_212 : memref<40xi32, #tpu.memory_space<hbm>>) target(%dma_start3A_211 : memref<40xi32, #tpu.memory_space<vmem>>) target_semaphore(%arg38 : memref<!tpu.dma_semaphore, #tpu.memory_space<semaphore_mem>>)
    %scan3A_213 = arith.constant 0 : i32
    %scan3A_214 = arith.constant 0 : i32
    %scan3A_215 = arith.constant 100 : i32
    %scan3A_216 = arith.addi %scan3A_214, %scan3A_215 : i32
    %scan3A_217 = arith.constant 1 : i32
    %scan3A_218 = scf.for %scan3A_578 = %scan3A_214 to %scan3A_216 step %scan3A_217 iter_args(%scan3A_579 = %scan3A_213) -> (i32)  : i32 {
      %mul3A_580 = arith.constant 5 : i32
      %mul3A_581 = arith.muli %scan3A_578, %mul3A_580 : i32
      %add3A_582 = arith.constant 0 : i32
      %add3A_583 = arith.addi %mul3A_581, %add3A_582 : i32
      %dma_wait3A_584 = arith.constant 0 : i32
      %dma_wait3A_585 = arith.constant 0 : i32
      %dma_wait3A_586 = tpu.memref_slice %arg10[%dma_wait3A_584, %dma_wait3A_585] : memref<1x40xi32, #tpu.memory_space<vmem>> -> memref<1x40xi32, #tpu.memory_space<vmem>>
      %dma_wait3A_587 = tpu.memref_squeeze %dma_wait3A_586 : memref<1x40xi32, #tpu.memory_space<vmem>> -> memref<40xi32, #tpu.memory_space<vmem>>
      %dma_wait3A_588 = arith.constant 0 : i32
      %dma_wait3A_589 = arith.constant 0 : i32
      %dma_wait3A_590 = tpu.memref_slice %arg2[%dma_wait3A_588, %dma_wait3A_589] : memref<10000x64xf32, #tpu.memory_space<hbm>> -> memref<10000x64xf32, #tpu.memory_space<hbm>>
      tpu.wait_indirect_dma semaphore(%arg40 : memref<!tpu.dma_semaphore, #tpu.memory_space<semaphore_mem>>) src(%dma_wait3A_590 : memref<10000x64xf32, #tpu.memory_space<hbm>>) dst(%arg20 : memref<40x64xf32, #tpu.memory_space<vmem>>)
      %mul3A_591 = arith.constant 20000 : i32
      %mul3A_592 = arith.muli %arg1, %mul3A_591 : i32
      %mul3A_593 = arith.constant 40 : i32
      %mul3A_594 = arith.muli %add3A_583, %mul3A_593 : i32
      %add3A_595 = arith.addi %mul3A_592, %mul3A_594 : i32
      %dma_wait3A_596 = arith.constant 0 : i32
      %dma_wait3A_597 = tpu.memref_slice %arg4[%add3A_595, %dma_wait3A_596] : memref<320000x128xf32, #tpu.memory_space<hbm>> -> memref<40x64xf32, #tpu.memory_space<hbm>>
      %dma_wait3A_598 = arith.constant 0 : i32
      %dma_wait3A_599 = tpu.memref_slice %arg4[%add3A_595, %dma_wait3A_598] : memref<320000x128xf32, #tpu.memory_space<hbm>> -> memref<40x64xf32, #tpu.memory_space<hbm>>
      tpu.wait_dma2 semaphore(%arg40 : memref<!tpu.dma_semaphore, #tpu.memory_space<semaphore_mem>>) src(%dma_wait3A_599 : memref<40x64xf32, #tpu.memory_space<hbm>>) dst(%arg25 : memref<40x64xf32, #tpu.memory_space<vmem>>)
      %dma_start3A_600 = arith.constant 0 : i32
      %dma_start3A_601 = arith.constant 0 : i32
      %dma_start3A_602 = tpu.memref_slice %arg15[%dma_start3A_600, %dma_start3A_601] : memref<1x40xi32, #tpu.memory_space<vmem>> -> memref<1x40xi32, #tpu.memory_space<vmem>>
      %dma_start3A_603 = tpu.memref_squeeze %dma_start3A_602 : memref<1x40xi32, #tpu.memory_space<vmem>> -> memref<40xi32, #tpu.memory_space<vmem>>
      %dma_start3A_604 = arith.constant 0 : i32
      %dma_start3A_605 = arith.constant 0 : i32
      %dma_start3A_606 = tpu.memref_slice %arg33[%dma_start3A_604, %dma_start3A_605] : memref<10000x64xf32, #tpu.memory_space<vmem_shared>> -> memref<10000x64xf32, #tpu.memory_space<vmem_shared>>
      tpu.enqueue_indirect_dma source(%arg20 : memref<40x64xf32, #tpu.memory_space<vmem>>) target(%dma_start3A_606 : memref<10000x64xf32, #tpu.memory_space<vmem_shared>>) offsets(%dma_start3A_603 : memref<40xi32, #tpu.memory_space<vmem>>) semaphore(%arg45 : memref<!tpu.dma_semaphore, #tpu.memory_space<semaphore_mem>>) {add = true}
      %dma_start3A_607 = arith.constant 0 : i32
      %dma_start3A_608 = arith.constant 0 : i32
      %dma_start3A_609 = tpu.memref_slice %arg15[%dma_start3A_607, %dma_start3A_608] : memref<1x40xi32, #tpu.memory_space<vmem>> -> memref<1x40xi32, #tpu.memory_space<vmem>>
      %dma_start3A_610 = tpu.memref_squeeze %dma_start3A_609 : memref<1x40xi32, #tpu.memory_space<vmem>> -> memref<40xi32, #tpu.memory_space<vmem>>
      %dma_start3A_611 = arith.constant 0 : i32
      %dma_start3A_612 = arith.constant 0 : i32
      %dma_start3A_613 = tpu.memref_slice %arg33[%dma_start3A_611, %dma_start3A_612] : memref<10000x64xf32, #tpu.memory_space<vmem_shared>> -> memref<10000x64xf32, #tpu.memory_space<vmem_shared>>
      tpu.enqueue_indirect_dma source(%arg25 : memref<40x64xf32, #tpu.memory_space<vmem>>) target(%dma_start3A_613 : memref<10000x64xf32, #tpu.memory_space<vmem_shared>>) offsets(%dma_start3A_610 : memref<40xi32, #tpu.memory_space<vmem>>) semaphore(%arg45 : memref<!tpu.dma_semaphore, #tpu.memory_space<semaphore_mem>>) {add = true}
      %dma_start3A_614 = arith.constant 0 : i32
      %dma_start3A_615 = arith.constant 0 : i32
      %dma_start3A_616 = tpu.memref_slice %arg15[%dma_start3A_614, %dma_start3A_615] : memref<1x40xi32, #tpu.memory_space<vmem>> -> memref<1x40xi32, #tpu.memory_space<vmem>>
      %dma_start3A_617 = tpu.memref_squeeze %dma_start3A_616 : memref<1x40xi32, #tpu.memory_space<vmem>> -> memref<40xi32, #tpu.memory_space<vmem>>
      %dma_start3A_618 = arith.constant 0 : i32
      %dma_start3A_619 = arith.constant 0 : i32
      %dma_start3A_620 = tpu.memref_slice %arg34[%dma_start3A_618, %dma_start3A_619] : memref<10000x16xf32, #tpu.memory_space<vmem_shared>> -> memref<10000x16xf32, #tpu.memory_space<vmem_shared>>
      tpu.enqueue_indirect_dma source(%arg30 : memref<40x16xf32, #tpu.memory_space<vmem>>) target(%dma_start3A_620 : memref<10000x16xf32, #tpu.memory_space<vmem_shared>>) offsets(%dma_start3A_617 : memref<40xi32, #tpu.memory_space<vmem>>) semaphore(%arg45 : memref<!tpu.dma_semaphore, #tpu.memory_space<semaphore_mem>>) {add = true}
      %add3A_621 = arith.constant 3 : i32
      %add3A_622 = arith.addi %add3A_583, %add3A_621 : i32
      %add3A_623 = arith.constant 1 : i32
      %add3A_624 = arith.addi %add3A_622, %add3A_623 : i32
      %lt3A = arith.constant 500 : i32
      %lt3A_625 = arith.cmpi slt, %add3A_624, %lt3A : i32
      %convert_element_type3A_626 = arith.extui %lt3A_625 : i1 to i32
      %cond3A_627 = arith.constant 0 : i32
      %cond3A_628 = arith.cmpi ne, %convert_element_type3A_626, %cond3A_627 : i32
      scf.if %cond3A_628 {
        %mul3A_865 = arith.constant 20000 : i32
        %mul3A_866 = arith.muli %arg1, %mul3A_865 : i32
        %mul3A_867 = arith.constant 40 : i32
        %mul3A_868 = arith.muli %add3A_624, %mul3A_867 : i32
        %add3A_869 = arith.addi %mul3A_866, %mul3A_868 : i32
        %dma_start3A_870 = arith.constant 0 : i32
        %dma_start3A_871 = arith.constant 0 : i32
        %dma_start3A_872 = tpu.memref_slice %arg14[%dma_start3A_870, %dma_start3A_871] : memref<1x40xi32, #tpu.memory_space<vmem>> -> memref<1x40xi32, #tpu.memory_space<vmem>>
        %dma_start3A_873 = tpu.memref_squeeze %dma_start3A_872 : memref<1x40xi32, #tpu.memory_space<vmem>> -> memref<40xi32, #tpu.memory_space<vmem>>
        %dma_start3A_874 = tpu.memref_slice %arg5[%add3A_869] : memref<320000xi32, #tpu.memory_space<hbm>> -> memref<40xi32, #tpu.memory_space<hbm>>
        %dma_start3A_875 = arith.constant 0 : i32
        %dma_start3A_876 = tpu.memref_slice %arg14[%dma_start3A_870, %dma_start3A_875] : memref<1x40xi32, #tpu.memory_space<vmem>> -> memref<1x40xi32, #tpu.memory_space<vmem>>
        %dma_start3A_877 = tpu.memref_squeeze %dma_start3A_876 : memref<1x40xi32, #tpu.memory_space<vmem>> -> memref<40xi32, #tpu.memory_space<vmem>>
        %dma_start3A_878 = tpu.memref_slice %arg5[%add3A_869] : memref<320000xi32, #tpu.memory_space<hbm>> -> memref<40xi32, #tpu.memory_space<hbm>>
        tpu.enqueue_dma source(%dma_start3A_878 : memref<40xi32, #tpu.memory_space<hbm>>) target(%dma_start3A_877 : memref<40xi32, #tpu.memory_space<vmem>>) target_semaphore(%arg39 : memref<!tpu.dma_semaphore, #tpu.memory_space<semaphore_mem>>)
        %dma_start3A_879 = arith.constant 0 : i32
        %dma_start3A_880 = arith.constant 0 : i32
        %dma_start3A_881 = tpu.memref_slice %arg19[%dma_start3A_879, %dma_start3A_880] : memref<1x40xi32, #tpu.memory_space<vmem>> -> memref<1x40xi32, #tpu.memory_space<vmem>>
        %dma_start3A_882 = tpu.memref_squeeze %dma_start3A_881 : memref<1x40xi32, #tpu.memory_space<vmem>> -> memref<40xi32, #tpu.memory_space<vmem>>
        %dma_start3A_883 = tpu.memref_slice %arg6[%add3A_869] : memref<320000xi32, #tpu.memory_space<hbm>> -> memref<40xi32, #tpu.memory_space<hbm>>
        %dma_start3A_884 = arith.constant 0 : i32
        %dma_start3A_885 = tpu.memref_slice %arg19[%dma_start3A_879, %dma_start3A_884] : memref<1x40xi32, #tpu.memory_space<vmem>> -> memref<1x40xi32, #tpu.memory_space<vmem>>
        %dma_start3A_886 = tpu.memref_squeeze %dma_start3A_885 : memref<1x40xi32, #tpu.memory_space<vmem>> -> memref<40xi32, #tpu.memory_space<vmem>>
        %dma_start3A_887 = tpu.memref_slice %arg6[%add3A_869] : memref<320000xi32, #tpu.memory_space<hbm>> -> memref<40xi32, #tpu.memory_space<hbm>>
        tpu.enqueue_dma source(%dma_start3A_887 : memref<40xi32, #tpu.memory_space<hbm>>) target(%dma_start3A_886 : memref<40xi32, #tpu.memory_space<vmem>>) target_semaphore(%arg39 : memref<!tpu.dma_semaphore, #tpu.memory_space<semaphore_mem>>)
      } else {
      }
      %add3A_629 = arith.constant 3 : i32
      %add3A_630 = arith.addi %add3A_583, %add3A_629 : i32
      %lt3A_631 = arith.constant 500 : i32
      %lt3A_632 = arith.cmpi slt, %add3A_630, %lt3A_631 : i32
      %convert_element_type3A_633 = arith.extui %lt3A_632 : i1 to i32
      %cond3A_634 = arith.constant 0 : i32
      %cond3A_635 = arith.cmpi ne, %convert_element_type3A_633, %cond3A_634 : i32
      scf.if %cond3A_635 {
        %ge3A = arith.constant 2 : i32
        %ge3A_865 = arith.cmpi sge, %add3A_583, %ge3A : i32
        %convert_element_type3A_866 = arith.extui %ge3A_865 : i1 to i32
        %cond3A_867 = arith.constant 0 : i32
        %cond3A_868 = arith.cmpi ne, %convert_element_type3A_866, %cond3A_867 : i32
        scf.if %cond3A_868 {
          %sub3A = arith.constant 2 : i32
          %sub3A_909 = arith.subi %add3A_583, %sub3A : i32
          %dma_wait3A_910 = arith.constant 0 : i32
          %dma_wait3A_911 = arith.constant 0 : i32
          %dma_wait3A_912 = tpu.memref_slice %arg18[%dma_wait3A_910, %dma_wait3A_911] : memref<1x40xi32, #tpu.memory_space<vmem>> -> memref<1x40xi32, #tpu.memory_space<vmem>>
          %dma_wait3A_913 = tpu.memref_squeeze %dma_wait3A_912 : memref<1x40xi32, #tpu.memory_space<vmem>> -> memref<40xi32, #tpu.memory_space<vmem>>
          %dma_wait3A_914 = arith.constant 0 : i32
          %dma_wait3A_915 = arith.constant 0 : i32
          %dma_wait3A_916 = tpu.memref_slice %arg33[%dma_wait3A_914, %dma_wait3A_915] : memref<10000x64xf32, #tpu.memory_space<vmem_shared>> -> memref<10000x64xf32, #tpu.memory_space<vmem_shared>>
          tpu.wait_indirect_dma semaphore(%arg48 : memref<!tpu.dma_semaphore, #tpu.memory_space<semaphore_mem>>) src(%arg23 : memref<40x64xf32, #tpu.memory_space<vmem>>) dst(%dma_wait3A_916 : memref<10000x64xf32, #tpu.memory_space<vmem_shared>>)
          %dma_wait3A_917 = arith.constant 0 : i32
          %dma_wait3A_918 = arith.constant 0 : i32
          %dma_wait3A_919 = tpu.memref_slice %arg18[%dma_wait3A_917, %dma_wait3A_918] : memref<1x40xi32, #tpu.memory_space<vmem>> -> memref<1x40xi32, #tpu.memory_space<vmem>>
          %dma_wait3A_920 = tpu.memref_squeeze %dma_wait3A_919 : memref<1x40xi32, #tpu.memory_space<vmem>> -> memref<40xi32, #tpu.memory_space<vmem>>
          %dma_wait3A_921 = arith.constant 0 : i32
          %dma_wait3A_922 = arith.constant 0 : i32
          %dma_wait3A_923 = tpu.memref_slice %arg33[%dma_wait3A_921, %dma_wait3A_922] : memref<10000x64xf32, #tpu.memory_space<vmem_shared>> -> memref<10000x64xf32, #tpu.memory_space<vmem_shared>>
          tpu.wait_indirect_dma semaphore(%arg48 : memref<!tpu.dma_semaphore, #tpu.memory_space<semaphore_mem>>) src(%arg28 : memref<40x64xf32, #tpu.memory_space<vmem>>) dst(%dma_wait3A_923 : memref<10000x64xf32, #tpu.memory_space<vmem_shared>>)
          %dma_wait3A_924 = arith.constant 0 : i32
          %dma_wait3A_925 = arith.constant 0 : i32
          %dma_wait3A_926 = tpu.memref_slice %arg18[%dma_wait3A_924, %dma_wait3A_925] : memref<1x40xi32, #tpu.memory_space<vmem>> -> memref<1x40xi32, #tpu.memory_space<vmem>>
          %dma_wait3A_927 = tpu.memref_squeeze %dma_wait3A_926 : memref<1x40xi32, #tpu.memory_space<vmem>> -> memref<40xi32, #tpu.memory_space<vmem>>
          %dma_wait3A_928 = arith.constant 0 : i32
          %dma_wait3A_929 = arith.constant 0 : i32
          %dma_wait3A_930 = tpu.memref_slice %arg34[%dma_wait3A_928, %dma_wait3A_929] : memref<10000x16xf32, #tpu.memory_space<vmem_shared>> -> memref<10000x16xf32, #tpu.memory_space<vmem_shared>>
          tpu.wait_indirect_dma semaphore(%arg48 : memref<!tpu.dma_semaphore, #tpu.memory_space<semaphore_mem>>) src(%arg30 : memref<40x16xf32, #tpu.memory_space<vmem>>) dst(%dma_wait3A_930 : memref<10000x16xf32, #tpu.memory_space<vmem_shared>>)
        } else {
        }
        %mul3A_869 = arith.constant 20000 : i32
        %mul3A_870 = arith.muli %arg1, %mul3A_869 : i32
        %mul3A_871 = arith.constant 40 : i32
        %mul3A_872 = arith.muli %add3A_630, %mul3A_871 : i32
        %add3A_873 = arith.addi %mul3A_870, %mul3A_872 : i32
        %dma_wait3A_874 = arith.constant 0 : i32
        %dma_wait3A_875 = arith.constant 0 : i32
        %dma_wait3A_876 = tpu.memref_slice %arg13[%dma_wait3A_874, %dma_wait3A_875] : memref<1x40xi32, #tpu.memory_space<vmem>> -> memref<1x40xi32, #tpu.memory_space<vmem>>
        %dma_wait3A_877 = tpu.memref_squeeze %dma_wait3A_876 : memref<1x40xi32, #tpu.memory_space<vmem>> -> memref<40xi32, #tpu.memory_space<vmem>>
        %dma_wait3A_878 = tpu.memref_slice %arg5[%add3A_873] : memref<320000xi32, #tpu.memory_space<hbm>> -> memref<40xi32, #tpu.memory_space<hbm>>
        %dma_wait3A_879 = arith.constant 0 : i32
        %dma_wait3A_880 = tpu.memref_slice %arg13[%dma_wait3A_874, %dma_wait3A_879] : memref<1x40xi32, #tpu.memory_space<vmem>> -> memref<1x40xi32, #tpu.memory_space<vmem>>
        %dma_wait3A_881 = tpu.memref_squeeze %dma_wait3A_880 : memref<1x40xi32, #tpu.memory_space<vmem>> -> memref<40xi32, #tpu.memory_space<vmem>>
        %dma_wait3A_882 = tpu.memref_slice %arg5[%add3A_873] : memref<320000xi32, #tpu.memory_space<hbm>> -> memref<40xi32, #tpu.memory_space<hbm>>
        tpu.wait_dma2 semaphore(%arg38 : memref<!tpu.dma_semaphore, #tpu.memory_space<semaphore_mem>>) src(%dma_wait3A_882 : memref<40xi32, #tpu.memory_space<hbm>>) dst(%dma_wait3A_881 : memref<40xi32, #tpu.memory_space<vmem>>)
        %dma_wait3A_883 = arith.constant 0 : i32
        %dma_wait3A_884 = arith.constant 0 : i32
        %dma_wait3A_885 = tpu.memref_slice %arg18[%dma_wait3A_883, %dma_wait3A_884] : memref<1x40xi32, #tpu.memory_space<vmem>> -> memref<1x40xi32, #tpu.memory_space<vmem>>
        %dma_wait3A_886 = tpu.memref_squeeze %dma_wait3A_885 : memref<1x40xi32, #tpu.memory_space<vmem>> -> memref<40xi32, #tpu.memory_space<vmem>>
        %dma_wait3A_887 = tpu.memref_slice %arg6[%add3A_873] : memref<320000xi32, #tpu.memory_space<hbm>> -> memref<40xi32, #tpu.memory_space<hbm>>
        %dma_wait3A_888 = arith.constant 0 : i32
        %dma_wait3A_889 = tpu.memref_slice %arg18[%dma_wait3A_883, %dma_wait3A_888] : memref<1x40xi32, #tpu.memory_space<vmem>> -> memref<1x40xi32, #tpu.memory_space<vmem>>
        %dma_wait3A_890 = tpu.memref_squeeze %dma_wait3A_889 : memref<1x40xi32, #tpu.memory_space<vmem>> -> memref<40xi32, #tpu.memory_space<vmem>>
        %dma_wait3A_891 = tpu.memref_slice %arg6[%add3A_873] : memref<320000xi32, #tpu.memory_space<hbm>> -> memref<40xi32, #tpu.memory_space<hbm>>
        tpu.wait_dma2 semaphore(%arg38 : memref<!tpu.dma_semaphore, #tpu.memory_space<semaphore_mem>>) src(%dma_wait3A_891 : memref<40xi32, #tpu.memory_space<hbm>>) dst(%dma_wait3A_890 : memref<40xi32, #tpu.memory_space<vmem>>)
        %mul3A_892 = arith.constant 20000 : i32
        %mul3A_893 = arith.muli %arg1, %mul3A_892 : i32
        %mul3A_894 = arith.constant 40 : i32
        %mul3A_895 = arith.muli %add3A_630, %mul3A_894 : i32
        %add3A_896 = arith.addi %mul3A_893, %mul3A_895 : i32
        %eq3A_897 = arith.constant 0 : i32
        %eq3A_898 = arith.cmpi eq, %arg0, %eq3A_897 : i32
        %convert_element_type3A_899 = arith.extui %eq3A_898 : i1 to i32
        %cond3A_900 = arith.constant 0 : i32
        %cond3A_901 = arith.constant 0 : i32
        %cond3A_902 = arith.cmpi ne, %convert_element_type3A_899, %cond3A_901 : i32
        scf.if %cond3A_902 {
          %dma_start3A_909 = arith.constant 0 : i32
          %dma_start3A_910 = tpu.memref_slice %arg13[%cond3A_900, %dma_start3A_909] : memref<1x40xi32, #tpu.memory_space<vmem>> -> memref<1x40xi32, #tpu.memory_space<vmem>>
          %dma_start3A_911 = tpu.memref_squeeze %dma_start3A_910 : memref<1x40xi32, #tpu.memory_space<vmem>> -> memref<40xi32, #tpu.memory_space<vmem>>
          %dma_start3A_912 = arith.constant 0 : i32
          %dma_start3A_913 = arith.constant 0 : i32
          %dma_start3A_914 = tpu.memref_slice %arg2[%dma_start3A_912, %dma_start3A_913] : memref<10000x64xf32, #tpu.memory_space<hbm>> -> memref<10000x64xf32, #tpu.memory_space<hbm>>
          tpu.enqueue_indirect_dma source(%dma_start3A_914 : memref<10000x64xf32, #tpu.memory_space<hbm>>) target(%arg23 : memref<40x64xf32, #tpu.memory_space<vmem>>) offsets(%dma_start3A_911 : memref<40xi32, #tpu.memory_space<vmem>>) semaphore(%arg43 : memref<!tpu.dma_semaphore, #tpu.memory_space<semaphore_mem>>)
          %dma_start3A_915 = arith.constant 0 : i32
          %dma_start3A_916 = tpu.memref_slice %arg4[%add3A_896, %dma_start3A_915] : memref<320000x128xf32, #tpu.memory_space<hbm>> -> memref<40x64xf32, #tpu.memory_space<hbm>>
          %dma_start3A_917 = arith.constant 0 : i32
          %dma_start3A_918 = tpu.memref_slice %arg4[%add3A_896, %dma_start3A_917] : memref<320000x128xf32, #tpu.memory_space<hbm>> -> memref<40x64xf32, #tpu.memory_space<hbm>>
          tpu.enqueue_dma source(%dma_start3A_918 : memref<40x64xf32, #tpu.memory_space<hbm>>) target(%arg28 : memref<40x64xf32, #tpu.memory_space<vmem>>) target_semaphore(%arg43 : memref<!tpu.dma_semaphore, #tpu.memory_space<semaphore_mem>>)
        } else {
        }
        %eq3A_903 = arith.constant 1 : i32
        %eq3A_904 = arith.cmpi eq, %arg0, %eq3A_903 : i32
        %convert_element_type3A_905 = arith.extui %eq3A_904 : i1 to i32
        %cond3A_906 = arith.constant 0 : i32
        %cond3A_907 = arith.constant 0 : i32
        %cond3A_908 = arith.cmpi ne, %convert_element_type3A_905, %cond3A_907 : i32
        scf.if %cond3A_908 {
          %dma_start3A_909 = arith.constant 0 : i32
          %dma_start3A_910 = tpu.memref_slice %arg13[%cond3A_906, %dma_start3A_909] : memref<1x40xi32, #tpu.memory_space<vmem>> -> memref<1x40xi32, #tpu.memory_space<vmem>>
          %dma_start3A_911 = tpu.memref_squeeze %dma_start3A_910 : memref<1x40xi32, #tpu.memory_space<vmem>> -> memref<40xi32, #tpu.memory_space<vmem>>
          %dma_start3A_912 = arith.constant 0 : i32
          %dma_start3A_913 = arith.constant 0 : i32
          %dma_start3A_914 = tpu.memref_slice %arg3[%dma_start3A_912, %dma_start3A_913] : memref<10000x64xf32, #tpu.memory_space<hbm>> -> memref<10000x64xf32, #tpu.memory_space<hbm>>
          tpu.enqueue_indirect_dma source(%dma_start3A_914 : memref<10000x64xf32, #tpu.memory_space<hbm>>) target(%arg23 : memref<40x64xf32, #tpu.memory_space<vmem>>) offsets(%dma_start3A_911 : memref<40xi32, #tpu.memory_space<vmem>>) semaphore(%arg43 : memref<!tpu.dma_semaphore, #tpu.memory_space<semaphore_mem>>)
          %dma_start3A_915 = arith.constant 64 : i32
          %dma_start3A_916 = tpu.memref_slice %arg4[%add3A_896, %dma_start3A_915] : memref<320000x128xf32, #tpu.memory_space<hbm>> -> memref<40x64xf32, #tpu.memory_space<hbm>>
          %dma_start3A_917 = arith.constant 64 : i32
          %dma_start3A_918 = tpu.memref_slice %arg4[%add3A_896, %dma_start3A_917] : memref<320000x128xf32, #tpu.memory_space<hbm>> -> memref<40x64xf32, #tpu.memory_space<hbm>>
          tpu.enqueue_dma source(%dma_start3A_918 : memref<40x64xf32, #tpu.memory_space<hbm>>) target(%arg28 : memref<40x64xf32, #tpu.memory_space<vmem>>) target_semaphore(%arg43 : memref<!tpu.dma_semaphore, #tpu.memory_space<semaphore_mem>>)
        } else {
        }
      } else {
      }
      %mul3A_636 = arith.constant 5 : i32
      %mul3A_637 = arith.muli %scan3A_578, %mul3A_636 : i32
      %add3A_638 = arith.constant 1 : i32
      %add3A_639 = arith.addi %mul3A_637, %add3A_638 : i32
      %dma_wait3A_640 = arith.constant 0 : i32
      %dma_wait3A_641 = arith.constant 0 : i32
      %dma_wait3A_642 = tpu.memref_slice %arg11[%dma_wait3A_640, %dma_wait3A_641] : memref<1x40xi32, #tpu.memory_space<vmem>> -> memref<1x40xi32, #tpu.memory_space<vmem>>
      %dma_wait3A_643 = tpu.memref_squeeze %dma_wait3A_642 : memref<1x40xi32, #tpu.memory_space<vmem>> -> memref<40xi32, #tpu.memory_space<vmem>>
      %dma_wait3A_644 = arith.constant 0 : i32
      %dma_wait3A_645 = arith.constant 0 : i32
      %dma_wait3A_646 = tpu.memref_slice %arg2[%dma_wait3A_644, %dma_wait3A_645] : memref<10000x64xf32, #tpu.memory_space<hbm>> -> memref<10000x64xf32, #tpu.memory_space<hbm>>
      tpu.wait_indirect_dma semaphore(%arg41 : memref<!tpu.dma_semaphore, #tpu.memory_space<semaphore_mem>>) src(%dma_wait3A_646 : memref<10000x64xf32, #tpu.memory_space<hbm>>) dst(%arg21 : memref<40x64xf32, #tpu.memory_space<vmem>>)
      %mul3A_647 = arith.constant 20000 : i32
      %mul3A_648 = arith.muli %arg1, %mul3A_647 : i32
      %mul3A_649 = arith.constant 40 : i32
      %mul3A_650 = arith.muli %add3A_639, %mul3A_649 : i32
      %add3A_651 = arith.addi %mul3A_648, %mul3A_650 : i32
      %dma_wait3A_652 = arith.constant 0 : i32
      %dma_wait3A_653 = tpu.memref_slice %arg4[%add3A_651, %dma_wait3A_652] : memref<320000x128xf32, #tpu.memory_space<hbm>> -> memref<40x64xf32, #tpu.memory_space<hbm>>
      %dma_wait3A_654 = arith.constant 0 : i32
      %dma_wait3A_655 = tpu.memref_slice %arg4[%add3A_651, %dma_wait3A_654] : memref<320000x128xf32, #tpu.memory_space<hbm>> -> memref<40x64xf32, #tpu.memory_space<hbm>>
      tpu.wait_dma2 semaphore(%arg41 : memref<!tpu.dma_semaphore, #tpu.memory_space<semaphore_mem>>) src(%dma_wait3A_655 : memref<40x64xf32, #tpu.memory_space<hbm>>) dst(%arg26 : memref<40x64xf32, #tpu.memory_space<vmem>>)
      %dma_start3A_656 = arith.constant 0 : i32
      %dma_start3A_657 = arith.constant 0 : i32
      %dma_start3A_658 = tpu.memref_slice %arg16[%dma_start3A_656, %dma_start3A_657] : memref<1x40xi32, #tpu.memory_space<vmem>> -> memref<1x40xi32, #tpu.memory_space<vmem>>
      %dma_start3A_659 = tpu.memref_squeeze %dma_start3A_658 : memref<1x40xi32, #tpu.memory_space<vmem>> -> memref<40xi32, #tpu.memory_space<vmem>>
      %dma_start3A_660 = arith.constant 0 : i32
      %dma_start3A_661 = arith.constant 0 : i32
      %dma_start3A_662 = tpu.memref_slice %arg33[%dma_start3A_660, %dma_start3A_661] : memref<10000x64xf32, #tpu.memory_space<vmem_shared>> -> memref<10000x64xf32, #tpu.memory_space<vmem_shared>>
      tpu.enqueue_indirect_dma source(%arg21 : memref<40x64xf32, #tpu.memory_space<vmem>>) target(%dma_start3A_662 : memref<10000x64xf32, #tpu.memory_space<vmem_shared>>) offsets(%dma_start3A_659 : memref<40xi32, #tpu.memory_space<vmem>>) semaphore(%arg46 : memref<!tpu.dma_semaphore, #tpu.memory_space<semaphore_mem>>) {add = true}
      %dma_start3A_663 = arith.constant 0 : i32
      %dma_start3A_664 = arith.constant 0 : i32
      %dma_start3A_665 = tpu.memref_slice %arg16[%dma_start3A_663, %dma_start3A_664] : memref<1x40xi32, #tpu.memory_space<vmem>> -> memref<1x40xi32, #tpu.memory_space<vmem>>
      %dma_start3A_666 = tpu.memref_squeeze %dma_start3A_665 : memref<1x40xi32, #tpu.memory_space<vmem>> -> memref<40xi32, #tpu.memory_space<vmem>>
      %dma_start3A_667 = arith.constant 0 : i32
      %dma_start3A_668 = arith.constant 0 : i32
      %dma_start3A_669 = tpu.memref_slice %arg33[%dma_start3A_667, %dma_start3A_668] : memref<10000x64xf32, #tpu.memory_space<vmem_shared>> -> memref<10000x64xf32, #tpu.memory_space<vmem_shared>>
      tpu.enqueue_indirect_dma source(%arg26 : memref<40x64xf32, #tpu.memory_space<vmem>>) target(%dma_start3A_669 : memref<10000x64xf32, #tpu.memory_space<vmem_shared>>) offsets(%dma_start3A_666 : memref<40xi32, #tpu.memory_space<vmem>>) semaphore(%arg46 : memref<!tpu.dma_semaphore, #tpu.memory_space<semaphore_mem>>) {add = true}
      %dma_start3A_670 = arith.constant 0 : i32
      %dma_start3A_671 = arith.constant 0 : i32
      %dma_start3A_672 = tpu.memref_slice %arg16[%dma_start3A_670, %dma_start3A_671] : memref<1x40xi32, #tpu.memory_space<vmem>> -> memref<1x40xi32, #tpu.memory_space<vmem>>
      %dma_start3A_673 = tpu.memref_squeeze %dma_start3A_672 : memref<1x40xi32, #tpu.memory_space<vmem>> -> memref<40xi32, #tpu.memory_space<vmem>>
      %dma_start3A_674 = arith.constant 0 : i32
      %dma_start3A_675 = arith.constant 0 : i32
      %dma_start3A_676 = tpu.memref_slice %arg34[%dma_start3A_674, %dma_start3A_675] : memref<10000x16xf32, #tpu.memory_space<vmem_shared>> -> memref<10000x16xf32, #tpu.memory_space<vmem_shared>>
      tpu.enqueue_indirect_dma source(%arg30 : memref<40x16xf32, #tpu.memory_space<vmem>>) target(%dma_start3A_676 : memref<10000x16xf32, #tpu.memory_space<vmem_shared>>) offsets(%dma_start3A_673 : memref<40xi32, #tpu.memory_space<vmem>>) semaphore(%arg46 : memref<!tpu.dma_semaphore, #tpu.memory_space<semaphore_mem>>) {add = true}
      %add3A_677 = arith.constant 3 : i32
      %add3A_678 = arith.addi %add3A_639, %add3A_677 : i32
      %add3A_679 = arith.constant 1 : i32
      %add3A_680 = arith.addi %add3A_678, %add3A_679 : i32
      %lt3A_681 = arith.constant 500 : i32
      %lt3A_682 = arith.cmpi slt, %add3A_680, %lt3A_681 : i32
      %convert_element_type3A_683 = arith.extui %lt3A_682 : i1 to i32
      %cond3A_684 = arith.constant 0 : i32
      %cond3A_685 = arith.cmpi ne, %convert_element_type3A_683, %cond3A_684 : i32
      scf.if %cond3A_685 {
        %mul3A_865 = arith.constant 20000 : i32
        %mul3A_866 = arith.muli %arg1, %mul3A_865 : i32
        %mul3A_867 = arith.constant 40 : i32
        %mul3A_868 = arith.muli %add3A_680, %mul3A_867 : i32
        %add3A_869 = arith.addi %mul3A_866, %mul3A_868 : i32
        %dma_start3A_870 = arith.constant 0 : i32
        %dma_start3A_871 = arith.constant 0 : i32
        %dma_start3A_872 = tpu.memref_slice %arg10[%dma_start3A_870, %dma_start3A_871] : memref<1x40xi32, #tpu.memory_space<vmem>> -> memref<1x40xi32, #tpu.memory_space<vmem>>
        %dma_start3A_873 = tpu.memref_squeeze %dma_start3A_872 : memref<1x40xi32, #tpu.memory_space<vmem>> -> memref<40xi32, #tpu.memory_space<vmem>>
        %dma_start3A_874 = tpu.memref_slice %arg5[%add3A_869] : memref<320000xi32, #tpu.memory_space<hbm>> -> memref<40xi32, #tpu.memory_space<hbm>>
        %dma_start3A_875 = arith.constant 0 : i32
        %dma_start3A_876 = tpu.memref_slice %arg10[%dma_start3A_870, %dma_start3A_875] : memref<1x40xi32, #tpu.memory_space<vmem>> -> memref<1x40xi32, #tpu.memory_space<vmem>>
        %dma_start3A_877 = tpu.memref_squeeze %dma_start3A_876 : memref<1x40xi32, #tpu.memory_space<vmem>> -> memref<40xi32, #tpu.memory_space<vmem>>
        %dma_start3A_878 = tpu.memref_slice %arg5[%add3A_869] : memref<320000xi32, #tpu.memory_space<hbm>> -> memref<40xi32, #tpu.memory_space<hbm>>
        tpu.enqueue_dma source(%dma_start3A_878 : memref<40xi32, #tpu.memory_space<hbm>>) target(%dma_start3A_877 : memref<40xi32, #tpu.memory_space<vmem>>) target_semaphore(%arg35 : memref<!tpu.dma_semaphore, #tpu.memory_space<semaphore_mem>>)
        %dma_start3A_879 = arith.constant 0 : i32
        %dma_start3A_880 = arith.constant 0 : i32
        %dma_start3A_881 = tpu.memref_slice %arg15[%dma_start3A_879, %dma_start3A_880] : memref<1x40xi32, #tpu.memory_space<vmem>> -> memref<1x40xi32, #tpu.memory_space<vmem>>
        %dma_start3A_882 = tpu.memref_squeeze %dma_start3A_881 : memref<1x40xi32, #tpu.memory_space<vmem>> -> memref<40xi32, #tpu.memory_space<vmem>>
        %dma_start3A_883 = tpu.memref_slice %arg6[%add3A_869] : memref<320000xi32, #tpu.memory_space<hbm>> -> memref<40xi32, #tpu.memory_space<hbm>>
        %dma_start3A_884 = arith.constant 0 : i32
        %dma_start3A_885 = tpu.memref_slice %arg15[%dma_start3A_879, %dma_start3A_884] : memref<1x40xi32, #tpu.memory_space<vmem>> -> memref<1x40xi32, #tpu.memory_space<vmem>>
        %dma_start3A_886 = tpu.memref_squeeze %dma_start3A_885 : memref<1x40xi32, #tpu.memory_space<vmem>> -> memref<40xi32, #tpu.memory_space<vmem>>
        %dma_start3A_887 = tpu.memref_slice %arg6[%add3A_869] : memref<320000xi32, #tpu.memory_space<hbm>> -> memref<40xi32, #tpu.memory_space<hbm>>
        tpu.enqueue_dma source(%dma_start3A_887 : memref<40xi32, #tpu.memory_space<hbm>>) target(%dma_start3A_886 : memref<40xi32, #tpu.memory_space<vmem>>) target_semaphore(%arg35 : memref<!tpu.dma_semaphore, #tpu.memory_space<semaphore_mem>>)
      } else {
      }
      %add3A_686 = arith.constant 3 : i32
      %add3A_687 = arith.addi %add3A_639, %add3A_686 : i32
      %lt3A_688 = arith.constant 500 : i32
      %lt3A_689 = arith.cmpi slt, %add3A_687, %lt3A_688 : i32
      %convert_element_type3A_690 = arith.extui %lt3A_689 : i1 to i32
      %cond3A_691 = arith.constant 0 : i32
      %cond3A_692 = arith.cmpi ne, %convert_element_type3A_690, %cond3A_691 : i32
      scf.if %cond3A_692 {
        %ge3A = arith.constant 2 : i32
        %ge3A_865 = arith.cmpi sge, %add3A_639, %ge3A : i32
        %convert_element_type3A_866 = arith.extui %ge3A_865 : i1 to i32
        %cond3A_867 = arith.constant 0 : i32
        %cond3A_868 = arith.cmpi ne, %convert_element_type3A_866, %cond3A_867 : i32
        scf.if %cond3A_868 {
          %sub3A = arith.constant 2 : i32
          %sub3A_909 = arith.subi %add3A_639, %sub3A : i32
          %dma_wait3A_910 = arith.constant 0 : i32
          %dma_wait3A_911 = arith.constant 0 : i32
          %dma_wait3A_912 = tpu.memref_slice %arg19[%dma_wait3A_910, %dma_wait3A_911] : memref<1x40xi32, #tpu.memory_space<vmem>> -> memref<1x40xi32, #tpu.memory_space<vmem>>
          %dma_wait3A_913 = tpu.memref_squeeze %dma_wait3A_912 : memref<1x40xi32, #tpu.memory_space<vmem>> -> memref<40xi32, #tpu.memory_space<vmem>>
          %dma_wait3A_914 = arith.constant 0 : i32
          %dma_wait3A_915 = arith.constant 0 : i32
          %dma_wait3A_916 = tpu.memref_slice %arg33[%dma_wait3A_914, %dma_wait3A_915] : memref<10000x64xf32, #tpu.memory_space<vmem_shared>> -> memref<10000x64xf32, #tpu.memory_space<vmem_shared>>
          tpu.wait_indirect_dma semaphore(%arg49 : memref<!tpu.dma_semaphore, #tpu.memory_space<semaphore_mem>>) src(%arg24 : memref<40x64xf32, #tpu.memory_space<vmem>>) dst(%dma_wait3A_916 : memref<10000x64xf32, #tpu.memory_space<vmem_shared>>)
          %dma_wait3A_917 = arith.constant 0 : i32
          %dma_wait3A_918 = arith.constant 0 : i32
          %dma_wait3A_919 = tpu.memref_slice %arg19[%dma_wait3A_917, %dma_wait3A_918] : memref<1x40xi32, #tpu.memory_space<vmem>> -> memref<1x40xi32, #tpu.memory_space<vmem>>
          %dma_wait3A_920 = tpu.memref_squeeze %dma_wait3A_919 : memref<1x40xi32, #tpu.memory_space<vmem>> -> memref<40xi32, #tpu.memory_space<vmem>>
          %dma_wait3A_921 = arith.constant 0 : i32
          %dma_wait3A_922 = arith.constant 0 : i32
          %dma_wait3A_923 = tpu.memref_slice %arg33[%dma_wait3A_921, %dma_wait3A_922] : memref<10000x64xf32, #tpu.memory_space<vmem_shared>> -> memref<10000x64xf32, #tpu.memory_space<vmem_shared>>
          tpu.wait_indirect_dma semaphore(%arg49 : memref<!tpu.dma_semaphore, #tpu.memory_space<semaphore_mem>>) src(%arg29 : memref<40x64xf32, #tpu.memory_space<vmem>>) dst(%dma_wait3A_923 : memref<10000x64xf32, #tpu.memory_space<vmem_shared>>)
          %dma_wait3A_924 = arith.constant 0 : i32
          %dma_wait3A_925 = arith.constant 0 : i32
          %dma_wait3A_926 = tpu.memref_slice %arg19[%dma_wait3A_924, %dma_wait3A_925] : memref<1x40xi32, #tpu.memory_space<vmem>> -> memref<1x40xi32, #tpu.memory_space<vmem>>
          %dma_wait3A_927 = tpu.memref_squeeze %dma_wait3A_926 : memref<1x40xi32, #tpu.memory_space<vmem>> -> memref<40xi32, #tpu.memory_space<vmem>>
          %dma_wait3A_928 = arith.constant 0 : i32
          %dma_wait3A_929 = arith.constant 0 : i32
          %dma_wait3A_930 = tpu.memref_slice %arg34[%dma_wait3A_928, %dma_wait3A_929] : memref<10000x16xf32, #tpu.memory_space<vmem_shared>> -> memref<10000x16xf32, #tpu.memory_space<vmem_shared>>
          tpu.wait_indirect_dma semaphore(%arg49 : memref<!tpu.dma_semaphore, #tpu.memory_space<semaphore_mem>>) src(%arg30 : memref<40x16xf32, #tpu.memory_space<vmem>>) dst(%dma_wait3A_930 : memref<10000x16xf32, #tpu.memory_space<vmem_shared>>)
        } else {
        }
        %mul3A_869 = arith.constant 20000 : i32
        %mul3A_870 = arith.muli %arg1, %mul3A_869 : i32
        %mul3A_871 = arith.constant 40 : i32
        %mul3A_872 = arith.muli %add3A_687, %mul3A_871 : i32
        %add3A_873 = arith.addi %mul3A_870, %mul3A_872 : i32
        %dma_wait3A_874 = arith.constant 0 : i32
        %dma_wait3A_875 = arith.constant 0 : i32
        %dma_wait3A_876 = tpu.memref_slice %arg14[%dma_wait3A_874, %dma_wait3A_875] : memref<1x40xi32, #tpu.memory_space<vmem>> -> memref<1x40xi32, #tpu.memory_space<vmem>>
        %dma_wait3A_877 = tpu.memref_squeeze %dma_wait3A_876 : memref<1x40xi32, #tpu.memory_space<vmem>> -> memref<40xi32, #tpu.memory_space<vmem>>
        %dma_wait3A_878 = tpu.memref_slice %arg5[%add3A_873] : memref<320000xi32, #tpu.memory_space<hbm>> -> memref<40xi32, #tpu.memory_space<hbm>>
        %dma_wait3A_879 = arith.constant 0 : i32
        %dma_wait3A_880 = tpu.memref_slice %arg14[%dma_wait3A_874, %dma_wait3A_879] : memref<1x40xi32, #tpu.memory_space<vmem>> -> memref<1x40xi32, #tpu.memory_space<vmem>>
        %dma_wait3A_881 = tpu.memref_squeeze %dma_wait3A_880 : memref<1x40xi32, #tpu.memory_space<vmem>> -> memref<40xi32, #tpu.memory_space<vmem>>
        %dma_wait3A_882 = tpu.memref_slice %arg5[%add3A_873] : memref<320000xi32, #tpu.memory_space<hbm>> -> memref<40xi32, #tpu.memory_space<hbm>>
        tpu.wait_dma2 semaphore(%arg39 : memref<!tpu.dma_semaphore, #tpu.memory_space<semaphore_mem>>) src(%dma_wait3A_882 : memref<40xi32, #tpu.memory_space<hbm>>) dst(%dma_wait3A_881 : memref<40xi32, #tpu.memory_space<vmem>>)
        %dma_wait3A_883 = arith.constant 0 : i32
        %dma_wait3A_884 = arith.constant 0 : i32
        %dma_wait3A_885 = tpu.memref_slice %arg19[%dma_wait3A_883, %dma_wait3A_884] : memref<1x40xi32, #tpu.memory_space<vmem>> -> memref<1x40xi32, #tpu.memory_space<vmem>>
        %dma_wait3A_886 = tpu.memref_squeeze %dma_wait3A_885 : memref<1x40xi32, #tpu.memory_space<vmem>> -> memref<40xi32, #tpu.memory_space<vmem>>
        %dma_wait3A_887 = tpu.memref_slice %arg6[%add3A_873] : memref<320000xi32, #tpu.memory_space<hbm>> -> memref<40xi32, #tpu.memory_space<hbm>>
        %dma_wait3A_888 = arith.constant 0 : i32
        %dma_wait3A_889 = tpu.memref_slice %arg19[%dma_wait3A_883, %dma_wait3A_888] : memref<1x40xi32, #tpu.memory_space<vmem>> -> memref<1x40xi32, #tpu.memory_space<vmem>>
        %dma_wait3A_890 = tpu.memref_squeeze %dma_wait3A_889 : memref<1x40xi32, #tpu.memory_space<vmem>> -> memref<40xi32, #tpu.memory_space<vmem>>
        %dma_wait3A_891 = tpu.memref_slice %arg6[%add3A_873] : memref<320000xi32, #tpu.memory_space<hbm>> -> memref<40xi32, #tpu.memory_space<hbm>>
        tpu.wait_dma2 semaphore(%arg39 : memref<!tpu.dma_semaphore, #tpu.memory_space<semaphore_mem>>) src(%dma_wait3A_891 : memref<40xi32, #tpu.memory_space<hbm>>) dst(%dma_wait3A_890 : memref<40xi32, #tpu.memory_space<vmem>>)
        %mul3A_892 = arith.constant 20000 : i32
        %mul3A_893 = arith.muli %arg1, %mul3A_892 : i32
        %mul3A_894 = arith.constant 40 : i32
        %mul3A_895 = arith.muli %add3A_687, %mul3A_894 : i32
        %add3A_896 = arith.addi %mul3A_893, %mul3A_895 : i32
        %eq3A_897 = arith.constant 0 : i32
        %eq3A_898 = arith.cmpi eq, %arg0, %eq3A_897 : i32
        %convert_element_type3A_899 = arith.extui %eq3A_898 : i1 to i32
        %cond3A_900 = arith.constant 0 : i32
        %cond3A_901 = arith.constant 0 : i32
        %cond3A_902 = arith.cmpi ne, %convert_element_type3A_899, %cond3A_901 : i32
        scf.if %cond3A_902 {
          %dma_start3A_909 = arith.constant 0 : i32
          %dma_start3A_910 = tpu.memref_slice %arg14[%cond3A_900, %dma_start3A_909] : memref<1x40xi32, #tpu.memory_space<vmem>> -> memref<1x40xi32, #tpu.memory_space<vmem>>
          %dma_start3A_911 = tpu.memref_squeeze %dma_start3A_910 : memref<1x40xi32, #tpu.memory_space<vmem>> -> memref<40xi32, #tpu.memory_space<vmem>>
          %dma_start3A_912 = arith.constant 0 : i32
          %dma_start3A_913 = arith.constant 0 : i32
          %dma_start3A_914 = tpu.memref_slice %arg2[%dma_start3A_912, %dma_start3A_913] : memref<10000x64xf32, #tpu.memory_space<hbm>> -> memref<10000x64xf32, #tpu.memory_space<hbm>>
          tpu.enqueue_indirect_dma source(%dma_start3A_914 : memref<10000x64xf32, #tpu.memory_space<hbm>>) target(%arg24 : memref<40x64xf32, #tpu.memory_space<vmem>>) offsets(%dma_start3A_911 : memref<40xi32, #tpu.memory_space<vmem>>) semaphore(%arg44 : memref<!tpu.dma_semaphore, #tpu.memory_space<semaphore_mem>>)
          %dma_start3A_915 = arith.constant 0 : i32
          %dma_start3A_916 = tpu.memref_slice %arg4[%add3A_896, %dma_start3A_915] : memref<320000x128xf32, #tpu.memory_space<hbm>> -> memref<40x64xf32, #tpu.memory_space<hbm>>
          %dma_start3A_917 = arith.constant 0 : i32
          %dma_start3A_918 = tpu.memref_slice %arg4[%add3A_896, %dma_start3A_917] : memref<320000x128xf32, #tpu.memory_space<hbm>> -> memref<40x64xf32, #tpu.memory_space<hbm>>
          tpu.enqueue_dma source(%dma_start3A_918 : memref<40x64xf32, #tpu.memory_space<hbm>>) target(%arg29 : memref<40x64xf32, #tpu.memory_space<vmem>>) target_semaphore(%arg44 : memref<!tpu.dma_semaphore, #tpu.memory_space<semaphore_mem>>)
        } else {
        }
        %eq3A_903 = arith.constant 1 : i32
        %eq3A_904 = arith.cmpi eq, %arg0, %eq3A_903 : i32
        %convert_element_type3A_905 = arith.extui %eq3A_904 : i1 to i32
        %cond3A_906 = arith.constant 0 : i32
        %cond3A_907 = arith.constant 0 : i32
        %cond3A_908 = arith.cmpi ne, %convert_element_type3A_905, %cond3A_907 : i32
        scf.if %cond3A_908 {
          %dma_start3A_909 = arith.constant 0 : i32
          %dma_start3A_910 = tpu.memref_slice %arg14[%cond3A_906, %dma_start3A_909] : memref<1x40xi32, #tpu.memory_space<vmem>> -> memref<1x40xi32, #tpu.memory_space<vmem>>
          %dma_start3A_911 = tpu.memref_squeeze %dma_start3A_910 : memref<1x40xi32, #tpu.memory_space<vmem>> -> memref<40xi32, #tpu.memory_space<vmem>>
          %dma_start3A_912 = arith.constant 0 : i32
          %dma_start3A_913 = arith.constant 0 : i32
          %dma_start3A_914 = tpu.memref_slice %arg3[%dma_start3A_912, %dma_start3A_913] : memref<10000x64xf32, #tpu.memory_space<hbm>> -> memref<10000x64xf32, #tpu.memory_space<hbm>>
          tpu.enqueue_indirect_dma source(%dma_start3A_914 : memref<10000x64xf32, #tpu.memory_space<hbm>>) target(%arg24 : memref<40x64xf32, #tpu.memory_space<vmem>>) offsets(%dma_start3A_911 : memref<40xi32, #tpu.memory_space<vmem>>) semaphore(%arg44 : memref<!tpu.dma_semaphore, #tpu.memory_space<semaphore_mem>>)
          %dma_start3A_915 = arith.constant 64 : i32
          %dma_start3A_916 = tpu.memref_slice %arg4[%add3A_896, %dma_start3A_915] : memref<320000x128xf32, #tpu.memory_space<hbm>> -> memref<40x64xf32, #tpu.memory_space<hbm>>
          %dma_start3A_917 = arith.constant 64 : i32
          %dma_start3A_918 = tpu.memref_slice %arg4[%add3A_896, %dma_start3A_917] : memref<320000x128xf32, #tpu.memory_space<hbm>> -> memref<40x64xf32, #tpu.memory_space<hbm>>
          tpu.enqueue_dma source(%dma_start3A_918 : memref<40x64xf32, #tpu.memory_space<hbm>>) target(%arg29 : memref<40x64xf32, #tpu.memory_space<vmem>>) target_semaphore(%arg44 : memref<!tpu.dma_semaphore, #tpu.memory_space<semaphore_mem>>)
        } else {
        }
      } else {
      }
      %mul3A_693 = arith.constant 5 : i32
      %mul3A_694 = arith.muli %scan3A_578, %mul3A_693 : i32
      %add3A_695 = arith.constant 2 : i32
      %add3A_696 = arith.addi %mul3A_694, %add3A_695 : i32
      %dma_wait3A_697 = arith.constant 0 : i32
      %dma_wait3A_698 = arith.constant 0 : i32
      %dma_wait3A_699 = tpu.memref_slice %arg12[%dma_wait3A_697, %dma_wait3A_698] : memref<1x40xi32, #tpu.memory_space<vmem>> -> memref<1x40xi32, #tpu.memory_space<vmem>>
      %dma_wait3A_700 = tpu.memref_squeeze %dma_wait3A_699 : memref<1x40xi32, #tpu.memory_space<vmem>> -> memref<40xi32, #tpu.memory_space<vmem>>
      %dma_wait3A_701 = arith.constant 0 : i32
      %dma_wait3A_702 = arith.constant 0 : i32
      %dma_wait3A_703 = tpu.memref_slice %arg2[%dma_wait3A_701, %dma_wait3A_702] : memref<10000x64xf32, #tpu.memory_space<hbm>> -> memref<10000x64xf32, #tpu.memory_space<hbm>>
      tpu.wait_indirect_dma semaphore(%arg42 : memref<!tpu.dma_semaphore, #tpu.memory_space<semaphore_mem>>) src(%dma_wait3A_703 : memref<10000x64xf32, #tpu.memory_space<hbm>>) dst(%arg22 : memref<40x64xf32, #tpu.memory_space<vmem>>)
      %mul3A_704 = arith.constant 20000 : i32
      %mul3A_705 = arith.muli %arg1, %mul3A_704 : i32
      %mul3A_706 = arith.constant 40 : i32
      %mul3A_707 = arith.muli %add3A_696, %mul3A_706 : i32
      %add3A_708 = arith.addi %mul3A_705, %mul3A_707 : i32
      %dma_wait3A_709 = arith.constant 0 : i32
      %dma_wait3A_710 = tpu.memref_slice %arg4[%add3A_708, %dma_wait3A_709] : memref<320000x128xf32, #tpu.memory_space<hbm>> -> memref<40x64xf32, #tpu.memory_space<hbm>>
      %dma_wait3A_711 = arith.constant 0 : i32
      %dma_wait3A_712 = tpu.memref_slice %arg4[%add3A_708, %dma_wait3A_711] : memref<320000x128xf32, #tpu.memory_space<hbm>> -> memref<40x64xf32, #tpu.memory_space<hbm>>
      tpu.wait_dma2 semaphore(%arg42 : memref<!tpu.dma_semaphore, #tpu.memory_space<semaphore_mem>>) src(%dma_wait3A_712 : memref<40x64xf32, #tpu.memory_space<hbm>>) dst(%arg27 : memref<40x64xf32, #tpu.memory_space<vmem>>)
      %dma_start3A_713 = arith.constant 0 : i32
      %dma_start3A_714 = arith.constant 0 : i32
      %dma_start3A_715 = tpu.memref_slice %arg17[%dma_start3A_713, %dma_start3A_714] : memref<1x40xi32, #tpu.memory_space<vmem>> -> memref<1x40xi32, #tpu.memory_space<vmem>>
      %dma_start3A_716 = tpu.memref_squeeze %dma_start3A_715 : memref<1x40xi32, #tpu.memory_space<vmem>> -> memref<40xi32, #tpu.memory_space<vmem>>
      %dma_start3A_717 = arith.constant 0 : i32
      %dma_start3A_718 = arith.constant 0 : i32
      %dma_start3A_719 = tpu.memref_slice %arg33[%dma_start3A_717, %dma_start3A_718] : memref<10000x64xf32, #tpu.memory_space<vmem_shared>> -> memref<10000x64xf32, #tpu.memory_space<vmem_shared>>
      tpu.enqueue_indirect_dma source(%arg22 : memref<40x64xf32, #tpu.memory_space<vmem>>) target(%dma_start3A_719 : memref<10000x64xf32, #tpu.memory_space<vmem_shared>>) offsets(%dma_start3A_716 : memref<40xi32, #tpu.memory_space<vmem>>) semaphore(%arg47 : memref<!tpu.dma_semaphore, #tpu.memory_space<semaphore_mem>>) {add = true}
      %dma_start3A_720 = arith.constant 0 : i32
      %dma_start3A_721 = arith.constant 0 : i32
      %dma_start3A_722 = tpu.memref_slice %arg17[%dma_start3A_720, %dma_start3A_721] : memref<1x40xi32, #tpu.memory_space<vmem>> -> memref<1x40xi32, #tpu.memory_space<vmem>>
      %dma_start3A_723 = tpu.memref_squeeze %dma_start3A_722 : memref<1x40xi32, #tpu.memory_space<vmem>> -> memref<40xi32, #tpu.memory_space<vmem>>
      %dma_start3A_724 = arith.constant 0 : i32
      %dma_start3A_725 = arith.constant 0 : i32
      %dma_start3A_726 = tpu.memref_slice %arg33[%dma_start3A_724, %dma_start3A_725] : memref<10000x64xf32, #tpu.memory_space<vmem_shared>> -> memref<10000x64xf32, #tpu.memory_space<vmem_shared>>
      tpu.enqueue_indirect_dma source(%arg27 : memref<40x64xf32, #tpu.memory_space<vmem>>) target(%dma_start3A_726 : memref<10000x64xf32, #tpu.memory_space<vmem_shared>>) offsets(%dma_start3A_723 : memref<40xi32, #tpu.memory_space<vmem>>) semaphore(%arg47 : memref<!tpu.dma_semaphore, #tpu.memory_space<semaphore_mem>>) {add = true}
      %dma_start3A_727 = arith.constant 0 : i32
      %dma_start3A_728 = arith.constant 0 : i32
      %dma_start3A_729 = tpu.memref_slice %arg17[%dma_start3A_727, %dma_start3A_728] : memref<1x40xi32, #tpu.memory_space<vmem>> -> memref<1x40xi32, #tpu.memory_space<vmem>>
      %dma_start3A_730 = tpu.memref_squeeze %dma_start3A_729 : memref<1x40xi32, #tpu.memory_space<vmem>> -> memref<40xi32, #tpu.memory_space<vmem>>
      %dma_start3A_731 = arith.constant 0 : i32
      %dma_start3A_732 = arith.constant 0 : i32
      %dma_start3A_733 = tpu.memref_slice %arg34[%dma_start3A_731, %dma_start3A_732] : memref<10000x16xf32, #tpu.memory_space<vmem_shared>> -> memref<10000x16xf32, #tpu.memory_space<vmem_shared>>
      tpu.enqueue_indirect_dma source(%arg30 : memref<40x16xf32, #tpu.memory_space<vmem>>) target(%dma_start3A_733 : memref<10000x16xf32, #tpu.memory_space<vmem_shared>>) offsets(%dma_start3A_730 : memref<40xi32, #tpu.memory_space<vmem>>) semaphore(%arg47 : memref<!tpu.dma_semaphore, #tpu.memory_space<semaphore_mem>>) {add = true}
      %add3A_734 = arith.constant 3 : i32
      %add3A_735 = arith.addi %add3A_696, %add3A_734 : i32
      %add3A_736 = arith.constant 1 : i32
      %add3A_737 = arith.addi %add3A_735, %add3A_736 : i32
      %lt3A_738 = arith.constant 500 : i32
      %lt3A_739 = arith.cmpi slt, %add3A_737, %lt3A_738 : i32
      %convert_element_type3A_740 = arith.extui %lt3A_739 : i1 to i32
      %cond3A_741 = arith.constant 0 : i32
      %cond3A_742 = arith.cmpi ne, %convert_element_type3A_740, %cond3A_741 : i32
      scf.if %cond3A_742 {
        %mul3A_865 = arith.constant 20000 : i32
        %mul3A_866 = arith.muli %arg1, %mul3A_865 : i32
        %mul3A_867 = arith.constant 40 : i32
        %mul3A_868 = arith.muli %add3A_737, %mul3A_867 : i32
        %add3A_869 = arith.addi %mul3A_866, %mul3A_868 : i32
        %dma_start3A_870 = arith.constant 0 : i32
        %dma_start3A_871 = arith.constant 0 : i32
        %dma_start3A_872 = tpu.memref_slice %arg11[%dma_start3A_870, %dma_start3A_871] : memref<1x40xi32, #tpu.memory_space<vmem>> -> memref<1x40xi32, #tpu.memory_space<vmem>>
        %dma_start3A_873 = tpu.memref_squeeze %dma_start3A_872 : memref<1x40xi32, #tpu.memory_space<vmem>> -> memref<40xi32, #tpu.memory_space<vmem>>
        %dma_start3A_874 = tpu.memref_slice %arg5[%add3A_869] : memref<320000xi32, #tpu.memory_space<hbm>> -> memref<40xi32, #tpu.memory_space<hbm>>
        %dma_start3A_875 = arith.constant 0 : i32
        %dma_start3A_876 = tpu.memref_slice %arg11[%dma_start3A_870, %dma_start3A_875] : memref<1x40xi32, #tpu.memory_space<vmem>> -> memref<1x40xi32, #tpu.memory_space<vmem>>
        %dma_start3A_877 = tpu.memref_squeeze %dma_start3A_876 : memref<1x40xi32, #tpu.memory_space<vmem>> -> memref<40xi32, #tpu.memory_space<vmem>>
        %dma_start3A_878 = tpu.memref_slice %arg5[%add3A_869] : memref<320000xi32, #tpu.memory_space<hbm>> -> memref<40xi32, #tpu.memory_space<hbm>>
        tpu.enqueue_dma source(%dma_start3A_878 : memref<40xi32, #tpu.memory_space<hbm>>) target(%dma_start3A_877 : memref<40xi32, #tpu.memory_space<vmem>>) target_semaphore(%arg36 : memref<!tpu.dma_semaphore, #tpu.memory_space<semaphore_mem>>)
        %dma_start3A_879 = arith.constant 0 : i32
        %dma_start3A_880 = arith.constant 0 : i32
        %dma_start3A_881 = tpu.memref_slice %arg16[%dma_start3A_879, %dma_start3A_880] : memref<1x40xi32, #tpu.memory_space<vmem>> -> memref<1x40xi32, #tpu.memory_space<vmem>>
        %dma_start3A_882 = tpu.memref_squeeze %dma_start3A_881 : memref<1x40xi32, #tpu.memory_space<vmem>> -> memref<40xi32, #tpu.memory_space<vmem>>
        %dma_start3A_883 = tpu.memref_slice %arg6[%add3A_869] : memref<320000xi32, #tpu.memory_space<hbm>> -> memref<40xi32, #tpu.memory_space<hbm>>
        %dma_start3A_884 = arith.constant 0 : i32
        %dma_start3A_885 = tpu.memref_slice %arg16[%dma_start3A_879, %dma_start3A_884] : memref<1x40xi32, #tpu.memory_space<vmem>> -> memref<1x40xi32, #tpu.memory_space<vmem>>
        %dma_start3A_886 = tpu.memref_squeeze %dma_start3A_885 : memref<1x40xi32, #tpu.memory_space<vmem>> -> memref<40xi32, #tpu.memory_space<vmem>>
        %dma_start3A_887 = tpu.memref_slice %arg6[%add3A_869] : memref<320000xi32, #tpu.memory_space<hbm>> -> memref<40xi32, #tpu.memory_space<hbm>>
        tpu.enqueue_dma source(%dma_start3A_887 : memref<40xi32, #tpu.memory_space<hbm>>) target(%dma_start3A_886 : memref<40xi32, #tpu.memory_space<vmem>>) target_semaphore(%arg36 : memref<!tpu.dma_semaphore, #tpu.memory_space<semaphore_mem>>)
      } else {
      }
      %add3A_743 = arith.constant 3 : i32
      %add3A_744 = arith.addi %add3A_696, %add3A_743 : i32
      %lt3A_745 = arith.constant 500 : i32
      %lt3A_746 = arith.cmpi slt, %add3A_744, %lt3A_745 : i32
      %convert_element_type3A_747 = arith.extui %lt3A_746 : i1 to i32
      %cond3A_748 = arith.constant 0 : i32
      %cond3A_749 = arith.cmpi ne, %convert_element_type3A_747, %cond3A_748 : i32
      scf.if %cond3A_749 {
        %ge3A = arith.constant 2 : i32
        %ge3A_865 = arith.cmpi sge, %add3A_696, %ge3A : i32
        %convert_element_type3A_866 = arith.extui %ge3A_865 : i1 to i32
        %cond3A_867 = arith.constant 0 : i32
        %cond3A_868 = arith.cmpi ne, %convert_element_type3A_866, %cond3A_867 : i32
        scf.if %cond3A_868 {
          %sub3A = arith.constant 2 : i32
          %sub3A_909 = arith.subi %add3A_696, %sub3A : i32
          %dma_wait3A_910 = arith.constant 0 : i32
          %dma_wait3A_911 = arith.constant 0 : i32
          %dma_wait3A_912 = tpu.memref_slice %arg15[%dma_wait3A_910, %dma_wait3A_911] : memref<1x40xi32, #tpu.memory_space<vmem>> -> memref<1x40xi32, #tpu.memory_space<vmem>>
          %dma_wait3A_913 = tpu.memref_squeeze %dma_wait3A_912 : memref<1x40xi32, #tpu.memory_space<vmem>> -> memref<40xi32, #tpu.memory_space<vmem>>
          %dma_wait3A_914 = arith.constant 0 : i32
          %dma_wait3A_915 = arith.constant 0 : i32
          %dma_wait3A_916 = tpu.memref_slice %arg33[%dma_wait3A_914, %dma_wait3A_915] : memref<10000x64xf32, #tpu.memory_space<vmem_shared>> -> memref<10000x64xf32, #tpu.memory_space<vmem_shared>>
          tpu.wait_indirect_dma semaphore(%arg45 : memref<!tpu.dma_semaphore, #tpu.memory_space<semaphore_mem>>) src(%arg20 : memref<40x64xf32, #tpu.memory_space<vmem>>) dst(%dma_wait3A_916 : memref<10000x64xf32, #tpu.memory_space<vmem_shared>>)
          %dma_wait3A_917 = arith.constant 0 : i32
          %dma_wait3A_918 = arith.constant 0 : i32
          %dma_wait3A_919 = tpu.memref_slice %arg15[%dma_wait3A_917, %dma_wait3A_918] : memref<1x40xi32, #tpu.memory_space<vmem>> -> memref<1x40xi32, #tpu.memory_space<vmem>>
          %dma_wait3A_920 = tpu.memref_squeeze %dma_wait3A_919 : memref<1x40xi32, #tpu.memory_space<vmem>> -> memref<40xi32, #tpu.memory_space<vmem>>
          %dma_wait3A_921 = arith.constant 0 : i32
          %dma_wait3A_922 = arith.constant 0 : i32
          %dma_wait3A_923 = tpu.memref_slice %arg33[%dma_wait3A_921, %dma_wait3A_922] : memref<10000x64xf32, #tpu.memory_space<vmem_shared>> -> memref<10000x64xf32, #tpu.memory_space<vmem_shared>>
          tpu.wait_indirect_dma semaphore(%arg45 : memref<!tpu.dma_semaphore, #tpu.memory_space<semaphore_mem>>) src(%arg25 : memref<40x64xf32, #tpu.memory_space<vmem>>) dst(%dma_wait3A_923 : memref<10000x64xf32, #tpu.memory_space<vmem_shared>>)
          %dma_wait3A_924 = arith.constant 0 : i32
          %dma_wait3A_925 = arith.constant 0 : i32
          %dma_wait3A_926 = tpu.memref_slice %arg15[%dma_wait3A_924, %dma_wait3A_925] : memref<1x40xi32, #tpu.memory_space<vmem>> -> memref<1x40xi32, #tpu.memory_space<vmem>>
          %dma_wait3A_927 = tpu.memref_squeeze %dma_wait3A_926 : memref<1x40xi32, #tpu.memory_space<vmem>> -> memref<40xi32, #tpu.memory_space<vmem>>
          %dma_wait3A_928 = arith.constant 0 : i32
          %dma_wait3A_929 = arith.constant 0 : i32
          %dma_wait3A_930 = tpu.memref_slice %arg34[%dma_wait3A_928, %dma_wait3A_929] : memref<10000x16xf32, #tpu.memory_space<vmem_shared>> -> memref<10000x16xf32, #tpu.memory_space<vmem_shared>>
          tpu.wait_indirect_dma semaphore(%arg45 : memref<!tpu.dma_semaphore, #tpu.memory_space<semaphore_mem>>) src(%arg30 : memref<40x16xf32, #tpu.memory_space<vmem>>) dst(%dma_wait3A_930 : memref<10000x16xf32, #tpu.memory_space<vmem_shared>>)
        } else {
        }
        %mul3A_869 = arith.constant 20000 : i32
        %mul3A_870 = arith.muli %arg1, %mul3A_869 : i32
        %mul3A_871 = arith.constant 40 : i32
        %mul3A_872 = arith.muli %add3A_744, %mul3A_871 : i32
        %add3A_873 = arith.addi %mul3A_870, %mul3A_872 : i32
        %dma_wait3A_874 = arith.constant 0 : i32
        %dma_wait3A_875 = arith.constant 0 : i32
        %dma_wait3A_876 = tpu.memref_slice %arg10[%dma_wait3A_874, %dma_wait3A_875] : memref<1x40xi32, #tpu.memory_space<vmem>> -> memref<1x40xi32, #tpu.memory_space<vmem>>
        %dma_wait3A_877 = tpu.memref_squeeze %dma_wait3A_876 : memref<1x40xi32, #tpu.memory_space<vmem>> -> memref<40xi32, #tpu.memory_space<vmem>>
        %dma_wait3A_878 = tpu.memref_slice %arg5[%add3A_873] : memref<320000xi32, #tpu.memory_space<hbm>> -> memref<40xi32, #tpu.memory_space<hbm>>
        %dma_wait3A_879 = arith.constant 0 : i32
        %dma_wait3A_880 = tpu.memref_slice %arg10[%dma_wait3A_874, %dma_wait3A_879] : memref<1x40xi32, #tpu.memory_space<vmem>> -> memref<1x40xi32, #tpu.memory_space<vmem>>
        %dma_wait3A_881 = tpu.memref_squeeze %dma_wait3A_880 : memref<1x40xi32, #tpu.memory_space<vmem>> -> memref<40xi32, #tpu.memory_space<vmem>>
        %dma_wait3A_882 = tpu.memref_slice %arg5[%add3A_873] : memref<320000xi32, #tpu.memory_space<hbm>> -> memref<40xi32, #tpu.memory_space<hbm>>
        tpu.wait_dma2 semaphore(%arg35 : memref<!tpu.dma_semaphore, #tpu.memory_space<semaphore_mem>>) src(%dma_wait3A_882 : memref<40xi32, #tpu.memory_space<hbm>>) dst(%dma_wait3A_881 : memref<40xi32, #tpu.memory_space<vmem>>)
        %dma_wait3A_883 = arith.constant 0 : i32
        %dma_wait3A_884 = arith.constant 0 : i32
        %dma_wait3A_885 = tpu.memref_slice %arg15[%dma_wait3A_883, %dma_wait3A_884] : memref<1x40xi32, #tpu.memory_space<vmem>> -> memref<1x40xi32, #tpu.memory_space<vmem>>
        %dma_wait3A_886 = tpu.memref_squeeze %dma_wait3A_885 : memref<1x40xi32, #tpu.memory_space<vmem>> -> memref<40xi32, #tpu.memory_space<vmem>>
        %dma_wait3A_887 = tpu.memref_slice %arg6[%add3A_873] : memref<320000xi32, #tpu.memory_space<hbm>> -> memref<40xi32, #tpu.memory_space<hbm>>
        %dma_wait3A_888 = arith.constant 0 : i32
        %dma_wait3A_889 = tpu.memref_slice %arg15[%dma_wait3A_883, %dma_wait3A_888] : memref<1x40xi32, #tpu.memory_space<vmem>> -> memref<1x40xi32, #tpu.memory_space<vmem>>
        %dma_wait3A_890 = tpu.memref_squeeze %dma_wait3A_889 : memref<1x40xi32, #tpu.memory_space<vmem>> -> memref<40xi32, #tpu.memory_space<vmem>>
        %dma_wait3A_891 = tpu.memref_slice %arg6[%add3A_873] : memref<320000xi32, #tpu.memory_space<hbm>> -> memref<40xi32, #tpu.memory_space<hbm>>
        tpu.wait_dma2 semaphore(%arg35 : memref<!tpu.dma_semaphore, #tpu.memory_space<semaphore_mem>>) src(%dma_wait3A_891 : memref<40xi32, #tpu.memory_space<hbm>>) dst(%dma_wait3A_890 : memref<40xi32, #tpu.memory_space<vmem>>)
        %mul3A_892 = arith.constant 20000 : i32
        %mul3A_893 = arith.muli %arg1, %mul3A_892 : i32
        %mul3A_894 = arith.constant 40 : i32
        %mul3A_895 = arith.muli %add3A_744, %mul3A_894 : i32
        %add3A_896 = arith.addi %mul3A_893, %mul3A_895 : i32
        %eq3A_897 = arith.constant 0 : i32
        %eq3A_898 = arith.cmpi eq, %arg0, %eq3A_897 : i32
        %convert_element_type3A_899 = arith.extui %eq3A_898 : i1 to i32
        %cond3A_900 = arith.constant 0 : i32
        %cond3A_901 = arith.constant 0 : i32
        %cond3A_902 = arith.cmpi ne, %convert_element_type3A_899, %cond3A_901 : i32
        scf.if %cond3A_902 {
          %dma_start3A_909 = arith.constant 0 : i32
          %dma_start3A_910 = tpu.memref_slice %arg10[%cond3A_900, %dma_start3A_909] : memref<1x40xi32, #tpu.memory_space<vmem>> -> memref<1x40xi32, #tpu.memory_space<vmem>>
          %dma_start3A_911 = tpu.memref_squeeze %dma_start3A_910 : memref<1x40xi32, #tpu.memory_space<vmem>> -> memref<40xi32, #tpu.memory_space<vmem>>
          %dma_start3A_912 = arith.constant 0 : i32
          %dma_start3A_913 = arith.constant 0 : i32
          %dma_start3A_914 = tpu.memref_slice %arg2[%dma_start3A_912, %dma_start3A_913] : memref<10000x64xf32, #tpu.memory_space<hbm>> -> memref<10000x64xf32, #tpu.memory_space<hbm>>
          tpu.enqueue_indirect_dma source(%dma_start3A_914 : memref<10000x64xf32, #tpu.memory_space<hbm>>) target(%arg20 : memref<40x64xf32, #tpu.memory_space<vmem>>) offsets(%dma_start3A_911 : memref<40xi32, #tpu.memory_space<vmem>>) semaphore(%arg40 : memref<!tpu.dma_semaphore, #tpu.memory_space<semaphore_mem>>)
          %dma_start3A_915 = arith.constant 0 : i32
          %dma_start3A_916 = tpu.memref_slice %arg4[%add3A_896, %dma_start3A_915] : memref<320000x128xf32, #tpu.memory_space<hbm>> -> memref<40x64xf32, #tpu.memory_space<hbm>>
          %dma_start3A_917 = arith.constant 0 : i32
          %dma_start3A_918 = tpu.memref_slice %arg4[%add3A_896, %dma_start3A_917] : memref<320000x128xf32, #tpu.memory_space<hbm>> -> memref<40x64xf32, #tpu.memory_space<hbm>>
          tpu.enqueue_dma source(%dma_start3A_918 : memref<40x64xf32, #tpu.memory_space<hbm>>) target(%arg25 : memref<40x64xf32, #tpu.memory_space<vmem>>) target_semaphore(%arg40 : memref<!tpu.dma_semaphore, #tpu.memory_space<semaphore_mem>>)
        } else {
        }
        %eq3A_903 = arith.constant 1 : i32
        %eq3A_904 = arith.cmpi eq, %arg0, %eq3A_903 : i32
        %convert_element_type3A_905 = arith.extui %eq3A_904 : i1 to i32
        %cond3A_906 = arith.constant 0 : i32
        %cond3A_907 = arith.constant 0 : i32
        %cond3A_908 = arith.cmpi ne, %convert_element_type3A_905, %cond3A_907 : i32
        scf.if %cond3A_908 {
          %dma_start3A_909 = arith.constant 0 : i32
          %dma_start3A_910 = tpu.memref_slice %arg10[%cond3A_906, %dma_start3A_909] : memref<1x40xi32, #tpu.memory_space<vmem>> -> memref<1x40xi32, #tpu.memory_space<vmem>>
          %dma_start3A_911 = tpu.memref_squeeze %dma_start3A_910 : memref<1x40xi32, #tpu.memory_space<vmem>> -> memref<40xi32, #tpu.memory_space<vmem>>
          %dma_start3A_912 = arith.constant 0 : i32
          %dma_start3A_913 = arith.constant 0 : i32
          %dma_start3A_914 = tpu.memref_slice %arg3[%dma_start3A_912, %dma_start3A_913] : memref<10000x64xf32, #tpu.memory_space<hbm>> -> memref<10000x64xf32, #tpu.memory_space<hbm>>
          tpu.enqueue_indirect_dma source(%dma_start3A_914 : memref<10000x64xf32, #tpu.memory_space<hbm>>) target(%arg20 : memref<40x64xf32, #tpu.memory_space<vmem>>) offsets(%dma_start3A_911 : memref<40xi32, #tpu.memory_space<vmem>>) semaphore(%arg40 : memref<!tpu.dma_semaphore, #tpu.memory_space<semaphore_mem>>)
          %dma_start3A_915 = arith.constant 64 : i32
          %dma_start3A_916 = tpu.memref_slice %arg4[%add3A_896, %dma_start3A_915] : memref<320000x128xf32, #tpu.memory_space<hbm>> -> memref<40x64xf32, #tpu.memory_space<hbm>>
          %dma_start3A_917 = arith.constant 64 : i32
          %dma_start3A_918 = tpu.memref_slice %arg4[%add3A_896, %dma_start3A_917] : memref<320000x128xf32, #tpu.memory_space<hbm>> -> memref<40x64xf32, #tpu.memory_space<hbm>>
          tpu.enqueue_dma source(%dma_start3A_918 : memref<40x64xf32, #tpu.memory_space<hbm>>) target(%arg25 : memref<40x64xf32, #tpu.memory_space<vmem>>) target_semaphore(%arg40 : memref<!tpu.dma_semaphore, #tpu.memory_space<semaphore_mem>>)
        } else {
        }
      } else {
      }
      %mul3A_750 = arith.constant 5 : i32
      %mul3A_751 = arith.muli %scan3A_578, %mul3A_750 : i32
      %add3A_752 = arith.constant 3 : i32
      %add3A_753 = arith.addi %mul3A_751, %add3A_752 : i32
      %dma_wait3A_754 = arith.constant 0 : i32
      %dma_wait3A_755 = arith.constant 0 : i32
      %dma_wait3A_756 = tpu.memref_slice %arg13[%dma_wait3A_754, %dma_wait3A_755] : memref<1x40xi32, #tpu.memory_space<vmem>> -> memref<1x40xi32, #tpu.memory_space<vmem>>
      %dma_wait3A_757 = tpu.memref_squeeze %dma_wait3A_756 : memref<1x40xi32, #tpu.memory_space<vmem>> -> memref<40xi32, #tpu.memory_space<vmem>>
      %dma_wait3A_758 = arith.constant 0 : i32
      %dma_wait3A_759 = arith.constant 0 : i32
      %dma_wait3A_760 = tpu.memref_slice %arg2[%dma_wait3A_758, %dma_wait3A_759] : memref<10000x64xf32, #tpu.memory_space<hbm>> -> memref<10000x64xf32, #tpu.memory_space<hbm>>
      tpu.wait_indirect_dma semaphore(%arg43 : memref<!tpu.dma_semaphore, #tpu.memory_space<semaphore_mem>>) src(%dma_wait3A_760 : memref<10000x64xf32, #tpu.memory_space<hbm>>) dst(%arg23 : memref<40x64xf32, #tpu.memory_space<vmem>>)
      %mul3A_761 = arith.constant 20000 : i32
      %mul3A_762 = arith.muli %arg1, %mul3A_761 : i32
      %mul3A_763 = arith.constant 40 : i32
      %mul3A_764 = arith.muli %add3A_753, %mul3A_763 : i32
      %add3A_765 = arith.addi %mul3A_762, %mul3A_764 : i32
      %dma_wait3A_766 = arith.constant 0 : i32
      %dma_wait3A_767 = tpu.memref_slice %arg4[%add3A_765, %dma_wait3A_766] : memref<320000x128xf32, #tpu.memory_space<hbm>> -> memref<40x64xf32, #tpu.memory_space<hbm>>
      %dma_wait3A_768 = arith.constant 0 : i32
      %dma_wait3A_769 = tpu.memref_slice %arg4[%add3A_765, %dma_wait3A_768] : memref<320000x128xf32, #tpu.memory_space<hbm>> -> memref<40x64xf32, #tpu.memory_space<hbm>>
      tpu.wait_dma2 semaphore(%arg43 : memref<!tpu.dma_semaphore, #tpu.memory_space<semaphore_mem>>) src(%dma_wait3A_769 : memref<40x64xf32, #tpu.memory_space<hbm>>) dst(%arg28 : memref<40x64xf32, #tpu.memory_space<vmem>>)
      %dma_start3A_770 = arith.constant 0 : i32
      %dma_start3A_771 = arith.constant 0 : i32
      %dma_start3A_772 = tpu.memref_slice %arg18[%dma_start3A_770, %dma_start3A_771] : memref<1x40xi32, #tpu.memory_space<vmem>> -> memref<1x40xi32, #tpu.memory_space<vmem>>
      %dma_start3A_773 = tpu.memref_squeeze %dma_start3A_772 : memref<1x40xi32, #tpu.memory_space<vmem>> -> memref<40xi32, #tpu.memory_space<vmem>>
      %dma_start3A_774 = arith.constant 0 : i32
      %dma_start3A_775 = arith.constant 0 : i32
      %dma_start3A_776 = tpu.memref_slice %arg33[%dma_start3A_774, %dma_start3A_775] : memref<10000x64xf32, #tpu.memory_space<vmem_shared>> -> memref<10000x64xf32, #tpu.memory_space<vmem_shared>>
      tpu.enqueue_indirect_dma source(%arg23 : memref<40x64xf32, #tpu.memory_space<vmem>>) target(%dma_start3A_776 : memref<10000x64xf32, #tpu.memory_space<vmem_shared>>) offsets(%dma_start3A_773 : memref<40xi32, #tpu.memory_space<vmem>>) semaphore(%arg48 : memref<!tpu.dma_semaphore, #tpu.memory_space<semaphore_mem>>) {add = true}
      %dma_start3A_777 = arith.constant 0 : i32
      %dma_start3A_778 = arith.constant 0 : i32
      %dma_start3A_779 = tpu.memref_slice %arg18[%dma_start3A_777, %dma_start3A_778] : memref<1x40xi32, #tpu.memory_space<vmem>> -> memref<1x40xi32, #tpu.memory_space<vmem>>
      %dma_start3A_780 = tpu.memref_squeeze %dma_start3A_779 : memref<1x40xi32, #tpu.memory_space<vmem>> -> memref<40xi32, #tpu.memory_space<vmem>>
      %dma_start3A_781 = arith.constant 0 : i32
      %dma_start3A_782 = arith.constant 0 : i32
      %dma_start3A_783 = tpu.memref_slice %arg33[%dma_start3A_781, %dma_start3A_782] : memref<10000x64xf32, #tpu.memory_space<vmem_shared>> -> memref<10000x64xf32, #tpu.memory_space<vmem_shared>>
      tpu.enqueue_indirect_dma source(%arg28 : memref<40x64xf32, #tpu.memory_space<vmem>>) target(%dma_start3A_783 : memref<10000x64xf32, #tpu.memory_space<vmem_shared>>) offsets(%dma_start3A_780 : memref<40xi32, #tpu.memory_space<vmem>>) semaphore(%arg48 : memref<!tpu.dma_semaphore, #tpu.memory_space<semaphore_mem>>) {add = true}
      %dma_start3A_784 = arith.constant 0 : i32
      %dma_start3A_785 = arith.constant 0 : i32
      %dma_start3A_786 = tpu.memref_slice %arg18[%dma_start3A_784, %dma_start3A_785] : memref<1x40xi32, #tpu.memory_space<vmem>> -> memref<1x40xi32, #tpu.memory_space<vmem>>
      %dma_start3A_787 = tpu.memref_squeeze %dma_start3A_786 : memref<1x40xi32, #tpu.memory_space<vmem>> -> memref<40xi32, #tpu.memory_space<vmem>>
      %dma_start3A_788 = arith.constant 0 : i32
      %dma_start3A_789 = arith.constant 0 : i32
      %dma_start3A_790 = tpu.memref_slice %arg34[%dma_start3A_788, %dma_start3A_789] : memref<10000x16xf32, #tpu.memory_space<vmem_shared>> -> memref<10000x16xf32, #tpu.memory_space<vmem_shared>>
      tpu.enqueue_indirect_dma source(%arg30 : memref<40x16xf32, #tpu.memory_space<vmem>>) target(%dma_start3A_790 : memref<10000x16xf32, #tpu.memory_space<vmem_shared>>) offsets(%dma_start3A_787 : memref<40xi32, #tpu.memory_space<vmem>>) semaphore(%arg48 : memref<!tpu.dma_semaphore, #tpu.memory_space<semaphore_mem>>) {add = true}
      %add3A_791 = arith.constant 3 : i32
      %add3A_792 = arith.addi %add3A_753, %add3A_791 : i32
      %add3A_793 = arith.constant 1 : i32
      %add3A_794 = arith.addi %add3A_792, %add3A_793 : i32
      %lt3A_795 = arith.constant 500 : i32
      %lt3A_796 = arith.cmpi slt, %add3A_794, %lt3A_795 : i32
      %convert_element_type3A_797 = arith.extui %lt3A_796 : i1 to i32
      %cond3A_798 = arith.constant 0 : i32
      %cond3A_799 = arith.cmpi ne, %convert_element_type3A_797, %cond3A_798 : i32
      scf.if %cond3A_799 {
        %mul3A_865 = arith.constant 20000 : i32
        %mul3A_866 = arith.muli %arg1, %mul3A_865 : i32
        %mul3A_867 = arith.constant 40 : i32
        %mul3A_868 = arith.muli %add3A_794, %mul3A_867 : i32
        %add3A_869 = arith.addi %mul3A_866, %mul3A_868 : i32
        %dma_start3A_870 = arith.constant 0 : i32
        %dma_start3A_871 = arith.constant 0 : i32
        %dma_start3A_872 = tpu.memref_slice %arg12[%dma_start3A_870, %dma_start3A_871] : memref<1x40xi32, #tpu.memory_space<vmem>> -> memref<1x40xi32, #tpu.memory_space<vmem>>
        %dma_start3A_873 = tpu.memref_squeeze %dma_start3A_872 : memref<1x40xi32, #tpu.memory_space<vmem>> -> memref<40xi32, #tpu.memory_space<vmem>>
        %dma_start3A_874 = tpu.memref_slice %arg5[%add3A_869] : memref<320000xi32, #tpu.memory_space<hbm>> -> memref<40xi32, #tpu.memory_space<hbm>>
        %dma_start3A_875 = arith.constant 0 : i32
        %dma_start3A_876 = tpu.memref_slice %arg12[%dma_start3A_870, %dma_start3A_875] : memref<1x40xi32, #tpu.memory_space<vmem>> -> memref<1x40xi32, #tpu.memory_space<vmem>>
        %dma_start3A_877 = tpu.memref_squeeze %dma_start3A_876 : memref<1x40xi32, #tpu.memory_space<vmem>> -> memref<40xi32, #tpu.memory_space<vmem>>
        %dma_start3A_878 = tpu.memref_slice %arg5[%add3A_869] : memref<320000xi32, #tpu.memory_space<hbm>> -> memref<40xi32, #tpu.memory_space<hbm>>
        tpu.enqueue_dma source(%dma_start3A_878 : memref<40xi32, #tpu.memory_space<hbm>>) target(%dma_start3A_877 : memref<40xi32, #tpu.memory_space<vmem>>) target_semaphore(%arg37 : memref<!tpu.dma_semaphore, #tpu.memory_space<semaphore_mem>>)
        %dma_start3A_879 = arith.constant 0 : i32
        %dma_start3A_880 = arith.constant 0 : i32
        %dma_start3A_881 = tpu.memref_slice %arg17[%dma_start3A_879, %dma_start3A_880] : memref<1x40xi32, #tpu.memory_space<vmem>> -> memref<1x40xi32, #tpu.memory_space<vmem>>
        %dma_start3A_882 = tpu.memref_squeeze %dma_start3A_881 : memref<1x40xi32, #tpu.memory_space<vmem>> -> memref<40xi32, #tpu.memory_space<vmem>>
        %dma_start3A_883 = tpu.memref_slice %arg6[%add3A_869] : memref<320000xi32, #tpu.memory_space<hbm>> -> memref<40xi32, #tpu.memory_space<hbm>>
        %dma_start3A_884 = arith.constant 0 : i32
        %dma_start3A_885 = tpu.memref_slice %arg17[%dma_start3A_879, %dma_start3A_884] : memref<1x40xi32, #tpu.memory_space<vmem>> -> memref<1x40xi32, #tpu.memory_space<vmem>>
        %dma_start3A_886 = tpu.memref_squeeze %dma_start3A_885 : memref<1x40xi32, #tpu.memory_space<vmem>> -> memref<40xi32, #tpu.memory_space<vmem>>
        %dma_start3A_887 = tpu.memref_slice %arg6[%add3A_869] : memref<320000xi32, #tpu.memory_space<hbm>> -> memref<40xi32, #tpu.memory_space<hbm>>
        tpu.enqueue_dma source(%dma_start3A_887 : memref<40xi32, #tpu.memory_space<hbm>>) target(%dma_start3A_886 : memref<40xi32, #tpu.memory_space<vmem>>) target_semaphore(%arg37 : memref<!tpu.dma_semaphore, #tpu.memory_space<semaphore_mem>>)
      } else {
      }
      %add3A_800 = arith.constant 3 : i32
      %add3A_801 = arith.addi %add3A_753, %add3A_800 : i32
      %lt3A_802 = arith.constant 500 : i32
      %lt3A_803 = arith.cmpi slt, %add3A_801, %lt3A_802 : i32
      %convert_element_type3A_804 = arith.extui %lt3A_803 : i1 to i32
      %cond3A_805 = arith.constant 0 : i32
      %cond3A_806 = arith.cmpi ne, %convert_element_type3A_804, %cond3A_805 : i32
      scf.if %cond3A_806 {
        %ge3A = arith.constant 2 : i32
        %ge3A_865 = arith.cmpi sge, %add3A_753, %ge3A : i32
        %convert_element_type3A_866 = arith.extui %ge3A_865 : i1 to i32
        %cond3A_867 = arith.constant 0 : i32
        %cond3A_868 = arith.cmpi ne, %convert_element_type3A_866, %cond3A_867 : i32
        scf.if %cond3A_868 {
          %sub3A = arith.constant 2 : i32
          %sub3A_909 = arith.subi %add3A_753, %sub3A : i32
          %dma_wait3A_910 = arith.constant 0 : i32
          %dma_wait3A_911 = arith.constant 0 : i32
          %dma_wait3A_912 = tpu.memref_slice %arg16[%dma_wait3A_910, %dma_wait3A_911] : memref<1x40xi32, #tpu.memory_space<vmem>> -> memref<1x40xi32, #tpu.memory_space<vmem>>
          %dma_wait3A_913 = tpu.memref_squeeze %dma_wait3A_912 : memref<1x40xi32, #tpu.memory_space<vmem>> -> memref<40xi32, #tpu.memory_space<vmem>>
          %dma_wait3A_914 = arith.constant 0 : i32
          %dma_wait3A_915 = arith.constant 0 : i32
          %dma_wait3A_916 = tpu.memref_slice %arg33[%dma_wait3A_914, %dma_wait3A_915] : memref<10000x64xf32, #tpu.memory_space<vmem_shared>> -> memref<10000x64xf32, #tpu.memory_space<vmem_shared>>
          tpu.wait_indirect_dma semaphore(%arg46 : memref<!tpu.dma_semaphore, #tpu.memory_space<semaphore_mem>>) src(%arg21 : memref<40x64xf32, #tpu.memory_space<vmem>>) dst(%dma_wait3A_916 : memref<10000x64xf32, #tpu.memory_space<vmem_shared>>)
          %dma_wait3A_917 = arith.constant 0 : i32
          %dma_wait3A_918 = arith.constant 0 : i32
          %dma_wait3A_919 = tpu.memref_slice %arg16[%dma_wait3A_917, %dma_wait3A_918] : memref<1x40xi32, #tpu.memory_space<vmem>> -> memref<1x40xi32, #tpu.memory_space<vmem>>
          %dma_wait3A_920 = tpu.memref_squeeze %dma_wait3A_919 : memref<1x40xi32, #tpu.memory_space<vmem>> -> memref<40xi32, #tpu.memory_space<vmem>>
          %dma_wait3A_921 = arith.constant 0 : i32
          %dma_wait3A_922 = arith.constant 0 : i32
          %dma_wait3A_923 = tpu.memref_slice %arg33[%dma_wait3A_921, %dma_wait3A_922] : memref<10000x64xf32, #tpu.memory_space<vmem_shared>> -> memref<10000x64xf32, #tpu.memory_space<vmem_shared>>
          tpu.wait_indirect_dma semaphore(%arg46 : memref<!tpu.dma_semaphore, #tpu.memory_space<semaphore_mem>>) src(%arg26 : memref<40x64xf32, #tpu.memory_space<vmem>>) dst(%dma_wait3A_923 : memref<10000x64xf32, #tpu.memory_space<vmem_shared>>)
          %dma_wait3A_924 = arith.constant 0 : i32
          %dma_wait3A_925 = arith.constant 0 : i32
          %dma_wait3A_926 = tpu.memref_slice %arg16[%dma_wait3A_924, %dma_wait3A_925] : memref<1x40xi32, #tpu.memory_space<vmem>> -> memref<1x40xi32, #tpu.memory_space<vmem>>
          %dma_wait3A_927 = tpu.memref_squeeze %dma_wait3A_926 : memref<1x40xi32, #tpu.memory_space<vmem>> -> memref<40xi32, #tpu.memory_space<vmem>>
          %dma_wait3A_928 = arith.constant 0 : i32
          %dma_wait3A_929 = arith.constant 0 : i32
          %dma_wait3A_930 = tpu.memref_slice %arg34[%dma_wait3A_928, %dma_wait3A_929] : memref<10000x16xf32, #tpu.memory_space<vmem_shared>> -> memref<10000x16xf32, #tpu.memory_space<vmem_shared>>
          tpu.wait_indirect_dma semaphore(%arg46 : memref<!tpu.dma_semaphore, #tpu.memory_space<semaphore_mem>>) src(%arg30 : memref<40x16xf32, #tpu.memory_space<vmem>>) dst(%dma_wait3A_930 : memref<10000x16xf32, #tpu.memory_space<vmem_shared>>)
        } else {
        }
        %mul3A_869 = arith.constant 20000 : i32
        %mul3A_870 = arith.muli %arg1, %mul3A_869 : i32
        %mul3A_871 = arith.constant 40 : i32
        %mul3A_872 = arith.muli %add3A_801, %mul3A_871 : i32
        %add3A_873 = arith.addi %mul3A_870, %mul3A_872 : i32
        %dma_wait3A_874 = arith.constant 0 : i32
        %dma_wait3A_875 = arith.constant 0 : i32
        %dma_wait3A_876 = tpu.memref_slice %arg11[%dma_wait3A_874, %dma_wait3A_875] : memref<1x40xi32, #tpu.memory_space<vmem>> -> memref<1x40xi32, #tpu.memory_space<vmem>>
        %dma_wait3A_877 = tpu.memref_squeeze %dma_wait3A_876 : memref<1x40xi32, #tpu.memory_space<vmem>> -> memref<40xi32, #tpu.memory_space<vmem>>
        %dma_wait3A_878 = tpu.memref_slice %arg5[%add3A_873] : memref<320000xi32, #tpu.memory_space<hbm>> -> memref<40xi32, #tpu.memory_space<hbm>>
        %dma_wait3A_879 = arith.constant 0 : i32
        %dma_wait3A_880 = tpu.memref_slice %arg11[%dma_wait3A_874, %dma_wait3A_879] : memref<1x40xi32, #tpu.memory_space<vmem>> -> memref<1x40xi32, #tpu.memory_space<vmem>>
        %dma_wait3A_881 = tpu.memref_squeeze %dma_wait3A_880 : memref<1x40xi32, #tpu.memory_space<vmem>> -> memref<40xi32, #tpu.memory_space<vmem>>
        %dma_wait3A_882 = tpu.memref_slice %arg5[%add3A_873] : memref<320000xi32, #tpu.memory_space<hbm>> -> memref<40xi32, #tpu.memory_space<hbm>>
        tpu.wait_dma2 semaphore(%arg36 : memref<!tpu.dma_semaphore, #tpu.memory_space<semaphore_mem>>) src(%dma_wait3A_882 : memref<40xi32, #tpu.memory_space<hbm>>) dst(%dma_wait3A_881 : memref<40xi32, #tpu.memory_space<vmem>>)
        %dma_wait3A_883 = arith.constant 0 : i32
        %dma_wait3A_884 = arith.constant 0 : i32
        %dma_wait3A_885 = tpu.memref_slice %arg16[%dma_wait3A_883, %dma_wait3A_884] : memref<1x40xi32, #tpu.memory_space<vmem>> -> memref<1x40xi32, #tpu.memory_space<vmem>>
        %dma_wait3A_886 = tpu.memref_squeeze %dma_wait3A_885 : memref<1x40xi32, #tpu.memory_space<vmem>> -> memref<40xi32, #tpu.memory_space<vmem>>
        %dma_wait3A_887 = tpu.memref_slice %arg6[%add3A_873] : memref<320000xi32, #tpu.memory_space<hbm>> -> memref<40xi32, #tpu.memory_space<hbm>>
        %dma_wait3A_888 = arith.constant 0 : i32
        %dma_wait3A_889 = tpu.memref_slice %arg16[%dma_wait3A_883, %dma_wait3A_888] : memref<1x40xi32, #tpu.memory_space<vmem>> -> memref<1x40xi32, #tpu.memory_space<vmem>>
        %dma_wait3A_890 = tpu.memref_squeeze %dma_wait3A_889 : memref<1x40xi32, #tpu.memory_space<vmem>> -> memref<40xi32, #tpu.memory_space<vmem>>
        %dma_wait3A_891 = tpu.memref_slice %arg6[%add3A_873] : memref<320000xi32, #tpu.memory_space<hbm>> -> memref<40xi32, #tpu.memory_space<hbm>>
        tpu.wait_dma2 semaphore(%arg36 : memref<!tpu.dma_semaphore, #tpu.memory_space<semaphore_mem>>) src(%dma_wait3A_891 : memref<40xi32, #tpu.memory_space<hbm>>) dst(%dma_wait3A_890 : memref<40xi32, #tpu.memory_space<vmem>>)
        %mul3A_892 = arith.constant 20000 : i32
        %mul3A_893 = arith.muli %arg1, %mul3A_892 : i32
        %mul3A_894 = arith.constant 40 : i32
        %mul3A_895 = arith.muli %add3A_801, %mul3A_894 : i32
        %add3A_896 = arith.addi %mul3A_893, %mul3A_895 : i32
        %eq3A_897 = arith.constant 0 : i32
        %eq3A_898 = arith.cmpi eq, %arg0, %eq3A_897 : i32
        %convert_element_type3A_899 = arith.extui %eq3A_898 : i1 to i32
        %cond3A_900 = arith.constant 0 : i32
        %cond3A_901 = arith.constant 0 : i32
        %cond3A_902 = arith.cmpi ne, %convert_element_type3A_899, %cond3A_901 : i32
        scf.if %cond3A_902 {
          %dma_start3A_909 = arith.constant 0 : i32
          %dma_start3A_910 = tpu.memref_slice %arg11[%cond3A_900, %dma_start3A_909] : memref<1x40xi32, #tpu.memory_space<vmem>> -> memref<1x40xi32, #tpu.memory_space<vmem>>
          %dma_start3A_911 = tpu.memref_squeeze %dma_start3A_910 : memref<1x40xi32, #tpu.memory_space<vmem>> -> memref<40xi32, #tpu.memory_space<vmem>>
          %dma_start3A_912 = arith.constant 0 : i32
          %dma_start3A_913 = arith.constant 0 : i32
          %dma_start3A_914 = tpu.memref_slice %arg2[%dma_start3A_912, %dma_start3A_913] : memref<10000x64xf32, #tpu.memory_space<hbm>> -> memref<10000x64xf32, #tpu.memory_space<hbm>>
          tpu.enqueue_indirect_dma source(%dma_start3A_914 : memref<10000x64xf32, #tpu.memory_space<hbm>>) target(%arg21 : memref<40x64xf32, #tpu.memory_space<vmem>>) offsets(%dma_start3A_911 : memref<40xi32, #tpu.memory_space<vmem>>) semaphore(%arg41 : memref<!tpu.dma_semaphore, #tpu.memory_space<semaphore_mem>>)
          %dma_start3A_915 = arith.constant 0 : i32
          %dma_start3A_916 = tpu.memref_slice %arg4[%add3A_896, %dma_start3A_915] : memref<320000x128xf32, #tpu.memory_space<hbm>> -> memref<40x64xf32, #tpu.memory_space<hbm>>
          %dma_start3A_917 = arith.constant 0 : i32
          %dma_start3A_918 = tpu.memref_slice %arg4[%add3A_896, %dma_start3A_917] : memref<320000x128xf32, #tpu.memory_space<hbm>> -> memref<40x64xf32, #tpu.memory_space<hbm>>
          tpu.enqueue_dma source(%dma_start3A_918 : memref<40x64xf32, #tpu.memory_space<hbm>>) target(%arg26 : memref<40x64xf32, #tpu.memory_space<vmem>>) target_semaphore(%arg41 : memref<!tpu.dma_semaphore, #tpu.memory_space<semaphore_mem>>)
        } else {
        }
        %eq3A_903 = arith.constant 1 : i32
        %eq3A_904 = arith.cmpi eq, %arg0, %eq3A_903 : i32
        %convert_element_type3A_905 = arith.extui %eq3A_904 : i1 to i32
        %cond3A_906 = arith.constant 0 : i32
        %cond3A_907 = arith.constant 0 : i32
        %cond3A_908 = arith.cmpi ne, %convert_element_type3A_905, %cond3A_907 : i32
        scf.if %cond3A_908 {
          %dma_start3A_909 = arith.constant 0 : i32
          %dma_start3A_910 = tpu.memref_slice %arg11[%cond3A_906, %dma_start3A_909] : memref<1x40xi32, #tpu.memory_space<vmem>> -> memref<1x40xi32, #tpu.memory_space<vmem>>
          %dma_start3A_911 = tpu.memref_squeeze %dma_start3A_910 : memref<1x40xi32, #tpu.memory_space<vmem>> -> memref<40xi32, #tpu.memory_space<vmem>>
          %dma_start3A_912 = arith.constant 0 : i32
          %dma_start3A_913 = arith.constant 0 : i32
          %dma_start3A_914 = tpu.memref_slice %arg3[%dma_start3A_912, %dma_start3A_913] : memref<10000x64xf32, #tpu.memory_space<hbm>> -> memref<10000x64xf32, #tpu.memory_space<hbm>>
          tpu.enqueue_indirect_dma source(%dma_start3A_914 : memref<10000x64xf32, #tpu.memory_space<hbm>>) target(%arg21 : memref<40x64xf32, #tpu.memory_space<vmem>>) offsets(%dma_start3A_911 : memref<40xi32, #tpu.memory_space<vmem>>) semaphore(%arg41 : memref<!tpu.dma_semaphore, #tpu.memory_space<semaphore_mem>>)
          %dma_start3A_915 = arith.constant 64 : i32
          %dma_start3A_916 = tpu.memref_slice %arg4[%add3A_896, %dma_start3A_915] : memref<320000x128xf32, #tpu.memory_space<hbm>> -> memref<40x64xf32, #tpu.memory_space<hbm>>
          %dma_start3A_917 = arith.constant 64 : i32
          %dma_start3A_918 = tpu.memref_slice %arg4[%add3A_896, %dma_start3A_917] : memref<320000x128xf32, #tpu.memory_space<hbm>> -> memref<40x64xf32, #tpu.memory_space<hbm>>
          tpu.enqueue_dma source(%dma_start3A_918 : memref<40x64xf32, #tpu.memory_space<hbm>>) target(%arg26 : memref<40x64xf32, #tpu.memory_space<vmem>>) target_semaphore(%arg41 : memref<!tpu.dma_semaphore, #tpu.memory_space<semaphore_mem>>)
        } else {
        }
      } else {
      }
      %mul3A_807 = arith.constant 5 : i32
      %mul3A_808 = arith.muli %scan3A_578, %mul3A_807 : i32
      %add3A_809 = arith.constant 4 : i32
      %add3A_810 = arith.addi %mul3A_808, %add3A_809 : i32
      %dma_wait3A_811 = arith.constant 0 : i32
      %dma_wait3A_812 = arith.constant 0 : i32
      %dma_wait3A_813 = tpu.memref_slice %arg14[%dma_wait3A_811, %dma_wait3A_812] : memref<1x40xi32, #tpu.memory_space<vmem>> -> memref<1x40xi32, #tpu.memory_space<vmem>>
      %dma_wait3A_814 = tpu.memref_squeeze %dma_wait3A_813 : memref<1x40xi32, #tpu.memory_space<vmem>> -> memref<40xi32, #tpu.memory_space<vmem>>
      %dma_wait3A_815 = arith.constant 0 : i32
      %dma_wait3A_816 = arith.constant 0 : i32
      %dma_wait3A_817 = tpu.memref_slice %arg2[%dma_wait3A_815, %dma_wait3A_816] : memref<10000x64xf32, #tpu.memory_space<hbm>> -> memref<10000x64xf32, #tpu.memory_space<hbm>>
      tpu.wait_indirect_dma semaphore(%arg44 : memref<!tpu.dma_semaphore, #tpu.memory_space<semaphore_mem>>) src(%dma_wait3A_817 : memref<10000x64xf32, #tpu.memory_space<hbm>>) dst(%arg24 : memref<40x64xf32, #tpu.memory_space<vmem>>)
      %mul3A_818 = arith.constant 20000 : i32
      %mul3A_819 = arith.muli %arg1, %mul3A_818 : i32
      %mul3A_820 = arith.constant 40 : i32
      %mul3A_821 = arith.muli %add3A_810, %mul3A_820 : i32
      %add3A_822 = arith.addi %mul3A_819, %mul3A_821 : i32
      %dma_wait3A_823 = arith.constant 0 : i32
      %dma_wait3A_824 = tpu.memref_slice %arg4[%add3A_822, %dma_wait3A_823] : memref<320000x128xf32, #tpu.memory_space<hbm>> -> memref<40x64xf32, #tpu.memory_space<hbm>>
      %dma_wait3A_825 = arith.constant 0 : i32
      %dma_wait3A_826 = tpu.memref_slice %arg4[%add3A_822, %dma_wait3A_825] : memref<320000x128xf32, #tpu.memory_space<hbm>> -> memref<40x64xf32, #tpu.memory_space<hbm>>
      tpu.wait_dma2 semaphore(%arg44 : memref<!tpu.dma_semaphore, #tpu.memory_space<semaphore_mem>>) src(%dma_wait3A_826 : memref<40x64xf32, #tpu.memory_space<hbm>>) dst(%arg29 : memref<40x64xf32, #tpu.memory_space<vmem>>)
      %dma_start3A_827 = arith.constant 0 : i32
      %dma_start3A_828 = arith.constant 0 : i32
      %dma_start3A_829 = tpu.memref_slice %arg19[%dma_start3A_827, %dma_start3A_828] : memref<1x40xi32, #tpu.memory_space<vmem>> -> memref<1x40xi32, #tpu.memory_space<vmem>>
      %dma_start3A_830 = tpu.memref_squeeze %dma_start3A_829 : memref<1x40xi32, #tpu.memory_space<vmem>> -> memref<40xi32, #tpu.memory_space<vmem>>
      %dma_start3A_831 = arith.constant 0 : i32
      %dma_start3A_832 = arith.constant 0 : i32
      %dma_start3A_833 = tpu.memref_slice %arg33[%dma_start3A_831, %dma_start3A_832] : memref<10000x64xf32, #tpu.memory_space<vmem_shared>> -> memref<10000x64xf32, #tpu.memory_space<vmem_shared>>
      tpu.enqueue_indirect_dma source(%arg24 : memref<40x64xf32, #tpu.memory_space<vmem>>) target(%dma_start3A_833 : memref<10000x64xf32, #tpu.memory_space<vmem_shared>>) offsets(%dma_start3A_830 : memref<40xi32, #tpu.memory_space<vmem>>) semaphore(%arg49 : memref<!tpu.dma_semaphore, #tpu.memory_space<semaphore_mem>>) {add = true}
      %dma_start3A_834 = arith.constant 0 : i32
      %dma_start3A_835 = arith.constant 0 : i32
      %dma_start3A_836 = tpu.memref_slice %arg19[%dma_start3A_834, %dma_start3A_835] : memref<1x40xi32, #tpu.memory_space<vmem>> -> memref<1x40xi32, #tpu.memory_space<vmem>>
      %dma_start3A_837 = tpu.memref_squeeze %dma_start3A_836 : memref<1x40xi32, #tpu.memory_space<vmem>> -> memref<40xi32, #tpu.memory_space<vmem>>
      %dma_start3A_838 = arith.constant 0 : i32
      %dma_start3A_839 = arith.constant 0 : i32
      %dma_start3A_840 = tpu.memref_slice %arg33[%dma_start3A_838, %dma_start3A_839] : memref<10000x64xf32, #tpu.memory_space<vmem_shared>> -> memref<10000x64xf32, #tpu.memory_space<vmem_shared>>
      tpu.enqueue_indirect_dma source(%arg29 : memref<40x64xf32, #tpu.memory_space<vmem>>) target(%dma_start3A_840 : memref<10000x64xf32, #tpu.memory_space<vmem_shared>>) offsets(%dma_start3A_837 : memref<40xi32, #tpu.memory_space<vmem>>) semaphore(%arg49 : memref<!tpu.dma_semaphore, #tpu.memory_space<semaphore_mem>>) {add = true}
      %dma_start3A_841 = arith.constant 0 : i32
      %dma_start3A_842 = arith.constant 0 : i32
      %dma_start3A_843 = tpu.memref_slice %arg19[%dma_start3A_841, %dma_start3A_842] : memref<1x40xi32, #tpu.memory_space<vmem>> -> memref<1x40xi32, #tpu.memory_space<vmem>>
      %dma_start3A_844 = tpu.memref_squeeze %dma_start3A_843 : memref<1x40xi32, #tpu.memory_space<vmem>> -> memref<40xi32, #tpu.memory_space<vmem>>
      %dma_start3A_845 = arith.constant 0 : i32
      %dma_start3A_846 = arith.constant 0 : i32
      %dma_start3A_847 = tpu.memref_slice %arg34[%dma_start3A_845, %dma_start3A_846] : memref<10000x16xf32, #tpu.memory_space<vmem_shared>> -> memref<10000x16xf32, #tpu.memory_space<vmem_shared>>
      tpu.enqueue_indirect_dma source(%arg30 : memref<40x16xf32, #tpu.memory_space<vmem>>) target(%dma_start3A_847 : memref<10000x16xf32, #tpu.memory_space<vmem_shared>>) offsets(%dma_start3A_844 : memref<40xi32, #tpu.memory_space<vmem>>) semaphore(%arg49 : memref<!tpu.dma_semaphore, #tpu.memory_space<semaphore_mem>>) {add = true}
      %add3A_848 = arith.constant 3 : i32
      %add3A_849 = arith.addi %add3A_810, %add3A_848 : i32
      %add3A_850 = arith.constant 1 : i32
      %add3A_851 = arith.addi %add3A_849, %add3A_850 : i32
      %lt3A_852 = arith.constant 500 : i32
      %lt3A_853 = arith.cmpi slt, %add3A_851, %lt3A_852 : i32
      %convert_element_type3A_854 = arith.extui %lt3A_853 : i1 to i32
      %cond3A_855 = arith.constant 0 : i32
      %cond3A_856 = arith.cmpi ne, %convert_element_type3A_854, %cond3A_855 : i32
      scf.if %cond3A_856 {
        %mul3A_865 = arith.constant 20000 : i32
        %mul3A_866 = arith.muli %arg1, %mul3A_865 : i32
        %mul3A_867 = arith.constant 40 : i32
        %mul3A_868 = arith.muli %add3A_851, %mul3A_867 : i32
        %add3A_869 = arith.addi %mul3A_866, %mul3A_868 : i32
        %dma_start3A_870 = arith.constant 0 : i32
        %dma_start3A_871 = arith.constant 0 : i32
        %dma_start3A_872 = tpu.memref_slice %arg13[%dma_start3A_870, %dma_start3A_871] : memref<1x40xi32, #tpu.memory_space<vmem>> -> memref<1x40xi32, #tpu.memory_space<vmem>>
        %dma_start3A_873 = tpu.memref_squeeze %dma_start3A_872 : memref<1x40xi32, #tpu.memory_space<vmem>> -> memref<40xi32, #tpu.memory_space<vmem>>
        %dma_start3A_874 = tpu.memref_slice %arg5[%add3A_869] : memref<320000xi32, #tpu.memory_space<hbm>> -> memref<40xi32, #tpu.memory_space<hbm>>
        %dma_start3A_875 = arith.constant 0 : i32
        %dma_start3A_876 = tpu.memref_slice %arg13[%dma_start3A_870, %dma_start3A_875] : memref<1x40xi32, #tpu.memory_space<vmem>> -> memref<1x40xi32, #tpu.memory_space<vmem>>
        %dma_start3A_877 = tpu.memref_squeeze %dma_start3A_876 : memref<1x40xi32, #tpu.memory_space<vmem>> -> memref<40xi32, #tpu.memory_space<vmem>>
        %dma_start3A_878 = tpu.memref_slice %arg5[%add3A_869] : memref<320000xi32, #tpu.memory_space<hbm>> -> memref<40xi32, #tpu.memory_space<hbm>>
        tpu.enqueue_dma source(%dma_start3A_878 : memref<40xi32, #tpu.memory_space<hbm>>) target(%dma_start3A_877 : memref<40xi32, #tpu.memory_space<vmem>>) target_semaphore(%arg38 : memref<!tpu.dma_semaphore, #tpu.memory_space<semaphore_mem>>)
        %dma_start3A_879 = arith.constant 0 : i32
        %dma_start3A_880 = arith.constant 0 : i32
        %dma_start3A_881 = tpu.memref_slice %arg18[%dma_start3A_879, %dma_start3A_880] : memref<1x40xi32, #tpu.memory_space<vmem>> -> memref<1x40xi32, #tpu.memory_space<vmem>>
        %dma_start3A_882 = tpu.memref_squeeze %dma_start3A_881 : memref<1x40xi32, #tpu.memory_space<vmem>> -> memref<40xi32, #tpu.memory_space<vmem>>
        %dma_start3A_883 = tpu.memref_slice %arg6[%add3A_869] : memref<320000xi32, #tpu.memory_space<hbm>> -> memref<40xi32, #tpu.memory_space<hbm>>
        %dma_start3A_884 = arith.constant 0 : i32
        %dma_start3A_885 = tpu.memref_slice %arg18[%dma_start3A_879, %dma_start3A_884] : memref<1x40xi32, #tpu.memory_space<vmem>> -> memref<1x40xi32, #tpu.memory_space<vmem>>
        %dma_start3A_886 = tpu.memref_squeeze %dma_start3A_885 : memref<1x40xi32, #tpu.memory_space<vmem>> -> memref<40xi32, #tpu.memory_space<vmem>>
        %dma_start3A_887 = tpu.memref_slice %arg6[%add3A_869] : memref<320000xi32, #tpu.memory_space<hbm>> -> memref<40xi32, #tpu.memory_space<hbm>>
        tpu.enqueue_dma source(%dma_start3A_887 : memref<40xi32, #tpu.memory_space<hbm>>) target(%dma_start3A_886 : memref<40xi32, #tpu.memory_space<vmem>>) target_semaphore(%arg38 : memref<!tpu.dma_semaphore, #tpu.memory_space<semaphore_mem>>)
      } else {
      }
      %add3A_857 = arith.constant 3 : i32
      %add3A_858 = arith.addi %add3A_810, %add3A_857 : i32
      %lt3A_859 = arith.constant 500 : i32
      %lt3A_860 = arith.cmpi slt, %add3A_858, %lt3A_859 : i32
      %convert_element_type3A_861 = arith.extui %lt3A_860 : i1 to i32
      %cond3A_862 = arith.constant 0 : i32
      %cond3A_863 = arith.cmpi ne, %convert_element_type3A_861, %cond3A_862 : i32
      scf.if %cond3A_863 {
        %ge3A = arith.constant 2 : i32
        %ge3A_865 = arith.cmpi sge, %add3A_810, %ge3A : i32
        %convert_element_type3A_866 = arith.extui %ge3A_865 : i1 to i32
        %cond3A_867 = arith.constant 0 : i32
        %cond3A_868 = arith.cmpi ne, %convert_element_type3A_866, %cond3A_867 : i32
        scf.if %cond3A_868 {
          %sub3A = arith.constant 2 : i32
          %sub3A_909 = arith.subi %add3A_810, %sub3A : i32
          %dma_wait3A_910 = arith.constant 0 : i32
          %dma_wait3A_911 = arith.constant 0 : i32
          %dma_wait3A_912 = tpu.memref_slice %arg17[%dma_wait3A_910, %dma_wait3A_911] : memref<1x40xi32, #tpu.memory_space<vmem>> -> memref<1x40xi32, #tpu.memory_space<vmem>>
          %dma_wait3A_913 = tpu.memref_squeeze %dma_wait3A_912 : memref<1x40xi32, #tpu.memory_space<vmem>> -> memref<40xi32, #tpu.memory_space<vmem>>
          %dma_wait3A_914 = arith.constant 0 : i32
          %dma_wait3A_915 = arith.constant 0 : i32
          %dma_wait3A_916 = tpu.memref_slice %arg33[%dma_wait3A_914, %dma_wait3A_915] : memref<10000x64xf32, #tpu.memory_space<vmem_shared>> -> memref<10000x64xf32, #tpu.memory_space<vmem_shared>>
          tpu.wait_indirect_dma semaphore(%arg47 : memref<!tpu.dma_semaphore, #tpu.memory_space<semaphore_mem>>) src(%arg22 : memref<40x64xf32, #tpu.memory_space<vmem>>) dst(%dma_wait3A_916 : memref<10000x64xf32, #tpu.memory_space<vmem_shared>>)
          %dma_wait3A_917 = arith.constant 0 : i32
          %dma_wait3A_918 = arith.constant 0 : i32
          %dma_wait3A_919 = tpu.memref_slice %arg17[%dma_wait3A_917, %dma_wait3A_918] : memref<1x40xi32, #tpu.memory_space<vmem>> -> memref<1x40xi32, #tpu.memory_space<vmem>>
          %dma_wait3A_920 = tpu.memref_squeeze %dma_wait3A_919 : memref<1x40xi32, #tpu.memory_space<vmem>> -> memref<40xi32, #tpu.memory_space<vmem>>
          %dma_wait3A_921 = arith.constant 0 : i32
          %dma_wait3A_922 = arith.constant 0 : i32
          %dma_wait3A_923 = tpu.memref_slice %arg33[%dma_wait3A_921, %dma_wait3A_922] : memref<10000x64xf32, #tpu.memory_space<vmem_shared>> -> memref<10000x64xf32, #tpu.memory_space<vmem_shared>>
          tpu.wait_indirect_dma semaphore(%arg47 : memref<!tpu.dma_semaphore, #tpu.memory_space<semaphore_mem>>) src(%arg27 : memref<40x64xf32, #tpu.memory_space<vmem>>) dst(%dma_wait3A_923 : memref<10000x64xf32, #tpu.memory_space<vmem_shared>>)
          %dma_wait3A_924 = arith.constant 0 : i32
          %dma_wait3A_925 = arith.constant 0 : i32
          %dma_wait3A_926 = tpu.memref_slice %arg17[%dma_wait3A_924, %dma_wait3A_925] : memref<1x40xi32, #tpu.memory_space<vmem>> -> memref<1x40xi32, #tpu.memory_space<vmem>>
          %dma_wait3A_927 = tpu.memref_squeeze %dma_wait3A_926 : memref<1x40xi32, #tpu.memory_space<vmem>> -> memref<40xi32, #tpu.memory_space<vmem>>
          %dma_wait3A_928 = arith.constant 0 : i32
          %dma_wait3A_929 = arith.constant 0 : i32
          %dma_wait3A_930 = tpu.memref_slice %arg34[%dma_wait3A_928, %dma_wait3A_929] : memref<10000x16xf32, #tpu.memory_space<vmem_shared>> -> memref<10000x16xf32, #tpu.memory_space<vmem_shared>>
          tpu.wait_indirect_dma semaphore(%arg47 : memref<!tpu.dma_semaphore, #tpu.memory_space<semaphore_mem>>) src(%arg30 : memref<40x16xf32, #tpu.memory_space<vmem>>) dst(%dma_wait3A_930 : memref<10000x16xf32, #tpu.memory_space<vmem_shared>>)
        } else {
        }
        %mul3A_869 = arith.constant 20000 : i32
        %mul3A_870 = arith.muli %arg1, %mul3A_869 : i32
        %mul3A_871 = arith.constant 40 : i32
        %mul3A_872 = arith.muli %add3A_858, %mul3A_871 : i32
        %add3A_873 = arith.addi %mul3A_870, %mul3A_872 : i32
        %dma_wait3A_874 = arith.constant 0 : i32
        %dma_wait3A_875 = arith.constant 0 : i32
        %dma_wait3A_876 = tpu.memref_slice %arg12[%dma_wait3A_874, %dma_wait3A_875] : memref<1x40xi32, #tpu.memory_space<vmem>> -> memref<1x40xi32, #tpu.memory_space<vmem>>
        %dma_wait3A_877 = tpu.memref_squeeze %dma_wait3A_876 : memref<1x40xi32, #tpu.memory_space<vmem>> -> memref<40xi32, #tpu.memory_space<vmem>>
        %dma_wait3A_878 = tpu.memref_slice %arg5[%add3A_873] : memref<320000xi32, #tpu.memory_space<hbm>> -> memref<40xi32, #tpu.memory_space<hbm>>
        %dma_wait3A_879 = arith.constant 0 : i32
        %dma_wait3A_880 = tpu.memref_slice %arg12[%dma_wait3A_874, %dma_wait3A_879] : memref<1x40xi32, #tpu.memory_space<vmem>> -> memref<1x40xi32, #tpu.memory_space<vmem>>
        %dma_wait3A_881 = tpu.memref_squeeze %dma_wait3A_880 : memref<1x40xi32, #tpu.memory_space<vmem>> -> memref<40xi32, #tpu.memory_space<vmem>>
        %dma_wait3A_882 = tpu.memref_slice %arg5[%add3A_873] : memref<320000xi32, #tpu.memory_space<hbm>> -> memref<40xi32, #tpu.memory_space<hbm>>
        tpu.wait_dma2 semaphore(%arg37 : memref<!tpu.dma_semaphore, #tpu.memory_space<semaphore_mem>>) src(%dma_wait3A_882 : memref<40xi32, #tpu.memory_space<hbm>>) dst(%dma_wait3A_881 : memref<40xi32, #tpu.memory_space<vmem>>)
        %dma_wait3A_883 = arith.constant 0 : i32
        %dma_wait3A_884 = arith.constant 0 : i32
        %dma_wait3A_885 = tpu.memref_slice %arg17[%dma_wait3A_883, %dma_wait3A_884] : memref<1x40xi32, #tpu.memory_space<vmem>> -> memref<1x40xi32, #tpu.memory_space<vmem>>
        %dma_wait3A_886 = tpu.memref_squeeze %dma_wait3A_885 : memref<1x40xi32, #tpu.memory_space<vmem>> -> memref<40xi32, #tpu.memory_space<vmem>>
        %dma_wait3A_887 = tpu.memref_slice %arg6[%add3A_873] : memref<320000xi32, #tpu.memory_space<hbm>> -> memref<40xi32, #tpu.memory_space<hbm>>
        %dma_wait3A_888 = arith.constant 0 : i32
        %dma_wait3A_889 = tpu.memref_slice %arg17[%dma_wait3A_883, %dma_wait3A_888] : memref<1x40xi32, #tpu.memory_space<vmem>> -> memref<1x40xi32, #tpu.memory_space<vmem>>
        %dma_wait3A_890 = tpu.memref_squeeze %dma_wait3A_889 : memref<1x40xi32, #tpu.memory_space<vmem>> -> memref<40xi32, #tpu.memory_space<vmem>>
        %dma_wait3A_891 = tpu.memref_slice %arg6[%add3A_873] : memref<320000xi32, #tpu.memory_space<hbm>> -> memref<40xi32, #tpu.memory_space<hbm>>
        tpu.wait_dma2 semaphore(%arg37 : memref<!tpu.dma_semaphore, #tpu.memory_space<semaphore_mem>>) src(%dma_wait3A_891 : memref<40xi32, #tpu.memory_space<hbm>>) dst(%dma_wait3A_890 : memref<40xi32, #tpu.memory_space<vmem>>)
        %mul3A_892 = arith.constant 20000 : i32
        %mul3A_893 = arith.muli %arg1, %mul3A_892 : i32
        %mul3A_894 = arith.constant 40 : i32
        %mul3A_895 = arith.muli %add3A_858, %mul3A_894 : i32
        %add3A_896 = arith.addi %mul3A_893, %mul3A_895 : i32
        %eq3A_897 = arith.constant 0 : i32
        %eq3A_898 = arith.cmpi eq, %arg0, %eq3A_897 : i32
        %convert_element_type3A_899 = arith.extui %eq3A_898 : i1 to i32
        %cond3A_900 = arith.constant 0 : i32
        %cond3A_901 = arith.constant 0 : i32
        %cond3A_902 = arith.cmpi ne, %convert_element_type3A_899, %cond3A_901 : i32
        scf.if %cond3A_902 {
          %dma_start3A_909 = arith.constant 0 : i32
          %dma_start3A_910 = tpu.memref_slice %arg12[%cond3A_900, %dma_start3A_909] : memref<1x40xi32, #tpu.memory_space<vmem>> -> memref<1x40xi32, #tpu.memory_space<vmem>>
          %dma_start3A_911 = tpu.memref_squeeze %dma_start3A_910 : memref<1x40xi32, #tpu.memory_space<vmem>> -> memref<40xi32, #tpu.memory_space<vmem>>
          %dma_start3A_912 = arith.constant 0 : i32
          %dma_start3A_913 = arith.constant 0 : i32
          %dma_start3A_914 = tpu.memref_slice %arg2[%dma_start3A_912, %dma_start3A_913] : memref<10000x64xf32, #tpu.memory_space<hbm>> -> memref<10000x64xf32, #tpu.memory_space<hbm>>
          tpu.enqueue_indirect_dma source(%dma_start3A_914 : memref<10000x64xf32, #tpu.memory_space<hbm>>) target(%arg22 : memref<40x64xf32, #tpu.memory_space<vmem>>) offsets(%dma_start3A_911 : memref<40xi32, #tpu.memory_space<vmem>>) semaphore(%arg42 : memref<!tpu.dma_semaphore, #tpu.memory_space<semaphore_mem>>)
          %dma_start3A_915 = arith.constant 0 : i32
          %dma_start3A_916 = tpu.memref_slice %arg4[%add3A_896, %dma_start3A_915] : memref<320000x128xf32, #tpu.memory_space<hbm>> -> memref<40x64xf32, #tpu.memory_space<hbm>>
          %dma_start3A_917 = arith.constant 0 : i32
          %dma_start3A_918 = tpu.memref_slice %arg4[%add3A_896, %dma_start3A_917] : memref<320000x128xf32, #tpu.memory_space<hbm>> -> memref<40x64xf32, #tpu.memory_space<hbm>>
          tpu.enqueue_dma source(%dma_start3A_918 : memref<40x64xf32, #tpu.memory_space<hbm>>) target(%arg27 : memref<40x64xf32, #tpu.memory_space<vmem>>) target_semaphore(%arg42 : memref<!tpu.dma_semaphore, #tpu.memory_space<semaphore_mem>>)
        } else {
        }
        %eq3A_903 = arith.constant 1 : i32
        %eq3A_904 = arith.cmpi eq, %arg0, %eq3A_903 : i32
        %convert_element_type3A_905 = arith.extui %eq3A_904 : i1 to i32
        %cond3A_906 = arith.constant 0 : i32
        %cond3A_907 = arith.constant 0 : i32
        %cond3A_908 = arith.cmpi ne, %convert_element_type3A_905, %cond3A_907 : i32
        scf.if %cond3A_908 {
          %dma_start3A_909 = arith.constant 0 : i32
          %dma_start3A_910 = tpu.memref_slice %arg12[%cond3A_906, %dma_start3A_909] : memref<1x40xi32, #tpu.memory_space<vmem>> -> memref<1x40xi32, #tpu.memory_space<vmem>>
          %dma_start3A_911 = tpu.memref_squeeze %dma_start3A_910 : memref<1x40xi32, #tpu.memory_space<vmem>> -> memref<40xi32, #tpu.memory_space<vmem>>
          %dma_start3A_912 = arith.constant 0 : i32
          %dma_start3A_913 = arith.constant 0 : i32
          %dma_start3A_914 = tpu.memref_slice %arg3[%dma_start3A_912, %dma_start3A_913] : memref<10000x64xf32, #tpu.memory_space<hbm>> -> memref<10000x64xf32, #tpu.memory_space<hbm>>
          tpu.enqueue_indirect_dma source(%dma_start3A_914 : memref<10000x64xf32, #tpu.memory_space<hbm>>) target(%arg22 : memref<40x64xf32, #tpu.memory_space<vmem>>) offsets(%dma_start3A_911 : memref<40xi32, #tpu.memory_space<vmem>>) semaphore(%arg42 : memref<!tpu.dma_semaphore, #tpu.memory_space<semaphore_mem>>)
          %dma_start3A_915 = arith.constant 64 : i32
          %dma_start3A_916 = tpu.memref_slice %arg4[%add3A_896, %dma_start3A_915] : memref<320000x128xf32, #tpu.memory_space<hbm>> -> memref<40x64xf32, #tpu.memory_space<hbm>>
          %dma_start3A_917 = arith.constant 64 : i32
          %dma_start3A_918 = tpu.memref_slice %arg4[%add3A_896, %dma_start3A_917] : memref<320000x128xf32, #tpu.memory_space<hbm>> -> memref<40x64xf32, #tpu.memory_space<hbm>>
          tpu.enqueue_dma source(%dma_start3A_918 : memref<40x64xf32, #tpu.memory_space<hbm>>) target(%arg27 : memref<40x64xf32, #tpu.memory_space<vmem>>) target_semaphore(%arg42 : memref<!tpu.dma_semaphore, #tpu.memory_space<semaphore_mem>>)
        } else {
        }
      } else {
      }
      %scan3A_864 = arith.constant 0 : i32
      scf.yield %scan3A_864 : i32
    }
    %scan3A_219 = arith.constant 100 : i32
    %dma_wait3A_220 = arith.constant 0 : i32
    %dma_wait3A_221 = arith.constant 0 : i32
    %dma_wait3A_222 = tpu.memref_slice %arg15[%dma_wait3A_220, %dma_wait3A_221] : memref<1x40xi32, #tpu.memory_space<vmem>> -> memref<1x40xi32, #tpu.memory_space<vmem>>
    %dma_wait3A_223 = tpu.memref_squeeze %dma_wait3A_222 : memref<1x40xi32, #tpu.memory_space<vmem>> -> memref<40xi32, #tpu.memory_space<vmem>>
    %dma_wait3A_224 = arith.constant 0 : i32
    %dma_wait3A_225 = arith.constant 0 : i32
    %dma_wait3A_226 = tpu.memref_slice %arg33[%dma_wait3A_224, %dma_wait3A_225] : memref<10000x64xf32, #tpu.memory_space<vmem_shared>> -> memref<10000x64xf32, #tpu.memory_space<vmem_shared>>
    tpu.wait_indirect_dma semaphore(%arg45 : memref<!tpu.dma_semaphore, #tpu.memory_space<semaphore_mem>>) src(%arg20 : memref<40x64xf32, #tpu.memory_space<vmem>>) dst(%dma_wait3A_226 : memref<10000x64xf32, #tpu.memory_space<vmem_shared>>)
    %dma_wait3A_227 = arith.constant 0 : i32
    %dma_wait3A_228 = arith.constant 0 : i32
    %dma_wait3A_229 = tpu.memref_slice %arg15[%dma_wait3A_227, %dma_wait3A_228] : memref<1x40xi32, #tpu.memory_space<vmem>> -> memref<1x40xi32, #tpu.memory_space<vmem>>
    %dma_wait3A_230 = tpu.memref_squeeze %dma_wait3A_229 : memref<1x40xi32, #tpu.memory_space<vmem>> -> memref<40xi32, #tpu.memory_space<vmem>>
    %dma_wait3A_231 = arith.constant 0 : i32
    %dma_wait3A_232 = arith.constant 0 : i32
    %dma_wait3A_233 = tpu.memref_slice %arg33[%dma_wait3A_231, %dma_wait3A_232] : memref<10000x64xf32, #tpu.memory_space<vmem_shared>> -> memref<10000x64xf32, #tpu.memory_space<vmem_shared>>
    tpu.wait_indirect_dma semaphore(%arg45 : memref<!tpu.dma_semaphore, #tpu.memory_space<semaphore_mem>>) src(%arg25 : memref<40x64xf32, #tpu.memory_space<vmem>>) dst(%dma_wait3A_233 : memref<10000x64xf32, #tpu.memory_space<vmem_shared>>)
    %dma_wait3A_234 = arith.constant 0 : i32
    %dma_wait3A_235 = arith.constant 0 : i32
    %dma_wait3A_236 = tpu.memref_slice %arg15[%dma_wait3A_234, %dma_wait3A_235] : memref<1x40xi32, #tpu.memory_space<vmem>> -> memref<1x40xi32, #tpu.memory_space<vmem>>
    %dma_wait3A_237 = tpu.memref_squeeze %dma_wait3A_236 : memref<1x40xi32, #tpu.memory_space<vmem>> -> memref<40xi32, #tpu.memory_space<vmem>>
    %dma_wait3A_238 = arith.constant 0 : i32
    %dma_wait3A_239 = arith.constant 0 : i32
    %dma_wait3A_240 = tpu.memref_slice %arg34[%dma_wait3A_238, %dma_wait3A_239] : memref<10000x16xf32, #tpu.memory_space<vmem_shared>> -> memref<10000x16xf32, #tpu.memory_space<vmem_shared>>
    tpu.wait_indirect_dma semaphore(%arg45 : memref<!tpu.dma_semaphore, #tpu.memory_space<semaphore_mem>>) src(%arg30 : memref<40x16xf32, #tpu.memory_space<vmem>>) dst(%dma_wait3A_240 : memref<10000x16xf32, #tpu.memory_space<vmem_shared>>)
    %dma_wait3A_241 = arith.constant 0 : i32
    %dma_wait3A_242 = arith.constant 0 : i32
    %dma_wait3A_243 = tpu.memref_slice %arg16[%dma_wait3A_241, %dma_wait3A_242] : memref<1x40xi32, #tpu.memory_space<vmem>> -> memref<1x40xi32, #tpu.memory_space<vmem>>
    %dma_wait3A_244 = tpu.memref_squeeze %dma_wait3A_243 : memref<1x40xi32, #tpu.memory_space<vmem>> -> memref<40xi32, #tpu.memory_space<vmem>>
    %dma_wait3A_245 = arith.constant 0 : i32
    %dma_wait3A_246 = arith.constant 0 : i32
    %dma_wait3A_247 = tpu.memref_slice %arg33[%dma_wait3A_245, %dma_wait3A_246] : memref<10000x64xf32, #tpu.memory_space<vmem_shared>> -> memref<10000x64xf32, #tpu.memory_space<vmem_shared>>
    tpu.wait_indirect_dma semaphore(%arg46 : memref<!tpu.dma_semaphore, #tpu.memory_space<semaphore_mem>>) src(%arg21 : memref<40x64xf32, #tpu.memory_space<vmem>>) dst(%dma_wait3A_247 : memref<10000x64xf32, #tpu.memory_space<vmem_shared>>)
    %dma_wait3A_248 = arith.constant 0 : i32
    %dma_wait3A_249 = arith.constant 0 : i32
    %dma_wait3A_250 = tpu.memref_slice %arg16[%dma_wait3A_248, %dma_wait3A_249] : memref<1x40xi32, #tpu.memory_space<vmem>> -> memref<1x40xi32, #tpu.memory_space<vmem>>
    %dma_wait3A_251 = tpu.memref_squeeze %dma_wait3A_250 : memref<1x40xi32, #tpu.memory_space<vmem>> -> memref<40xi32, #tpu.memory_space<vmem>>
    %dma_wait3A_252 = arith.constant 0 : i32
    %dma_wait3A_253 = arith.constant 0 : i32
    %dma_wait3A_254 = tpu.memref_slice %arg33[%dma_wait3A_252, %dma_wait3A_253] : memref<10000x64xf32, #tpu.memory_space<vmem_shared>> -> memref<10000x64xf32, #tpu.memory_space<vmem_shared>>
    tpu.wait_indirect_dma semaphore(%arg46 : memref<!tpu.dma_semaphore, #tpu.memory_space<semaphore_mem>>) src(%arg26 : memref<40x64xf32, #tpu.memory_space<vmem>>) dst(%dma_wait3A_254 : memref<10000x64xf32, #tpu.memory_space<vmem_shared>>)
    %dma_wait3A_255 = arith.constant 0 : i32
    %dma_wait3A_256 = arith.constant 0 : i32
    %dma_wait3A_257 = tpu.memref_slice %arg16[%dma_wait3A_255, %dma_wait3A_256] : memref<1x40xi32, #tpu.memory_space<vmem>> -> memref<1x40xi32, #tpu.memory_space<vmem>>
    %dma_wait3A_258 = tpu.memref_squeeze %dma_wait3A_257 : memref<1x40xi32, #tpu.memory_space<vmem>> -> memref<40xi32, #tpu.memory_space<vmem>>
    %dma_wait3A_259 = arith.constant 0 : i32
    %dma_wait3A_260 = arith.constant 0 : i32
    %dma_wait3A_261 = tpu.memref_slice %arg34[%dma_wait3A_259, %dma_wait3A_260] : memref<10000x16xf32, #tpu.memory_space<vmem_shared>> -> memref<10000x16xf32, #tpu.memory_space<vmem_shared>>
    tpu.wait_indirect_dma semaphore(%arg46 : memref<!tpu.dma_semaphore, #tpu.memory_space<semaphore_mem>>) src(%arg30 : memref<40x16xf32, #tpu.memory_space<vmem>>) dst(%dma_wait3A_261 : memref<10000x16xf32, #tpu.memory_space<vmem_shared>>)
    %dma_wait3A_262 = arith.constant 0 : i32
    %dma_wait3A_263 = arith.constant 0 : i32
    %dma_wait3A_264 = tpu.memref_slice %arg17[%dma_wait3A_262, %dma_wait3A_263] : memref<1x40xi32, #tpu.memory_space<vmem>> -> memref<1x40xi32, #tpu.memory_space<vmem>>
    %dma_wait3A_265 = tpu.memref_squeeze %dma_wait3A_264 : memref<1x40xi32, #tpu.memory_space<vmem>> -> memref<40xi32, #tpu.memory_space<vmem>>
    %dma_wait3A_266 = arith.constant 0 : i32
    %dma_wait3A_267 = arith.constant 0 : i32
    %dma_wait3A_268 = tpu.memref_slice %arg33[%dma_wait3A_266, %dma_wait3A_267] : memref<10000x64xf32, #tpu.memory_space<vmem_shared>> -> memref<10000x64xf32, #tpu.memory_space<vmem_shared>>
    tpu.wait_indirect_dma semaphore(%arg47 : memref<!tpu.dma_semaphore, #tpu.memory_space<semaphore_mem>>) src(%arg22 : memref<40x64xf32, #tpu.memory_space<vmem>>) dst(%dma_wait3A_268 : memref<10000x64xf32, #tpu.memory_space<vmem_shared>>)
    %dma_wait3A_269 = arith.constant 0 : i32
    %dma_wait3A_270 = arith.constant 0 : i32
    %dma_wait3A_271 = tpu.memref_slice %arg17[%dma_wait3A_269, %dma_wait3A_270] : memref<1x40xi32, #tpu.memory_space<vmem>> -> memref<1x40xi32, #tpu.memory_space<vmem>>
    %dma_wait3A_272 = tpu.memref_squeeze %dma_wait3A_271 : memref<1x40xi32, #tpu.memory_space<vmem>> -> memref<40xi32, #tpu.memory_space<vmem>>
    %dma_wait3A_273 = arith.constant 0 : i32
    %dma_wait3A_274 = arith.constant 0 : i32
    %dma_wait3A_275 = tpu.memref_slice %arg33[%dma_wait3A_273, %dma_wait3A_274] : memref<10000x64xf32, #tpu.memory_space<vmem_shared>> -> memref<10000x64xf32, #tpu.memory_space<vmem_shared>>
    tpu.wait_indirect_dma semaphore(%arg47 : memref<!tpu.dma_semaphore, #tpu.memory_space<semaphore_mem>>) src(%arg27 : memref<40x64xf32, #tpu.memory_space<vmem>>) dst(%dma_wait3A_275 : memref<10000x64xf32, #tpu.memory_space<vmem_shared>>)
    %dma_wait3A_276 = arith.constant 0 : i32
    %dma_wait3A_277 = arith.constant 0 : i32
    %dma_wait3A_278 = tpu.memref_slice %arg17[%dma_wait3A_276, %dma_wait3A_277] : memref<1x40xi32, #tpu.memory_space<vmem>> -> memref<1x40xi32, #tpu.memory_space<vmem>>
    %dma_wait3A_279 = tpu.memref_squeeze %dma_wait3A_278 : memref<1x40xi32, #tpu.memory_space<vmem>> -> memref<40xi32, #tpu.memory_space<vmem>>
    %dma_wait3A_280 = arith.constant 0 : i32
    %dma_wait3A_281 = arith.constant 0 : i32
    %dma_wait3A_282 = tpu.memref_slice %arg34[%dma_wait3A_280, %dma_wait3A_281] : memref<10000x16xf32, #tpu.memory_space<vmem_shared>> -> memref<10000x16xf32, #tpu.memory_space<vmem_shared>>
    tpu.wait_indirect_dma semaphore(%arg47 : memref<!tpu.dma_semaphore, #tpu.memory_space<semaphore_mem>>) src(%arg30 : memref<40x16xf32, #tpu.memory_space<vmem>>) dst(%dma_wait3A_282 : memref<10000x16xf32, #tpu.memory_space<vmem_shared>>)
    %dma_wait3A_283 = arith.constant 0 : i32
    %dma_wait3A_284 = arith.constant 0 : i32
    %dma_wait3A_285 = tpu.memref_slice %arg18[%dma_wait3A_283, %dma_wait3A_284] : memref<1x40xi32, #tpu.memory_space<vmem>> -> memref<1x40xi32, #tpu.memory_space<vmem>>
    %dma_wait3A_286 = tpu.memref_squeeze %dma_wait3A_285 : memref<1x40xi32, #tpu.memory_space<vmem>> -> memref<40xi32, #tpu.memory_space<vmem>>
    %dma_wait3A_287 = arith.constant 0 : i32
    %dma_wait3A_288 = arith.constant 0 : i32
    %dma_wait3A_289 = tpu.memref_slice %arg33[%dma_wait3A_287, %dma_wait3A_288] : memref<10000x64xf32, #tpu.memory_space<vmem_shared>> -> memref<10000x64xf32, #tpu.memory_space<vmem_shared>>
    tpu.wait_indirect_dma semaphore(%arg48 : memref<!tpu.dma_semaphore, #tpu.memory_space<semaphore_mem>>) src(%arg23 : memref<40x64xf32, #tpu.memory_space<vmem>>) dst(%dma_wait3A_289 : memref<10000x64xf32, #tpu.memory_space<vmem_shared>>)
    %dma_wait3A_290 = arith.constant 0 : i32
    %dma_wait3A_291 = arith.constant 0 : i32
    %dma_wait3A_292 = tpu.memref_slice %arg18[%dma_wait3A_290, %dma_wait3A_291] : memref<1x40xi32, #tpu.memory_space<vmem>> -> memref<1x40xi32, #tpu.memory_space<vmem>>
    %dma_wait3A_293 = tpu.memref_squeeze %dma_wait3A_292 : memref<1x40xi32, #tpu.memory_space<vmem>> -> memref<40xi32, #tpu.memory_space<vmem>>
    %dma_wait3A_294 = arith.constant 0 : i32
    %dma_wait3A_295 = arith.constant 0 : i32
    %dma_wait3A_296 = tpu.memref_slice %arg33[%dma_wait3A_294, %dma_wait3A_295] : memref<10000x64xf32, #tpu.memory_space<vmem_shared>> -> memref<10000x64xf32, #tpu.memory_space<vmem_shared>>
    tpu.wait_indirect_dma semaphore(%arg48 : memref<!tpu.dma_semaphore, #tpu.memory_space<semaphore_mem>>) src(%arg28 : memref<40x64xf32, #tpu.memory_space<vmem>>) dst(%dma_wait3A_296 : memref<10000x64xf32, #tpu.memory_space<vmem_shared>>)
    %dma_wait3A_297 = arith.constant 0 : i32
    %dma_wait3A_298 = arith.constant 0 : i32
    %dma_wait3A_299 = tpu.memref_slice %arg18[%dma_wait3A_297, %dma_wait3A_298] : memref<1x40xi32, #tpu.memory_space<vmem>> -> memref<1x40xi32, #tpu.memory_space<vmem>>
    %dma_wait3A_300 = tpu.memref_squeeze %dma_wait3A_299 : memref<1x40xi32, #tpu.memory_space<vmem>> -> memref<40xi32, #tpu.memory_space<vmem>>
    %dma_wait3A_301 = arith.constant 0 : i32
    %dma_wait3A_302 = arith.constant 0 : i32
    %dma_wait3A_303 = tpu.memref_slice %arg34[%dma_wait3A_301, %dma_wait3A_302] : memref<10000x16xf32, #tpu.memory_space<vmem_shared>> -> memref<10000x16xf32, #tpu.memory_space<vmem_shared>>
    tpu.wait_indirect_dma semaphore(%arg48 : memref<!tpu.dma_semaphore, #tpu.memory_space<semaphore_mem>>) src(%arg30 : memref<40x16xf32, #tpu.memory_space<vmem>>) dst(%dma_wait3A_303 : memref<10000x16xf32, #tpu.memory_space<vmem_shared>>)
    %dma_wait3A_304 = arith.constant 0 : i32
    %dma_wait3A_305 = arith.constant 0 : i32
    %dma_wait3A_306 = tpu.memref_slice %arg19[%dma_wait3A_304, %dma_wait3A_305] : memref<1x40xi32, #tpu.memory_space<vmem>> -> memref<1x40xi32, #tpu.memory_space<vmem>>
    %dma_wait3A_307 = tpu.memref_squeeze %dma_wait3A_306 : memref<1x40xi32, #tpu.memory_space<vmem>> -> memref<40xi32, #tpu.memory_space<vmem>>
    %dma_wait3A_308 = arith.constant 0 : i32
    %dma_wait3A_309 = arith.constant 0 : i32
    %dma_wait3A_310 = tpu.memref_slice %arg33[%dma_wait3A_308, %dma_wait3A_309] : memref<10000x64xf32, #tpu.memory_space<vmem_shared>> -> memref<10000x64xf32, #tpu.memory_space<vmem_shared>>
    tpu.wait_indirect_dma semaphore(%arg49 : memref<!tpu.dma_semaphore, #tpu.memory_space<semaphore_mem>>) src(%arg24 : memref<40x64xf32, #tpu.memory_space<vmem>>) dst(%dma_wait3A_310 : memref<10000x64xf32, #tpu.memory_space<vmem_shared>>)
    %dma_wait3A_311 = arith.constant 0 : i32
    %dma_wait3A_312 = arith.constant 0 : i32
    %dma_wait3A_313 = tpu.memref_slice %arg19[%dma_wait3A_311, %dma_wait3A_312] : memref<1x40xi32, #tpu.memory_space<vmem>> -> memref<1x40xi32, #tpu.memory_space<vmem>>
    %dma_wait3A_314 = tpu.memref_squeeze %dma_wait3A_313 : memref<1x40xi32, #tpu.memory_space<vmem>> -> memref<40xi32, #tpu.memory_space<vmem>>
    %dma_wait3A_315 = arith.constant 0 : i32
    %dma_wait3A_316 = arith.constant 0 : i32
    %dma_wait3A_317 = tpu.memref_slice %arg33[%dma_wait3A_315, %dma_wait3A_316] : memref<10000x64xf32, #tpu.memory_space<vmem_shared>> -> memref<10000x64xf32, #tpu.memory_space<vmem_shared>>
    tpu.wait_indirect_dma semaphore(%arg49 : memref<!tpu.dma_semaphore, #tpu.memory_space<semaphore_mem>>) src(%arg29 : memref<40x64xf32, #tpu.memory_space<vmem>>) dst(%dma_wait3A_317 : memref<10000x64xf32, #tpu.memory_space<vmem_shared>>)
    %dma_wait3A_318 = arith.constant 0 : i32
    %dma_wait3A_319 = arith.constant 0 : i32
    %dma_wait3A_320 = tpu.memref_slice %arg19[%dma_wait3A_318, %dma_wait3A_319] : memref<1x40xi32, #tpu.memory_space<vmem>> -> memref<1x40xi32, #tpu.memory_space<vmem>>
    %dma_wait3A_321 = tpu.memref_squeeze %dma_wait3A_320 : memref<1x40xi32, #tpu.memory_space<vmem>> -> memref<40xi32, #tpu.memory_space<vmem>>
    %dma_wait3A_322 = arith.constant 0 : i32
    %dma_wait3A_323 = arith.constant 0 : i32
    %dma_wait3A_324 = tpu.memref_slice %arg34[%dma_wait3A_322, %dma_wait3A_323] : memref<10000x16xf32, #tpu.memory_space<vmem_shared>> -> memref<10000x16xf32, #tpu.memory_space<vmem_shared>>
    tpu.wait_indirect_dma semaphore(%arg49 : memref<!tpu.dma_semaphore, #tpu.memory_space<semaphore_mem>>) src(%arg30 : memref<40x16xf32, #tpu.memory_space<vmem>>) dst(%dma_wait3A_324 : memref<10000x16xf32, #tpu.memory_space<vmem_shared>>)
    %barrier3A_325 = arith.constant 0 : index
    tpu.barrier barrier_id(%barrier3A_325)
    %add3A_326 = arith.constant 0 : i32
    %add3A_327 = arith.addi %mul3A_10, %add3A_326 : i32
    "tpu.region"() ({
      %run_scoped3A = tpu.sem_alloc : memref<!tpu.dma_semaphore, #tpu.memory_space<semaphore_mem>>
      %dma_start3A_578 = arith.constant 0 : i32
      %dma_start3A_579 = arith.constant 0 : i32
      %dma_start3A_580 = tpu.memref_slice %arg31[%dma_start3A_578, %dma_start3A_579] : memref<48x64xf32, #tpu.memory_space<vmem>> -> memref<48x64xf32, #tpu.memory_space<vmem>>
      %dma_start3A_581 = arith.constant 0 : i32
      %dma_start3A_582 = tpu.memref_slice %arg33[%add3A_327, %dma_start3A_581] : memref<10000x64xf32, #tpu.memory_space<vmem_shared>> -> memref<48x64xf32, #tpu.memory_space<vmem_shared>>
      %dma_start3A_583 = arith.constant 0 : i32
      %dma_start3A_584 = arith.constant 0 : i32
      %dma_start3A_585 = tpu.memref_slice %arg31[%dma_start3A_583, %dma_start3A_584] : memref<48x64xf32, #tpu.memory_space<vmem>> -> memref<48x64xf32, #tpu.memory_space<vmem>>
      %dma_start3A_586 = arith.constant 0 : i32
      %dma_start3A_587 = tpu.memref_slice %arg33[%add3A_327, %dma_start3A_586] : memref<10000x64xf32, #tpu.memory_space<vmem_shared>> -> memref<48x64xf32, #tpu.memory_space<vmem_shared>>
      tpu.enqueue_dma source(%dma_start3A_587 : memref<48x64xf32, #tpu.memory_space<vmem_shared>>) target(%dma_start3A_585 : memref<48x64xf32, #tpu.memory_space<vmem>>) target_semaphore(%run_scoped3A : memref<!tpu.dma_semaphore, #tpu.memory_space<semaphore_mem>>)
      %dma_wait3A_588 = arith.constant 0 : i32
      %dma_wait3A_589 = arith.constant 0 : i32
      %dma_wait3A_590 = tpu.memref_slice %arg31[%dma_wait3A_588, %dma_wait3A_589] : memref<48x64xf32, #tpu.memory_space<vmem>> -> memref<48x64xf32, #tpu.memory_space<vmem>>
      %dma_wait3A_591 = arith.constant 0 : i32
      %dma_wait3A_592 = tpu.memref_slice %arg33[%add3A_327, %dma_wait3A_591] : memref<10000x64xf32, #tpu.memory_space<vmem_shared>> -> memref<48x64xf32, #tpu.memory_space<vmem_shared>>
      %dma_wait3A_593 = arith.constant 0 : i32
      %dma_wait3A_594 = arith.constant 0 : i32
      %dma_wait3A_595 = tpu.memref_slice %arg31[%dma_wait3A_593, %dma_wait3A_594] : memref<48x64xf32, #tpu.memory_space<vmem>> -> memref<48x64xf32, #tpu.memory_space<vmem>>
      %dma_wait3A_596 = arith.constant 0 : i32
      %dma_wait3A_597 = tpu.memref_slice %arg33[%add3A_327, %dma_wait3A_596] : memref<10000x64xf32, #tpu.memory_space<vmem_shared>> -> memref<48x64xf32, #tpu.memory_space<vmem_shared>>
      tpu.wait_dma2 semaphore(%run_scoped3A : memref<!tpu.dma_semaphore, #tpu.memory_space<semaphore_mem>>) src(%dma_wait3A_597 : memref<48x64xf32, #tpu.memory_space<vmem_shared>>) dst(%dma_wait3A_595 : memref<48x64xf32, #tpu.memory_space<vmem>>)
      tpu.yield
    }) : () -> ()
    "tpu.region"() ({
      %run_scoped3A = tpu.sem_alloc : memref<!tpu.dma_semaphore, #tpu.memory_space<semaphore_mem>>
      %dma_start3A_578 = arith.constant 0 : i32
      %dma_start3A_579 = arith.constant 0 : i32
      %dma_start3A_580 = tpu.memref_slice %arg32[%dma_start3A_578, %dma_start3A_579] : memref<48x16xf32, #tpu.memory_space<vmem>> -> memref<48x16xf32, #tpu.memory_space<vmem>>
      %dma_start3A_581 = arith.constant 0 : i32
      %dma_start3A_582 = tpu.memref_slice %arg34[%add3A_327, %dma_start3A_581] : memref<10000x16xf32, #tpu.memory_space<vmem_shared>> -> memref<48x16xf32, #tpu.memory_space<vmem_shared>>
      %dma_start3A_583 = arith.constant 0 : i32
      %dma_start3A_584 = arith.constant 0 : i32
      %dma_start3A_585 = tpu.memref_slice %arg32[%dma_start3A_583, %dma_start3A_584] : memref<48x16xf32, #tpu.memory_space<vmem>> -> memref<48x16xf32, #tpu.memory_space<vmem>>
      %dma_start3A_586 = arith.constant 0 : i32
      %dma_start3A_587 = tpu.memref_slice %arg34[%add3A_327, %dma_start3A_586] : memref<10000x16xf32, #tpu.memory_space<vmem_shared>> -> memref<48x16xf32, #tpu.memory_space<vmem_shared>>
      tpu.enqueue_dma source(%dma_start3A_587 : memref<48x16xf32, #tpu.memory_space<vmem_shared>>) target(%dma_start3A_585 : memref<48x16xf32, #tpu.memory_space<vmem>>) target_semaphore(%run_scoped3A : memref<!tpu.dma_semaphore, #tpu.memory_space<semaphore_mem>>)
      %dma_wait3A_588 = arith.constant 0 : i32
      %dma_wait3A_589 = arith.constant 0 : i32
      %dma_wait3A_590 = tpu.memref_slice %arg32[%dma_wait3A_588, %dma_wait3A_589] : memref<48x16xf32, #tpu.memory_space<vmem>> -> memref<48x16xf32, #tpu.memory_space<vmem>>
      %dma_wait3A_591 = arith.constant 0 : i32
      %dma_wait3A_592 = tpu.memref_slice %arg34[%add3A_327, %dma_wait3A_591] : memref<10000x16xf32, #tpu.memory_space<vmem_shared>> -> memref<48x16xf32, #tpu.memory_space<vmem_shared>>
      %dma_wait3A_593 = arith.constant 0 : i32
      %dma_wait3A_594 = arith.constant 0 : i32
      %dma_wait3A_595 = tpu.memref_slice %arg32[%dma_wait3A_593, %dma_wait3A_594] : memref<48x16xf32, #tpu.memory_space<vmem>> -> memref<48x16xf32, #tpu.memory_space<vmem>>
      %dma_wait3A_596 = arith.constant 0 : i32
      %dma_wait3A_597 = tpu.memref_slice %arg34[%add3A_327, %dma_wait3A_596] : memref<10000x16xf32, #tpu.memory_space<vmem_shared>> -> memref<48x16xf32, #tpu.memory_space<vmem_shared>>
      tpu.wait_dma2 semaphore(%run_scoped3A : memref<!tpu.dma_semaphore, #tpu.memory_space<semaphore_mem>>) src(%dma_wait3A_597 : memref<48x16xf32, #tpu.memory_space<vmem_shared>>) dst(%dma_wait3A_595 : memref<48x16xf32, #tpu.memory_space<vmem>>)
      tpu.yield
    }) : () -> ()
    %scan3A_328 = arith.constant 0 : i32
    %scan3A_329 = arith.constant 0 : i32
    %scan3A_330 = arith.constant 48 : i32
    %scan3A_331 = arith.addi %scan3A_329, %scan3A_330 : i32
    %scan3A_332 = arith.constant 1 : i32
    %scan3A_333 = scf.for %scan3A_578 = %scan3A_329 to %scan3A_331 step %scan3A_332 iter_args(%scan3A_579 = %scan3A_328) -> (i32)  : i32 {
      %get3A = arith.index_cast %scan3A_578 : i32 to index
      %get3A_580 = arith.constant 0 : index
      %get3A_581 = tpu.vector_load %arg32[%get3A, %get3A_580] {strides = array<i32>} : memref<48x16xf32, #tpu.memory_space<vmem>>, vector<16xf32>,
      %broadcast_in_dim3A_582 = arith.constant true
      %broadcast_in_dim3A_583 = vector.broadcast %broadcast_in_dim3A_582 : i1 to vector<16xi1>
      %masked_cumsum3A = tpu.scan <sum>, %get3A_581 masked %broadcast_in_dim3A_583 : vector<16xf32>, vector<16xi1> -> vector<16xf32>
      %max3A = arith.constant 1.000000e+00 : f32
      %max3A_584 = vector.broadcast %max3A : f32 to vector<16xf32>
      %max3A_585 = arith.maximumf %masked_cumsum3A, %max3A_584 : vector<16xf32>
      %div3A = arith.constant 1.000000e+00 : f32
      %div3A_586 = vector.broadcast %div3A : f32 to vector<16xf32>
      %div3A_587 = arith.divf %div3A_586, %max3A_585 : vector<16xf32>
      %get3A_588 = arith.index_cast %scan3A_578 : i32 to index
      %get3A_589 = arith.constant 0 : index
      %get3A_590 = tpu.vector_load %arg31[%get3A_588, %get3A_589] {strides = array<i32>} : memref<48x64xf32, #tpu.memory_space<vmem>>, vector<16xf32>,
      %mul3A_591 = arith.mulf %get3A_590, %div3A_587 : vector<16xf32>
      %swap3A = arith.index_cast %scan3A_578 : i32 to index
      %swap3A_592 = arith.constant 0 : index
      %swap3A_593 = tpu.vector_load %arg31[%swap3A, %swap3A_592] {strides = array<i32>} : memref<48x64xf32, #tpu.memory_space<vmem>>, vector<16xf32>,
      tpu.vector_store %arg31[%swap3A, %swap3A_592], %mul3A_591 {strides = array<i32>} : memref<48x64xf32, #tpu.memory_space<vmem>>, vector<16xf32>,
      %get3A_594 = arith.index_cast %scan3A_578 : i32 to index
      %get3A_595 = arith.constant 16 : index
      %get3A_596 = tpu.vector_load %arg31[%get3A_594, %get3A_595] {strides = array<i32>} : memref<48x64xf32, #tpu.memory_space<vmem>>, vector<16xf32>,
      %mul3A_597 = arith.mulf %get3A_596, %div3A_587 : vector<16xf32>
      %swap3A_598 = arith.index_cast %scan3A_578 : i32 to index
      %swap3A_599 = arith.constant 16 : index
      %swap3A_600 = tpu.vector_load %arg31[%swap3A_598, %swap3A_599] {strides = array<i32>} : memref<48x64xf32, #tpu.memory_space<vmem>>, vector<16xf32>,
      tpu.vector_store %arg31[%swap3A_598, %swap3A_599], %mul3A_597 {strides = array<i32>} : memref<48x64xf32, #tpu.memory_space<vmem>>, vector<16xf32>,
      %get3A_601 = arith.index_cast %scan3A_578 : i32 to index
      %get3A_602 = arith.constant 32 : index
      %get3A_603 = tpu.vector_load %arg31[%get3A_601, %get3A_602] {strides = array<i32>} : memref<48x64xf32, #tpu.memory_space<vmem>>, vector<16xf32>,
      %mul3A_604 = arith.mulf %get3A_603, %div3A_587 : vector<16xf32>
      %swap3A_605 = arith.index_cast %scan3A_578 : i32 to index
      %swap3A_606 = arith.constant 32 : index
      %swap3A_607 = tpu.vector_load %arg31[%swap3A_605, %swap3A_606] {strides = array<i32>} : memref<48x64xf32, #tpu.memory_space<vmem>>, vector<16xf32>,
      tpu.vector_store %arg31[%swap3A_605, %swap3A_606], %mul3A_604 {strides = array<i32>} : memref<48x64xf32, #tpu.memory_space<vmem>>, vector<16xf32>,
      %get3A_608 = arith.index_cast %scan3A_578 : i32 to index
      %get3A_609 = arith.constant 48 : index
      %get3A_610 = tpu.vector_load %arg31[%get3A_608, %get3A_609] {strides = array<i32>} : memref<48x64xf32, #tpu.memory_space<vmem>>, vector<16xf32>,
      %mul3A_611 = arith.mulf %get3A_610, %div3A_587 : vector<16xf32>
      %swap3A_612 = arith.index_cast %scan3A_578 : i32 to index
      %swap3A_613 = arith.constant 48 : index
      %swap3A_614 = tpu.vector_load %arg31[%swap3A_612, %swap3A_613] {strides = array<i32>} : memref<48x64xf32, #tpu.memory_space<vmem>>, vector<16xf32>,
      tpu.vector_store %arg31[%swap3A_612, %swap3A_613], %mul3A_611 {strides = array<i32>} : memref<48x64xf32, #tpu.memory_space<vmem>>, vector<16xf32>,
      %scan3A_615 = arith.constant 0 : i32
      scf.yield %scan3A_615 : i32
    }
    %scan3A_334 = arith.constant 48 : i32
    %eq3A_335 = arith.constant 0 : i32
    %eq3A_336 = arith.cmpi eq, %arg0, %eq3A_335 : i32
    %convert_element_type3A_337 = arith.extui %eq3A_336 : i1 to i32
    %cond3A_338 = arith.constant 0 : i32
    %cond3A_339 = arith.cmpi ne, %convert_element_type3A_337, %cond3A_338 : i32
    scf.if %cond3A_339 {
      "tpu.region"() ({
        %run_scoped3A = tpu.sem_alloc : memref<!tpu.dma_semaphore, #tpu.memory_space<semaphore_mem>>
        %dma_start3A_578 = arith.constant 0 : i32
        %dma_start3A_579 = arith.constant 0 : i32
        %dma_start3A_580 = tpu.memref_slice %arg31[%dma_start3A_578, %dma_start3A_579] : memref<48x64xf32, #tpu.memory_space<vmem>> -> memref<48x64xf32, #tpu.memory_space<vmem>>
        %dma_start3A_581 = arith.constant 0 : i32
        %dma_start3A_582 = tpu.memref_slice %arg9[%add3A_327, %dma_start3A_581] : memref<10000x128xf32, #tpu.memory_space<hbm>> -> memref<48x64xf32, #tpu.memory_space<hbm>>
        %dma_start3A_583 = arith.constant 0 : i32
        %dma_start3A_584 = tpu.memref_slice %arg9[%add3A_327, %dma_start3A_583] : memref<10000x128xf32, #tpu.memory_space<hbm>> -> memref<48x64xf32, #tpu.memory_space<hbm>>
        %dma_start3A_585 = arith.constant 0 : i32
        %dma_start3A_586 = arith.constant 0 : i32
        %dma_start3A_587 = tpu.memref_slice %arg31[%dma_start3A_585, %dma_start3A_586] : memref<48x64xf32, #tpu.memory_space<vmem>> -> memref<48x64xf32, #tpu.memory_space<vmem>>
        tpu.enqueue_dma source(%dma_start3A_587 : memref<48x64xf32, #tpu.memory_space<vmem>>) target(%dma_start3A_584 : memref<48x64xf32, #tpu.memory_space<hbm>>) target_semaphore(%run_scoped3A : memref<!tpu.dma_semaphore, #tpu.memory_space<semaphore_mem>>)
        %dma_wait3A_588 = arith.constant 0 : i32
        %dma_wait3A_589 = arith.constant 0 : i32
        %dma_wait3A_590 = tpu.memref_slice %arg31[%dma_wait3A_588, %dma_wait3A_589] : memref<48x64xf32, #tpu.memory_space<vmem>> -> memref<48x64xf32, #tpu.memory_space<vmem>>
        %dma_wait3A_591 = arith.constant 0 : i32
        %dma_wait3A_592 = tpu.memref_slice %arg9[%add3A_327, %dma_wait3A_591] : memref<10000x128xf32, #tpu.memory_space<hbm>> -> memref<48x64xf32, #tpu.memory_space<hbm>>
        %dma_wait3A_593 = arith.constant 0 : i32
        %dma_wait3A_594 = tpu.memref_slice %arg9[%add3A_327, %dma_wait3A_593] : memref<10000x128xf32, #tpu.memory_space<hbm>> -> memref<48x64xf32, #tpu.memory_space<hbm>>
        %dma_wait3A_595 = arith.constant 0 : i32
        %dma_wait3A_596 = arith.constant 0 : i32
        %dma_wait3A_597 = tpu.memref_slice %arg31[%dma_wait3A_595, %dma_wait3A_596] : memref<48x64xf32, #tpu.memory_space<vmem>> -> memref<48x64xf32, #tpu.memory_space<vmem>>
        tpu.wait_dma2 semaphore(%run_scoped3A : memref<!tpu.dma_semaphore, #tpu.memory_space<semaphore_mem>>) src(%dma_wait3A_597 : memref<48x64xf32, #tpu.memory_space<vmem>>) dst(%dma_wait3A_594 : memref<48x64xf32, #tpu.memory_space<hbm>>)
        tpu.yield
      }) : () -> ()
    } else {
    }
    %eq3A_340 = arith.constant 1 : i32
    %eq3A_341 = arith.cmpi eq, %arg0, %eq3A_340 : i32
    %convert_element_type3A_342 = arith.extui %eq3A_341 : i1 to i32
    %cond3A_343 = arith.constant 0 : i32
    %cond3A_344 = arith.cmpi ne, %convert_element_type3A_342, %cond3A_343 : i32
    scf.if %cond3A_344 {
      "tpu.region"() ({
        %run_scoped3A = tpu.sem_alloc : memref<!tpu.dma_semaphore, #tpu.memory_space<semaphore_mem>>
        %dma_start3A_578 = arith.constant 0 : i32
        %dma_start3A_579 = arith.constant 0 : i32
        %dma_start3A_580 = tpu.memref_slice %arg31[%dma_start3A_578, %dma_start3A_579] : memref<48x64xf32, #tpu.memory_space<vmem>> -> memref<48x64xf32, #tpu.memory_space<vmem>>
        %dma_start3A_581 = arith.constant 64 : i32
        %dma_start3A_582 = tpu.memref_slice %arg9[%add3A_327, %dma_start3A_581] : memref<10000x128xf32, #tpu.memory_space<hbm>> -> memref<48x64xf32, #tpu.memory_space<hbm>>
        %dma_start3A_583 = arith.constant 64 : i32
        %dma_start3A_584 = tpu.memref_slice %arg9[%add3A_327, %dma_start3A_583] : memref<10000x128xf32, #tpu.memory_space<hbm>> -> memref<48x64xf32, #tpu.memory_space<hbm>>
        %dma_start3A_585 = arith.constant 0 : i32
        %dma_start3A_586 = arith.constant 0 : i32
        %dma_start3A_587 = tpu.memref_slice %arg31[%dma_start3A_585, %dma_start3A_586] : memref<48x64xf32, #tpu.memory_space<vmem>> -> memref<48x64xf32, #tpu.memory_space<vmem>>
        tpu.enqueue_dma source(%dma_start3A_587 : memref<48x64xf32, #tpu.memory_space<vmem>>) target(%dma_start3A_584 : memref<48x64xf32, #tpu.memory_space<hbm>>) target_semaphore(%run_scoped3A : memref<!tpu.dma_semaphore, #tpu.memory_space<semaphore_mem>>)
        %dma_wait3A_588 = arith.constant 0 : i32
        %dma_wait3A_589 = arith.constant 0 : i32
        %dma_wait3A_590 = tpu.memref_slice %arg31[%dma_wait3A_588, %dma_wait3A_589] : memref<48x64xf32, #tpu.memory_space<vmem>> -> memref<48x64xf32, #tpu.memory_space<vmem>>
        %dma_wait3A_591 = arith.constant 64 : i32
        %dma_wait3A_592 = tpu.memref_slice %arg9[%add3A_327, %dma_wait3A_591] : memref<10000x128xf32, #tpu.memory_space<hbm>> -> memref<48x64xf32, #tpu.memory_space<hbm>>
        %dma_wait3A_593 = arith.constant 64 : i32
        %dma_wait3A_594 = tpu.memref_slice %arg9[%add3A_327, %dma_wait3A_593] : memref<10000x128xf32, #tpu.memory_space<hbm>> -> memref<48x64xf32, #tpu.memory_space<hbm>>
        %dma_wait3A_595 = arith.constant 0 : i32
        %dma_wait3A_596 = arith.constant 0 : i32
        %dma_wait3A_597 = tpu.memref_slice %arg31[%dma_wait3A_595, %dma_wait3A_596] : memref<48x64xf32, #tpu.memory_space<vmem>> -> memref<48x64xf32, #tpu.memory_space<vmem>>
        tpu.wait_dma2 semaphore(%run_scoped3A : memref<!tpu.dma_semaphore, #tpu.memory_space<semaphore_mem>>) src(%dma_wait3A_597 : memref<48x64xf32, #tpu.memory_space<vmem>>) dst(%dma_wait3A_594 : memref<48x64xf32, #tpu.memory_space<hbm>>)
        tpu.yield
      }) : () -> ()
    } else {
    }
    %add3A_345 = arith.constant 48 : i32
    %add3A_346 = arith.addi %mul3A_10, %add3A_345 : i32
    "tpu.region"() ({
      %run_scoped3A = tpu.sem_alloc : memref<!tpu.dma_semaphore, #tpu.memory_space<semaphore_mem>>
      %dma_start3A_578 = arith.constant 0 : i32
      %dma_start3A_579 = arith.constant 0 : i32
      %dma_start3A_580 = tpu.memref_slice %arg31[%dma_start3A_578, %dma_start3A_579] : memref<48x64xf32, #tpu.memory_space<vmem>> -> memref<48x64xf32, #tpu.memory_space<vmem>>
      %dma_start3A_581 = arith.constant 0 : i32
      %dma_start3A_582 = tpu.memref_slice %arg33[%add3A_346, %dma_start3A_581] : memref<10000x64xf32, #tpu.memory_space<vmem_shared>> -> memref<48x64xf32, #tpu.memory_space<vmem_shared>>
      %dma_start3A_583 = arith.constant 0 : i32
      %dma_start3A_584 = arith.constant 0 : i32
      %dma_start3A_585 = tpu.memref_slice %arg31[%dma_start3A_583, %dma_start3A_584] : memref<48x64xf32, #tpu.memory_space<vmem>> -> memref<48x64xf32, #tpu.memory_space<vmem>>
      %dma_start3A_586 = arith.constant 0 : i32
      %dma_start3A_587 = tpu.memref_slice %arg33[%add3A_346, %dma_start3A_586] : memref<10000x64xf32, #tpu.memory_space<vmem_shared>> -> memref<48x64xf32, #tpu.memory_space<vmem_shared>>
      tpu.enqueue_dma source(%dma_start3A_587 : memref<48x64xf32, #tpu.memory_space<vmem_shared>>) target(%dma_start3A_585 : memref<48x64xf32, #tpu.memory_space<vmem>>) target_semaphore(%run_scoped3A : memref<!tpu.dma_semaphore, #tpu.memory_space<semaphore_mem>>)
      %dma_wait3A_588 = arith.constant 0 : i32
      %dma_wait3A_589 = arith.constant 0 : i32
      %dma_wait3A_590 = tpu.memref_slice %arg31[%dma_wait3A_588, %dma_wait3A_589] : memref<48x64xf32, #tpu.memory_space<vmem>> -> memref<48x64xf32, #tpu.memory_space<vmem>>
      %dma_wait3A_591 = arith.constant 0 : i32
      %dma_wait3A_592 = tpu.memref_slice %arg33[%add3A_346, %dma_wait3A_591] : memref<10000x64xf32, #tpu.memory_space<vmem_shared>> -> memref<48x64xf32, #tpu.memory_space<vmem_shared>>
      %dma_wait3A_593 = arith.constant 0 : i32
      %dma_wait3A_594 = arith.constant 0 : i32
      %dma_wait3A_595 = tpu.memref_slice %arg31[%dma_wait3A_593, %dma_wait3A_594] : memref<48x64xf32, #tpu.memory_space<vmem>> -> memref<48x64xf32, #tpu.memory_space<vmem>>
      %dma_wait3A_596 = arith.constant 0 : i32
      %dma_wait3A_597 = tpu.memref_slice %arg33[%add3A_346, %dma_wait3A_596] : memref<10000x64xf32, #tpu.memory_space<vmem_shared>> -> memref<48x64xf32, #tpu.memory_space<vmem_shared>>
      tpu.wait_dma2 semaphore(%run_scoped3A : memref<!tpu.dma_semaphore, #tpu.memory_space<semaphore_mem>>) src(%dma_wait3A_597 : memref<48x64xf32, #tpu.memory_space<vmem_shared>>) dst(%dma_wait3A_595 : memref<48x64xf32, #tpu.memory_space<vmem>>)
      tpu.yield
    }) : () -> ()
    "tpu.region"() ({
      %run_scoped3A = tpu.sem_alloc : memref<!tpu.dma_semaphore, #tpu.memory_space<semaphore_mem>>
      %dma_start3A_578 = arith.constant 0 : i32
      %dma_start3A_579 = arith.constant 0 : i32
      %dma_start3A_580 = tpu.memref_slice %arg32[%dma_start3A_578, %dma_start3A_579] : memref<48x16xf32, #tpu.memory_space<vmem>> -> memref<48x16xf32, #tpu.memory_space<vmem>>
      %dma_start3A_581 = arith.constant 0 : i32
      %dma_start3A_582 = tpu.memref_slice %arg34[%add3A_346, %dma_start3A_581] : memref<10000x16xf32, #tpu.memory_space<vmem_shared>> -> memref<48x16xf32, #tpu.memory_space<vmem_shared>>
      %dma_start3A_583 = arith.constant 0 : i32
      %dma_start3A_584 = arith.constant 0 : i32
      %dma_start3A_585 = tpu.memref_slice %arg32[%dma_start3A_583, %dma_start3A_584] : memref<48x16xf32, #tpu.memory_space<vmem>> -> memref<48x16xf32, #tpu.memory_space<vmem>>
      %dma_start3A_586 = arith.constant 0 : i32
      %dma_start3A_587 = tpu.memref_slice %arg34[%add3A_346, %dma_start3A_586] : memref<10000x16xf32, #tpu.memory_space<vmem_shared>> -> memref<48x16xf32, #tpu.memory_space<vmem_shared>>
      tpu.enqueue_dma source(%dma_start3A_587 : memref<48x16xf32, #tpu.memory_space<vmem_shared>>) target(%dma_start3A_585 : memref<48x16xf32, #tpu.memory_space<vmem>>) target_semaphore(%run_scoped3A : memref<!tpu.dma_semaphore, #tpu.memory_space<semaphore_mem>>)
      %dma_wait3A_588 = arith.constant 0 : i32
      %dma_wait3A_589 = arith.constant 0 : i32
      %dma_wait3A_590 = tpu.memref_slice %arg32[%dma_wait3A_588, %dma_wait3A_589] : memref<48x16xf32, #tpu.memory_space<vmem>> -> memref<48x16xf32, #tpu.memory_space<vmem>>
      %dma_wait3A_591 = arith.constant 0 : i32
      %dma_wait3A_592 = tpu.memref_slice %arg34[%add3A_346, %dma_wait3A_591] : memref<10000x16xf32, #tpu.memory_space<vmem_shared>> -> memref<48x16xf32, #tpu.memory_space<vmem_shared>>
      %dma_wait3A_593 = arith.constant 0 : i32
      %dma_wait3A_594 = arith.constant 0 : i32
      %dma_wait3A_595 = tpu.memref_slice %arg32[%dma_wait3A_593, %dma_wait3A_594] : memref<48x16xf32, #tpu.memory_space<vmem>> -> memref<48x16xf32, #tpu.memory_space<vmem>>
      %dma_wait3A_596 = arith.constant 0 : i32
      %dma_wait3A_597 = tpu.memref_slice %arg34[%add3A_346, %dma_wait3A_596] : memref<10000x16xf32, #tpu.memory_space<vmem_shared>> -> memref<48x16xf32, #tpu.memory_space<vmem_shared>>
      tpu.wait_dma2 semaphore(%run_scoped3A : memref<!tpu.dma_semaphore, #tpu.memory_space<semaphore_mem>>) src(%dma_wait3A_597 : memref<48x16xf32, #tpu.memory_space<vmem_shared>>) dst(%dma_wait3A_595 : memref<48x16xf32, #tpu.memory_space<vmem>>)
      tpu.yield
    }) : () -> ()
    %scan3A_347 = arith.constant 0 : i32
    %scan3A_348 = arith.constant 0 : i32
    %scan3A_349 = arith.constant 48 : i32
    %scan3A_350 = arith.addi %scan3A_348, %scan3A_349 : i32
    %scan3A_351 = arith.constant 1 : i32
    %scan3A_352 = scf.for %scan3A_578 = %scan3A_348 to %scan3A_350 step %scan3A_351 iter_args(%scan3A_579 = %scan3A_347) -> (i32)  : i32 {
      %get3A = arith.index_cast %scan3A_578 : i32 to index
      %get3A_580 = arith.constant 0 : index
      %get3A_581 = tpu.vector_load %arg32[%get3A, %get3A_580] {strides = array<i32>} : memref<48x16xf32, #tpu.memory_space<vmem>>, vector<16xf32>,
      %broadcast_in_dim3A_582 = arith.constant true
      %broadcast_in_dim3A_583 = vector.broadcast %broadcast_in_dim3A_582 : i1 to vector<16xi1>
      %masked_cumsum3A = tpu.scan <sum>, %get3A_581 masked %broadcast_in_dim3A_583 : vector<16xf32>, vector<16xi1> -> vector<16xf32>
      %max3A = arith.constant 1.000000e+00 : f32
      %max3A_584 = vector.broadcast %max3A : f32 to vector<16xf32>
      %max3A_585 = arith.maximumf %masked_cumsum3A, %max3A_584 : vector<16xf32>
      %div3A = arith.constant 1.000000e+00 : f32
      %div3A_586 = vector.broadcast %div3A : f32 to vector<16xf32>
      %div3A_587 = arith.divf %div3A_586, %max3A_585 : vector<16xf32>
      %get3A_588 = arith.index_cast %scan3A_578 : i32 to index
      %get3A_589 = arith.constant 0 : index
      %get3A_590 = tpu.vector_load %arg31[%get3A_588, %get3A_589] {strides = array<i32>} : memref<48x64xf32, #tpu.memory_space<vmem>>, vector<16xf32>,
      %mul3A_591 = arith.mulf %get3A_590, %div3A_587 : vector<16xf32>
      %swap3A = arith.index_cast %scan3A_578 : i32 to index
      %swap3A_592 = arith.constant 0 : index
      %swap3A_593 = tpu.vector_load %arg31[%swap3A, %swap3A_592] {strides = array<i32>} : memref<48x64xf32, #tpu.memory_space<vmem>>, vector<16xf32>,
      tpu.vector_store %arg31[%swap3A, %swap3A_592], %mul3A_591 {strides = array<i32>} : memref<48x64xf32, #tpu.memory_space<vmem>>, vector<16xf32>,
      %get3A_594 = arith.index_cast %scan3A_578 : i32 to index
      %get3A_595 = arith.constant 16 : index
      %get3A_596 = tpu.vector_load %arg31[%get3A_594, %get3A_595] {strides = array<i32>} : memref<48x64xf32, #tpu.memory_space<vmem>>, vector<16xf32>,
      %mul3A_597 = arith.mulf %get3A_596, %div3A_587 : vector<16xf32>
      %swap3A_598 = arith.index_cast %scan3A_578 : i32 to index
      %swap3A_599 = arith.constant 16 : index
      %swap3A_600 = tpu.vector_load %arg31[%swap3A_598, %swap3A_599] {strides = array<i32>} : memref<48x64xf32, #tpu.memory_space<vmem>>, vector<16xf32>,
      tpu.vector_store %arg31[%swap3A_598, %swap3A_599], %mul3A_597 {strides = array<i32>} : memref<48x64xf32, #tpu.memory_space<vmem>>, vector<16xf32>,
      %get3A_601 = arith.index_cast %scan3A_578 : i32 to index
      %get3A_602 = arith.constant 32 : index
      %get3A_603 = tpu.vector_load %arg31[%get3A_601, %get3A_602] {strides = array<i32>} : memref<48x64xf32, #tpu.memory_space<vmem>>, vector<16xf32>,
      %mul3A_604 = arith.mulf %get3A_603, %div3A_587 : vector<16xf32>
      %swap3A_605 = arith.index_cast %scan3A_578 : i32 to index
      %swap3A_606 = arith.constant 32 : index
      %swap3A_607 = tpu.vector_load %arg31[%swap3A_605, %swap3A_606] {strides = array<i32>} : memref<48x64xf32, #tpu.memory_space<vmem>>, vector<16xf32>,
      tpu.vector_store %arg31[%swap3A_605, %swap3A_606], %mul3A_604 {strides = array<i32>} : memref<48x64xf32, #tpu.memory_space<vmem>>, vector<16xf32>,
      %get3A_608 = arith.index_cast %scan3A_578 : i32 to index
      %get3A_609 = arith.constant 48 : index
      %get3A_610 = tpu.vector_load %arg31[%get3A_608, %get3A_609] {strides = array<i32>} : memref<48x64xf32, #tpu.memory_space<vmem>>, vector<16xf32>,
      %mul3A_611 = arith.mulf %get3A_610, %div3A_587 : vector<16xf32>
      %swap3A_612 = arith.index_cast %scan3A_578 : i32 to index
      %swap3A_613 = arith.constant 48 : index
      %swap3A_614 = tpu.vector_load %arg31[%swap3A_612, %swap3A_613] {strides = array<i32>} : memref<48x64xf32, #tpu.memory_space<vmem>>, vector<16xf32>,
      tpu.vector_store %arg31[%swap3A_612, %swap3A_613], %mul3A_611 {strides = array<i32>} : memref<48x64xf32, #tpu.memory_space<vmem>>, vector<16xf32>,
      %scan3A_615 = arith.constant 0 : i32
      scf.yield %scan3A_615 : i32
    }
    %scan3A_353 = arith.constant 48 : i32
    %eq3A_354 = arith.constant 0 : i32
    %eq3A_355 = arith.cmpi eq, %arg0, %eq3A_354 : i32
    %convert_element_type3A_356 = arith.extui %eq3A_355 : i1 to i32
    %cond3A_357 = arith.constant 0 : i32
    %cond3A_358 = arith.cmpi ne, %convert_element_type3A_356, %cond3A_357 : i32
    scf.if %cond3A_358 {
      "tpu.region"() ({
        %run_scoped3A = tpu.sem_alloc : memref<!tpu.dma_semaphore, #tpu.memory_space<semaphore_mem>>
        %dma_start3A_578 = arith.constant 0 : i32
        %dma_start3A_579 = arith.constant 0 : i32
        %dma_start3A_580 = tpu.memref_slice %arg31[%dma_start3A_578, %dma_start3A_579] : memref<48x64xf32, #tpu.memory_space<vmem>> -> memref<48x64xf32, #tpu.memory_space<vmem>>
        %dma_start3A_581 = arith.constant 0 : i32
        %dma_start3A_582 = tpu.memref_slice %arg9[%add3A_346, %dma_start3A_581] : memref<10000x128xf32, #tpu.memory_space<hbm>> -> memref<48x64xf32, #tpu.memory_space<hbm>>
        %dma_start3A_583 = arith.constant 0 : i32
        %dma_start3A_584 = tpu.memref_slice %arg9[%add3A_346, %dma_start3A_583] : memref<10000x128xf32, #tpu.memory_space<hbm>> -> memref<48x64xf32, #tpu.memory_space<hbm>>
        %dma_start3A_585 = arith.constant 0 : i32
        %dma_start3A_586 = arith.constant 0 : i32
        %dma_start3A_587 = tpu.memref_slice %arg31[%dma_start3A_585, %dma_start3A_586] : memref<48x64xf32, #tpu.memory_space<vmem>> -> memref<48x64xf32, #tpu.memory_space<vmem>>
        tpu.enqueue_dma source(%dma_start3A_587 : memref<48x64xf32, #tpu.memory_space<vmem>>) target(%dma_start3A_584 : memref<48x64xf32, #tpu.memory_space<hbm>>) target_semaphore(%run_scoped3A : memref<!tpu.dma_semaphore, #tpu.memory_space<semaphore_mem>>)
        %dma_wait3A_588 = arith.constant 0 : i32
        %dma_wait3A_589 = arith.constant 0 : i32
        %dma_wait3A_590 = tpu.memref_slice %arg31[%dma_wait3A_588, %dma_wait3A_589] : memref<48x64xf32, #tpu.memory_space<vmem>> -> memref<48x64xf32, #tpu.memory_space<vmem>>
        %dma_wait3A_591 = arith.constant 0 : i32
        %dma_wait3A_592 = tpu.memref_slice %arg9[%add3A_346, %dma_wait3A_591] : memref<10000x128xf32, #tpu.memory_space<hbm>> -> memref<48x64xf32, #tpu.memory_space<hbm>>
        %dma_wait3A_593 = arith.constant 0 : i32
        %dma_wait3A_594 = tpu.memref_slice %arg9[%add3A_346, %dma_wait3A_593] : memref<10000x128xf32, #tpu.memory_space<hbm>> -> memref<48x64xf32, #tpu.memory_space<hbm>>
        %dma_wait3A_595 = arith.constant 0 : i32
        %dma_wait3A_596 = arith.constant 0 : i32
        %dma_wait3A_597 = tpu.memref_slice %arg31[%dma_wait3A_595, %dma_wait3A_596] : memref<48x64xf32, #tpu.memory_space<vmem>> -> memref<48x64xf32, #tpu.memory_space<vmem>>
        tpu.wait_dma2 semaphore(%run_scoped3A : memref<!tpu.dma_semaphore, #tpu.memory_space<semaphore_mem>>) src(%dma_wait3A_597 : memref<48x64xf32, #tpu.memory_space<vmem>>) dst(%dma_wait3A_594 : memref<48x64xf32, #tpu.memory_space<hbm>>)
        tpu.yield
      }) : () -> ()
    } else {
    }
    %eq3A_359 = arith.constant 1 : i32
    %eq3A_360 = arith.cmpi eq, %arg0, %eq3A_359 : i32
    %convert_element_type3A_361 = arith.extui %eq3A_360 : i1 to i32
    %cond3A_362 = arith.constant 0 : i32
    %cond3A_363 = arith.cmpi ne, %convert_element_type3A_361, %cond3A_362 : i32
    scf.if %cond3A_363 {
      "tpu.region"() ({
        %run_scoped3A = tpu.sem_alloc : memref<!tpu.dma_semaphore, #tpu.memory_space<semaphore_mem>>
        %dma_start3A_578 = arith.constant 0 : i32
        %dma_start3A_579 = arith.constant 0 : i32
        %dma_start3A_580 = tpu.memref_slice %arg31[%dma_start3A_578, %dma_start3A_579] : memref<48x64xf32, #tpu.memory_space<vmem>> -> memref<48x64xf32, #tpu.memory_space<vmem>>
        %dma_start3A_581 = arith.constant 64 : i32
        %dma_start3A_582 = tpu.memref_slice %arg9[%add3A_346, %dma_start3A_581] : memref<10000x128xf32, #tpu.memory_space<hbm>> -> memref<48x64xf32, #tpu.memory_space<hbm>>
        %dma_start3A_583 = arith.constant 64 : i32
        %dma_start3A_584 = tpu.memref_slice %arg9[%add3A_346, %dma_start3A_583] : memref<10000x128xf32, #tpu.memory_space<hbm>> -> memref<48x64xf32, #tpu.memory_space<hbm>>
        %dma_start3A_585 = arith.constant 0 : i32
        %dma_start3A_586 = arith.constant 0 : i32
        %dma_start3A_587 = tpu.memref_slice %arg31[%dma_start3A_585, %dma_start3A_586] : memref<48x64xf32, #tpu.memory_space<vmem>> -> memref<48x64xf32, #tpu.memory_space<vmem>>
        tpu.enqueue_dma source(%dma_start3A_587 : memref<48x64xf32, #tpu.memory_space<vmem>>) target(%dma_start3A_584 : memref<48x64xf32, #tpu.memory_space<hbm>>) target_semaphore(%run_scoped3A : memref<!tpu.dma_semaphore, #tpu.memory_space<semaphore_mem>>)
        %dma_wait3A_588 = arith.constant 0 : i32
        %dma_wait3A_589 = arith.constant 0 : i32
        %dma_wait3A_590 = tpu.memref_slice %arg31[%dma_wait3A_588, %dma_wait3A_589] : memref<48x64xf32, #tpu.memory_space<vmem>> -> memref<48x64xf32, #tpu.memory_space<vmem>>
        %dma_wait3A_591 = arith.constant 64 : i32
        %dma_wait3A_592 = tpu.memref_slice %arg9[%add3A_346, %dma_wait3A_591] : memref<10000x128xf32, #tpu.memory_space<hbm>> -> memref<48x64xf32, #tpu.memory_space<hbm>>
        %dma_wait3A_593 = arith.constant 64 : i32
        %dma_wait3A_594 = tpu.memref_slice %arg9[%add3A_346, %dma_wait3A_593] : memref<10000x128xf32, #tpu.memory_space<hbm>> -> memref<48x64xf32, #tpu.memory_space<hbm>>
        %dma_wait3A_595 = arith.constant 0 : i32
        %dma_wait3A_596 = arith.constant 0 : i32
        %dma_wait3A_597 = tpu.memref_slice %arg31[%dma_wait3A_595, %dma_wait3A_596] : memref<48x64xf32, #tpu.memory_space<vmem>> -> memref<48x64xf32, #tpu.memory_space<vmem>>
        tpu.wait_dma2 semaphore(%run_scoped3A : memref<!tpu.dma_semaphore, #tpu.memory_space<semaphore_mem>>) src(%dma_wait3A_597 : memref<48x64xf32, #tpu.memory_space<vmem>>) dst(%dma_wait3A_594 : memref<48x64xf32, #tpu.memory_space<hbm>>)
        tpu.yield
      }) : () -> ()
    } else {
    }
    %add3A_364 = arith.constant 96 : i32
    %add3A_365 = arith.addi %mul3A_10, %add3A_364 : i32
    "tpu.region"() ({
      %run_scoped3A = tpu.sem_alloc : memref<!tpu.dma_semaphore, #tpu.memory_space<semaphore_mem>>
      %dma_start3A_578 = arith.constant 0 : i32
      %dma_start3A_579 = arith.constant 0 : i32
      %dma_start3A_580 = tpu.memref_slice %arg31[%dma_start3A_578, %dma_start3A_579] : memref<48x64xf32, #tpu.memory_space<vmem>> -> memref<48x64xf32, #tpu.memory_space<vmem>>
      %dma_start3A_581 = arith.constant 0 : i32
      %dma_start3A_582 = tpu.memref_slice %arg33[%add3A_365, %dma_start3A_581] : memref<10000x64xf32, #tpu.memory_space<vmem_shared>> -> memref<48x64xf32, #tpu.memory_space<vmem_shared>>
      %dma_start3A_583 = arith.constant 0 : i32
      %dma_start3A_584 = arith.constant 0 : i32
      %dma_start3A_585 = tpu.memref_slice %arg31[%dma_start3A_583, %dma_start3A_584] : memref<48x64xf32, #tpu.memory_space<vmem>> -> memref<48x64xf32, #tpu.memory_space<vmem>>
      %dma_start3A_586 = arith.constant 0 : i32
      %dma_start3A_587 = tpu.memref_slice %arg33[%add3A_365, %dma_start3A_586] : memref<10000x64xf32, #tpu.memory_space<vmem_shared>> -> memref<48x64xf32, #tpu.memory_space<vmem_shared>>
      tpu.enqueue_dma source(%dma_start3A_587 : memref<48x64xf32, #tpu.memory_space<vmem_shared>>) target(%dma_start3A_585 : memref<48x64xf32, #tpu.memory_space<vmem>>) target_semaphore(%run_scoped3A : memref<!tpu.dma_semaphore, #tpu.memory_space<semaphore_mem>>)
      %dma_wait3A_588 = arith.constant 0 : i32
      %dma_wait3A_589 = arith.constant 0 : i32
      %dma_wait3A_590 = tpu.memref_slice %arg31[%dma_wait3A_588, %dma_wait3A_589] : memref<48x64xf32, #tpu.memory_space<vmem>> -> memref<48x64xf32, #tpu.memory_space<vmem>>
      %dma_wait3A_591 = arith.constant 0 : i32
      %dma_wait3A_592 = tpu.memref_slice %arg33[%add3A_365, %dma_wait3A_591] : memref<10000x64xf32, #tpu.memory_space<vmem_shared>> -> memref<48x64xf32, #tpu.memory_space<vmem_shared>>
      %dma_wait3A_593 = arith.constant 0 : i32
      %dma_wait3A_594 = arith.constant 0 : i32
      %dma_wait3A_595 = tpu.memref_slice %arg31[%dma_wait3A_593, %dma_wait3A_594] : memref<48x64xf32, #tpu.memory_space<vmem>> -> memref<48x64xf32, #tpu.memory_space<vmem>>
      %dma_wait3A_596 = arith.constant 0 : i32
      %dma_wait3A_597 = tpu.memref_slice %arg33[%add3A_365, %dma_wait3A_596] : memref<10000x64xf32, #tpu.memory_space<vmem_shared>> -> memref<48x64xf32, #tpu.memory_space<vmem_shared>>
      tpu.wait_dma2 semaphore(%run_scoped3A : memref<!tpu.dma_semaphore, #tpu.memory_space<semaphore_mem>>) src(%dma_wait3A_597 : memref<48x64xf32, #tpu.memory_space<vmem_shared>>) dst(%dma_wait3A_595 : memref<48x64xf32, #tpu.memory_space<vmem>>)
      tpu.yield
    }) : () -> ()
    "tpu.region"() ({
      %run_scoped3A = tpu.sem_alloc : memref<!tpu.dma_semaphore, #tpu.memory_space<semaphore_mem>>
      %dma_start3A_578 = arith.constant 0 : i32
      %dma_start3A_579 = arith.constant 0 : i32
      %dma_start3A_580 = tpu.memref_slice %arg32[%dma_start3A_578, %dma_start3A_579] : memref<48x16xf32, #tpu.memory_space<vmem>> -> memref<48x16xf32, #tpu.memory_space<vmem>>
      %dma_start3A_581 = arith.constant 0 : i32
      %dma_start3A_582 = tpu.memref_slice %arg34[%add3A_365, %dma_start3A_581] : memref<10000x16xf32, #tpu.memory_space<vmem_shared>> -> memref<48x16xf32, #tpu.memory_space<vmem_shared>>
      %dma_start3A_583 = arith.constant 0 : i32
      %dma_start3A_584 = arith.constant 0 : i32
      %dma_start3A_585 = tpu.memref_slice %arg32[%dma_start3A_583, %dma_start3A_584] : memref<48x16xf32, #tpu.memory_space<vmem>> -> memref<48x16xf32, #tpu.memory_space<vmem>>
      %dma_start3A_586 = arith.constant 0 : i32
      %dma_start3A_587 = tpu.memref_slice %arg34[%add3A_365, %dma_start3A_586] : memref<10000x16xf32, #tpu.memory_space<vmem_shared>> -> memref<48x16xf32, #tpu.memory_space<vmem_shared>>
      tpu.enqueue_dma source(%dma_start3A_587 : memref<48x16xf32, #tpu.memory_space<vmem_shared>>) target(%dma_start3A_585 : memref<48x16xf32, #tpu.memory_space<vmem>>) target_semaphore(%run_scoped3A : memref<!tpu.dma_semaphore, #tpu.memory_space<semaphore_mem>>)
      %dma_wait3A_588 = arith.constant 0 : i32
      %dma_wait3A_589 = arith.constant 0 : i32
      %dma_wait3A_590 = tpu.memref_slice %arg32[%dma_wait3A_588, %dma_wait3A_589] : memref<48x16xf32, #tpu.memory_space<vmem>> -> memref<48x16xf32, #tpu.memory_space<vmem>>
      %dma_wait3A_591 = arith.constant 0 : i32
      %dma_wait3A_592 = tpu.memref_slice %arg34[%add3A_365, %dma_wait3A_591] : memref<10000x16xf32, #tpu.memory_space<vmem_shared>> -> memref<48x16xf32, #tpu.memory_space<vmem_shared>>
      %dma_wait3A_593 = arith.constant 0 : i32
      %dma_wait3A_594 = arith.constant 0 : i32
      %dma_wait3A_595 = tpu.memref_slice %arg32[%dma_wait3A_593, %dma_wait3A_594] : memref<48x16xf32, #tpu.memory_space<vmem>> -> memref<48x16xf32, #tpu.memory_space<vmem>>
      %dma_wait3A_596 = arith.constant 0 : i32
      %dma_wait3A_597 = tpu.memref_slice %arg34[%add3A_365, %dma_wait3A_596] : memref<10000x16xf32, #tpu.memory_space<vmem_shared>> -> memref<48x16xf32, #tpu.memory_space<vmem_shared>>
      tpu.wait_dma2 semaphore(%run_scoped3A : memref<!tpu.dma_semaphore, #tpu.memory_space<semaphore_mem>>) src(%dma_wait3A_597 : memref<48x16xf32, #tpu.memory_space<vmem_shared>>) dst(%dma_wait3A_595 : memref<48x16xf32, #tpu.memory_space<vmem>>)
      tpu.yield
    }) : () -> ()
    %scan3A_366 = arith.constant 0 : i32
    %scan3A_367 = arith.constant 0 : i32
    %scan3A_368 = arith.constant 48 : i32
    %scan3A_369 = arith.addi %scan3A_367, %scan3A_368 : i32
    %scan3A_370 = arith.constant 1 : i32
    %scan3A_371 = scf.for %scan3A_578 = %scan3A_367 to %scan3A_369 step %scan3A_370 iter_args(%scan3A_579 = %scan3A_366) -> (i32)  : i32 {
      %get3A = arith.index_cast %scan3A_578 : i32 to index
      %get3A_580 = arith.constant 0 : index
      %get3A_581 = tpu.vector_load %arg32[%get3A, %get3A_580] {strides = array<i32>} : memref<48x16xf32, #tpu.memory_space<vmem>>, vector<16xf32>,
      %broadcast_in_dim3A_582 = arith.constant true
      %broadcast_in_dim3A_583 = vector.broadcast %broadcast_in_dim3A_582 : i1 to vector<16xi1>
      %masked_cumsum3A = tpu.scan <sum>, %get3A_581 masked %broadcast_in_dim3A_583 : vector<16xf32>, vector<16xi1> -> vector<16xf32>
      %max3A = arith.constant 1.000000e+00 : f32
      %max3A_584 = vector.broadcast %max3A : f32 to vector<16xf32>
      %max3A_585 = arith.maximumf %masked_cumsum3A, %max3A_584 : vector<16xf32>
      %div3A = arith.constant 1.000000e+00 : f32
      %div3A_586 = vector.broadcast %div3A : f32 to vector<16xf32>
      %div3A_587 = arith.divf %div3A_586, %max3A_585 : vector<16xf32>
      %get3A_588 = arith.index_cast %scan3A_578 : i32 to index
      %get3A_589 = arith.constant 0 : index
      %get3A_590 = tpu.vector_load %arg31[%get3A_588, %get3A_589] {strides = array<i32>} : memref<48x64xf32, #tpu.memory_space<vmem>>, vector<16xf32>,
      %mul3A_591 = arith.mulf %get3A_590, %div3A_587 : vector<16xf32>
      %swap3A = arith.index_cast %scan3A_578 : i32 to index
      %swap3A_592 = arith.constant 0 : index
      %swap3A_593 = tpu.vector_load %arg31[%swap3A, %swap3A_592] {strides = array<i32>} : memref<48x64xf32, #tpu.memory_space<vmem>>, vector<16xf32>,
      tpu.vector_store %arg31[%swap3A, %swap3A_592], %mul3A_591 {strides = array<i32>} : memref<48x64xf32, #tpu.memory_space<vmem>>, vector<16xf32>,
      %get3A_594 = arith.index_cast %scan3A_578 : i32 to index
      %get3A_595 = arith.constant 16 : index
      %get3A_596 = tpu.vector_load %arg31[%get3A_594, %get3A_595] {strides = array<i32>} : memref<48x64xf32, #tpu.memory_space<vmem>>, vector<16xf32>,
      %mul3A_597 = arith.mulf %get3A_596, %div3A_587 : vector<16xf32>
      %swap3A_598 = arith.index_cast %scan3A_578 : i32 to index
      %swap3A_599 = arith.constant 16 : index
      %swap3A_600 = tpu.vector_load %arg31[%swap3A_598, %swap3A_599] {strides = array<i32>} : memref<48x64xf32, #tpu.memory_space<vmem>>, vector<16xf32>,
      tpu.vector_store %arg31[%swap3A_598, %swap3A_599], %mul3A_597 {strides = array<i32>} : memref<48x64xf32, #tpu.memory_space<vmem>>, vector<16xf32>,
      %get3A_601 = arith.index_cast %scan3A_578 : i32 to index
      %get3A_602 = arith.constant 32 : index
      %get3A_603 = tpu.vector_load %arg31[%get3A_601, %get3A_602] {strides = array<i32>} : memref<48x64xf32, #tpu.memory_space<vmem>>, vector<16xf32>,
      %mul3A_604 = arith.mulf %get3A_603, %div3A_587 : vector<16xf32>
      %swap3A_605 = arith.index_cast %scan3A_578 : i32 to index
      %swap3A_606 = arith.constant 32 : index
      %swap3A_607 = tpu.vector_load %arg31[%swap3A_605, %swap3A_606] {strides = array<i32>} : memref<48x64xf32, #tpu.memory_space<vmem>>, vector<16xf32>,
      tpu.vector_store %arg31[%swap3A_605, %swap3A_606], %mul3A_604 {strides = array<i32>} : memref<48x64xf32, #tpu.memory_space<vmem>>, vector<16xf32>,
      %get3A_608 = arith.index_cast %scan3A_578 : i32 to index
      %get3A_609 = arith.constant 48 : index
      %get3A_610 = tpu.vector_load %arg31[%get3A_608, %get3A_609] {strides = array<i32>} : memref<48x64xf32, #tpu.memory_space<vmem>>, vector<16xf32>,
      %mul3A_611 = arith.mulf %get3A_610, %div3A_587 : vector<16xf32>
      %swap3A_612 = arith.index_cast %scan3A_578 : i32 to index
      %swap3A_613 = arith.constant 48 : index
      %swap3A_614 = tpu.vector_load %arg31[%swap3A_612, %swap3A_613] {strides = array<i32>} : memref<48x64xf32, #tpu.memory_space<vmem>>, vector<16xf32>,
      tpu.vector_store %arg31[%swap3A_612, %swap3A_613], %mul3A_611 {strides = array<i32>} : memref<48x64xf32, #tpu.memory_space<vmem>>, vector<16xf32>,
      %scan3A_615 = arith.constant 0 : i32
      scf.yield %scan3A_615 : i32
    }
    %scan3A_372 = arith.constant 48 : i32
    %eq3A_373 = arith.constant 0 : i32
    %eq3A_374 = arith.cmpi eq, %arg0, %eq3A_373 : i32
    %convert_element_type3A_375 = arith.extui %eq3A_374 : i1 to i32
    %cond3A_376 = arith.constant 0 : i32
    %cond3A_377 = arith.cmpi ne, %convert_element_type3A_375, %cond3A_376 : i32
    scf.if %cond3A_377 {
      "tpu.region"() ({
        %run_scoped3A = tpu.sem_alloc : memref<!tpu.dma_semaphore, #tpu.memory_space<semaphore_mem>>
        %dma_start3A_578 = arith.constant 0 : i32
        %dma_start3A_579 = arith.constant 0 : i32
        %dma_start3A_580 = tpu.memref_slice %arg31[%dma_start3A_578, %dma_start3A_579] : memref<48x64xf32, #tpu.memory_space<vmem>> -> memref<48x64xf32, #tpu.memory_space<vmem>>
        %dma_start3A_581 = arith.constant 0 : i32
        %dma_start3A_582 = tpu.memref_slice %arg9[%add3A_365, %dma_start3A_581] : memref<10000x128xf32, #tpu.memory_space<hbm>> -> memref<48x64xf32, #tpu.memory_space<hbm>>
        %dma_start3A_583 = arith.constant 0 : i32
        %dma_start3A_584 = tpu.memref_slice %arg9[%add3A_365, %dma_start3A_583] : memref<10000x128xf32, #tpu.memory_space<hbm>> -> memref<48x64xf32, #tpu.memory_space<hbm>>
        %dma_start3A_585 = arith.constant 0 : i32
        %dma_start3A_586 = arith.constant 0 : i32
        %dma_start3A_587 = tpu.memref_slice %arg31[%dma_start3A_585, %dma_start3A_586] : memref<48x64xf32, #tpu.memory_space<vmem>> -> memref<48x64xf32, #tpu.memory_space<vmem>>
        tpu.enqueue_dma source(%dma_start3A_587 : memref<48x64xf32, #tpu.memory_space<vmem>>) target(%dma_start3A_584 : memref<48x64xf32, #tpu.memory_space<hbm>>) target_semaphore(%run_scoped3A : memref<!tpu.dma_semaphore, #tpu.memory_space<semaphore_mem>>)
        %dma_wait3A_588 = arith.constant 0 : i32
        %dma_wait3A_589 = arith.constant 0 : i32
        %dma_wait3A_590 = tpu.memref_slice %arg31[%dma_wait3A_588, %dma_wait3A_589] : memref<48x64xf32, #tpu.memory_space<vmem>> -> memref<48x64xf32, #tpu.memory_space<vmem>>
        %dma_wait3A_591 = arith.constant 0 : i32
        %dma_wait3A_592 = tpu.memref_slice %arg9[%add3A_365, %dma_wait3A_591] : memref<10000x128xf32, #tpu.memory_space<hbm>> -> memref<48x64xf32, #tpu.memory_space<hbm>>
        %dma_wait3A_593 = arith.constant 0 : i32
        %dma_wait3A_594 = tpu.memref_slice %arg9[%add3A_365, %dma_wait3A_593] : memref<10000x128xf32, #tpu.memory_space<hbm>> -> memref<48x64xf32, #tpu.memory_space<hbm>>
        %dma_wait3A_595 = arith.constant 0 : i32
        %dma_wait3A_596 = arith.constant 0 : i32
        %dma_wait3A_597 = tpu.memref_slice %arg31[%dma_wait3A_595, %dma_wait3A_596] : memref<48x64xf32, #tpu.memory_space<vmem>> -> memref<48x64xf32, #tpu.memory_space<vmem>>
        tpu.wait_dma2 semaphore(%run_scoped3A : memref<!tpu.dma_semaphore, #tpu.memory_space<semaphore_mem>>) src(%dma_wait3A_597 : memref<48x64xf32, #tpu.memory_space<vmem>>) dst(%dma_wait3A_594 : memref<48x64xf32, #tpu.memory_space<hbm>>)
        tpu.yield
      }) : () -> ()
    } else {
    }
    %eq3A_378 = arith.constant 1 : i32
    %eq3A_379 = arith.cmpi eq, %arg0, %eq3A_378 : i32
    %convert_element_type3A_380 = arith.extui %eq3A_379 : i1 to i32
    %cond3A_381 = arith.constant 0 : i32
    %cond3A_382 = arith.cmpi ne, %convert_element_type3A_380, %cond3A_381 : i32
    scf.if %cond3A_382 {
      "tpu.region"() ({
        %run_scoped3A = tpu.sem_alloc : memref<!tpu.dma_semaphore, #tpu.memory_space<semaphore_mem>>
        %dma_start3A_578 = arith.constant 0 : i32
        %dma_start3A_579 = arith.constant 0 : i32
        %dma_start3A_580 = tpu.memref_slice %arg31[%dma_start3A_578, %dma_start3A_579] : memref<48x64xf32, #tpu.memory_space<vmem>> -> memref<48x64xf32, #tpu.memory_space<vmem>>
        %dma_start3A_581 = arith.constant 64 : i32
        %dma_start3A_582 = tpu.memref_slice %arg9[%add3A_365, %dma_start3A_581] : memref<10000x128xf32, #tpu.memory_space<hbm>> -> memref<48x64xf32, #tpu.memory_space<hbm>>
        %dma_start3A_583 = arith.constant 64 : i32
        %dma_start3A_584 = tpu.memref_slice %arg9[%add3A_365, %dma_start3A_583] : memref<10000x128xf32, #tpu.memory_space<hbm>> -> memref<48x64xf32, #tpu.memory_space<hbm>>
        %dma_start3A_585 = arith.constant 0 : i32
        %dma_start3A_586 = arith.constant 0 : i32
        %dma_start3A_587 = tpu.memref_slice %arg31[%dma_start3A_585, %dma_start3A_586] : memref<48x64xf32, #tpu.memory_space<vmem>> -> memref<48x64xf32, #tpu.memory_space<vmem>>
        tpu.enqueue_dma source(%dma_start3A_587 : memref<48x64xf32, #tpu.memory_space<vmem>>) target(%dma_start3A_584 : memref<48x64xf32, #tpu.memory_space<hbm>>) target_semaphore(%run_scoped3A : memref<!tpu.dma_semaphore, #tpu.memory_space<semaphore_mem>>)
        %dma_wait3A_588 = arith.constant 0 : i32
        %dma_wait3A_589 = arith.constant 0 : i32
        %dma_wait3A_590 = tpu.memref_slice %arg31[%dma_wait3A_588, %dma_wait3A_589] : memref<48x64xf32, #tpu.memory_space<vmem>> -> memref<48x64xf32, #tpu.memory_space<vmem>>
        %dma_wait3A_591 = arith.constant 64 : i32
        %dma_wait3A_592 = tpu.memref_slice %arg9[%add3A_365, %dma_wait3A_591] : memref<10000x128xf32, #tpu.memory_space<hbm>> -> memref<48x64xf32, #tpu.memory_space<hbm>>
        %dma_wait3A_593 = arith.constant 64 : i32
        %dma_wait3A_594 = tpu.memref_slice %arg9[%add3A_365, %dma_wait3A_593] : memref<10000x128xf32, #tpu.memory_space<hbm>> -> memref<48x64xf32, #tpu.memory_space<hbm>>
        %dma_wait3A_595 = arith.constant 0 : i32
        %dma_wait3A_596 = arith.constant 0 : i32
        %dma_wait3A_597 = tpu.memref_slice %arg31[%dma_wait3A_595, %dma_wait3A_596] : memref<48x64xf32, #tpu.memory_space<vmem>> -> memref<48x64xf32, #tpu.memory_space<vmem>>
        tpu.wait_dma2 semaphore(%run_scoped3A : memref<!tpu.dma_semaphore, #tpu.memory_space<semaphore_mem>>) src(%dma_wait3A_597 : memref<48x64xf32, #tpu.memory_space<vmem>>) dst(%dma_wait3A_594 : memref<48x64xf32, #tpu.memory_space<hbm>>)
        tpu.yield
      }) : () -> ()
    } else {
    }
    %add3A_383 = arith.constant 144 : i32
    %add3A_384 = arith.addi %mul3A_10, %add3A_383 : i32
    "tpu.region"() ({
      %run_scoped3A = tpu.sem_alloc : memref<!tpu.dma_semaphore, #tpu.memory_space<semaphore_mem>>
      %dma_start3A_578 = arith.constant 0 : i32
      %dma_start3A_579 = arith.constant 0 : i32
      %dma_start3A_580 = tpu.memref_slice %arg31[%dma_start3A_578, %dma_start3A_579] : memref<48x64xf32, #tpu.memory_space<vmem>> -> memref<48x64xf32, #tpu.memory_space<vmem>>
      %dma_start3A_581 = arith.constant 0 : i32
      %dma_start3A_582 = tpu.memref_slice %arg33[%add3A_384, %dma_start3A_581] : memref<10000x64xf32, #tpu.memory_space<vmem_shared>> -> memref<48x64xf32, #tpu.memory_space<vmem_shared>>
      %dma_start3A_583 = arith.constant 0 : i32
      %dma_start3A_584 = arith.constant 0 : i32
      %dma_start3A_585 = tpu.memref_slice %arg31[%dma_start3A_583, %dma_start3A_584] : memref<48x64xf32, #tpu.memory_space<vmem>> -> memref<48x64xf32, #tpu.memory_space<vmem>>
      %dma_start3A_586 = arith.constant 0 : i32
      %dma_start3A_587 = tpu.memref_slice %arg33[%add3A_384, %dma_start3A_586] : memref<10000x64xf32, #tpu.memory_space<vmem_shared>> -> memref<48x64xf32, #tpu.memory_space<vmem_shared>>
      tpu.enqueue_dma source(%dma_start3A_587 : memref<48x64xf32, #tpu.memory_space<vmem_shared>>) target(%dma_start3A_585 : memref<48x64xf32, #tpu.memory_space<vmem>>) target_semaphore(%run_scoped3A : memref<!tpu.dma_semaphore, #tpu.memory_space<semaphore_mem>>)
      %dma_wait3A_588 = arith.constant 0 : i32
      %dma_wait3A_589 = arith.constant 0 : i32
      %dma_wait3A_590 = tpu.memref_slice %arg31[%dma_wait3A_588, %dma_wait3A_589] : memref<48x64xf32, #tpu.memory_space<vmem>> -> memref<48x64xf32, #tpu.memory_space<vmem>>
      %dma_wait3A_591 = arith.constant 0 : i32
      %dma_wait3A_592 = tpu.memref_slice %arg33[%add3A_384, %dma_wait3A_591] : memref<10000x64xf32, #tpu.memory_space<vmem_shared>> -> memref<48x64xf32, #tpu.memory_space<vmem_shared>>
      %dma_wait3A_593 = arith.constant 0 : i32
      %dma_wait3A_594 = arith.constant 0 : i32
      %dma_wait3A_595 = tpu.memref_slice %arg31[%dma_wait3A_593, %dma_wait3A_594] : memref<48x64xf32, #tpu.memory_space<vmem>> -> memref<48x64xf32, #tpu.memory_space<vmem>>
      %dma_wait3A_596 = arith.constant 0 : i32
      %dma_wait3A_597 = tpu.memref_slice %arg33[%add3A_384, %dma_wait3A_596] : memref<10000x64xf32, #tpu.memory_space<vmem_shared>> -> memref<48x64xf32, #tpu.memory_space<vmem_shared>>
      tpu.wait_dma2 semaphore(%run_scoped3A : memref<!tpu.dma_semaphore, #tpu.memory_space<semaphore_mem>>) src(%dma_wait3A_597 : memref<48x64xf32, #tpu.memory_space<vmem_shared>>) dst(%dma_wait3A_595 : memref<48x64xf32, #tpu.memory_space<vmem>>)
      tpu.yield
    }) : () -> ()
    "tpu.region"() ({
      %run_scoped3A = tpu.sem_alloc : memref<!tpu.dma_semaphore, #tpu.memory_space<semaphore_mem>>
      %dma_start3A_578 = arith.constant 0 : i32
      %dma_start3A_579 = arith.constant 0 : i32
      %dma_start3A_580 = tpu.memref_slice %arg32[%dma_start3A_578, %dma_start3A_579] : memref<48x16xf32, #tpu.memory_space<vmem>> -> memref<48x16xf32, #tpu.memory_space<vmem>>
      %dma_start3A_581 = arith.constant 0 : i32
      %dma_start3A_582 = tpu.memref_slice %arg34[%add3A_384, %dma_start3A_581] : memref<10000x16xf32, #tpu.memory_space<vmem_shared>> -> memref<48x16xf32, #tpu.memory_space<vmem_shared>>
      %dma_start3A_583 = arith.constant 0 : i32
      %dma_start3A_584 = arith.constant 0 : i32
      %dma_start3A_585 = tpu.memref_slice %arg32[%dma_start3A_583, %dma_start3A_584] : memref<48x16xf32, #tpu.memory_space<vmem>> -> memref<48x16xf32, #tpu.memory_space<vmem>>
      %dma_start3A_586 = arith.constant 0 : i32
      %dma_start3A_587 = tpu.memref_slice %arg34[%add3A_384, %dma_start3A_586] : memref<10000x16xf32, #tpu.memory_space<vmem_shared>> -> memref<48x16xf32, #tpu.memory_space<vmem_shared>>
      tpu.enqueue_dma source(%dma_start3A_587 : memref<48x16xf32, #tpu.memory_space<vmem_shared>>) target(%dma_start3A_585 : memref<48x16xf32, #tpu.memory_space<vmem>>) target_semaphore(%run_scoped3A : memref<!tpu.dma_semaphore, #tpu.memory_space<semaphore_mem>>)
      %dma_wait3A_588 = arith.constant 0 : i32
      %dma_wait3A_589 = arith.constant 0 : i32
      %dma_wait3A_590 = tpu.memref_slice %arg32[%dma_wait3A_588, %dma_wait3A_589] : memref<48x16xf32, #tpu.memory_space<vmem>> -> memref<48x16xf32, #tpu.memory_space<vmem>>
      %dma_wait3A_591 = arith.constant 0 : i32
      %dma_wait3A_592 = tpu.memref_slice %arg34[%add3A_384, %dma_wait3A_591] : memref<10000x16xf32, #tpu.memory_space<vmem_shared>> -> memref<48x16xf32, #tpu.memory_space<vmem_shared>>
      %dma_wait3A_593 = arith.constant 0 : i32
      %dma_wait3A_594 = arith.constant 0 : i32
      %dma_wait3A_595 = tpu.memref_slice %arg32[%dma_wait3A_593, %dma_wait3A_594] : memref<48x16xf32, #tpu.memory_space<vmem>> -> memref<48x16xf32, #tpu.memory_space<vmem>>
      %dma_wait3A_596 = arith.constant 0 : i32
      %dma_wait3A_597 = tpu.memref_slice %arg34[%add3A_384, %dma_wait3A_596] : memref<10000x16xf32, #tpu.memory_space<vmem_shared>> -> memref<48x16xf32, #tpu.memory_space<vmem_shared>>
      tpu.wait_dma2 semaphore(%run_scoped3A : memref<!tpu.dma_semaphore, #tpu.memory_space<semaphore_mem>>) src(%dma_wait3A_597 : memref<48x16xf32, #tpu.memory_space<vmem_shared>>) dst(%dma_wait3A_595 : memref<48x16xf32, #tpu.memory_space<vmem>>)
      tpu.yield
    }) : () -> ()
    %scan3A_385 = arith.constant 0 : i32
    %scan3A_386 = arith.constant 0 : i32
    %scan3A_387 = arith.constant 48 : i32
    %scan3A_388 = arith.addi %scan3A_386, %scan3A_387 : i32
    %scan3A_389 = arith.constant 1 : i32
    %scan3A_390 = scf.for %scan3A_578 = %scan3A_386 to %scan3A_388 step %scan3A_389 iter_args(%scan3A_579 = %scan3A_385) -> (i32)  : i32 {
      %get3A = arith.index_cast %scan3A_578 : i32 to index
      %get3A_580 = arith.constant 0 : index
      %get3A_581 = tpu.vector_load %arg32[%get3A, %get3A_580] {strides = array<i32>} : memref<48x16xf32, #tpu.memory_space<vmem>>, vector<16xf32>,
      %broadcast_in_dim3A_582 = arith.constant true
      %broadcast_in_dim3A_583 = vector.broadcast %broadcast_in_dim3A_582 : i1 to vector<16xi1>
      %masked_cumsum3A = tpu.scan <sum>, %get3A_581 masked %broadcast_in_dim3A_583 : vector<16xf32>, vector<16xi1> -> vector<16xf32>
      %max3A = arith.constant 1.000000e+00 : f32
      %max3A_584 = vector.broadcast %max3A : f32 to vector<16xf32>
      %max3A_585 = arith.maximumf %masked_cumsum3A, %max3A_584 : vector<16xf32>
      %div3A = arith.constant 1.000000e+00 : f32
      %div3A_586 = vector.broadcast %div3A : f32 to vector<16xf32>
      %div3A_587 = arith.divf %div3A_586, %max3A_585 : vector<16xf32>
      %get3A_588 = arith.index_cast %scan3A_578 : i32 to index
      %get3A_589 = arith.constant 0 : index
      %get3A_590 = tpu.vector_load %arg31[%get3A_588, %get3A_589] {strides = array<i32>} : memref<48x64xf32, #tpu.memory_space<vmem>>, vector<16xf32>,
      %mul3A_591 = arith.mulf %get3A_590, %div3A_587 : vector<16xf32>
      %swap3A = arith.index_cast %scan3A_578 : i32 to index
      %swap3A_592 = arith.constant 0 : index
      %swap3A_593 = tpu.vector_load %arg31[%swap3A, %swap3A_592] {strides = array<i32>} : memref<48x64xf32, #tpu.memory_space<vmem>>, vector<16xf32>,
      tpu.vector_store %arg31[%swap3A, %swap3A_592], %mul3A_591 {strides = array<i32>} : memref<48x64xf32, #tpu.memory_space<vmem>>, vector<16xf32>,
      %get3A_594 = arith.index_cast %scan3A_578 : i32 to index
      %get3A_595 = arith.constant 16 : index
      %get3A_596 = tpu.vector_load %arg31[%get3A_594, %get3A_595] {strides = array<i32>} : memref<48x64xf32, #tpu.memory_space<vmem>>, vector<16xf32>,
      %mul3A_597 = arith.mulf %get3A_596, %div3A_587 : vector<16xf32>
      %swap3A_598 = arith.index_cast %scan3A_578 : i32 to index
      %swap3A_599 = arith.constant 16 : index
      %swap3A_600 = tpu.vector_load %arg31[%swap3A_598, %swap3A_599] {strides = array<i32>} : memref<48x64xf32, #tpu.memory_space<vmem>>, vector<16xf32>,
      tpu.vector_store %arg31[%swap3A_598, %swap3A_599], %mul3A_597 {strides = array<i32>} : memref<48x64xf32, #tpu.memory_space<vmem>>, vector<16xf32>,
      %get3A_601 = arith.index_cast %scan3A_578 : i32 to index
      %get3A_602 = arith.constant 32 : index
      %get3A_603 = tpu.vector_load %arg31[%get3A_601, %get3A_602] {strides = array<i32>} : memref<48x64xf32, #tpu.memory_space<vmem>>, vector<16xf32>,
      %mul3A_604 = arith.mulf %get3A_603, %div3A_587 : vector<16xf32>
      %swap3A_605 = arith.index_cast %scan3A_578 : i32 to index
      %swap3A_606 = arith.constant 32 : index
      %swap3A_607 = tpu.vector_load %arg31[%swap3A_605, %swap3A_606] {strides = array<i32>} : memref<48x64xf32, #tpu.memory_space<vmem>>, vector<16xf32>,
      tpu.vector_store %arg31[%swap3A_605, %swap3A_606], %mul3A_604 {strides = array<i32>} : memref<48x64xf32, #tpu.memory_space<vmem>>, vector<16xf32>,
      %get3A_608 = arith.index_cast %scan3A_578 : i32 to index
      %get3A_609 = arith.constant 48 : index
      %get3A_610 = tpu.vector_load %arg31[%get3A_608, %get3A_609] {strides = array<i32>} : memref<48x64xf32, #tpu.memory_space<vmem>>, vector<16xf32>,
      %mul3A_611 = arith.mulf %get3A_610, %div3A_587 : vector<16xf32>
      %swap3A_612 = arith.index_cast %scan3A_578 : i32 to index
      %swap3A_613 = arith.constant 48 : index
      %swap3A_614 = tpu.vector_load %arg31[%swap3A_612, %swap3A_613] {strides = array<i32>} : memref<48x64xf32, #tpu.memory_space<vmem>>, vector<16xf32>,
      tpu.vector_store %arg31[%swap3A_612, %swap3A_613], %mul3A_611 {strides = array<i32>} : memref<48x64xf32, #tpu.memory_space<vmem>>, vector<16xf32>,
      %scan3A_615 = arith.constant 0 : i32
      scf.yield %scan3A_615 : i32
    }
    %scan3A_391 = arith.constant 48 : i32
    %eq3A_392 = arith.constant 0 : i32
    %eq3A_393 = arith.cmpi eq, %arg0, %eq3A_392 : i32
    %convert_element_type3A_394 = arith.extui %eq3A_393 : i1 to i32
    %cond3A_395 = arith.constant 0 : i32
    %cond3A_396 = arith.cmpi ne, %convert_element_type3A_394, %cond3A_395 : i32
    scf.if %cond3A_396 {
      "tpu.region"() ({
        %run_scoped3A = tpu.sem_alloc : memref<!tpu.dma_semaphore, #tpu.memory_space<semaphore_mem>>
        %dma_start3A_578 = arith.constant 0 : i32
        %dma_start3A_579 = arith.constant 0 : i32
        %dma_start3A_580 = tpu.memref_slice %arg31[%dma_start3A_578, %dma_start3A_579] : memref<48x64xf32, #tpu.memory_space<vmem>> -> memref<48x64xf32, #tpu.memory_space<vmem>>
        %dma_start3A_581 = arith.constant 0 : i32
        %dma_start3A_582 = tpu.memref_slice %arg9[%add3A_384, %dma_start3A_581] : memref<10000x128xf32, #tpu.memory_space<hbm>> -> memref<48x64xf32, #tpu.memory_space<hbm>>
        %dma_start3A_583 = arith.constant 0 : i32
        %dma_start3A_584 = tpu.memref_slice %arg9[%add3A_384, %dma_start3A_583] : memref<10000x128xf32, #tpu.memory_space<hbm>> -> memref<48x64xf32, #tpu.memory_space<hbm>>
        %dma_start3A_585 = arith.constant 0 : i32
        %dma_start3A_586 = arith.constant 0 : i32
        %dma_start3A_587 = tpu.memref_slice %arg31[%dma_start3A_585, %dma_start3A_586] : memref<48x64xf32, #tpu.memory_space<vmem>> -> memref<48x64xf32, #tpu.memory_space<vmem>>
        tpu.enqueue_dma source(%dma_start3A_587 : memref<48x64xf32, #tpu.memory_space<vmem>>) target(%dma_start3A_584 : memref<48x64xf32, #tpu.memory_space<hbm>>) target_semaphore(%run_scoped3A : memref<!tpu.dma_semaphore, #tpu.memory_space<semaphore_mem>>)
        %dma_wait3A_588 = arith.constant 0 : i32
        %dma_wait3A_589 = arith.constant 0 : i32
        %dma_wait3A_590 = tpu.memref_slice %arg31[%dma_wait3A_588, %dma_wait3A_589] : memref<48x64xf32, #tpu.memory_space<vmem>> -> memref<48x64xf32, #tpu.memory_space<vmem>>
        %dma_wait3A_591 = arith.constant 0 : i32
        %dma_wait3A_592 = tpu.memref_slice %arg9[%add3A_384, %dma_wait3A_591] : memref<10000x128xf32, #tpu.memory_space<hbm>> -> memref<48x64xf32, #tpu.memory_space<hbm>>
        %dma_wait3A_593 = arith.constant 0 : i32
        %dma_wait3A_594 = tpu.memref_slice %arg9[%add3A_384, %dma_wait3A_593] : memref<10000x128xf32, #tpu.memory_space<hbm>> -> memref<48x64xf32, #tpu.memory_space<hbm>>
        %dma_wait3A_595 = arith.constant 0 : i32
        %dma_wait3A_596 = arith.constant 0 : i32
        %dma_wait3A_597 = tpu.memref_slice %arg31[%dma_wait3A_595, %dma_wait3A_596] : memref<48x64xf32, #tpu.memory_space<vmem>> -> memref<48x64xf32, #tpu.memory_space<vmem>>
        tpu.wait_dma2 semaphore(%run_scoped3A : memref<!tpu.dma_semaphore, #tpu.memory_space<semaphore_mem>>) src(%dma_wait3A_597 : memref<48x64xf32, #tpu.memory_space<vmem>>) dst(%dma_wait3A_594 : memref<48x64xf32, #tpu.memory_space<hbm>>)
        tpu.yield
      }) : () -> ()
    } else {
    }
    %eq3A_397 = arith.constant 1 : i32
    %eq3A_398 = arith.cmpi eq, %arg0, %eq3A_397 : i32
    %convert_element_type3A_399 = arith.extui %eq3A_398 : i1 to i32
    %cond3A_400 = arith.constant 0 : i32
    %cond3A_401 = arith.cmpi ne, %convert_element_type3A_399, %cond3A_400 : i32
    scf.if %cond3A_401 {
      "tpu.region"() ({
        %run_scoped3A = tpu.sem_alloc : memref<!tpu.dma_semaphore, #tpu.memory_space<semaphore_mem>>
        %dma_start3A_578 = arith.constant 0 : i32
        %dma_start3A_579 = arith.constant 0 : i32
        %dma_start3A_580 = tpu.memref_slice %arg31[%dma_start3A_578, %dma_start3A_579] : memref<48x64xf32, #tpu.memory_space<vmem>> -> memref<48x64xf32, #tpu.memory_space<vmem>>
        %dma_start3A_581 = arith.constant 64 : i32
        %dma_start3A_582 = tpu.memref_slice %arg9[%add3A_384, %dma_start3A_581] : memref<10000x128xf32, #tpu.memory_space<hbm>> -> memref<48x64xf32, #tpu.memory_space<hbm>>
        %dma_start3A_583 = arith.constant 64 : i32
        %dma_start3A_584 = tpu.memref_slice %arg9[%add3A_384, %dma_start3A_583] : memref<10000x128xf32, #tpu.memory_space<hbm>> -> memref<48x64xf32, #tpu.memory_space<hbm>>
        %dma_start3A_585 = arith.constant 0 : i32
        %dma_start3A_586 = arith.constant 0 : i32
        %dma_start3A_587 = tpu.memref_slice %arg31[%dma_start3A_585, %dma_start3A_586] : memref<48x64xf32, #tpu.memory_space<vmem>> -> memref<48x64xf32, #tpu.memory_space<vmem>>
        tpu.enqueue_dma source(%dma_start3A_587 : memref<48x64xf32, #tpu.memory_space<vmem>>) target(%dma_start3A_584 : memref<48x64xf32, #tpu.memory_space<hbm>>) target_semaphore(%run_scoped3A : memref<!tpu.dma_semaphore, #tpu.memory_space<semaphore_mem>>)
        %dma_wait3A_588 = arith.constant 0 : i32
        %dma_wait3A_589 = arith.constant 0 : i32
        %dma_wait3A_590 = tpu.memref_slice %arg31[%dma_wait3A_588, %dma_wait3A_589] : memref<48x64xf32, #tpu.memory_space<vmem>> -> memref<48x64xf32, #tpu.memory_space<vmem>>
        %dma_wait3A_591 = arith.constant 64 : i32
        %dma_wait3A_592 = tpu.memref_slice %arg9[%add3A_384, %dma_wait3A_591] : memref<10000x128xf32, #tpu.memory_space<hbm>> -> memref<48x64xf32, #tpu.memory_space<hbm>>
        %dma_wait3A_593 = arith.constant 64 : i32
        %dma_wait3A_594 = tpu.memref_slice %arg9[%add3A_384, %dma_wait3A_593] : memref<10000x128xf32, #tpu.memory_space<hbm>> -> memref<48x64xf32, #tpu.memory_space<hbm>>
        %dma_wait3A_595 = arith.constant 0 : i32
        %dma_wait3A_596 = arith.constant 0 : i32
        %dma_wait3A_597 = tpu.memref_slice %arg31[%dma_wait3A_595, %dma_wait3A_596] : memref<48x64xf32, #tpu.memory_space<vmem>> -> memref<48x64xf32, #tpu.memory_space<vmem>>
        tpu.wait_dma2 semaphore(%run_scoped3A : memref<!tpu.dma_semaphore, #tpu.memory_space<semaphore_mem>>) src(%dma_wait3A_597 : memref<48x64xf32, #tpu.memory_space<vmem>>) dst(%dma_wait3A_594 : memref<48x64xf32, #tpu.memory_space<hbm>>)
        tpu.yield
      }) : () -> ()
    } else {
    }
    %add3A_402 = arith.constant 192 : i32
    %add3A_403 = arith.addi %mul3A_10, %add3A_402 : i32
    "tpu.region"() ({
      %run_scoped3A = tpu.sem_alloc : memref<!tpu.dma_semaphore, #tpu.memory_space<semaphore_mem>>
      %dma_start3A_578 = arith.constant 0 : i32
      %dma_start3A_579 = arith.constant 0 : i32
      %dma_start3A_580 = tpu.memref_slice %arg31[%dma_start3A_578, %dma_start3A_579] : memref<48x64xf32, #tpu.memory_space<vmem>> -> memref<48x64xf32, #tpu.memory_space<vmem>>
      %dma_start3A_581 = arith.constant 0 : i32
      %dma_start3A_582 = tpu.memref_slice %arg33[%add3A_403, %dma_start3A_581] : memref<10000x64xf32, #tpu.memory_space<vmem_shared>> -> memref<48x64xf32, #tpu.memory_space<vmem_shared>>
      %dma_start3A_583 = arith.constant 0 : i32
      %dma_start3A_584 = arith.constant 0 : i32
      %dma_start3A_585 = tpu.memref_slice %arg31[%dma_start3A_583, %dma_start3A_584] : memref<48x64xf32, #tpu.memory_space<vmem>> -> memref<48x64xf32, #tpu.memory_space<vmem>>
      %dma_start3A_586 = arith.constant 0 : i32
      %dma_start3A_587 = tpu.memref_slice %arg33[%add3A_403, %dma_start3A_586] : memref<10000x64xf32, #tpu.memory_space<vmem_shared>> -> memref<48x64xf32, #tpu.memory_space<vmem_shared>>
      tpu.enqueue_dma source(%dma_start3A_587 : memref<48x64xf32, #tpu.memory_space<vmem_shared>>) target(%dma_start3A_585 : memref<48x64xf32, #tpu.memory_space<vmem>>) target_semaphore(%run_scoped3A : memref<!tpu.dma_semaphore, #tpu.memory_space<semaphore_mem>>)
      %dma_wait3A_588 = arith.constant 0 : i32
      %dma_wait3A_589 = arith.constant 0 : i32
      %dma_wait3A_590 = tpu.memref_slice %arg31[%dma_wait3A_588, %dma_wait3A_589] : memref<48x64xf32, #tpu.memory_space<vmem>> -> memref<48x64xf32, #tpu.memory_space<vmem>>
      %dma_wait3A_591 = arith.constant 0 : i32
      %dma_wait3A_592 = tpu.memref_slice %arg33[%add3A_403, %dma_wait3A_591] : memref<10000x64xf32, #tpu.memory_space<vmem_shared>> -> memref<48x64xf32, #tpu.memory_space<vmem_shared>>
      %dma_wait3A_593 = arith.constant 0 : i32
      %dma_wait3A_594 = arith.constant 0 : i32
      %dma_wait3A_595 = tpu.memref_slice %arg31[%dma_wait3A_593, %dma_wait3A_594] : memref<48x64xf32, #tpu.memory_space<vmem>> -> memref<48x64xf32, #tpu.memory_space<vmem>>
      %dma_wait3A_596 = arith.constant 0 : i32
      %dma_wait3A_597 = tpu.memref_slice %arg33[%add3A_403, %dma_wait3A_596] : memref<10000x64xf32, #tpu.memory_space<vmem_shared>> -> memref<48x64xf32, #tpu.memory_space<vmem_shared>>
      tpu.wait_dma2 semaphore(%run_scoped3A : memref<!tpu.dma_semaphore, #tpu.memory_space<semaphore_mem>>) src(%dma_wait3A_597 : memref<48x64xf32, #tpu.memory_space<vmem_shared>>) dst(%dma_wait3A_595 : memref<48x64xf32, #tpu.memory_space<vmem>>)
      tpu.yield
    }) : () -> ()
    "tpu.region"() ({
      %run_scoped3A = tpu.sem_alloc : memref<!tpu.dma_semaphore, #tpu.memory_space<semaphore_mem>>
      %dma_start3A_578 = arith.constant 0 : i32
      %dma_start3A_579 = arith.constant 0 : i32
      %dma_start3A_580 = tpu.memref_slice %arg32[%dma_start3A_578, %dma_start3A_579] : memref<48x16xf32, #tpu.memory_space<vmem>> -> memref<48x16xf32, #tpu.memory_space<vmem>>
      %dma_start3A_581 = arith.constant 0 : i32
      %dma_start3A_582 = tpu.memref_slice %arg34[%add3A_403, %dma_start3A_581] : memref<10000x16xf32, #tpu.memory_space<vmem_shared>> -> memref<48x16xf32, #tpu.memory_space<vmem_shared>>
      %dma_start3A_583 = arith.constant 0 : i32
      %dma_start3A_584 = arith.constant 0 : i32
      %dma_start3A_585 = tpu.memref_slice %arg32[%dma_start3A_583, %dma_start3A_584] : memref<48x16xf32, #tpu.memory_space<vmem>> -> memref<48x16xf32, #tpu.memory_space<vmem>>
      %dma_start3A_586 = arith.constant 0 : i32
      %dma_start3A_587 = tpu.memref_slice %arg34[%add3A_403, %dma_start3A_586] : memref<10000x16xf32, #tpu.memory_space<vmem_shared>> -> memref<48x16xf32, #tpu.memory_space<vmem_shared>>
      tpu.enqueue_dma source(%dma_start3A_587 : memref<48x16xf32, #tpu.memory_space<vmem_shared>>) target(%dma_start3A_585 : memref<48x16xf32, #tpu.memory_space<vmem>>) target_semaphore(%run_scoped3A : memref<!tpu.dma_semaphore, #tpu.memory_space<semaphore_mem>>)
      %dma_wait3A_588 = arith.constant 0 : i32
      %dma_wait3A_589 = arith.constant 0 : i32
      %dma_wait3A_590 = tpu.memref_slice %arg32[%dma_wait3A_588, %dma_wait3A_589] : memref<48x16xf32, #tpu.memory_space<vmem>> -> memref<48x16xf32, #tpu.memory_space<vmem>>
      %dma_wait3A_591 = arith.constant 0 : i32
      %dma_wait3A_592 = tpu.memref_slice %arg34[%add3A_403, %dma_wait3A_591] : memref<10000x16xf32, #tpu.memory_space<vmem_shared>> -> memref<48x16xf32, #tpu.memory_space<vmem_shared>>
      %dma_wait3A_593 = arith.constant 0 : i32
      %dma_wait3A_594 = arith.constant 0 : i32
      %dma_wait3A_595 = tpu.memref_slice %arg32[%dma_wait3A_593, %dma_wait3A_594] : memref<48x16xf32, #tpu.memory_space<vmem>> -> memref<48x16xf32, #tpu.memory_space<vmem>>
      %dma_wait3A_596 = arith.constant 0 : i32
      %dma_wait3A_597 = tpu.memref_slice %arg34[%add3A_403, %dma_wait3A_596] : memref<10000x16xf32, #tpu.memory_space<vmem_shared>> -> memref<48x16xf32, #tpu.memory_space<vmem_shared>>
      tpu.wait_dma2 semaphore(%run_scoped3A : memref<!tpu.dma_semaphore, #tpu.memory_space<semaphore_mem>>) src(%dma_wait3A_597 : memref<48x16xf32, #tpu.memory_space<vmem_shared>>) dst(%dma_wait3A_595 : memref<48x16xf32, #tpu.memory_space<vmem>>)
      tpu.yield
    }) : () -> ()
    %scan3A_404 = arith.constant 0 : i32
    %scan3A_405 = arith.constant 0 : i32
    %scan3A_406 = arith.constant 48 : i32
    %scan3A_407 = arith.addi %scan3A_405, %scan3A_406 : i32
    %scan3A_408 = arith.constant 1 : i32
    %scan3A_409 = scf.for %scan3A_578 = %scan3A_405 to %scan3A_407 step %scan3A_408 iter_args(%scan3A_579 = %scan3A_404) -> (i32)  : i32 {
      %get3A = arith.index_cast %scan3A_578 : i32 to index
      %get3A_580 = arith.constant 0 : index
      %get3A_581 = tpu.vector_load %arg32[%get3A, %get3A_580] {strides = array<i32>} : memref<48x16xf32, #tpu.memory_space<vmem>>, vector<16xf32>,
      %broadcast_in_dim3A_582 = arith.constant true
      %broadcast_in_dim3A_583 = vector.broadcast %broadcast_in_dim3A_582 : i1 to vector<16xi1>
      %masked_cumsum3A = tpu.scan <sum>, %get3A_581 masked %broadcast_in_dim3A_583 : vector<16xf32>, vector<16xi1> -> vector<16xf32>
      %max3A = arith.constant 1.000000e+00 : f32
      %max3A_584 = vector.broadcast %max3A : f32 to vector<16xf32>
      %max3A_585 = arith.maximumf %masked_cumsum3A, %max3A_584 : vector<16xf32>
      %div3A = arith.constant 1.000000e+00 : f32
      %div3A_586 = vector.broadcast %div3A : f32 to vector<16xf32>
      %div3A_587 = arith.divf %div3A_586, %max3A_585 : vector<16xf32>
      %get3A_588 = arith.index_cast %scan3A_578 : i32 to index
      %get3A_589 = arith.constant 0 : index
      %get3A_590 = tpu.vector_load %arg31[%get3A_588, %get3A_589] {strides = array<i32>} : memref<48x64xf32, #tpu.memory_space<vmem>>, vector<16xf32>,
      %mul3A_591 = arith.mulf %get3A_590, %div3A_587 : vector<16xf32>
      %swap3A = arith.index_cast %scan3A_578 : i32 to index
      %swap3A_592 = arith.constant 0 : index
      %swap3A_593 = tpu.vector_load %arg31[%swap3A, %swap3A_592] {strides = array<i32>} : memref<48x64xf32, #tpu.memory_space<vmem>>, vector<16xf32>,
      tpu.vector_store %arg31[%swap3A, %swap3A_592], %mul3A_591 {strides = array<i32>} : memref<48x64xf32, #tpu.memory_space<vmem>>, vector<16xf32>,
      %get3A_594 = arith.index_cast %scan3A_578 : i32 to index
      %get3A_595 = arith.constant 16 : index
      %get3A_596 = tpu.vector_load %arg31[%get3A_594, %get3A_595] {strides = array<i32>} : memref<48x64xf32, #tpu.memory_space<vmem>>, vector<16xf32>,
      %mul3A_597 = arith.mulf %get3A_596, %div3A_587 : vector<16xf32>
      %swap3A_598 = arith.index_cast %scan3A_578 : i32 to index
      %swap3A_599 = arith.constant 16 : index
      %swap3A_600 = tpu.vector_load %arg31[%swap3A_598, %swap3A_599] {strides = array<i32>} : memref<48x64xf32, #tpu.memory_space<vmem>>, vector<16xf32>,
      tpu.vector_store %arg31[%swap3A_598, %swap3A_599], %mul3A_597 {strides = array<i32>} : memref<48x64xf32, #tpu.memory_space<vmem>>, vector<16xf32>,
      %get3A_601 = arith.index_cast %scan3A_578 : i32 to index
      %get3A_602 = arith.constant 32 : index
      %get3A_603 = tpu.vector_load %arg31[%get3A_601, %get3A_602] {strides = array<i32>} : memref<48x64xf32, #tpu.memory_space<vmem>>, vector<16xf32>,
      %mul3A_604 = arith.mulf %get3A_603, %div3A_587 : vector<16xf32>
      %swap3A_605 = arith.index_cast %scan3A_578 : i32 to index
      %swap3A_606 = arith.constant 32 : index
      %swap3A_607 = tpu.vector_load %arg31[%swap3A_605, %swap3A_606] {strides = array<i32>} : memref<48x64xf32, #tpu.memory_space<vmem>>, vector<16xf32>,
      tpu.vector_store %arg31[%swap3A_605, %swap3A_606], %mul3A_604 {strides = array<i32>} : memref<48x64xf32, #tpu.memory_space<vmem>>, vector<16xf32>,
      %get3A_608 = arith.index_cast %scan3A_578 : i32 to index
      %get3A_609 = arith.constant 48 : index
      %get3A_610 = tpu.vector_load %arg31[%get3A_608, %get3A_609] {strides = array<i32>} : memref<48x64xf32, #tpu.memory_space<vmem>>, vector<16xf32>,
      %mul3A_611 = arith.mulf %get3A_610, %div3A_587 : vector<16xf32>
      %swap3A_612 = arith.index_cast %scan3A_578 : i32 to index
      %swap3A_613 = arith.constant 48 : index
      %swap3A_614 = tpu.vector_load %arg31[%swap3A_612, %swap3A_613] {strides = array<i32>} : memref<48x64xf32, #tpu.memory_space<vmem>>, vector<16xf32>,
      tpu.vector_store %arg31[%swap3A_612, %swap3A_613], %mul3A_611 {strides = array<i32>} : memref<48x64xf32, #tpu.memory_space<vmem>>, vector<16xf32>,
      %scan3A_615 = arith.constant 0 : i32
      scf.yield %scan3A_615 : i32
    }
    %scan3A_410 = arith.constant 48 : i32
    %eq3A_411 = arith.constant 0 : i32
    %eq3A_412 = arith.cmpi eq, %arg0, %eq3A_411 : i32
    %convert_element_type3A_413 = arith.extui %eq3A_412 : i1 to i32
    %cond3A_414 = arith.constant 0 : i32
    %cond3A_415 = arith.cmpi ne, %convert_element_type3A_413, %cond3A_414 : i32
    scf.if %cond3A_415 {
      "tpu.region"() ({
        %run_scoped3A = tpu.sem_alloc : memref<!tpu.dma_semaphore, #tpu.memory_space<semaphore_mem>>
        %dma_start3A_578 = arith.constant 0 : i32
        %dma_start3A_579 = arith.constant 0 : i32
        %dma_start3A_580 = tpu.memref_slice %arg31[%dma_start3A_578, %dma_start3A_579] : memref<48x64xf32, #tpu.memory_space<vmem>> -> memref<48x64xf32, #tpu.memory_space<vmem>>
        %dma_start3A_581 = arith.constant 0 : i32
        %dma_start3A_582 = tpu.memref_slice %arg9[%add3A_403, %dma_start3A_581] : memref<10000x128xf32, #tpu.memory_space<hbm>> -> memref<48x64xf32, #tpu.memory_space<hbm>>
        %dma_start3A_583 = arith.constant 0 : i32
        %dma_start3A_584 = tpu.memref_slice %arg9[%add3A_403, %dma_start3A_583] : memref<10000x128xf32, #tpu.memory_space<hbm>> -> memref<48x64xf32, #tpu.memory_space<hbm>>
        %dma_start3A_585 = arith.constant 0 : i32
        %dma_start3A_586 = arith.constant 0 : i32
        %dma_start3A_587 = tpu.memref_slice %arg31[%dma_start3A_585, %dma_start3A_586] : memref<48x64xf32, #tpu.memory_space<vmem>> -> memref<48x64xf32, #tpu.memory_space<vmem>>
        tpu.enqueue_dma source(%dma_start3A_587 : memref<48x64xf32, #tpu.memory_space<vmem>>) target(%dma_start3A_584 : memref<48x64xf32, #tpu.memory_space<hbm>>) target_semaphore(%run_scoped3A : memref<!tpu.dma_semaphore, #tpu.memory_space<semaphore_mem>>)
        %dma_wait3A_588 = arith.constant 0 : i32
        %dma_wait3A_589 = arith.constant 0 : i32
        %dma_wait3A_590 = tpu.memref_slice %arg31[%dma_wait3A_588, %dma_wait3A_589] : memref<48x64xf32, #tpu.memory_space<vmem>> -> memref<48x64xf32, #tpu.memory_space<vmem>>
        %dma_wait3A_591 = arith.constant 0 : i32
        %dma_wait3A_592 = tpu.memref_slice %arg9[%add3A_403, %dma_wait3A_591] : memref<10000x128xf32, #tpu.memory_space<hbm>> -> memref<48x64xf32, #tpu.memory_space<hbm>>
        %dma_wait3A_593 = arith.constant 0 : i32
        %dma_wait3A_594 = tpu.memref_slice %arg9[%add3A_403, %dma_wait3A_593] : memref<10000x128xf32, #tpu.memory_space<hbm>> -> memref<48x64xf32, #tpu.memory_space<hbm>>
        %dma_wait3A_595 = arith.constant 0 : i32
        %dma_wait3A_596 = arith.constant 0 : i32
        %dma_wait3A_597 = tpu.memref_slice %arg31[%dma_wait3A_595, %dma_wait3A_596] : memref<48x64xf32, #tpu.memory_space<vmem>> -> memref<48x64xf32, #tpu.memory_space<vmem>>
        tpu.wait_dma2 semaphore(%run_scoped3A : memref<!tpu.dma_semaphore, #tpu.memory_space<semaphore_mem>>) src(%dma_wait3A_597 : memref<48x64xf32, #tpu.memory_space<vmem>>) dst(%dma_wait3A_594 : memref<48x64xf32, #tpu.memory_space<hbm>>)
        tpu.yield
      }) : () -> ()
    } else {
    }
    %eq3A_416 = arith.constant 1 : i32
    %eq3A_417 = arith.cmpi eq, %arg0, %eq3A_416 : i32
    %convert_element_type3A_418 = arith.extui %eq3A_417 : i1 to i32
    %cond3A_419 = arith.constant 0 : i32
    %cond3A_420 = arith.cmpi ne, %convert_element_type3A_418, %cond3A_419 : i32
    scf.if %cond3A_420 {
      "tpu.region"() ({
        %run_scoped3A = tpu.sem_alloc : memref<!tpu.dma_semaphore, #tpu.memory_space<semaphore_mem>>
        %dma_start3A_578 = arith.constant 0 : i32
        %dma_start3A_579 = arith.constant 0 : i32
        %dma_start3A_580 = tpu.memref_slice %arg31[%dma_start3A_578, %dma_start3A_579] : memref<48x64xf32, #tpu.memory_space<vmem>> -> memref<48x64xf32, #tpu.memory_space<vmem>>
        %dma_start3A_581 = arith.constant 64 : i32
        %dma_start3A_582 = tpu.memref_slice %arg9[%add3A_403, %dma_start3A_581] : memref<10000x128xf32, #tpu.memory_space<hbm>> -> memref<48x64xf32, #tpu.memory_space<hbm>>
        %dma_start3A_583 = arith.constant 64 : i32
        %dma_start3A_584 = tpu.memref_slice %arg9[%add3A_403, %dma_start3A_583] : memref<10000x128xf32, #tpu.memory_space<hbm>> -> memref<48x64xf32, #tpu.memory_space<hbm>>
        %dma_start3A_585 = arith.constant 0 : i32
        %dma_start3A_586 = arith.constant 0 : i32
        %dma_start3A_587 = tpu.memref_slice %arg31[%dma_start3A_585, %dma_start3A_586] : memref<48x64xf32, #tpu.memory_space<vmem>> -> memref<48x64xf32, #tpu.memory_space<vmem>>
        tpu.enqueue_dma source(%dma_start3A_587 : memref<48x64xf32, #tpu.memory_space<vmem>>) target(%dma_start3A_584 : memref<48x64xf32, #tpu.memory_space<hbm>>) target_semaphore(%run_scoped3A : memref<!tpu.dma_semaphore, #tpu.memory_space<semaphore_mem>>)
        %dma_wait3A_588 = arith.constant 0 : i32
        %dma_wait3A_589 = arith.constant 0 : i32
        %dma_wait3A_590 = tpu.memref_slice %arg31[%dma_wait3A_588, %dma_wait3A_589] : memref<48x64xf32, #tpu.memory_space<vmem>> -> memref<48x64xf32, #tpu.memory_space<vmem>>
        %dma_wait3A_591 = arith.constant 64 : i32
        %dma_wait3A_592 = tpu.memref_slice %arg9[%add3A_403, %dma_wait3A_591] : memref<10000x128xf32, #tpu.memory_space<hbm>> -> memref<48x64xf32, #tpu.memory_space<hbm>>
        %dma_wait3A_593 = arith.constant 64 : i32
        %dma_wait3A_594 = tpu.memref_slice %arg9[%add3A_403, %dma_wait3A_593] : memref<10000x128xf32, #tpu.memory_space<hbm>> -> memref<48x64xf32, #tpu.memory_space<hbm>>
        %dma_wait3A_595 = arith.constant 0 : i32
        %dma_wait3A_596 = arith.constant 0 : i32
        %dma_wait3A_597 = tpu.memref_slice %arg31[%dma_wait3A_595, %dma_wait3A_596] : memref<48x64xf32, #tpu.memory_space<vmem>> -> memref<48x64xf32, #tpu.memory_space<vmem>>
        tpu.wait_dma2 semaphore(%run_scoped3A : memref<!tpu.dma_semaphore, #tpu.memory_space<semaphore_mem>>) src(%dma_wait3A_597 : memref<48x64xf32, #tpu.memory_space<vmem>>) dst(%dma_wait3A_594 : memref<48x64xf32, #tpu.memory_space<hbm>>)
        tpu.yield
      }) : () -> ()
    } else {
    }
    %add3A_421 = arith.constant 240 : i32
    %add3A_422 = arith.addi %mul3A_10, %add3A_421 : i32
    "tpu.region"() ({
      %run_scoped3A = tpu.sem_alloc : memref<!tpu.dma_semaphore, #tpu.memory_space<semaphore_mem>>
      %dma_start3A_578 = arith.constant 0 : i32
      %dma_start3A_579 = arith.constant 0 : i32
      %dma_start3A_580 = tpu.memref_slice %arg31[%dma_start3A_578, %dma_start3A_579] : memref<48x64xf32, #tpu.memory_space<vmem>> -> memref<48x64xf32, #tpu.memory_space<vmem>>
      %dma_start3A_581 = arith.constant 0 : i32
      %dma_start3A_582 = tpu.memref_slice %arg33[%add3A_422, %dma_start3A_581] : memref<10000x64xf32, #tpu.memory_space<vmem_shared>> -> memref<48x64xf32, #tpu.memory_space<vmem_shared>>
      %dma_start3A_583 = arith.constant 0 : i32
      %dma_start3A_584 = arith.constant 0 : i32
      %dma_start3A_585 = tpu.memref_slice %arg31[%dma_start3A_583, %dma_start3A_584] : memref<48x64xf32, #tpu.memory_space<vmem>> -> memref<48x64xf32, #tpu.memory_space<vmem>>
      %dma_start3A_586 = arith.constant 0 : i32
      %dma_start3A_587 = tpu.memref_slice %arg33[%add3A_422, %dma_start3A_586] : memref<10000x64xf32, #tpu.memory_space<vmem_shared>> -> memref<48x64xf32, #tpu.memory_space<vmem_shared>>
      tpu.enqueue_dma source(%dma_start3A_587 : memref<48x64xf32, #tpu.memory_space<vmem_shared>>) target(%dma_start3A_585 : memref<48x64xf32, #tpu.memory_space<vmem>>) target_semaphore(%run_scoped3A : memref<!tpu.dma_semaphore, #tpu.memory_space<semaphore_mem>>)
      %dma_wait3A_588 = arith.constant 0 : i32
      %dma_wait3A_589 = arith.constant 0 : i32
      %dma_wait3A_590 = tpu.memref_slice %arg31[%dma_wait3A_588, %dma_wait3A_589] : memref<48x64xf32, #tpu.memory_space<vmem>> -> memref<48x64xf32, #tpu.memory_space<vmem>>
      %dma_wait3A_591 = arith.constant 0 : i32
      %dma_wait3A_592 = tpu.memref_slice %arg33[%add3A_422, %dma_wait3A_591] : memref<10000x64xf32, #tpu.memory_space<vmem_shared>> -> memref<48x64xf32, #tpu.memory_space<vmem_shared>>
      %dma_wait3A_593 = arith.constant 0 : i32
      %dma_wait3A_594 = arith.constant 0 : i32
      %dma_wait3A_595 = tpu.memref_slice %arg31[%dma_wait3A_593, %dma_wait3A_594] : memref<48x64xf32, #tpu.memory_space<vmem>> -> memref<48x64xf32, #tpu.memory_space<vmem>>
      %dma_wait3A_596 = arith.constant 0 : i32
      %dma_wait3A_597 = tpu.memref_slice %arg33[%add3A_422, %dma_wait3A_596] : memref<10000x64xf32, #tpu.memory_space<vmem_shared>> -> memref<48x64xf32, #tpu.memory_space<vmem_shared>>
      tpu.wait_dma2 semaphore(%run_scoped3A : memref<!tpu.dma_semaphore, #tpu.memory_space<semaphore_mem>>) src(%dma_wait3A_597 : memref<48x64xf32, #tpu.memory_space<vmem_shared>>) dst(%dma_wait3A_595 : memref<48x64xf32, #tpu.memory_space<vmem>>)
      tpu.yield
    }) : () -> ()
    "tpu.region"() ({
      %run_scoped3A = tpu.sem_alloc : memref<!tpu.dma_semaphore, #tpu.memory_space<semaphore_mem>>
      %dma_start3A_578 = arith.constant 0 : i32
      %dma_start3A_579 = arith.constant 0 : i32
      %dma_start3A_580 = tpu.memref_slice %arg32[%dma_start3A_578, %dma_start3A_579] : memref<48x16xf32, #tpu.memory_space<vmem>> -> memref<48x16xf32, #tpu.memory_space<vmem>>
      %dma_start3A_581 = arith.constant 0 : i32
      %dma_start3A_582 = tpu.memref_slice %arg34[%add3A_422, %dma_start3A_581] : memref<10000x16xf32, #tpu.memory_space<vmem_shared>> -> memref<48x16xf32, #tpu.memory_space<vmem_shared>>
      %dma_start3A_583 = arith.constant 0 : i32
      %dma_start3A_584 = arith.constant 0 : i32
      %dma_start3A_585 = tpu.memref_slice %arg32[%dma_start3A_583, %dma_start3A_584] : memref<48x16xf32, #tpu.memory_space<vmem>> -> memref<48x16xf32, #tpu.memory_space<vmem>>
      %dma_start3A_586 = arith.constant 0 : i32
      %dma_start3A_587 = tpu.memref_slice %arg34[%add3A_422, %dma_start3A_586] : memref<10000x16xf32, #tpu.memory_space<vmem_shared>> -> memref<48x16xf32, #tpu.memory_space<vmem_shared>>
      tpu.enqueue_dma source(%dma_start3A_587 : memref<48x16xf32, #tpu.memory_space<vmem_shared>>) target(%dma_start3A_585 : memref<48x16xf32, #tpu.memory_space<vmem>>) target_semaphore(%run_scoped3A : memref<!tpu.dma_semaphore, #tpu.memory_space<semaphore_mem>>)
      %dma_wait3A_588 = arith.constant 0 : i32
      %dma_wait3A_589 = arith.constant 0 : i32
      %dma_wait3A_590 = tpu.memref_slice %arg32[%dma_wait3A_588, %dma_wait3A_589] : memref<48x16xf32, #tpu.memory_space<vmem>> -> memref<48x16xf32, #tpu.memory_space<vmem>>
      %dma_wait3A_591 = arith.constant 0 : i32
      %dma_wait3A_592 = tpu.memref_slice %arg34[%add3A_422, %dma_wait3A_591] : memref<10000x16xf32, #tpu.memory_space<vmem_shared>> -> memref<48x16xf32, #tpu.memory_space<vmem_shared>>
      %dma_wait3A_593 = arith.constant 0 : i32
      %dma_wait3A_594 = arith.constant 0 : i32
      %dma_wait3A_595 = tpu.memref_slice %arg32[%dma_wait3A_593, %dma_wait3A_594] : memref<48x16xf32, #tpu.memory_space<vmem>> -> memref<48x16xf32, #tpu.memory_space<vmem>>
      %dma_wait3A_596 = arith.constant 0 : i32
      %dma_wait3A_597 = tpu.memref_slice %arg34[%add3A_422, %dma_wait3A_596] : memref<10000x16xf32, #tpu.memory_space<vmem_shared>> -> memref<48x16xf32, #tpu.memory_space<vmem_shared>>
      tpu.wait_dma2 semaphore(%run_scoped3A : memref<!tpu.dma_semaphore, #tpu.memory_space<semaphore_mem>>) src(%dma_wait3A_597 : memref<48x16xf32, #tpu.memory_space<vmem_shared>>) dst(%dma_wait3A_595 : memref<48x16xf32, #tpu.memory_space<vmem>>)
      tpu.yield
    }) : () -> ()
    %scan3A_423 = arith.constant 0 : i32
    %scan3A_424 = arith.constant 0 : i32
    %scan3A_425 = arith.constant 48 : i32
    %scan3A_426 = arith.addi %scan3A_424, %scan3A_425 : i32
    %scan3A_427 = arith.constant 1 : i32
    %scan3A_428 = scf.for %scan3A_578 = %scan3A_424 to %scan3A_426 step %scan3A_427 iter_args(%scan3A_579 = %scan3A_423) -> (i32)  : i32 {
      %get3A = arith.index_cast %scan3A_578 : i32 to index
      %get3A_580 = arith.constant 0 : index
      %get3A_581 = tpu.vector_load %arg32[%get3A, %get3A_580] {strides = array<i32>} : memref<48x16xf32, #tpu.memory_space<vmem>>, vector<16xf32>,
      %broadcast_in_dim3A_582 = arith.constant true
      %broadcast_in_dim3A_583 = vector.broadcast %broadcast_in_dim3A_582 : i1 to vector<16xi1>
      %masked_cumsum3A = tpu.scan <sum>, %get3A_581 masked %broadcast_in_dim3A_583 : vector<16xf32>, vector<16xi1> -> vector<16xf32>
      %max3A = arith.constant 1.000000e+00 : f32
      %max3A_584 = vector.broadcast %max3A : f32 to vector<16xf32>
      %max3A_585 = arith.maximumf %masked_cumsum3A, %max3A_584 : vector<16xf32>
      %div3A = arith.constant 1.000000e+00 : f32
      %div3A_586 = vector.broadcast %div3A : f32 to vector<16xf32>
      %div3A_587 = arith.divf %div3A_586, %max3A_585 : vector<16xf32>
      %get3A_588 = arith.index_cast %scan3A_578 : i32 to index
      %get3A_589 = arith.constant 0 : index
      %get3A_590 = tpu.vector_load %arg31[%get3A_588, %get3A_589] {strides = array<i32>} : memref<48x64xf32, #tpu.memory_space<vmem>>, vector<16xf32>,
      %mul3A_591 = arith.mulf %get3A_590, %div3A_587 : vector<16xf32>
      %swap3A = arith.index_cast %scan3A_578 : i32 to index
      %swap3A_592 = arith.constant 0 : index
      %swap3A_593 = tpu.vector_load %arg31[%swap3A, %swap3A_592] {strides = array<i32>} : memref<48x64xf32, #tpu.memory_space<vmem>>, vector<16xf32>,
      tpu.vector_store %arg31[%swap3A, %swap3A_592], %mul3A_591 {strides = array<i32>} : memref<48x64xf32, #tpu.memory_space<vmem>>, vector<16xf32>,
      %get3A_594 = arith.index_cast %scan3A_578 : i32 to index
      %get3A_595 = arith.constant 16 : index
      %get3A_596 = tpu.vector_load %arg31[%get3A_594, %get3A_595] {strides = array<i32>} : memref<48x64xf32, #tpu.memory_space<vmem>>, vector<16xf32>,
      %mul3A_597 = arith.mulf %get3A_596, %div3A_587 : vector<16xf32>
      %swap3A_598 = arith.index_cast %scan3A_578 : i32 to index
      %swap3A_599 = arith.constant 16 : index
      %swap3A_600 = tpu.vector_load %arg31[%swap3A_598, %swap3A_599] {strides = array<i32>} : memref<48x64xf32, #tpu.memory_space<vmem>>, vector<16xf32>,
      tpu.vector_store %arg31[%swap3A_598, %swap3A_599], %mul3A_597 {strides = array<i32>} : memref<48x64xf32, #tpu.memory_space<vmem>>, vector<16xf32>,
      %get3A_601 = arith.index_cast %scan3A_578 : i32 to index
      %get3A_602 = arith.constant 32 : index
      %get3A_603 = tpu.vector_load %arg31[%get3A_601, %get3A_602] {strides = array<i32>} : memref<48x64xf32, #tpu.memory_space<vmem>>, vector<16xf32>,
      %mul3A_604 = arith.mulf %get3A_603, %div3A_587 : vector<16xf32>
      %swap3A_605 = arith.index_cast %scan3A_578 : i32 to index
      %swap3A_606 = arith.constant 32 : index
      %swap3A_607 = tpu.vector_load %arg31[%swap3A_605, %swap3A_606] {strides = array<i32>} : memref<48x64xf32, #tpu.memory_space<vmem>>, vector<16xf32>,
      tpu.vector_store %arg31[%swap3A_605, %swap3A_606], %mul3A_604 {strides = array<i32>} : memref<48x64xf32, #tpu.memory_space<vmem>>, vector<16xf32>,
      %get3A_608 = arith.index_cast %scan3A_578 : i32 to index
      %get3A_609 = arith.constant 48 : index
      %get3A_610 = tpu.vector_load %arg31[%get3A_608, %get3A_609] {strides = array<i32>} : memref<48x64xf32, #tpu.memory_space<vmem>>, vector<16xf32>,
      %mul3A_611 = arith.mulf %get3A_610, %div3A_587 : vector<16xf32>
      %swap3A_612 = arith.index_cast %scan3A_578 : i32 to index
      %swap3A_613 = arith.constant 48 : index
      %swap3A_614 = tpu.vector_load %arg31[%swap3A_612, %swap3A_613] {strides = array<i32>} : memref<48x64xf32, #tpu.memory_space<vmem>>, vector<16xf32>,
      tpu.vector_store %arg31[%swap3A_612, %swap3A_613], %mul3A_611 {strides = array<i32>} : memref<48x64xf32, #tpu.memory_space<vmem>>, vector<16xf32>,
      %scan3A_615 = arith.constant 0 : i32
      scf.yield %scan3A_615 : i32
    }
    %scan3A_429 = arith.constant 48 : i32
    %eq3A_430 = arith.constant 0 : i32
    %eq3A_431 = arith.cmpi eq, %arg0, %eq3A_430 : i32
    %convert_element_type3A_432 = arith.extui %eq3A_431 : i1 to i32
    %cond3A_433 = arith.constant 0 : i32
    %cond3A_434 = arith.cmpi ne, %convert_element_type3A_432, %cond3A_433 : i32
    scf.if %cond3A_434 {
      "tpu.region"() ({
        %run_scoped3A = tpu.sem_alloc : memref<!tpu.dma_semaphore, #tpu.memory_space<semaphore_mem>>
        %dma_start3A_578 = arith.constant 0 : i32
        %dma_start3A_579 = arith.constant 0 : i32
        %dma_start3A_580 = tpu.memref_slice %arg31[%dma_start3A_578, %dma_start3A_579] : memref<48x64xf32, #tpu.memory_space<vmem>> -> memref<48x64xf32, #tpu.memory_space<vmem>>
        %dma_start3A_581 = arith.constant 0 : i32
        %dma_start3A_582 = tpu.memref_slice %arg9[%add3A_422, %dma_start3A_581] : memref<10000x128xf32, #tpu.memory_space<hbm>> -> memref<48x64xf32, #tpu.memory_space<hbm>>
        %dma_start3A_583 = arith.constant 0 : i32
        %dma_start3A_584 = tpu.memref_slice %arg9[%add3A_422, %dma_start3A_583] : memref<10000x128xf32, #tpu.memory_space<hbm>> -> memref<48x64xf32, #tpu.memory_space<hbm>>
        %dma_start3A_585 = arith.constant 0 : i32
        %dma_start3A_586 = arith.constant 0 : i32
        %dma_start3A_587 = tpu.memref_slice %arg31[%dma_start3A_585, %dma_start3A_586] : memref<48x64xf32, #tpu.memory_space<vmem>> -> memref<48x64xf32, #tpu.memory_space<vmem>>
        tpu.enqueue_dma source(%dma_start3A_587 : memref<48x64xf32, #tpu.memory_space<vmem>>) target(%dma_start3A_584 : memref<48x64xf32, #tpu.memory_space<hbm>>) target_semaphore(%run_scoped3A : memref<!tpu.dma_semaphore, #tpu.memory_space<semaphore_mem>>)
        %dma_wait3A_588 = arith.constant 0 : i32
        %dma_wait3A_589 = arith.constant 0 : i32
        %dma_wait3A_590 = tpu.memref_slice %arg31[%dma_wait3A_588, %dma_wait3A_589] : memref<48x64xf32, #tpu.memory_space<vmem>> -> memref<48x64xf32, #tpu.memory_space<vmem>>
        %dma_wait3A_591 = arith.constant 0 : i32
        %dma_wait3A_592 = tpu.memref_slice %arg9[%add3A_422, %dma_wait3A_591] : memref<10000x128xf32, #tpu.memory_space<hbm>> -> memref<48x64xf32, #tpu.memory_space<hbm>>
        %dma_wait3A_593 = arith.constant 0 : i32
        %dma_wait3A_594 = tpu.memref_slice %arg9[%add3A_422, %dma_wait3A_593] : memref<10000x128xf32, #tpu.memory_space<hbm>> -> memref<48x64xf32, #tpu.memory_space<hbm>>
        %dma_wait3A_595 = arith.constant 0 : i32
        %dma_wait3A_596 = arith.constant 0 : i32
        %dma_wait3A_597 = tpu.memref_slice %arg31[%dma_wait3A_595, %dma_wait3A_596] : memref<48x64xf32, #tpu.memory_space<vmem>> -> memref<48x64xf32, #tpu.memory_space<vmem>>
        tpu.wait_dma2 semaphore(%run_scoped3A : memref<!tpu.dma_semaphore, #tpu.memory_space<semaphore_mem>>) src(%dma_wait3A_597 : memref<48x64xf32, #tpu.memory_space<vmem>>) dst(%dma_wait3A_594 : memref<48x64xf32, #tpu.memory_space<hbm>>)
        tpu.yield
      }) : () -> ()
    } else {
    }
    %eq3A_435 = arith.constant 1 : i32
    %eq3A_436 = arith.cmpi eq, %arg0, %eq3A_435 : i32
    %convert_element_type3A_437 = arith.extui %eq3A_436 : i1 to i32
    %cond3A_438 = arith.constant 0 : i32
    %cond3A_439 = arith.cmpi ne, %convert_element_type3A_437, %cond3A_438 : i32
    scf.if %cond3A_439 {
      "tpu.region"() ({
        %run_scoped3A = tpu.sem_alloc : memref<!tpu.dma_semaphore, #tpu.memory_space<semaphore_mem>>
        %dma_start3A_578 = arith.constant 0 : i32
        %dma_start3A_579 = arith.constant 0 : i32
        %dma_start3A_580 = tpu.memref_slice %arg31[%dma_start3A_578, %dma_start3A_579] : memref<48x64xf32, #tpu.memory_space<vmem>> -> memref<48x64xf32, #tpu.memory_space<vmem>>
        %dma_start3A_581 = arith.constant 64 : i32
        %dma_start3A_582 = tpu.memref_slice %arg9[%add3A_422, %dma_start3A_581] : memref<10000x128xf32, #tpu.memory_space<hbm>> -> memref<48x64xf32, #tpu.memory_space<hbm>>
        %dma_start3A_583 = arith.constant 64 : i32
        %dma_start3A_584 = tpu.memref_slice %arg9[%add3A_422, %dma_start3A_583] : memref<10000x128xf32, #tpu.memory_space<hbm>> -> memref<48x64xf32, #tpu.memory_space<hbm>>
        %dma_start3A_585 = arith.constant 0 : i32
        %dma_start3A_586 = arith.constant 0 : i32
        %dma_start3A_587 = tpu.memref_slice %arg31[%dma_start3A_585, %dma_start3A_586] : memref<48x64xf32, #tpu.memory_space<vmem>> -> memref<48x64xf32, #tpu.memory_space<vmem>>
        tpu.enqueue_dma source(%dma_start3A_587 : memref<48x64xf32, #tpu.memory_space<vmem>>) target(%dma_start3A_584 : memref<48x64xf32, #tpu.memory_space<hbm>>) target_semaphore(%run_scoped3A : memref<!tpu.dma_semaphore, #tpu.memory_space<semaphore_mem>>)
        %dma_wait3A_588 = arith.constant 0 : i32
        %dma_wait3A_589 = arith.constant 0 : i32
        %dma_wait3A_590 = tpu.memref_slice %arg31[%dma_wait3A_588, %dma_wait3A_589] : memref<48x64xf32, #tpu.memory_space<vmem>> -> memref<48x64xf32, #tpu.memory_space<vmem>>
        %dma_wait3A_591 = arith.constant 64 : i32
        %dma_wait3A_592 = tpu.memref_slice %arg9[%add3A_422, %dma_wait3A_591] : memref<10000x128xf32, #tpu.memory_space<hbm>> -> memref<48x64xf32, #tpu.memory_space<hbm>>
        %dma_wait3A_593 = arith.constant 64 : i32
        %dma_wait3A_594 = tpu.memref_slice %arg9[%add3A_422, %dma_wait3A_593] : memref<10000x128xf32, #tpu.memory_space<hbm>> -> memref<48x64xf32, #tpu.memory_space<hbm>>
        %dma_wait3A_595 = arith.constant 0 : i32
        %dma_wait3A_596 = arith.constant 0 : i32
        %dma_wait3A_597 = tpu.memref_slice %arg31[%dma_wait3A_595, %dma_wait3A_596] : memref<48x64xf32, #tpu.memory_space<vmem>> -> memref<48x64xf32, #tpu.memory_space<vmem>>
        tpu.wait_dma2 semaphore(%run_scoped3A : memref<!tpu.dma_semaphore, #tpu.memory_space<semaphore_mem>>) src(%dma_wait3A_597 : memref<48x64xf32, #tpu.memory_space<vmem>>) dst(%dma_wait3A_594 : memref<48x64xf32, #tpu.memory_space<hbm>>)
        tpu.yield
      }) : () -> ()
    } else {
    }
    %add3A_440 = arith.constant 288 : i32
    %add3A_441 = arith.addi %mul3A_10, %add3A_440 : i32
    "tpu.region"() ({
      %run_scoped3A = tpu.sem_alloc : memref<!tpu.dma_semaphore, #tpu.memory_space<semaphore_mem>>
      %dma_start3A_578 = arith.constant 0 : i32
      %dma_start3A_579 = arith.constant 0 : i32
      %dma_start3A_580 = tpu.memref_slice %arg31[%dma_start3A_578, %dma_start3A_579] : memref<48x64xf32, #tpu.memory_space<vmem>> -> memref<48x64xf32, #tpu.memory_space<vmem>>
      %dma_start3A_581 = arith.constant 0 : i32
      %dma_start3A_582 = tpu.memref_slice %arg33[%add3A_441, %dma_start3A_581] : memref<10000x64xf32, #tpu.memory_space<vmem_shared>> -> memref<48x64xf32, #tpu.memory_space<vmem_shared>>
      %dma_start3A_583 = arith.constant 0 : i32
      %dma_start3A_584 = arith.constant 0 : i32
      %dma_start3A_585 = tpu.memref_slice %arg31[%dma_start3A_583, %dma_start3A_584] : memref<48x64xf32, #tpu.memory_space<vmem>> -> memref<48x64xf32, #tpu.memory_space<vmem>>
      %dma_start3A_586 = arith.constant 0 : i32
      %dma_start3A_587 = tpu.memref_slice %arg33[%add3A_441, %dma_start3A_586] : memref<10000x64xf32, #tpu.memory_space<vmem_shared>> -> memref<48x64xf32, #tpu.memory_space<vmem_shared>>
      tpu.enqueue_dma source(%dma_start3A_587 : memref<48x64xf32, #tpu.memory_space<vmem_shared>>) target(%dma_start3A_585 : memref<48x64xf32, #tpu.memory_space<vmem>>) target_semaphore(%run_scoped3A : memref<!tpu.dma_semaphore, #tpu.memory_space<semaphore_mem>>)
      %dma_wait3A_588 = arith.constant 0 : i32
      %dma_wait3A_589 = arith.constant 0 : i32
      %dma_wait3A_590 = tpu.memref_slice %arg31[%dma_wait3A_588, %dma_wait3A_589] : memref<48x64xf32, #tpu.memory_space<vmem>> -> memref<48x64xf32, #tpu.memory_space<vmem>>
      %dma_wait3A_591 = arith.constant 0 : i32
      %dma_wait3A_592 = tpu.memref_slice %arg33[%add3A_441, %dma_wait3A_591] : memref<10000x64xf32, #tpu.memory_space<vmem_shared>> -> memref<48x64xf32, #tpu.memory_space<vmem_shared>>
      %dma_wait3A_593 = arith.constant 0 : i32
      %dma_wait3A_594 = arith.constant 0 : i32
      %dma_wait3A_595 = tpu.memref_slice %arg31[%dma_wait3A_593, %dma_wait3A_594] : memref<48x64xf32, #tpu.memory_space<vmem>> -> memref<48x64xf32, #tpu.memory_space<vmem>>
      %dma_wait3A_596 = arith.constant 0 : i32
      %dma_wait3A_597 = tpu.memref_slice %arg33[%add3A_441, %dma_wait3A_596] : memref<10000x64xf32, #tpu.memory_space<vmem_shared>> -> memref<48x64xf32, #tpu.memory_space<vmem_shared>>
      tpu.wait_dma2 semaphore(%run_scoped3A : memref<!tpu.dma_semaphore, #tpu.memory_space<semaphore_mem>>) src(%dma_wait3A_597 : memref<48x64xf32, #tpu.memory_space<vmem_shared>>) dst(%dma_wait3A_595 : memref<48x64xf32, #tpu.memory_space<vmem>>)
      tpu.yield
    }) : () -> ()
    "tpu.region"() ({
      %run_scoped3A = tpu.sem_alloc : memref<!tpu.dma_semaphore, #tpu.memory_space<semaphore_mem>>
      %dma_start3A_578 = arith.constant 0 : i32
      %dma_start3A_579 = arith.constant 0 : i32
      %dma_start3A_580 = tpu.memref_slice %arg32[%dma_start3A_578, %dma_start3A_579] : memref<48x16xf32, #tpu.memory_space<vmem>> -> memref<48x16xf32, #tpu.memory_space<vmem>>
      %dma_start3A_581 = arith.constant 0 : i32
      %dma_start3A_582 = tpu.memref_slice %arg34[%add3A_441, %dma_start3A_581] : memref<10000x16xf32, #tpu.memory_space<vmem_shared>> -> memref<48x16xf32, #tpu.memory_space<vmem_shared>>
      %dma_start3A_583 = arith.constant 0 : i32
      %dma_start3A_584 = arith.constant 0 : i32
      %dma_start3A_585 = tpu.memref_slice %arg32[%dma_start3A_583, %dma_start3A_584] : memref<48x16xf32, #tpu.memory_space<vmem>> -> memref<48x16xf32, #tpu.memory_space<vmem>>
      %dma_start3A_586 = arith.constant 0 : i32
      %dma_start3A_587 = tpu.memref_slice %arg34[%add3A_441, %dma_start3A_586] : memref<10000x16xf32, #tpu.memory_space<vmem_shared>> -> memref<48x16xf32, #tpu.memory_space<vmem_shared>>
      tpu.enqueue_dma source(%dma_start3A_587 : memref<48x16xf32, #tpu.memory_space<vmem_shared>>) target(%dma_start3A_585 : memref<48x16xf32, #tpu.memory_space<vmem>>) target_semaphore(%run_scoped3A : memref<!tpu.dma_semaphore, #tpu.memory_space<semaphore_mem>>)
      %dma_wait3A_588 = arith.constant 0 : i32
      %dma_wait3A_589 = arith.constant 0 : i32
      %dma_wait3A_590 = tpu.memref_slice %arg32[%dma_wait3A_588, %dma_wait3A_589] : memref<48x16xf32, #tpu.memory_space<vmem>> -> memref<48x16xf32, #tpu.memory_space<vmem>>
      %dma_wait3A_591 = arith.constant 0 : i32
      %dma_wait3A_592 = tpu.memref_slice %arg34[%add3A_441, %dma_wait3A_591] : memref<10000x16xf32, #tpu.memory_space<vmem_shared>> -> memref<48x16xf32, #tpu.memory_space<vmem_shared>>
      %dma_wait3A_593 = arith.constant 0 : i32
      %dma_wait3A_594 = arith.constant 0 : i32
      %dma_wait3A_595 = tpu.memref_slice %arg32[%dma_wait3A_593, %dma_wait3A_594] : memref<48x16xf32, #tpu.memory_space<vmem>> -> memref<48x16xf32, #tpu.memory_space<vmem>>
      %dma_wait3A_596 = arith.constant 0 : i32
      %dma_wait3A_597 = tpu.memref_slice %arg34[%add3A_441, %dma_wait3A_596] : memref<10000x16xf32, #tpu.memory_space<vmem_shared>> -> memref<48x16xf32, #tpu.memory_space<vmem_shared>>
      tpu.wait_dma2 semaphore(%run_scoped3A : memref<!tpu.dma_semaphore, #tpu.memory_space<semaphore_mem>>) src(%dma_wait3A_597 : memref<48x16xf32, #tpu.memory_space<vmem_shared>>) dst(%dma_wait3A_595 : memref<48x16xf32, #tpu.memory_space<vmem>>)
      tpu.yield
    }) : () -> ()
    %scan3A_442 = arith.constant 0 : i32
    %scan3A_443 = arith.constant 0 : i32
    %scan3A_444 = arith.constant 48 : i32
    %scan3A_445 = arith.addi %scan3A_443, %scan3A_444 : i32
    %scan3A_446 = arith.constant 1 : i32
    %scan3A_447 = scf.for %scan3A_578 = %scan3A_443 to %scan3A_445 step %scan3A_446 iter_args(%scan3A_579 = %scan3A_442) -> (i32)  : i32 {
      %get3A = arith.index_cast %scan3A_578 : i32 to index
      %get3A_580 = arith.constant 0 : index
      %get3A_581 = tpu.vector_load %arg32[%get3A, %get3A_580] {strides = array<i32>} : memref<48x16xf32, #tpu.memory_space<vmem>>, vector<16xf32>,
      %broadcast_in_dim3A_582 = arith.constant true
      %broadcast_in_dim3A_583 = vector.broadcast %broadcast_in_dim3A_582 : i1 to vector<16xi1>
      %masked_cumsum3A = tpu.scan <sum>, %get3A_581 masked %broadcast_in_dim3A_583 : vector<16xf32>, vector<16xi1> -> vector<16xf32>
      %max3A = arith.constant 1.000000e+00 : f32
      %max3A_584 = vector.broadcast %max3A : f32 to vector<16xf32>
      %max3A_585 = arith.maximumf %masked_cumsum3A, %max3A_584 : vector<16xf32>
      %div3A = arith.constant 1.000000e+00 : f32
      %div3A_586 = vector.broadcast %div3A : f32 to vector<16xf32>
      %div3A_587 = arith.divf %div3A_586, %max3A_585 : vector<16xf32>
      %get3A_588 = arith.index_cast %scan3A_578 : i32 to index
      %get3A_589 = arith.constant 0 : index
      %get3A_590 = tpu.vector_load %arg31[%get3A_588, %get3A_589] {strides = array<i32>} : memref<48x64xf32, #tpu.memory_space<vmem>>, vector<16xf32>,
      %mul3A_591 = arith.mulf %get3A_590, %div3A_587 : vector<16xf32>
      %swap3A = arith.index_cast %scan3A_578 : i32 to index
      %swap3A_592 = arith.constant 0 : index
      %swap3A_593 = tpu.vector_load %arg31[%swap3A, %swap3A_592] {strides = array<i32>} : memref<48x64xf32, #tpu.memory_space<vmem>>, vector<16xf32>,
      tpu.vector_store %arg31[%swap3A, %swap3A_592], %mul3A_591 {strides = array<i32>} : memref<48x64xf32, #tpu.memory_space<vmem>>, vector<16xf32>,
      %get3A_594 = arith.index_cast %scan3A_578 : i32 to index
      %get3A_595 = arith.constant 16 : index
      %get3A_596 = tpu.vector_load %arg31[%get3A_594, %get3A_595] {strides = array<i32>} : memref<48x64xf32, #tpu.memory_space<vmem>>, vector<16xf32>,
      %mul3A_597 = arith.mulf %get3A_596, %div3A_587 : vector<16xf32>
      %swap3A_598 = arith.index_cast %scan3A_578 : i32 to index
      %swap3A_599 = arith.constant 16 : index
      %swap3A_600 = tpu.vector_load %arg31[%swap3A_598, %swap3A_599] {strides = array<i32>} : memref<48x64xf32, #tpu.memory_space<vmem>>, vector<16xf32>,
      tpu.vector_store %arg31[%swap3A_598, %swap3A_599], %mul3A_597 {strides = array<i32>} : memref<48x64xf32, #tpu.memory_space<vmem>>, vector<16xf32>,
      %get3A_601 = arith.index_cast %scan3A_578 : i32 to index
      %get3A_602 = arith.constant 32 : index
      %get3A_603 = tpu.vector_load %arg31[%get3A_601, %get3A_602] {strides = array<i32>} : memref<48x64xf32, #tpu.memory_space<vmem>>, vector<16xf32>,
      %mul3A_604 = arith.mulf %get3A_603, %div3A_587 : vector<16xf32>
      %swap3A_605 = arith.index_cast %scan3A_578 : i32 to index
      %swap3A_606 = arith.constant 32 : index
      %swap3A_607 = tpu.vector_load %arg31[%swap3A_605, %swap3A_606] {strides = array<i32>} : memref<48x64xf32, #tpu.memory_space<vmem>>, vector<16xf32>,
      tpu.vector_store %arg31[%swap3A_605, %swap3A_606], %mul3A_604 {strides = array<i32>} : memref<48x64xf32, #tpu.memory_space<vmem>>, vector<16xf32>,
      %get3A_608 = arith.index_cast %scan3A_578 : i32 to index
      %get3A_609 = arith.constant 48 : index
      %get3A_610 = tpu.vector_load %arg31[%get3A_608, %get3A_609] {strides = array<i32>} : memref<48x64xf32, #tpu.memory_space<vmem>>, vector<16xf32>,
      %mul3A_611 = arith.mulf %get3A_610, %div3A_587 : vector<16xf32>
      %swap3A_612 = arith.index_cast %scan3A_578 : i32 to index
      %swap3A_613 = arith.constant 48 : index
      %swap3A_614 = tpu.vector_load %arg31[%swap3A_612, %swap3A_613] {strides = array<i32>} : memref<48x64xf32, #tpu.memory_space<vmem>>, vector<16xf32>,
      tpu.vector_store %arg31[%swap3A_612, %swap3A_613], %mul3A_611 {strides = array<i32>} : memref<48x64xf32, #tpu.memory_space<vmem>>, vector<16xf32>,
      %scan3A_615 = arith.constant 0 : i32
      scf.yield %scan3A_615 : i32
    }
    %scan3A_448 = arith.constant 48 : i32
    %eq3A_449 = arith.constant 0 : i32
    %eq3A_450 = arith.cmpi eq, %arg0, %eq3A_449 : i32
    %convert_element_type3A_451 = arith.extui %eq3A_450 : i1 to i32
    %cond3A_452 = arith.constant 0 : i32
    %cond3A_453 = arith.cmpi ne, %convert_element_type3A_451, %cond3A_452 : i32
    scf.if %cond3A_453 {
      "tpu.region"() ({
        %run_scoped3A = tpu.sem_alloc : memref<!tpu.dma_semaphore, #tpu.memory_space<semaphore_mem>>
        %dma_start3A_578 = arith.constant 0 : i32
        %dma_start3A_579 = arith.constant 0 : i32
        %dma_start3A_580 = tpu.memref_slice %arg31[%dma_start3A_578, %dma_start3A_579] : memref<48x64xf32, #tpu.memory_space<vmem>> -> memref<48x64xf32, #tpu.memory_space<vmem>>
        %dma_start3A_581 = arith.constant 0 : i32
        %dma_start3A_582 = tpu.memref_slice %arg9[%add3A_441, %dma_start3A_581] : memref<10000x128xf32, #tpu.memory_space<hbm>> -> memref<48x64xf32, #tpu.memory_space<hbm>>
        %dma_start3A_583 = arith.constant 0 : i32
        %dma_start3A_584 = tpu.memref_slice %arg9[%add3A_441, %dma_start3A_583] : memref<10000x128xf32, #tpu.memory_space<hbm>> -> memref<48x64xf32, #tpu.memory_space<hbm>>
        %dma_start3A_585 = arith.constant 0 : i32
        %dma_start3A_586 = arith.constant 0 : i32
        %dma_start3A_587 = tpu.memref_slice %arg31[%dma_start3A_585, %dma_start3A_586] : memref<48x64xf32, #tpu.memory_space<vmem>> -> memref<48x64xf32, #tpu.memory_space<vmem>>
        tpu.enqueue_dma source(%dma_start3A_587 : memref<48x64xf32, #tpu.memory_space<vmem>>) target(%dma_start3A_584 : memref<48x64xf32, #tpu.memory_space<hbm>>) target_semaphore(%run_scoped3A : memref<!tpu.dma_semaphore, #tpu.memory_space<semaphore_mem>>)
        %dma_wait3A_588 = arith.constant 0 : i32
        %dma_wait3A_589 = arith.constant 0 : i32
        %dma_wait3A_590 = tpu.memref_slice %arg31[%dma_wait3A_588, %dma_wait3A_589] : memref<48x64xf32, #tpu.memory_space<vmem>> -> memref<48x64xf32, #tpu.memory_space<vmem>>
        %dma_wait3A_591 = arith.constant 0 : i32
        %dma_wait3A_592 = tpu.memref_slice %arg9[%add3A_441, %dma_wait3A_591] : memref<10000x128xf32, #tpu.memory_space<hbm>> -> memref<48x64xf32, #tpu.memory_space<hbm>>
        %dma_wait3A_593 = arith.constant 0 : i32
        %dma_wait3A_594 = tpu.memref_slice %arg9[%add3A_441, %dma_wait3A_593] : memref<10000x128xf32, #tpu.memory_space<hbm>> -> memref<48x64xf32, #tpu.memory_space<hbm>>
        %dma_wait3A_595 = arith.constant 0 : i32
        %dma_wait3A_596 = arith.constant 0 : i32
        %dma_wait3A_597 = tpu.memref_slice %arg31[%dma_wait3A_595, %dma_wait3A_596] : memref<48x64xf32, #tpu.memory_space<vmem>> -> memref<48x64xf32, #tpu.memory_space<vmem>>
        tpu.wait_dma2 semaphore(%run_scoped3A : memref<!tpu.dma_semaphore, #tpu.memory_space<semaphore_mem>>) src(%dma_wait3A_597 : memref<48x64xf32, #tpu.memory_space<vmem>>) dst(%dma_wait3A_594 : memref<48x64xf32, #tpu.memory_space<hbm>>)
        tpu.yield
      }) : () -> ()
    } else {
    }
    %eq3A_454 = arith.constant 1 : i32
    %eq3A_455 = arith.cmpi eq, %arg0, %eq3A_454 : i32
    %convert_element_type3A_456 = arith.extui %eq3A_455 : i1 to i32
    %cond3A_457 = arith.constant 0 : i32
    %cond3A_458 = arith.cmpi ne, %convert_element_type3A_456, %cond3A_457 : i32
    scf.if %cond3A_458 {
      "tpu.region"() ({
        %run_scoped3A = tpu.sem_alloc : memref<!tpu.dma_semaphore, #tpu.memory_space<semaphore_mem>>
        %dma_start3A_578 = arith.constant 0 : i32
        %dma_start3A_579 = arith.constant 0 : i32
        %dma_start3A_580 = tpu.memref_slice %arg31[%dma_start3A_578, %dma_start3A_579] : memref<48x64xf32, #tpu.memory_space<vmem>> -> memref<48x64xf32, #tpu.memory_space<vmem>>
        %dma_start3A_581 = arith.constant 64 : i32
        %dma_start3A_582 = tpu.memref_slice %arg9[%add3A_441, %dma_start3A_581] : memref<10000x128xf32, #tpu.memory_space<hbm>> -> memref<48x64xf32, #tpu.memory_space<hbm>>
        %dma_start3A_583 = arith.constant 64 : i32
        %dma_start3A_584 = tpu.memref_slice %arg9[%add3A_441, %dma_start3A_583] : memref<10000x128xf32, #tpu.memory_space<hbm>> -> memref<48x64xf32, #tpu.memory_space<hbm>>
        %dma_start3A_585 = arith.constant 0 : i32
        %dma_start3A_586 = arith.constant 0 : i32
        %dma_start3A_587 = tpu.memref_slice %arg31[%dma_start3A_585, %dma_start3A_586] : memref<48x64xf32, #tpu.memory_space<vmem>> -> memref<48x64xf32, #tpu.memory_space<vmem>>
        tpu.enqueue_dma source(%dma_start3A_587 : memref<48x64xf32, #tpu.memory_space<vmem>>) target(%dma_start3A_584 : memref<48x64xf32, #tpu.memory_space<hbm>>) target_semaphore(%run_scoped3A : memref<!tpu.dma_semaphore, #tpu.memory_space<semaphore_mem>>)
        %dma_wait3A_588 = arith.constant 0 : i32
        %dma_wait3A_589 = arith.constant 0 : i32
        %dma_wait3A_590 = tpu.memref_slice %arg31[%dma_wait3A_588, %dma_wait3A_589] : memref<48x64xf32, #tpu.memory_space<vmem>> -> memref<48x64xf32, #tpu.memory_space<vmem>>
        %dma_wait3A_591 = arith.constant 64 : i32
        %dma_wait3A_592 = tpu.memref_slice %arg9[%add3A_441, %dma_wait3A_591] : memref<10000x128xf32, #tpu.memory_space<hbm>> -> memref<48x64xf32, #tpu.memory_space<hbm>>
        %dma_wait3A_593 = arith.constant 64 : i32
        %dma_wait3A_594 = tpu.memref_slice %arg9[%add3A_441, %dma_wait3A_593] : memref<10000x128xf32, #tpu.memory_space<hbm>> -> memref<48x64xf32, #tpu.memory_space<hbm>>
        %dma_wait3A_595 = arith.constant 0 : i32
        %dma_wait3A_596 = arith.constant 0 : i32
        %dma_wait3A_597 = tpu.memref_slice %arg31[%dma_wait3A_595, %dma_wait3A_596] : memref<48x64xf32, #tpu.memory_space<vmem>> -> memref<48x64xf32, #tpu.memory_space<vmem>>
        tpu.wait_dma2 semaphore(%run_scoped3A : memref<!tpu.dma_semaphore, #tpu.memory_space<semaphore_mem>>) src(%dma_wait3A_597 : memref<48x64xf32, #tpu.memory_space<vmem>>) dst(%dma_wait3A_594 : memref<48x64xf32, #tpu.memory_space<hbm>>)
        tpu.yield
      }) : () -> ()
    } else {
    }
    %add3A_459 = arith.constant 336 : i32
    %add3A_460 = arith.addi %mul3A_10, %add3A_459 : i32
    "tpu.region"() ({
      %run_scoped3A = tpu.sem_alloc : memref<!tpu.dma_semaphore, #tpu.memory_space<semaphore_mem>>
      %dma_start3A_578 = arith.constant 0 : i32
      %dma_start3A_579 = arith.constant 0 : i32
      %dma_start3A_580 = tpu.memref_slice %arg31[%dma_start3A_578, %dma_start3A_579] : memref<48x64xf32, #tpu.memory_space<vmem>> -> memref<48x64xf32, #tpu.memory_space<vmem>>
      %dma_start3A_581 = arith.constant 0 : i32
      %dma_start3A_582 = tpu.memref_slice %arg33[%add3A_460, %dma_start3A_581] : memref<10000x64xf32, #tpu.memory_space<vmem_shared>> -> memref<48x64xf32, #tpu.memory_space<vmem_shared>>
      %dma_start3A_583 = arith.constant 0 : i32
      %dma_start3A_584 = arith.constant 0 : i32
      %dma_start3A_585 = tpu.memref_slice %arg31[%dma_start3A_583, %dma_start3A_584] : memref<48x64xf32, #tpu.memory_space<vmem>> -> memref<48x64xf32, #tpu.memory_space<vmem>>
      %dma_start3A_586 = arith.constant 0 : i32
      %dma_start3A_587 = tpu.memref_slice %arg33[%add3A_460, %dma_start3A_586] : memref<10000x64xf32, #tpu.memory_space<vmem_shared>> -> memref<48x64xf32, #tpu.memory_space<vmem_shared>>
      tpu.enqueue_dma source(%dma_start3A_587 : memref<48x64xf32, #tpu.memory_space<vmem_shared>>) target(%dma_start3A_585 : memref<48x64xf32, #tpu.memory_space<vmem>>) target_semaphore(%run_scoped3A : memref<!tpu.dma_semaphore, #tpu.memory_space<semaphore_mem>>)
      %dma_wait3A_588 = arith.constant 0 : i32
      %dma_wait3A_589 = arith.constant 0 : i32
      %dma_wait3A_590 = tpu.memref_slice %arg31[%dma_wait3A_588, %dma_wait3A_589] : memref<48x64xf32, #tpu.memory_space<vmem>> -> memref<48x64xf32, #tpu.memory_space<vmem>>
      %dma_wait3A_591 = arith.constant 0 : i32
      %dma_wait3A_592 = tpu.memref_slice %arg33[%add3A_460, %dma_wait3A_591] : memref<10000x64xf32, #tpu.memory_space<vmem_shared>> -> memref<48x64xf32, #tpu.memory_space<vmem_shared>>
      %dma_wait3A_593 = arith.constant 0 : i32
      %dma_wait3A_594 = arith.constant 0 : i32
      %dma_wait3A_595 = tpu.memref_slice %arg31[%dma_wait3A_593, %dma_wait3A_594] : memref<48x64xf32, #tpu.memory_space<vmem>> -> memref<48x64xf32, #tpu.memory_space<vmem>>
      %dma_wait3A_596 = arith.constant 0 : i32
      %dma_wait3A_597 = tpu.memref_slice %arg33[%add3A_460, %dma_wait3A_596] : memref<10000x64xf32, #tpu.memory_space<vmem_shared>> -> memref<48x64xf32, #tpu.memory_space<vmem_shared>>
      tpu.wait_dma2 semaphore(%run_scoped3A : memref<!tpu.dma_semaphore, #tpu.memory_space<semaphore_mem>>) src(%dma_wait3A_597 : memref<48x64xf32, #tpu.memory_space<vmem_shared>>) dst(%dma_wait3A_595 : memref<48x64xf32, #tpu.memory_space<vmem>>)
      tpu.yield
    }) : () -> ()
    "tpu.region"() ({
      %run_scoped3A = tpu.sem_alloc : memref<!tpu.dma_semaphore, #tpu.memory_space<semaphore_mem>>
      %dma_start3A_578 = arith.constant 0 : i32
      %dma_start3A_579 = arith.constant 0 : i32
      %dma_start3A_580 = tpu.memref_slice %arg32[%dma_start3A_578, %dma_start3A_579] : memref<48x16xf32, #tpu.memory_space<vmem>> -> memref<48x16xf32, #tpu.memory_space<vmem>>
      %dma_start3A_581 = arith.constant 0 : i32
      %dma_start3A_582 = tpu.memref_slice %arg34[%add3A_460, %dma_start3A_581] : memref<10000x16xf32, #tpu.memory_space<vmem_shared>> -> memref<48x16xf32, #tpu.memory_space<vmem_shared>>
      %dma_start3A_583 = arith.constant 0 : i32
      %dma_start3A_584 = arith.constant 0 : i32
      %dma_start3A_585 = tpu.memref_slice %arg32[%dma_start3A_583, %dma_start3A_584] : memref<48x16xf32, #tpu.memory_space<vmem>> -> memref<48x16xf32, #tpu.memory_space<vmem>>
      %dma_start3A_586 = arith.constant 0 : i32
      %dma_start3A_587 = tpu.memref_slice %arg34[%add3A_460, %dma_start3A_586] : memref<10000x16xf32, #tpu.memory_space<vmem_shared>> -> memref<48x16xf32, #tpu.memory_space<vmem_shared>>
      tpu.enqueue_dma source(%dma_start3A_587 : memref<48x16xf32, #tpu.memory_space<vmem_shared>>) target(%dma_start3A_585 : memref<48x16xf32, #tpu.memory_space<vmem>>) target_semaphore(%run_scoped3A : memref<!tpu.dma_semaphore, #tpu.memory_space<semaphore_mem>>)
      %dma_wait3A_588 = arith.constant 0 : i32
      %dma_wait3A_589 = arith.constant 0 : i32
      %dma_wait3A_590 = tpu.memref_slice %arg32[%dma_wait3A_588, %dma_wait3A_589] : memref<48x16xf32, #tpu.memory_space<vmem>> -> memref<48x16xf32, #tpu.memory_space<vmem>>
      %dma_wait3A_591 = arith.constant 0 : i32
      %dma_wait3A_592 = tpu.memref_slice %arg34[%add3A_460, %dma_wait3A_591] : memref<10000x16xf32, #tpu.memory_space<vmem_shared>> -> memref<48x16xf32, #tpu.memory_space<vmem_shared>>
      %dma_wait3A_593 = arith.constant 0 : i32
      %dma_wait3A_594 = arith.constant 0 : i32
      %dma_wait3A_595 = tpu.memref_slice %arg32[%dma_wait3A_593, %dma_wait3A_594] : memref<48x16xf32, #tpu.memory_space<vmem>> -> memref<48x16xf32, #tpu.memory_space<vmem>>
      %dma_wait3A_596 = arith.constant 0 : i32
      %dma_wait3A_597 = tpu.memref_slice %arg34[%add3A_460, %dma_wait3A_596] : memref<10000x16xf32, #tpu.memory_space<vmem_shared>> -> memref<48x16xf32, #tpu.memory_space<vmem_shared>>
      tpu.wait_dma2 semaphore(%run_scoped3A : memref<!tpu.dma_semaphore, #tpu.memory_space<semaphore_mem>>) src(%dma_wait3A_597 : memref<48x16xf32, #tpu.memory_space<vmem_shared>>) dst(%dma_wait3A_595 : memref<48x16xf32, #tpu.memory_space<vmem>>)
      tpu.yield
    }) : () -> ()
    %scan3A_461 = arith.constant 0 : i32
    %scan3A_462 = arith.constant 0 : i32
    %scan3A_463 = arith.constant 48 : i32
    %scan3A_464 = arith.addi %scan3A_462, %scan3A_463 : i32
    %scan3A_465 = arith.constant 1 : i32
    %scan3A_466 = scf.for %scan3A_578 = %scan3A_462 to %scan3A_464 step %scan3A_465 iter_args(%scan3A_579 = %scan3A_461) -> (i32)  : i32 {
      %get3A = arith.index_cast %scan3A_578 : i32 to index
      %get3A_580 = arith.constant 0 : index
      %get3A_581 = tpu.vector_load %arg32[%get3A, %get3A_580] {strides = array<i32>} : memref<48x16xf32, #tpu.memory_space<vmem>>, vector<16xf32>,
      %broadcast_in_dim3A_582 = arith.constant true
      %broadcast_in_dim3A_583 = vector.broadcast %broadcast_in_dim3A_582 : i1 to vector<16xi1>
      %masked_cumsum3A = tpu.scan <sum>, %get3A_581 masked %broadcast_in_dim3A_583 : vector<16xf32>, vector<16xi1> -> vector<16xf32>
      %max3A = arith.constant 1.000000e+00 : f32
      %max3A_584 = vector.broadcast %max3A : f32 to vector<16xf32>
      %max3A_585 = arith.maximumf %masked_cumsum3A, %max3A_584 : vector<16xf32>
      %div3A = arith.constant 1.000000e+00 : f32
      %div3A_586 = vector.broadcast %div3A : f32 to vector<16xf32>
      %div3A_587 = arith.divf %div3A_586, %max3A_585 : vector<16xf32>
      %get3A_588 = arith.index_cast %scan3A_578 : i32 to index
      %get3A_589 = arith.constant 0 : index
      %get3A_590 = tpu.vector_load %arg31[%get3A_588, %get3A_589] {strides = array<i32>} : memref<48x64xf32, #tpu.memory_space<vmem>>, vector<16xf32>,
      %mul3A_591 = arith.mulf %get3A_590, %div3A_587 : vector<16xf32>
      %swap3A = arith.index_cast %scan3A_578 : i32 to index
      %swap3A_592 = arith.constant 0 : index
      %swap3A_593 = tpu.vector_load %arg31[%swap3A, %swap3A_592] {strides = array<i32>} : memref<48x64xf32, #tpu.memory_space<vmem>>, vector<16xf32>,
      tpu.vector_store %arg31[%swap3A, %swap3A_592], %mul3A_591 {strides = array<i32>} : memref<48x64xf32, #tpu.memory_space<vmem>>, vector<16xf32>,
      %get3A_594 = arith.index_cast %scan3A_578 : i32 to index
      %get3A_595 = arith.constant 16 : index
      %get3A_596 = tpu.vector_load %arg31[%get3A_594, %get3A_595] {strides = array<i32>} : memref<48x64xf32, #tpu.memory_space<vmem>>, vector<16xf32>,
      %mul3A_597 = arith.mulf %get3A_596, %div3A_587 : vector<16xf32>
      %swap3A_598 = arith.index_cast %scan3A_578 : i32 to index
      %swap3A_599 = arith.constant 16 : index
      %swap3A_600 = tpu.vector_load %arg31[%swap3A_598, %swap3A_599] {strides = array<i32>} : memref<48x64xf32, #tpu.memory_space<vmem>>, vector<16xf32>,
      tpu.vector_store %arg31[%swap3A_598, %swap3A_599], %mul3A_597 {strides = array<i32>} : memref<48x64xf32, #tpu.memory_space<vmem>>, vector<16xf32>,
      %get3A_601 = arith.index_cast %scan3A_578 : i32 to index
      %get3A_602 = arith.constant 32 : index
      %get3A_603 = tpu.vector_load %arg31[%get3A_601, %get3A_602] {strides = array<i32>} : memref<48x64xf32, #tpu.memory_space<vmem>>, vector<16xf32>,
      %mul3A_604 = arith.mulf %get3A_603, %div3A_587 : vector<16xf32>
      %swap3A_605 = arith.index_cast %scan3A_578 : i32 to index
      %swap3A_606 = arith.constant 32 : index
      %swap3A_607 = tpu.vector_load %arg31[%swap3A_605, %swap3A_606] {strides = array<i32>} : memref<48x64xf32, #tpu.memory_space<vmem>>, vector<16xf32>,
      tpu.vector_store %arg31[%swap3A_605, %swap3A_606], %mul3A_604 {strides = array<i32>} : memref<48x64xf32, #tpu.memory_space<vmem>>, vector<16xf32>,
      %get3A_608 = arith.index_cast %scan3A_578 : i32 to index
      %get3A_609 = arith.constant 48 : index
      %get3A_610 = tpu.vector_load %arg31[%get3A_608, %get3A_609] {strides = array<i32>} : memref<48x64xf32, #tpu.memory_space<vmem>>, vector<16xf32>,
      %mul3A_611 = arith.mulf %get3A_610, %div3A_587 : vector<16xf32>
      %swap3A_612 = arith.index_cast %scan3A_578 : i32 to index
      %swap3A_613 = arith.constant 48 : index
      %swap3A_614 = tpu.vector_load %arg31[%swap3A_612, %swap3A_613] {strides = array<i32>} : memref<48x64xf32, #tpu.memory_space<vmem>>, vector<16xf32>,
      tpu.vector_store %arg31[%swap3A_612, %swap3A_613], %mul3A_611 {strides = array<i32>} : memref<48x64xf32, #tpu.memory_space<vmem>>, vector<16xf32>,
      %scan3A_615 = arith.constant 0 : i32
      scf.yield %scan3A_615 : i32
    }
    %scan3A_467 = arith.constant 48 : i32
    %eq3A_468 = arith.constant 0 : i32
    %eq3A_469 = arith.cmpi eq, %arg0, %eq3A_468 : i32
    %convert_element_type3A_470 = arith.extui %eq3A_469 : i1 to i32
    %cond3A_471 = arith.constant 0 : i32
    %cond3A_472 = arith.cmpi ne, %convert_element_type3A_470, %cond3A_471 : i32
    scf.if %cond3A_472 {
      "tpu.region"() ({
        %run_scoped3A = tpu.sem_alloc : memref<!tpu.dma_semaphore, #tpu.memory_space<semaphore_mem>>
        %dma_start3A_578 = arith.constant 0 : i32
        %dma_start3A_579 = arith.constant 0 : i32
        %dma_start3A_580 = tpu.memref_slice %arg31[%dma_start3A_578, %dma_start3A_579] : memref<48x64xf32, #tpu.memory_space<vmem>> -> memref<48x64xf32, #tpu.memory_space<vmem>>
        %dma_start3A_581 = arith.constant 0 : i32
        %dma_start3A_582 = tpu.memref_slice %arg9[%add3A_460, %dma_start3A_581] : memref<10000x128xf32, #tpu.memory_space<hbm>> -> memref<48x64xf32, #tpu.memory_space<hbm>>
        %dma_start3A_583 = arith.constant 0 : i32
        %dma_start3A_584 = tpu.memref_slice %arg9[%add3A_460, %dma_start3A_583] : memref<10000x128xf32, #tpu.memory_space<hbm>> -> memref<48x64xf32, #tpu.memory_space<hbm>>
        %dma_start3A_585 = arith.constant 0 : i32
        %dma_start3A_586 = arith.constant 0 : i32
        %dma_start3A_587 = tpu.memref_slice %arg31[%dma_start3A_585, %dma_start3A_586] : memref<48x64xf32, #tpu.memory_space<vmem>> -> memref<48x64xf32, #tpu.memory_space<vmem>>
        tpu.enqueue_dma source(%dma_start3A_587 : memref<48x64xf32, #tpu.memory_space<vmem>>) target(%dma_start3A_584 : memref<48x64xf32, #tpu.memory_space<hbm>>) target_semaphore(%run_scoped3A : memref<!tpu.dma_semaphore, #tpu.memory_space<semaphore_mem>>)
        %dma_wait3A_588 = arith.constant 0 : i32
        %dma_wait3A_589 = arith.constant 0 : i32
        %dma_wait3A_590 = tpu.memref_slice %arg31[%dma_wait3A_588, %dma_wait3A_589] : memref<48x64xf32, #tpu.memory_space<vmem>> -> memref<48x64xf32, #tpu.memory_space<vmem>>
        %dma_wait3A_591 = arith.constant 0 : i32
        %dma_wait3A_592 = tpu.memref_slice %arg9[%add3A_460, %dma_wait3A_591] : memref<10000x128xf32, #tpu.memory_space<hbm>> -> memref<48x64xf32, #tpu.memory_space<hbm>>
        %dma_wait3A_593 = arith.constant 0 : i32
        %dma_wait3A_594 = tpu.memref_slice %arg9[%add3A_460, %dma_wait3A_593] : memref<10000x128xf32, #tpu.memory_space<hbm>> -> memref<48x64xf32, #tpu.memory_space<hbm>>
        %dma_wait3A_595 = arith.constant 0 : i32
        %dma_wait3A_596 = arith.constant 0 : i32
        %dma_wait3A_597 = tpu.memref_slice %arg31[%dma_wait3A_595, %dma_wait3A_596] : memref<48x64xf32, #tpu.memory_space<vmem>> -> memref<48x64xf32, #tpu.memory_space<vmem>>
        tpu.wait_dma2 semaphore(%run_scoped3A : memref<!tpu.dma_semaphore, #tpu.memory_space<semaphore_mem>>) src(%dma_wait3A_597 : memref<48x64xf32, #tpu.memory_space<vmem>>) dst(%dma_wait3A_594 : memref<48x64xf32, #tpu.memory_space<hbm>>)
        tpu.yield
      }) : () -> ()
    } else {
    }
    %eq3A_473 = arith.constant 1 : i32
    %eq3A_474 = arith.cmpi eq, %arg0, %eq3A_473 : i32
    %convert_element_type3A_475 = arith.extui %eq3A_474 : i1 to i32
    %cond3A_476 = arith.constant 0 : i32
    %cond3A_477 = arith.cmpi ne, %convert_element_type3A_475, %cond3A_476 : i32
    scf.if %cond3A_477 {
      "tpu.region"() ({
        %run_scoped3A = tpu.sem_alloc : memref<!tpu.dma_semaphore, #tpu.memory_space<semaphore_mem>>
        %dma_start3A_578 = arith.constant 0 : i32
        %dma_start3A_579 = arith.constant 0 : i32
        %dma_start3A_580 = tpu.memref_slice %arg31[%dma_start3A_578, %dma_start3A_579] : memref<48x64xf32, #tpu.memory_space<vmem>> -> memref<48x64xf32, #tpu.memory_space<vmem>>
        %dma_start3A_581 = arith.constant 64 : i32
        %dma_start3A_582 = tpu.memref_slice %arg9[%add3A_460, %dma_start3A_581] : memref<10000x128xf32, #tpu.memory_space<hbm>> -> memref<48x64xf32, #tpu.memory_space<hbm>>
        %dma_start3A_583 = arith.constant 64 : i32
        %dma_start3A_584 = tpu.memref_slice %arg9[%add3A_460, %dma_start3A_583] : memref<10000x128xf32, #tpu.memory_space<hbm>> -> memref<48x64xf32, #tpu.memory_space<hbm>>
        %dma_start3A_585 = arith.constant 0 : i32
        %dma_start3A_586 = arith.constant 0 : i32
        %dma_start3A_587 = tpu.memref_slice %arg31[%dma_start3A_585, %dma_start3A_586] : memref<48x64xf32, #tpu.memory_space<vmem>> -> memref<48x64xf32, #tpu.memory_space<vmem>>
        tpu.enqueue_dma source(%dma_start3A_587 : memref<48x64xf32, #tpu.memory_space<vmem>>) target(%dma_start3A_584 : memref<48x64xf32, #tpu.memory_space<hbm>>) target_semaphore(%run_scoped3A : memref<!tpu.dma_semaphore, #tpu.memory_space<semaphore_mem>>)
        %dma_wait3A_588 = arith.constant 0 : i32
        %dma_wait3A_589 = arith.constant 0 : i32
        %dma_wait3A_590 = tpu.memref_slice %arg31[%dma_wait3A_588, %dma_wait3A_589] : memref<48x64xf32, #tpu.memory_space<vmem>> -> memref<48x64xf32, #tpu.memory_space<vmem>>
        %dma_wait3A_591 = arith.constant 64 : i32
        %dma_wait3A_592 = tpu.memref_slice %arg9[%add3A_460, %dma_wait3A_591] : memref<10000x128xf32, #tpu.memory_space<hbm>> -> memref<48x64xf32, #tpu.memory_space<hbm>>
        %dma_wait3A_593 = arith.constant 64 : i32
        %dma_wait3A_594 = tpu.memref_slice %arg9[%add3A_460, %dma_wait3A_593] : memref<10000x128xf32, #tpu.memory_space<hbm>> -> memref<48x64xf32, #tpu.memory_space<hbm>>
        %dma_wait3A_595 = arith.constant 0 : i32
        %dma_wait3A_596 = arith.constant 0 : i32
        %dma_wait3A_597 = tpu.memref_slice %arg31[%dma_wait3A_595, %dma_wait3A_596] : memref<48x64xf32, #tpu.memory_space<vmem>> -> memref<48x64xf32, #tpu.memory_space<vmem>>
        tpu.wait_dma2 semaphore(%run_scoped3A : memref<!tpu.dma_semaphore, #tpu.memory_space<semaphore_mem>>) src(%dma_wait3A_597 : memref<48x64xf32, #tpu.memory_space<vmem>>) dst(%dma_wait3A_594 : memref<48x64xf32, #tpu.memory_space<hbm>>)
        tpu.yield
      }) : () -> ()
    } else {
    }
    %add3A_478 = arith.constant 384 : i32
    %add3A_479 = arith.addi %mul3A_10, %add3A_478 : i32
    "tpu.region"() ({
      %run_scoped3A = tpu.sem_alloc : memref<!tpu.dma_semaphore, #tpu.memory_space<semaphore_mem>>
      %dma_start3A_578 = arith.constant 0 : i32
      %dma_start3A_579 = arith.constant 0 : i32
      %dma_start3A_580 = tpu.memref_slice %arg31[%dma_start3A_578, %dma_start3A_579] : memref<48x64xf32, #tpu.memory_space<vmem>> -> memref<48x64xf32, #tpu.memory_space<vmem>>
      %dma_start3A_581 = arith.constant 0 : i32
      %dma_start3A_582 = tpu.memref_slice %arg33[%add3A_479, %dma_start3A_581] : memref<10000x64xf32, #tpu.memory_space<vmem_shared>> -> memref<48x64xf32, #tpu.memory_space<vmem_shared>>
      %dma_start3A_583 = arith.constant 0 : i32
      %dma_start3A_584 = arith.constant 0 : i32
      %dma_start3A_585 = tpu.memref_slice %arg31[%dma_start3A_583, %dma_start3A_584] : memref<48x64xf32, #tpu.memory_space<vmem>> -> memref<48x64xf32, #tpu.memory_space<vmem>>
      %dma_start3A_586 = arith.constant 0 : i32
      %dma_start3A_587 = tpu.memref_slice %arg33[%add3A_479, %dma_start3A_586] : memref<10000x64xf32, #tpu.memory_space<vmem_shared>> -> memref<48x64xf32, #tpu.memory_space<vmem_shared>>
      tpu.enqueue_dma source(%dma_start3A_587 : memref<48x64xf32, #tpu.memory_space<vmem_shared>>) target(%dma_start3A_585 : memref<48x64xf32, #tpu.memory_space<vmem>>) target_semaphore(%run_scoped3A : memref<!tpu.dma_semaphore, #tpu.memory_space<semaphore_mem>>)
      %dma_wait3A_588 = arith.constant 0 : i32
      %dma_wait3A_589 = arith.constant 0 : i32
      %dma_wait3A_590 = tpu.memref_slice %arg31[%dma_wait3A_588, %dma_wait3A_589] : memref<48x64xf32, #tpu.memory_space<vmem>> -> memref<48x64xf32, #tpu.memory_space<vmem>>
      %dma_wait3A_591 = arith.constant 0 : i32
      %dma_wait3A_592 = tpu.memref_slice %arg33[%add3A_479, %dma_wait3A_591] : memref<10000x64xf32, #tpu.memory_space<vmem_shared>> -> memref<48x64xf32, #tpu.memory_space<vmem_shared>>
      %dma_wait3A_593 = arith.constant 0 : i32
      %dma_wait3A_594 = arith.constant 0 : i32
      %dma_wait3A_595 = tpu.memref_slice %arg31[%dma_wait3A_593, %dma_wait3A_594] : memref<48x64xf32, #tpu.memory_space<vmem>> -> memref<48x64xf32, #tpu.memory_space<vmem>>
      %dma_wait3A_596 = arith.constant 0 : i32
      %dma_wait3A_597 = tpu.memref_slice %arg33[%add3A_479, %dma_wait3A_596] : memref<10000x64xf32, #tpu.memory_space<vmem_shared>> -> memref<48x64xf32, #tpu.memory_space<vmem_shared>>
      tpu.wait_dma2 semaphore(%run_scoped3A : memref<!tpu.dma_semaphore, #tpu.memory_space<semaphore_mem>>) src(%dma_wait3A_597 : memref<48x64xf32, #tpu.memory_space<vmem_shared>>) dst(%dma_wait3A_595 : memref<48x64xf32, #tpu.memory_space<vmem>>)
      tpu.yield
    }) : () -> ()
    "tpu.region"() ({
      %run_scoped3A = tpu.sem_alloc : memref<!tpu.dma_semaphore, #tpu.memory_space<semaphore_mem>>
      %dma_start3A_578 = arith.constant 0 : i32
      %dma_start3A_579 = arith.constant 0 : i32
      %dma_start3A_580 = tpu.memref_slice %arg32[%dma_start3A_578, %dma_start3A_579] : memref<48x16xf32, #tpu.memory_space<vmem>> -> memref<48x16xf32, #tpu.memory_space<vmem>>
      %dma_start3A_581 = arith.constant 0 : i32
      %dma_start3A_582 = tpu.memref_slice %arg34[%add3A_479, %dma_start3A_581] : memref<10000x16xf32, #tpu.memory_space<vmem_shared>> -> memref<48x16xf32, #tpu.memory_space<vmem_shared>>
      %dma_start3A_583 = arith.constant 0 : i32
      %dma_start3A_584 = arith.constant 0 : i32
      %dma_start3A_585 = tpu.memref_slice %arg32[%dma_start3A_583, %dma_start3A_584] : memref<48x16xf32, #tpu.memory_space<vmem>> -> memref<48x16xf32, #tpu.memory_space<vmem>>
      %dma_start3A_586 = arith.constant 0 : i32
      %dma_start3A_587 = tpu.memref_slice %arg34[%add3A_479, %dma_start3A_586] : memref<10000x16xf32, #tpu.memory_space<vmem_shared>> -> memref<48x16xf32, #tpu.memory_space<vmem_shared>>
      tpu.enqueue_dma source(%dma_start3A_587 : memref<48x16xf32, #tpu.memory_space<vmem_shared>>) target(%dma_start3A_585 : memref<48x16xf32, #tpu.memory_space<vmem>>) target_semaphore(%run_scoped3A : memref<!tpu.dma_semaphore, #tpu.memory_space<semaphore_mem>>)
      %dma_wait3A_588 = arith.constant 0 : i32
      %dma_wait3A_589 = arith.constant 0 : i32
      %dma_wait3A_590 = tpu.memref_slice %arg32[%dma_wait3A_588, %dma_wait3A_589] : memref<48x16xf32, #tpu.memory_space<vmem>> -> memref<48x16xf32, #tpu.memory_space<vmem>>
      %dma_wait3A_591 = arith.constant 0 : i32
      %dma_wait3A_592 = tpu.memref_slice %arg34[%add3A_479, %dma_wait3A_591] : memref<10000x16xf32, #tpu.memory_space<vmem_shared>> -> memref<48x16xf32, #tpu.memory_space<vmem_shared>>
      %dma_wait3A_593 = arith.constant 0 : i32
      %dma_wait3A_594 = arith.constant 0 : i32
      %dma_wait3A_595 = tpu.memref_slice %arg32[%dma_wait3A_593, %dma_wait3A_594] : memref<48x16xf32, #tpu.memory_space<vmem>> -> memref<48x16xf32, #tpu.memory_space<vmem>>
      %dma_wait3A_596 = arith.constant 0 : i32
      %dma_wait3A_597 = tpu.memref_slice %arg34[%add3A_479, %dma_wait3A_596] : memref<10000x16xf32, #tpu.memory_space<vmem_shared>> -> memref<48x16xf32, #tpu.memory_space<vmem_shared>>
      tpu.wait_dma2 semaphore(%run_scoped3A : memref<!tpu.dma_semaphore, #tpu.memory_space<semaphore_mem>>) src(%dma_wait3A_597 : memref<48x16xf32, #tpu.memory_space<vmem_shared>>) dst(%dma_wait3A_595 : memref<48x16xf32, #tpu.memory_space<vmem>>)
      tpu.yield
    }) : () -> ()
    %scan3A_480 = arith.constant 0 : i32
    %scan3A_481 = arith.constant 0 : i32
    %scan3A_482 = arith.constant 48 : i32
    %scan3A_483 = arith.addi %scan3A_481, %scan3A_482 : i32
    %scan3A_484 = arith.constant 1 : i32
    %scan3A_485 = scf.for %scan3A_578 = %scan3A_481 to %scan3A_483 step %scan3A_484 iter_args(%scan3A_579 = %scan3A_480) -> (i32)  : i32 {
      %get3A = arith.index_cast %scan3A_578 : i32 to index
      %get3A_580 = arith.constant 0 : index
      %get3A_581 = tpu.vector_load %arg32[%get3A, %get3A_580] {strides = array<i32>} : memref<48x16xf32, #tpu.memory_space<vmem>>, vector<16xf32>,
      %broadcast_in_dim3A_582 = arith.constant true
      %broadcast_in_dim3A_583 = vector.broadcast %broadcast_in_dim3A_582 : i1 to vector<16xi1>
      %masked_cumsum3A = tpu.scan <sum>, %get3A_581 masked %broadcast_in_dim3A_583 : vector<16xf32>, vector<16xi1> -> vector<16xf32>
      %max3A = arith.constant 1.000000e+00 : f32
      %max3A_584 = vector.broadcast %max3A : f32 to vector<16xf32>
      %max3A_585 = arith.maximumf %masked_cumsum3A, %max3A_584 : vector<16xf32>
      %div3A = arith.constant 1.000000e+00 : f32
      %div3A_586 = vector.broadcast %div3A : f32 to vector<16xf32>
      %div3A_587 = arith.divf %div3A_586, %max3A_585 : vector<16xf32>
      %get3A_588 = arith.index_cast %scan3A_578 : i32 to index
      %get3A_589 = arith.constant 0 : index
      %get3A_590 = tpu.vector_load %arg31[%get3A_588, %get3A_589] {strides = array<i32>} : memref<48x64xf32, #tpu.memory_space<vmem>>, vector<16xf32>,
      %mul3A_591 = arith.mulf %get3A_590, %div3A_587 : vector<16xf32>
      %swap3A = arith.index_cast %scan3A_578 : i32 to index
      %swap3A_592 = arith.constant 0 : index
      %swap3A_593 = tpu.vector_load %arg31[%swap3A, %swap3A_592] {strides = array<i32>} : memref<48x64xf32, #tpu.memory_space<vmem>>, vector<16xf32>,
      tpu.vector_store %arg31[%swap3A, %swap3A_592], %mul3A_591 {strides = array<i32>} : memref<48x64xf32, #tpu.memory_space<vmem>>, vector<16xf32>,
      %get3A_594 = arith.index_cast %scan3A_578 : i32 to index
      %get3A_595 = arith.constant 16 : index
      %get3A_596 = tpu.vector_load %arg31[%get3A_594, %get3A_595] {strides = array<i32>} : memref<48x64xf32, #tpu.memory_space<vmem>>, vector<16xf32>,
      %mul3A_597 = arith.mulf %get3A_596, %div3A_587 : vector<16xf32>
      %swap3A_598 = arith.index_cast %scan3A_578 : i32 to index
      %swap3A_599 = arith.constant 16 : index
      %swap3A_600 = tpu.vector_load %arg31[%swap3A_598, %swap3A_599] {strides = array<i32>} : memref<48x64xf32, #tpu.memory_space<vmem>>, vector<16xf32>,
      tpu.vector_store %arg31[%swap3A_598, %swap3A_599], %mul3A_597 {strides = array<i32>} : memref<48x64xf32, #tpu.memory_space<vmem>>, vector<16xf32>,
      %get3A_601 = arith.index_cast %scan3A_578 : i32 to index
      %get3A_602 = arith.constant 32 : index
      %get3A_603 = tpu.vector_load %arg31[%get3A_601, %get3A_602] {strides = array<i32>} : memref<48x64xf32, #tpu.memory_space<vmem>>, vector<16xf32>,
      %mul3A_604 = arith.mulf %get3A_603, %div3A_587 : vector<16xf32>
      %swap3A_605 = arith.index_cast %scan3A_578 : i32 to index
      %swap3A_606 = arith.constant 32 : index
      %swap3A_607 = tpu.vector_load %arg31[%swap3A_605, %swap3A_606] {strides = array<i32>} : memref<48x64xf32, #tpu.memory_space<vmem>>, vector<16xf32>,
      tpu.vector_store %arg31[%swap3A_605, %swap3A_606], %mul3A_604 {strides = array<i32>} : memref<48x64xf32, #tpu.memory_space<vmem>>, vector<16xf32>,
      %get3A_608 = arith.index_cast %scan3A_578 : i32 to index
      %get3A_609 = arith.constant 48 : index
      %get3A_610 = tpu.vector_load %arg31[%get3A_608, %get3A_609] {strides = array<i32>} : memref<48x64xf32, #tpu.memory_space<vmem>>, vector<16xf32>,
      %mul3A_611 = arith.mulf %get3A_610, %div3A_587 : vector<16xf32>
      %swap3A_612 = arith.index_cast %scan3A_578 : i32 to index
      %swap3A_613 = arith.constant 48 : index
      %swap3A_614 = tpu.vector_load %arg31[%swap3A_612, %swap3A_613] {strides = array<i32>} : memref<48x64xf32, #tpu.memory_space<vmem>>, vector<16xf32>,
      tpu.vector_store %arg31[%swap3A_612, %swap3A_613], %mul3A_611 {strides = array<i32>} : memref<48x64xf32, #tpu.memory_space<vmem>>, vector<16xf32>,
      %scan3A_615 = arith.constant 0 : i32
      scf.yield %scan3A_615 : i32
    }
    %scan3A_486 = arith.constant 48 : i32
    %eq3A_487 = arith.constant 0 : i32
    %eq3A_488 = arith.cmpi eq, %arg0, %eq3A_487 : i32
    %convert_element_type3A_489 = arith.extui %eq3A_488 : i1 to i32
    %cond3A_490 = arith.constant 0 : i32
    %cond3A_491 = arith.cmpi ne, %convert_element_type3A_489, %cond3A_490 : i32
    scf.if %cond3A_491 {
      "tpu.region"() ({
        %run_scoped3A = tpu.sem_alloc : memref<!tpu.dma_semaphore, #tpu.memory_space<semaphore_mem>>
        %dma_start3A_578 = arith.constant 0 : i32
        %dma_start3A_579 = arith.constant 0 : i32
        %dma_start3A_580 = tpu.memref_slice %arg31[%dma_start3A_578, %dma_start3A_579] : memref<48x64xf32, #tpu.memory_space<vmem>> -> memref<48x64xf32, #tpu.memory_space<vmem>>
        %dma_start3A_581 = arith.constant 0 : i32
        %dma_start3A_582 = tpu.memref_slice %arg9[%add3A_479, %dma_start3A_581] : memref<10000x128xf32, #tpu.memory_space<hbm>> -> memref<48x64xf32, #tpu.memory_space<hbm>>
        %dma_start3A_583 = arith.constant 0 : i32
        %dma_start3A_584 = tpu.memref_slice %arg9[%add3A_479, %dma_start3A_583] : memref<10000x128xf32, #tpu.memory_space<hbm>> -> memref<48x64xf32, #tpu.memory_space<hbm>>
        %dma_start3A_585 = arith.constant 0 : i32
        %dma_start3A_586 = arith.constant 0 : i32
        %dma_start3A_587 = tpu.memref_slice %arg31[%dma_start3A_585, %dma_start3A_586] : memref<48x64xf32, #tpu.memory_space<vmem>> -> memref<48x64xf32, #tpu.memory_space<vmem>>
        tpu.enqueue_dma source(%dma_start3A_587 : memref<48x64xf32, #tpu.memory_space<vmem>>) target(%dma_start3A_584 : memref<48x64xf32, #tpu.memory_space<hbm>>) target_semaphore(%run_scoped3A : memref<!tpu.dma_semaphore, #tpu.memory_space<semaphore_mem>>)
        %dma_wait3A_588 = arith.constant 0 : i32
        %dma_wait3A_589 = arith.constant 0 : i32
        %dma_wait3A_590 = tpu.memref_slice %arg31[%dma_wait3A_588, %dma_wait3A_589] : memref<48x64xf32, #tpu.memory_space<vmem>> -> memref<48x64xf32, #tpu.memory_space<vmem>>
        %dma_wait3A_591 = arith.constant 0 : i32
        %dma_wait3A_592 = tpu.memref_slice %arg9[%add3A_479, %dma_wait3A_591] : memref<10000x128xf32, #tpu.memory_space<hbm>> -> memref<48x64xf32, #tpu.memory_space<hbm>>
        %dma_wait3A_593 = arith.constant 0 : i32
        %dma_wait3A_594 = tpu.memref_slice %arg9[%add3A_479, %dma_wait3A_593] : memref<10000x128xf32, #tpu.memory_space<hbm>> -> memref<48x64xf32, #tpu.memory_space<hbm>>
        %dma_wait3A_595 = arith.constant 0 : i32
        %dma_wait3A_596 = arith.constant 0 : i32
        %dma_wait3A_597 = tpu.memref_slice %arg31[%dma_wait3A_595, %dma_wait3A_596] : memref<48x64xf32, #tpu.memory_space<vmem>> -> memref<48x64xf32, #tpu.memory_space<vmem>>
        tpu.wait_dma2 semaphore(%run_scoped3A : memref<!tpu.dma_semaphore, #tpu.memory_space<semaphore_mem>>) src(%dma_wait3A_597 : memref<48x64xf32, #tpu.memory_space<vmem>>) dst(%dma_wait3A_594 : memref<48x64xf32, #tpu.memory_space<hbm>>)
        tpu.yield
      }) : () -> ()
    } else {
    }
    %eq3A_492 = arith.constant 1 : i32
    %eq3A_493 = arith.cmpi eq, %arg0, %eq3A_492 : i32
    %convert_element_type3A_494 = arith.extui %eq3A_493 : i1 to i32
    %cond3A_495 = arith.constant 0 : i32
    %cond3A_496 = arith.cmpi ne, %convert_element_type3A_494, %cond3A_495 : i32
    scf.if %cond3A_496 {
      "tpu.region"() ({
        %run_scoped3A = tpu.sem_alloc : memref<!tpu.dma_semaphore, #tpu.memory_space<semaphore_mem>>
        %dma_start3A_578 = arith.constant 0 : i32
        %dma_start3A_579 = arith.constant 0 : i32
        %dma_start3A_580 = tpu.memref_slice %arg31[%dma_start3A_578, %dma_start3A_579] : memref<48x64xf32, #tpu.memory_space<vmem>> -> memref<48x64xf32, #tpu.memory_space<vmem>>
        %dma_start3A_581 = arith.constant 64 : i32
        %dma_start3A_582 = tpu.memref_slice %arg9[%add3A_479, %dma_start3A_581] : memref<10000x128xf32, #tpu.memory_space<hbm>> -> memref<48x64xf32, #tpu.memory_space<hbm>>
        %dma_start3A_583 = arith.constant 64 : i32
        %dma_start3A_584 = tpu.memref_slice %arg9[%add3A_479, %dma_start3A_583] : memref<10000x128xf32, #tpu.memory_space<hbm>> -> memref<48x64xf32, #tpu.memory_space<hbm>>
        %dma_start3A_585 = arith.constant 0 : i32
        %dma_start3A_586 = arith.constant 0 : i32
        %dma_start3A_587 = tpu.memref_slice %arg31[%dma_start3A_585, %dma_start3A_586] : memref<48x64xf32, #tpu.memory_space<vmem>> -> memref<48x64xf32, #tpu.memory_space<vmem>>
        tpu.enqueue_dma source(%dma_start3A_587 : memref<48x64xf32, #tpu.memory_space<vmem>>) target(%dma_start3A_584 : memref<48x64xf32, #tpu.memory_space<hbm>>) target_semaphore(%run_scoped3A : memref<!tpu.dma_semaphore, #tpu.memory_space<semaphore_mem>>)
        %dma_wait3A_588 = arith.constant 0 : i32
        %dma_wait3A_589 = arith.constant 0 : i32
        %dma_wait3A_590 = tpu.memref_slice %arg31[%dma_wait3A_588, %dma_wait3A_589] : memref<48x64xf32, #tpu.memory_space<vmem>> -> memref<48x64xf32, #tpu.memory_space<vmem>>
        %dma_wait3A_591 = arith.constant 64 : i32
        %dma_wait3A_592 = tpu.memref_slice %arg9[%add3A_479, %dma_wait3A_591] : memref<10000x128xf32, #tpu.memory_space<hbm>> -> memref<48x64xf32, #tpu.memory_space<hbm>>
        %dma_wait3A_593 = arith.constant 64 : i32
        %dma_wait3A_594 = tpu.memref_slice %arg9[%add3A_479, %dma_wait3A_593] : memref<10000x128xf32, #tpu.memory_space<hbm>> -> memref<48x64xf32, #tpu.memory_space<hbm>>
        %dma_wait3A_595 = arith.constant 0 : i32
        %dma_wait3A_596 = arith.constant 0 : i32
        %dma_wait3A_597 = tpu.memref_slice %arg31[%dma_wait3A_595, %dma_wait3A_596] : memref<48x64xf32, #tpu.memory_space<vmem>> -> memref<48x64xf32, #tpu.memory_space<vmem>>
        tpu.wait_dma2 semaphore(%run_scoped3A : memref<!tpu.dma_semaphore, #tpu.memory_space<semaphore_mem>>) src(%dma_wait3A_597 : memref<48x64xf32, #tpu.memory_space<vmem>>) dst(%dma_wait3A_594 : memref<48x64xf32, #tpu.memory_space<hbm>>)
        tpu.yield
      }) : () -> ()
    } else {
    }
    %add3A_497 = arith.constant 432 : i32
    %add3A_498 = arith.addi %mul3A_10, %add3A_497 : i32
    "tpu.region"() ({
      %run_scoped3A = tpu.sem_alloc : memref<!tpu.dma_semaphore, #tpu.memory_space<semaphore_mem>>
      %dma_start3A_578 = arith.constant 0 : i32
      %dma_start3A_579 = arith.constant 0 : i32
      %dma_start3A_580 = tpu.memref_slice %arg31[%dma_start3A_578, %dma_start3A_579] : memref<48x64xf32, #tpu.memory_space<vmem>> -> memref<48x64xf32, #tpu.memory_space<vmem>>
      %dma_start3A_581 = arith.constant 0 : i32
      %dma_start3A_582 = tpu.memref_slice %arg33[%add3A_498, %dma_start3A_581] : memref<10000x64xf32, #tpu.memory_space<vmem_shared>> -> memref<48x64xf32, #tpu.memory_space<vmem_shared>>
      %dma_start3A_583 = arith.constant 0 : i32
      %dma_start3A_584 = arith.constant 0 : i32
      %dma_start3A_585 = tpu.memref_slice %arg31[%dma_start3A_583, %dma_start3A_584] : memref<48x64xf32, #tpu.memory_space<vmem>> -> memref<48x64xf32, #tpu.memory_space<vmem>>
      %dma_start3A_586 = arith.constant 0 : i32
      %dma_start3A_587 = tpu.memref_slice %arg33[%add3A_498, %dma_start3A_586] : memref<10000x64xf32, #tpu.memory_space<vmem_shared>> -> memref<48x64xf32, #tpu.memory_space<vmem_shared>>
      tpu.enqueue_dma source(%dma_start3A_587 : memref<48x64xf32, #tpu.memory_space<vmem_shared>>) target(%dma_start3A_585 : memref<48x64xf32, #tpu.memory_space<vmem>>) target_semaphore(%run_scoped3A : memref<!tpu.dma_semaphore, #tpu.memory_space<semaphore_mem>>)
      %dma_wait3A_588 = arith.constant 0 : i32
      %dma_wait3A_589 = arith.constant 0 : i32
      %dma_wait3A_590 = tpu.memref_slice %arg31[%dma_wait3A_588, %dma_wait3A_589] : memref<48x64xf32, #tpu.memory_space<vmem>> -> memref<48x64xf32, #tpu.memory_space<vmem>>
      %dma_wait3A_591 = arith.constant 0 : i32
      %dma_wait3A_592 = tpu.memref_slice %arg33[%add3A_498, %dma_wait3A_591] : memref<10000x64xf32, #tpu.memory_space<vmem_shared>> -> memref<48x64xf32, #tpu.memory_space<vmem_shared>>
      %dma_wait3A_593 = arith.constant 0 : i32
      %dma_wait3A_594 = arith.constant 0 : i32
      %dma_wait3A_595 = tpu.memref_slice %arg31[%dma_wait3A_593, %dma_wait3A_594] : memref<48x64xf32, #tpu.memory_space<vmem>> -> memref<48x64xf32, #tpu.memory_space<vmem>>
      %dma_wait3A_596 = arith.constant 0 : i32
      %dma_wait3A_597 = tpu.memref_slice %arg33[%add3A_498, %dma_wait3A_596] : memref<10000x64xf32, #tpu.memory_space<vmem_shared>> -> memref<48x64xf32, #tpu.memory_space<vmem_shared>>
      tpu.wait_dma2 semaphore(%run_scoped3A : memref<!tpu.dma_semaphore, #tpu.memory_space<semaphore_mem>>) src(%dma_wait3A_597 : memref<48x64xf32, #tpu.memory_space<vmem_shared>>) dst(%dma_wait3A_595 : memref<48x64xf32, #tpu.memory_space<vmem>>)
      tpu.yield
    }) : () -> ()
    "tpu.region"() ({
      %run_scoped3A = tpu.sem_alloc : memref<!tpu.dma_semaphore, #tpu.memory_space<semaphore_mem>>
      %dma_start3A_578 = arith.constant 0 : i32
      %dma_start3A_579 = arith.constant 0 : i32
      %dma_start3A_580 = tpu.memref_slice %arg32[%dma_start3A_578, %dma_start3A_579] : memref<48x16xf32, #tpu.memory_space<vmem>> -> memref<48x16xf32, #tpu.memory_space<vmem>>
      %dma_start3A_581 = arith.constant 0 : i32
      %dma_start3A_582 = tpu.memref_slice %arg34[%add3A_498, %dma_start3A_581] : memref<10000x16xf32, #tpu.memory_space<vmem_shared>> -> memref<48x16xf32, #tpu.memory_space<vmem_shared>>
      %dma_start3A_583 = arith.constant 0 : i32
      %dma_start3A_584 = arith.constant 0 : i32
      %dma_start3A_585 = tpu.memref_slice %arg32[%dma_start3A_583, %dma_start3A_584] : memref<48x16xf32, #tpu.memory_space<vmem>> -> memref<48x16xf32, #tpu.memory_space<vmem>>
      %dma_start3A_586 = arith.constant 0 : i32
      %dma_start3A_587 = tpu.memref_slice %arg34[%add3A_498, %dma_start3A_586] : memref<10000x16xf32, #tpu.memory_space<vmem_shared>> -> memref<48x16xf32, #tpu.memory_space<vmem_shared>>
      tpu.enqueue_dma source(%dma_start3A_587 : memref<48x16xf32, #tpu.memory_space<vmem_shared>>) target(%dma_start3A_585 : memref<48x16xf32, #tpu.memory_space<vmem>>) target_semaphore(%run_scoped3A : memref<!tpu.dma_semaphore, #tpu.memory_space<semaphore_mem>>)
      %dma_wait3A_588 = arith.constant 0 : i32
      %dma_wait3A_589 = arith.constant 0 : i32
      %dma_wait3A_590 = tpu.memref_slice %arg32[%dma_wait3A_588, %dma_wait3A_589] : memref<48x16xf32, #tpu.memory_space<vmem>> -> memref<48x16xf32, #tpu.memory_space<vmem>>
      %dma_wait3A_591 = arith.constant 0 : i32
      %dma_wait3A_592 = tpu.memref_slice %arg34[%add3A_498, %dma_wait3A_591] : memref<10000x16xf32, #tpu.memory_space<vmem_shared>> -> memref<48x16xf32, #tpu.memory_space<vmem_shared>>
      %dma_wait3A_593 = arith.constant 0 : i32
      %dma_wait3A_594 = arith.constant 0 : i32
      %dma_wait3A_595 = tpu.memref_slice %arg32[%dma_wait3A_593, %dma_wait3A_594] : memref<48x16xf32, #tpu.memory_space<vmem>> -> memref<48x16xf32, #tpu.memory_space<vmem>>
      %dma_wait3A_596 = arith.constant 0 : i32
      %dma_wait3A_597 = tpu.memref_slice %arg34[%add3A_498, %dma_wait3A_596] : memref<10000x16xf32, #tpu.memory_space<vmem_shared>> -> memref<48x16xf32, #tpu.memory_space<vmem_shared>>
      tpu.wait_dma2 semaphore(%run_scoped3A : memref<!tpu.dma_semaphore, #tpu.memory_space<semaphore_mem>>) src(%dma_wait3A_597 : memref<48x16xf32, #tpu.memory_space<vmem_shared>>) dst(%dma_wait3A_595 : memref<48x16xf32, #tpu.memory_space<vmem>>)
      tpu.yield
    }) : () -> ()
    %scan3A_499 = arith.constant 0 : i32
    %scan3A_500 = arith.constant 0 : i32
    %scan3A_501 = arith.constant 48 : i32
    %scan3A_502 = arith.addi %scan3A_500, %scan3A_501 : i32
    %scan3A_503 = arith.constant 1 : i32
    %scan3A_504 = scf.for %scan3A_578 = %scan3A_500 to %scan3A_502 step %scan3A_503 iter_args(%scan3A_579 = %scan3A_499) -> (i32)  : i32 {
      %get3A = arith.index_cast %scan3A_578 : i32 to index
      %get3A_580 = arith.constant 0 : index
      %get3A_581 = tpu.vector_load %arg32[%get3A, %get3A_580] {strides = array<i32>} : memref<48x16xf32, #tpu.memory_space<vmem>>, vector<16xf32>,
      %broadcast_in_dim3A_582 = arith.constant true
      %broadcast_in_dim3A_583 = vector.broadcast %broadcast_in_dim3A_582 : i1 to vector<16xi1>
      %masked_cumsum3A = tpu.scan <sum>, %get3A_581 masked %broadcast_in_dim3A_583 : vector<16xf32>, vector<16xi1> -> vector<16xf32>
      %max3A = arith.constant 1.000000e+00 : f32
      %max3A_584 = vector.broadcast %max3A : f32 to vector<16xf32>
      %max3A_585 = arith.maximumf %masked_cumsum3A, %max3A_584 : vector<16xf32>
      %div3A = arith.constant 1.000000e+00 : f32
      %div3A_586 = vector.broadcast %div3A : f32 to vector<16xf32>
      %div3A_587 = arith.divf %div3A_586, %max3A_585 : vector<16xf32>
      %get3A_588 = arith.index_cast %scan3A_578 : i32 to index
      %get3A_589 = arith.constant 0 : index
      %get3A_590 = tpu.vector_load %arg31[%get3A_588, %get3A_589] {strides = array<i32>} : memref<48x64xf32, #tpu.memory_space<vmem>>, vector<16xf32>,
      %mul3A_591 = arith.mulf %get3A_590, %div3A_587 : vector<16xf32>
      %swap3A = arith.index_cast %scan3A_578 : i32 to index
      %swap3A_592 = arith.constant 0 : index
      %swap3A_593 = tpu.vector_load %arg31[%swap3A, %swap3A_592] {strides = array<i32>} : memref<48x64xf32, #tpu.memory_space<vmem>>, vector<16xf32>,
      tpu.vector_store %arg31[%swap3A, %swap3A_592], %mul3A_591 {strides = array<i32>} : memref<48x64xf32, #tpu.memory_space<vmem>>, vector<16xf32>,
      %get3A_594 = arith.index_cast %scan3A_578 : i32 to index
      %get3A_595 = arith.constant 16 : index
      %get3A_596 = tpu.vector_load %arg31[%get3A_594, %get3A_595] {strides = array<i32>} : memref<48x64xf32, #tpu.memory_space<vmem>>, vector<16xf32>,
      %mul3A_597 = arith.mulf %get3A_596, %div3A_587 : vector<16xf32>
      %swap3A_598 = arith.index_cast %scan3A_578 : i32 to index
      %swap3A_599 = arith.constant 16 : index
      %swap3A_600 = tpu.vector_load %arg31[%swap3A_598, %swap3A_599] {strides = array<i32>} : memref<48x64xf32, #tpu.memory_space<vmem>>, vector<16xf32>,
      tpu.vector_store %arg31[%swap3A_598, %swap3A_599], %mul3A_597 {strides = array<i32>} : memref<48x64xf32, #tpu.memory_space<vmem>>, vector<16xf32>,
      %get3A_601 = arith.index_cast %scan3A_578 : i32 to index
      %get3A_602 = arith.constant 32 : index
      %get3A_603 = tpu.vector_load %arg31[%get3A_601, %get3A_602] {strides = array<i32>} : memref<48x64xf32, #tpu.memory_space<vmem>>, vector<16xf32>,
      %mul3A_604 = arith.mulf %get3A_603, %div3A_587 : vector<16xf32>
      %swap3A_605 = arith.index_cast %scan3A_578 : i32 to index
      %swap3A_606 = arith.constant 32 : index
      %swap3A_607 = tpu.vector_load %arg31[%swap3A_605, %swap3A_606] {strides = array<i32>} : memref<48x64xf32, #tpu.memory_space<vmem>>, vector<16xf32>,
      tpu.vector_store %arg31[%swap3A_605, %swap3A_606], %mul3A_604 {strides = array<i32>} : memref<48x64xf32, #tpu.memory_space<vmem>>, vector<16xf32>,
      %get3A_608 = arith.index_cast %scan3A_578 : i32 to index
      %get3A_609 = arith.constant 48 : index
      %get3A_610 = tpu.vector_load %arg31[%get3A_608, %get3A_609] {strides = array<i32>} : memref<48x64xf32, #tpu.memory_space<vmem>>, vector<16xf32>,
      %mul3A_611 = arith.mulf %get3A_610, %div3A_587 : vector<16xf32>
      %swap3A_612 = arith.index_cast %scan3A_578 : i32 to index
      %swap3A_613 = arith.constant 48 : index
      %swap3A_614 = tpu.vector_load %arg31[%swap3A_612, %swap3A_613] {strides = array<i32>} : memref<48x64xf32, #tpu.memory_space<vmem>>, vector<16xf32>,
      tpu.vector_store %arg31[%swap3A_612, %swap3A_613], %mul3A_611 {strides = array<i32>} : memref<48x64xf32, #tpu.memory_space<vmem>>, vector<16xf32>,
      %scan3A_615 = arith.constant 0 : i32
      scf.yield %scan3A_615 : i32
    }
    %scan3A_505 = arith.constant 48 : i32
    %eq3A_506 = arith.constant 0 : i32
    %eq3A_507 = arith.cmpi eq, %arg0, %eq3A_506 : i32
    %convert_element_type3A_508 = arith.extui %eq3A_507 : i1 to i32
    %cond3A_509 = arith.constant 0 : i32
    %cond3A_510 = arith.cmpi ne, %convert_element_type3A_508, %cond3A_509 : i32
    scf.if %cond3A_510 {
      "tpu.region"() ({
        %run_scoped3A = tpu.sem_alloc : memref<!tpu.dma_semaphore, #tpu.memory_space<semaphore_mem>>
        %dma_start3A_578 = arith.constant 0 : i32
        %dma_start3A_579 = arith.constant 0 : i32
        %dma_start3A_580 = tpu.memref_slice %arg31[%dma_start3A_578, %dma_start3A_579] : memref<48x64xf32, #tpu.memory_space<vmem>> -> memref<48x64xf32, #tpu.memory_space<vmem>>
        %dma_start3A_581 = arith.constant 0 : i32
        %dma_start3A_582 = tpu.memref_slice %arg9[%add3A_498, %dma_start3A_581] : memref<10000x128xf32, #tpu.memory_space<hbm>> -> memref<48x64xf32, #tpu.memory_space<hbm>>
        %dma_start3A_583 = arith.constant 0 : i32
        %dma_start3A_584 = tpu.memref_slice %arg9[%add3A_498, %dma_start3A_583] : memref<10000x128xf32, #tpu.memory_space<hbm>> -> memref<48x64xf32, #tpu.memory_space<hbm>>
        %dma_start3A_585 = arith.constant 0 : i32
        %dma_start3A_586 = arith.constant 0 : i32
        %dma_start3A_587 = tpu.memref_slice %arg31[%dma_start3A_585, %dma_start3A_586] : memref<48x64xf32, #tpu.memory_space<vmem>> -> memref<48x64xf32, #tpu.memory_space<vmem>>
        tpu.enqueue_dma source(%dma_start3A_587 : memref<48x64xf32, #tpu.memory_space<vmem>>) target(%dma_start3A_584 : memref<48x64xf32, #tpu.memory_space<hbm>>) target_semaphore(%run_scoped3A : memref<!tpu.dma_semaphore, #tpu.memory_space<semaphore_mem>>)
        %dma_wait3A_588 = arith.constant 0 : i32
        %dma_wait3A_589 = arith.constant 0 : i32
        %dma_wait3A_590 = tpu.memref_slice %arg31[%dma_wait3A_588, %dma_wait3A_589] : memref<48x64xf32, #tpu.memory_space<vmem>> -> memref<48x64xf32, #tpu.memory_space<vmem>>
        %dma_wait3A_591 = arith.constant 0 : i32
        %dma_wait3A_592 = tpu.memref_slice %arg9[%add3A_498, %dma_wait3A_591] : memref<10000x128xf32, #tpu.memory_space<hbm>> -> memref<48x64xf32, #tpu.memory_space<hbm>>
        %dma_wait3A_593 = arith.constant 0 : i32
        %dma_wait3A_594 = tpu.memref_slice %arg9[%add3A_498, %dma_wait3A_593] : memref<10000x128xf32, #tpu.memory_space<hbm>> -> memref<48x64xf32, #tpu.memory_space<hbm>>
        %dma_wait3A_595 = arith.constant 0 : i32
        %dma_wait3A_596 = arith.constant 0 : i32
        %dma_wait3A_597 = tpu.memref_slice %arg31[%dma_wait3A_595, %dma_wait3A_596] : memref<48x64xf32, #tpu.memory_space<vmem>> -> memref<48x64xf32, #tpu.memory_space<vmem>>
        tpu.wait_dma2 semaphore(%run_scoped3A : memref<!tpu.dma_semaphore, #tpu.memory_space<semaphore_mem>>) src(%dma_wait3A_597 : memref<48x64xf32, #tpu.memory_space<vmem>>) dst(%dma_wait3A_594 : memref<48x64xf32, #tpu.memory_space<hbm>>)
        tpu.yield
      }) : () -> ()
    } else {
    }
    %eq3A_511 = arith.constant 1 : i32
    %eq3A_512 = arith.cmpi eq, %arg0, %eq3A_511 : i32
    %convert_element_type3A_513 = arith.extui %eq3A_512 : i1 to i32
    %cond3A_514 = arith.constant 0 : i32
    %cond3A_515 = arith.cmpi ne, %convert_element_type3A_513, %cond3A_514 : i32
    scf.if %cond3A_515 {
      "tpu.region"() ({
        %run_scoped3A = tpu.sem_alloc : memref<!tpu.dma_semaphore, #tpu.memory_space<semaphore_mem>>
        %dma_start3A_578 = arith.constant 0 : i32
        %dma_start3A_579 = arith.constant 0 : i32
        %dma_start3A_580 = tpu.memref_slice %arg31[%dma_start3A_578, %dma_start3A_579] : memref<48x64xf32, #tpu.memory_space<vmem>> -> memref<48x64xf32, #tpu.memory_space<vmem>>
        %dma_start3A_581 = arith.constant 64 : i32
        %dma_start3A_582 = tpu.memref_slice %arg9[%add3A_498, %dma_start3A_581] : memref<10000x128xf32, #tpu.memory_space<hbm>> -> memref<48x64xf32, #tpu.memory_space<hbm>>
        %dma_start3A_583 = arith.constant 64 : i32
        %dma_start3A_584 = tpu.memref_slice %arg9[%add3A_498, %dma_start3A_583] : memref<10000x128xf32, #tpu.memory_space<hbm>> -> memref<48x64xf32, #tpu.memory_space<hbm>>
        %dma_start3A_585 = arith.constant 0 : i32
        %dma_start3A_586 = arith.constant 0 : i32
        %dma_start3A_587 = tpu.memref_slice %arg31[%dma_start3A_585, %dma_start3A_586] : memref<48x64xf32, #tpu.memory_space<vmem>> -> memref<48x64xf32, #tpu.memory_space<vmem>>
        tpu.enqueue_dma source(%dma_start3A_587 : memref<48x64xf32, #tpu.memory_space<vmem>>) target(%dma_start3A_584 : memref<48x64xf32, #tpu.memory_space<hbm>>) target_semaphore(%run_scoped3A : memref<!tpu.dma_semaphore, #tpu.memory_space<semaphore_mem>>)
        %dma_wait3A_588 = arith.constant 0 : i32
        %dma_wait3A_589 = arith.constant 0 : i32
        %dma_wait3A_590 = tpu.memref_slice %arg31[%dma_wait3A_588, %dma_wait3A_589] : memref<48x64xf32, #tpu.memory_space<vmem>> -> memref<48x64xf32, #tpu.memory_space<vmem>>
        %dma_wait3A_591 = arith.constant 64 : i32
        %dma_wait3A_592 = tpu.memref_slice %arg9[%add3A_498, %dma_wait3A_591] : memref<10000x128xf32, #tpu.memory_space<hbm>> -> memref<48x64xf32, #tpu.memory_space<hbm>>
        %dma_wait3A_593 = arith.constant 64 : i32
        %dma_wait3A_594 = tpu.memref_slice %arg9[%add3A_498, %dma_wait3A_593] : memref<10000x128xf32, #tpu.memory_space<hbm>> -> memref<48x64xf32, #tpu.memory_space<hbm>>
        %dma_wait3A_595 = arith.constant 0 : i32
        %dma_wait3A_596 = arith.constant 0 : i32
        %dma_wait3A_597 = tpu.memref_slice %arg31[%dma_wait3A_595, %dma_wait3A_596] : memref<48x64xf32, #tpu.memory_space<vmem>> -> memref<48x64xf32, #tpu.memory_space<vmem>>
        tpu.wait_dma2 semaphore(%run_scoped3A : memref<!tpu.dma_semaphore, #tpu.memory_space<semaphore_mem>>) src(%dma_wait3A_597 : memref<48x64xf32, #tpu.memory_space<vmem>>) dst(%dma_wait3A_594 : memref<48x64xf32, #tpu.memory_space<hbm>>)
        tpu.yield
      }) : () -> ()
    } else {
    }
    %add3A_516 = arith.constant 480 : i32
    %add3A_517 = arith.addi %mul3A_10, %add3A_516 : i32
    "tpu.region"() ({
      %run_scoped3A = tpu.sem_alloc : memref<!tpu.dma_semaphore, #tpu.memory_space<semaphore_mem>>
      %dma_start3A_578 = arith.constant 0 : i32
      %dma_start3A_579 = arith.constant 0 : i32
      %dma_start3A_580 = tpu.memref_slice %arg31[%dma_start3A_578, %dma_start3A_579] : memref<48x64xf32, #tpu.memory_space<vmem>> -> memref<48x64xf32, #tpu.memory_space<vmem>>
      %dma_start3A_581 = arith.constant 0 : i32
      %dma_start3A_582 = tpu.memref_slice %arg33[%add3A_517, %dma_start3A_581] : memref<10000x64xf32, #tpu.memory_space<vmem_shared>> -> memref<48x64xf32, #tpu.memory_space<vmem_shared>>
      %dma_start3A_583 = arith.constant 0 : i32
      %dma_start3A_584 = arith.constant 0 : i32
      %dma_start3A_585 = tpu.memref_slice %arg31[%dma_start3A_583, %dma_start3A_584] : memref<48x64xf32, #tpu.memory_space<vmem>> -> memref<48x64xf32, #tpu.memory_space<vmem>>
      %dma_start3A_586 = arith.constant 0 : i32
      %dma_start3A_587 = tpu.memref_slice %arg33[%add3A_517, %dma_start3A_586] : memref<10000x64xf32, #tpu.memory_space<vmem_shared>> -> memref<48x64xf32, #tpu.memory_space<vmem_shared>>
      tpu.enqueue_dma source(%dma_start3A_587 : memref<48x64xf32, #tpu.memory_space<vmem_shared>>) target(%dma_start3A_585 : memref<48x64xf32, #tpu.memory_space<vmem>>) target_semaphore(%run_scoped3A : memref<!tpu.dma_semaphore, #tpu.memory_space<semaphore_mem>>)
      %dma_wait3A_588 = arith.constant 0 : i32
      %dma_wait3A_589 = arith.constant 0 : i32
      %dma_wait3A_590 = tpu.memref_slice %arg31[%dma_wait3A_588, %dma_wait3A_589] : memref<48x64xf32, #tpu.memory_space<vmem>> -> memref<48x64xf32, #tpu.memory_space<vmem>>
      %dma_wait3A_591 = arith.constant 0 : i32
      %dma_wait3A_592 = tpu.memref_slice %arg33[%add3A_517, %dma_wait3A_591] : memref<10000x64xf32, #tpu.memory_space<vmem_shared>> -> memref<48x64xf32, #tpu.memory_space<vmem_shared>>
      %dma_wait3A_593 = arith.constant 0 : i32
      %dma_wait3A_594 = arith.constant 0 : i32
      %dma_wait3A_595 = tpu.memref_slice %arg31[%dma_wait3A_593, %dma_wait3A_594] : memref<48x64xf32, #tpu.memory_space<vmem>> -> memref<48x64xf32, #tpu.memory_space<vmem>>
      %dma_wait3A_596 = arith.constant 0 : i32
      %dma_wait3A_597 = tpu.memref_slice %arg33[%add3A_517, %dma_wait3A_596] : memref<10000x64xf32, #tpu.memory_space<vmem_shared>> -> memref<48x64xf32, #tpu.memory_space<vmem_shared>>
      tpu.wait_dma2 semaphore(%run_scoped3A : memref<!tpu.dma_semaphore, #tpu.memory_space<semaphore_mem>>) src(%dma_wait3A_597 : memref<48x64xf32, #tpu.memory_space<vmem_shared>>) dst(%dma_wait3A_595 : memref<48x64xf32, #tpu.memory_space<vmem>>)
      tpu.yield
    }) : () -> ()
    "tpu.region"() ({
      %run_scoped3A = tpu.sem_alloc : memref<!tpu.dma_semaphore, #tpu.memory_space<semaphore_mem>>
      %dma_start3A_578 = arith.constant 0 : i32
      %dma_start3A_579 = arith.constant 0 : i32
      %dma_start3A_580 = tpu.memref_slice %arg32[%dma_start3A_578, %dma_start3A_579] : memref<48x16xf32, #tpu.memory_space<vmem>> -> memref<48x16xf32, #tpu.memory_space<vmem>>
      %dma_start3A_581 = arith.constant 0 : i32
      %dma_start3A_582 = tpu.memref_slice %arg34[%add3A_517, %dma_start3A_581] : memref<10000x16xf32, #tpu.memory_space<vmem_shared>> -> memref<48x16xf32, #tpu.memory_space<vmem_shared>>
      %dma_start3A_583 = arith.constant 0 : i32
      %dma_start3A_584 = arith.constant 0 : i32
      %dma_start3A_585 = tpu.memref_slice %arg32[%dma_start3A_583, %dma_start3A_584] : memref<48x16xf32, #tpu.memory_space<vmem>> -> memref<48x16xf32, #tpu.memory_space<vmem>>
      %dma_start3A_586 = arith.constant 0 : i32
      %dma_start3A_587 = tpu.memref_slice %arg34[%add3A_517, %dma_start3A_586] : memref<10000x16xf32, #tpu.memory_space<vmem_shared>> -> memref<48x16xf32, #tpu.memory_space<vmem_shared>>
      tpu.enqueue_dma source(%dma_start3A_587 : memref<48x16xf32, #tpu.memory_space<vmem_shared>>) target(%dma_start3A_585 : memref<48x16xf32, #tpu.memory_space<vmem>>) target_semaphore(%run_scoped3A : memref<!tpu.dma_semaphore, #tpu.memory_space<semaphore_mem>>)
      %dma_wait3A_588 = arith.constant 0 : i32
      %dma_wait3A_589 = arith.constant 0 : i32
      %dma_wait3A_590 = tpu.memref_slice %arg32[%dma_wait3A_588, %dma_wait3A_589] : memref<48x16xf32, #tpu.memory_space<vmem>> -> memref<48x16xf32, #tpu.memory_space<vmem>>
      %dma_wait3A_591 = arith.constant 0 : i32
      %dma_wait3A_592 = tpu.memref_slice %arg34[%add3A_517, %dma_wait3A_591] : memref<10000x16xf32, #tpu.memory_space<vmem_shared>> -> memref<48x16xf32, #tpu.memory_space<vmem_shared>>
      %dma_wait3A_593 = arith.constant 0 : i32
      %dma_wait3A_594 = arith.constant 0 : i32
      %dma_wait3A_595 = tpu.memref_slice %arg32[%dma_wait3A_593, %dma_wait3A_594] : memref<48x16xf32, #tpu.memory_space<vmem>> -> memref<48x16xf32, #tpu.memory_space<vmem>>
      %dma_wait3A_596 = arith.constant 0 : i32
      %dma_wait3A_597 = tpu.memref_slice %arg34[%add3A_517, %dma_wait3A_596] : memref<10000x16xf32, #tpu.memory_space<vmem_shared>> -> memref<48x16xf32, #tpu.memory_space<vmem_shared>>
      tpu.wait_dma2 semaphore(%run_scoped3A : memref<!tpu.dma_semaphore, #tpu.memory_space<semaphore_mem>>) src(%dma_wait3A_597 : memref<48x16xf32, #tpu.memory_space<vmem_shared>>) dst(%dma_wait3A_595 : memref<48x16xf32, #tpu.memory_space<vmem>>)
      tpu.yield
    }) : () -> ()
    %scan3A_518 = arith.constant 0 : i32
    %scan3A_519 = arith.constant 0 : i32
    %scan3A_520 = arith.constant 48 : i32
    %scan3A_521 = arith.addi %scan3A_519, %scan3A_520 : i32
    %scan3A_522 = arith.constant 1 : i32
    %scan3A_523 = scf.for %scan3A_578 = %scan3A_519 to %scan3A_521 step %scan3A_522 iter_args(%scan3A_579 = %scan3A_518) -> (i32)  : i32 {
      %get3A = arith.index_cast %scan3A_578 : i32 to index
      %get3A_580 = arith.constant 0 : index
      %get3A_581 = tpu.vector_load %arg32[%get3A, %get3A_580] {strides = array<i32>} : memref<48x16xf32, #tpu.memory_space<vmem>>, vector<16xf32>,
      %broadcast_in_dim3A_582 = arith.constant true
      %broadcast_in_dim3A_583 = vector.broadcast %broadcast_in_dim3A_582 : i1 to vector<16xi1>
      %masked_cumsum3A = tpu.scan <sum>, %get3A_581 masked %broadcast_in_dim3A_583 : vector<16xf32>, vector<16xi1> -> vector<16xf32>
      %max3A = arith.constant 1.000000e+00 : f32
      %max3A_584 = vector.broadcast %max3A : f32 to vector<16xf32>
      %max3A_585 = arith.maximumf %masked_cumsum3A, %max3A_584 : vector<16xf32>
      %div3A = arith.constant 1.000000e+00 : f32
      %div3A_586 = vector.broadcast %div3A : f32 to vector<16xf32>
      %div3A_587 = arith.divf %div3A_586, %max3A_585 : vector<16xf32>
      %get3A_588 = arith.index_cast %scan3A_578 : i32 to index
      %get3A_589 = arith.constant 0 : index
      %get3A_590 = tpu.vector_load %arg31[%get3A_588, %get3A_589] {strides = array<i32>} : memref<48x64xf32, #tpu.memory_space<vmem>>, vector<16xf32>,
      %mul3A_591 = arith.mulf %get3A_590, %div3A_587 : vector<16xf32>
      %swap3A = arith.index_cast %scan3A_578 : i32 to index
      %swap3A_592 = arith.constant 0 : index
      %swap3A_593 = tpu.vector_load %arg31[%swap3A, %swap3A_592] {strides = array<i32>} : memref<48x64xf32, #tpu.memory_space<vmem>>, vector<16xf32>,
      tpu.vector_store %arg31[%swap3A, %swap3A_592], %mul3A_591 {strides = array<i32>} : memref<48x64xf32, #tpu.memory_space<vmem>>, vector<16xf32>,
      %get3A_594 = arith.index_cast %scan3A_578 : i32 to index
      %get3A_595 = arith.constant 16 : index
      %get3A_596 = tpu.vector_load %arg31[%get3A_594, %get3A_595] {strides = array<i32>} : memref<48x64xf32, #tpu.memory_space<vmem>>, vector<16xf32>,
      %mul3A_597 = arith.mulf %get3A_596, %div3A_587 : vector<16xf32>
      %swap3A_598 = arith.index_cast %scan3A_578 : i32 to index
      %swap3A_599 = arith.constant 16 : index
      %swap3A_600 = tpu.vector_load %arg31[%swap3A_598, %swap3A_599] {strides = array<i32>} : memref<48x64xf32, #tpu.memory_space<vmem>>, vector<16xf32>,
      tpu.vector_store %arg31[%swap3A_598, %swap3A_599], %mul3A_597 {strides = array<i32>} : memref<48x64xf32, #tpu.memory_space<vmem>>, vector<16xf32>,
      %get3A_601 = arith.index_cast %scan3A_578 : i32 to index
      %get3A_602 = arith.constant 32 : index
      %get3A_603 = tpu.vector_load %arg31[%get3A_601, %get3A_602] {strides = array<i32>} : memref<48x64xf32, #tpu.memory_space<vmem>>, vector<16xf32>,
      %mul3A_604 = arith.mulf %get3A_603, %div3A_587 : vector<16xf32>
      %swap3A_605 = arith.index_cast %scan3A_578 : i32 to index
      %swap3A_606 = arith.constant 32 : index
      %swap3A_607 = tpu.vector_load %arg31[%swap3A_605, %swap3A_606] {strides = array<i32>} : memref<48x64xf32, #tpu.memory_space<vmem>>, vector<16xf32>,
      tpu.vector_store %arg31[%swap3A_605, %swap3A_606], %mul3A_604 {strides = array<i32>} : memref<48x64xf32, #tpu.memory_space<vmem>>, vector<16xf32>,
      %get3A_608 = arith.index_cast %scan3A_578 : i32 to index
      %get3A_609 = arith.constant 48 : index
      %get3A_610 = tpu.vector_load %arg31[%get3A_608, %get3A_609] {strides = array<i32>} : memref<48x64xf32, #tpu.memory_space<vmem>>, vector<16xf32>,
      %mul3A_611 = arith.mulf %get3A_610, %div3A_587 : vector<16xf32>
      %swap3A_612 = arith.index_cast %scan3A_578 : i32 to index
      %swap3A_613 = arith.constant 48 : index
      %swap3A_614 = tpu.vector_load %arg31[%swap3A_612, %swap3A_613] {strides = array<i32>} : memref<48x64xf32, #tpu.memory_space<vmem>>, vector<16xf32>,
      tpu.vector_store %arg31[%swap3A_612, %swap3A_613], %mul3A_611 {strides = array<i32>} : memref<48x64xf32, #tpu.memory_space<vmem>>, vector<16xf32>,
      %scan3A_615 = arith.constant 0 : i32
      scf.yield %scan3A_615 : i32
    }
    %scan3A_524 = arith.constant 48 : i32
    %eq3A_525 = arith.constant 0 : i32
    %eq3A_526 = arith.cmpi eq, %arg0, %eq3A_525 : i32
    %convert_element_type3A_527 = arith.extui %eq3A_526 : i1 to i32
    %cond3A_528 = arith.constant 0 : i32
    %cond3A_529 = arith.cmpi ne, %convert_element_type3A_527, %cond3A_528 : i32
    scf.if %cond3A_529 {
      "tpu.region"() ({
        %run_scoped3A = tpu.sem_alloc : memref<!tpu.dma_semaphore, #tpu.memory_space<semaphore_mem>>
        %dma_start3A_578 = arith.constant 0 : i32
        %dma_start3A_579 = arith.constant 0 : i32
        %dma_start3A_580 = tpu.memref_slice %arg31[%dma_start3A_578, %dma_start3A_579] : memref<48x64xf32, #tpu.memory_space<vmem>> -> memref<48x64xf32, #tpu.memory_space<vmem>>
        %dma_start3A_581 = arith.constant 0 : i32
        %dma_start3A_582 = tpu.memref_slice %arg9[%add3A_517, %dma_start3A_581] : memref<10000x128xf32, #tpu.memory_space<hbm>> -> memref<48x64xf32, #tpu.memory_space<hbm>>
        %dma_start3A_583 = arith.constant 0 : i32
        %dma_start3A_584 = tpu.memref_slice %arg9[%add3A_517, %dma_start3A_583] : memref<10000x128xf32, #tpu.memory_space<hbm>> -> memref<48x64xf32, #tpu.memory_space<hbm>>
        %dma_start3A_585 = arith.constant 0 : i32
        %dma_start3A_586 = arith.constant 0 : i32
        %dma_start3A_587 = tpu.memref_slice %arg31[%dma_start3A_585, %dma_start3A_586] : memref<48x64xf32, #tpu.memory_space<vmem>> -> memref<48x64xf32, #tpu.memory_space<vmem>>
        tpu.enqueue_dma source(%dma_start3A_587 : memref<48x64xf32, #tpu.memory_space<vmem>>) target(%dma_start3A_584 : memref<48x64xf32, #tpu.memory_space<hbm>>) target_semaphore(%run_scoped3A : memref<!tpu.dma_semaphore, #tpu.memory_space<semaphore_mem>>)
        %dma_wait3A_588 = arith.constant 0 : i32
        %dma_wait3A_589 = arith.constant 0 : i32
        %dma_wait3A_590 = tpu.memref_slice %arg31[%dma_wait3A_588, %dma_wait3A_589] : memref<48x64xf32, #tpu.memory_space<vmem>> -> memref<48x64xf32, #tpu.memory_space<vmem>>
        %dma_wait3A_591 = arith.constant 0 : i32
        %dma_wait3A_592 = tpu.memref_slice %arg9[%add3A_517, %dma_wait3A_591] : memref<10000x128xf32, #tpu.memory_space<hbm>> -> memref<48x64xf32, #tpu.memory_space<hbm>>
        %dma_wait3A_593 = arith.constant 0 : i32
        %dma_wait3A_594 = tpu.memref_slice %arg9[%add3A_517, %dma_wait3A_593] : memref<10000x128xf32, #tpu.memory_space<hbm>> -> memref<48x64xf32, #tpu.memory_space<hbm>>
        %dma_wait3A_595 = arith.constant 0 : i32
        %dma_wait3A_596 = arith.constant 0 : i32
        %dma_wait3A_597 = tpu.memref_slice %arg31[%dma_wait3A_595, %dma_wait3A_596] : memref<48x64xf32, #tpu.memory_space<vmem>> -> memref<48x64xf32, #tpu.memory_space<vmem>>
        tpu.wait_dma2 semaphore(%run_scoped3A : memref<!tpu.dma_semaphore, #tpu.memory_space<semaphore_mem>>) src(%dma_wait3A_597 : memref<48x64xf32, #tpu.memory_space<vmem>>) dst(%dma_wait3A_594 : memref<48x64xf32, #tpu.memory_space<hbm>>)
        tpu.yield
      }) : () -> ()
    } else {
    }
    %eq3A_530 = arith.constant 1 : i32
    %eq3A_531 = arith.cmpi eq, %arg0, %eq3A_530 : i32
    %convert_element_type3A_532 = arith.extui %eq3A_531 : i1 to i32
    %cond3A_533 = arith.constant 0 : i32
    %cond3A_534 = arith.cmpi ne, %convert_element_type3A_532, %cond3A_533 : i32
    scf.if %cond3A_534 {
      "tpu.region"() ({
        %run_scoped3A = tpu.sem_alloc : memref<!tpu.dma_semaphore, #tpu.memory_space<semaphore_mem>>
        %dma_start3A_578 = arith.constant 0 : i32
        %dma_start3A_579 = arith.constant 0 : i32
        %dma_start3A_580 = tpu.memref_slice %arg31[%dma_start3A_578, %dma_start3A_579] : memref<48x64xf32, #tpu.memory_space<vmem>> -> memref<48x64xf32, #tpu.memory_space<vmem>>
        %dma_start3A_581 = arith.constant 64 : i32
        %dma_start3A_582 = tpu.memref_slice %arg9[%add3A_517, %dma_start3A_581] : memref<10000x128xf32, #tpu.memory_space<hbm>> -> memref<48x64xf32, #tpu.memory_space<hbm>>
        %dma_start3A_583 = arith.constant 64 : i32
        %dma_start3A_584 = tpu.memref_slice %arg9[%add3A_517, %dma_start3A_583] : memref<10000x128xf32, #tpu.memory_space<hbm>> -> memref<48x64xf32, #tpu.memory_space<hbm>>
        %dma_start3A_585 = arith.constant 0 : i32
        %dma_start3A_586 = arith.constant 0 : i32
        %dma_start3A_587 = tpu.memref_slice %arg31[%dma_start3A_585, %dma_start3A_586] : memref<48x64xf32, #tpu.memory_space<vmem>> -> memref<48x64xf32, #tpu.memory_space<vmem>>
        tpu.enqueue_dma source(%dma_start3A_587 : memref<48x64xf32, #tpu.memory_space<vmem>>) target(%dma_start3A_584 : memref<48x64xf32, #tpu.memory_space<hbm>>) target_semaphore(%run_scoped3A : memref<!tpu.dma_semaphore, #tpu.memory_space<semaphore_mem>>)
        %dma_wait3A_588 = arith.constant 0 : i32
        %dma_wait3A_589 = arith.constant 0 : i32
        %dma_wait3A_590 = tpu.memref_slice %arg31[%dma_wait3A_588, %dma_wait3A_589] : memref<48x64xf32, #tpu.memory_space<vmem>> -> memref<48x64xf32, #tpu.memory_space<vmem>>
        %dma_wait3A_591 = arith.constant 64 : i32
        %dma_wait3A_592 = tpu.memref_slice %arg9[%add3A_517, %dma_wait3A_591] : memref<10000x128xf32, #tpu.memory_space<hbm>> -> memref<48x64xf32, #tpu.memory_space<hbm>>
        %dma_wait3A_593 = arith.constant 64 : i32
        %dma_wait3A_594 = tpu.memref_slice %arg9[%add3A_517, %dma_wait3A_593] : memref<10000x128xf32, #tpu.memory_space<hbm>> -> memref<48x64xf32, #tpu.memory_space<hbm>>
        %dma_wait3A_595 = arith.constant 0 : i32
        %dma_wait3A_596 = arith.constant 0 : i32
        %dma_wait3A_597 = tpu.memref_slice %arg31[%dma_wait3A_595, %dma_wait3A_596] : memref<48x64xf32, #tpu.memory_space<vmem>> -> memref<48x64xf32, #tpu.memory_space<vmem>>
        tpu.wait_dma2 semaphore(%run_scoped3A : memref<!tpu.dma_semaphore, #tpu.memory_space<semaphore_mem>>) src(%dma_wait3A_597 : memref<48x64xf32, #tpu.memory_space<vmem>>) dst(%dma_wait3A_594 : memref<48x64xf32, #tpu.memory_space<hbm>>)
        tpu.yield
      }) : () -> ()
    } else {
    }
    %add3A_535 = arith.constant 528 : i32
    %add3A_536 = arith.addi %mul3A_10, %add3A_535 : i32
    "tpu.region"() ({
      %run_scoped3A = tpu.sem_alloc : memref<!tpu.dma_semaphore, #tpu.memory_space<semaphore_mem>>
      %dma_start3A_578 = arith.constant 0 : i32
      %dma_start3A_579 = arith.constant 0 : i32
      %dma_start3A_580 = tpu.memref_slice %arg31[%dma_start3A_578, %dma_start3A_579] : memref<48x64xf32, #tpu.memory_space<vmem>> -> memref<48x64xf32, #tpu.memory_space<vmem>>
      %dma_start3A_581 = arith.constant 0 : i32
      %dma_start3A_582 = tpu.memref_slice %arg33[%add3A_536, %dma_start3A_581] : memref<10000x64xf32, #tpu.memory_space<vmem_shared>> -> memref<48x64xf32, #tpu.memory_space<vmem_shared>>
      %dma_start3A_583 = arith.constant 0 : i32
      %dma_start3A_584 = arith.constant 0 : i32
      %dma_start3A_585 = tpu.memref_slice %arg31[%dma_start3A_583, %dma_start3A_584] : memref<48x64xf32, #tpu.memory_space<vmem>> -> memref<48x64xf32, #tpu.memory_space<vmem>>
      %dma_start3A_586 = arith.constant 0 : i32
      %dma_start3A_587 = tpu.memref_slice %arg33[%add3A_536, %dma_start3A_586] : memref<10000x64xf32, #tpu.memory_space<vmem_shared>> -> memref<48x64xf32, #tpu.memory_space<vmem_shared>>
      tpu.enqueue_dma source(%dma_start3A_587 : memref<48x64xf32, #tpu.memory_space<vmem_shared>>) target(%dma_start3A_585 : memref<48x64xf32, #tpu.memory_space<vmem>>) target_semaphore(%run_scoped3A : memref<!tpu.dma_semaphore, #tpu.memory_space<semaphore_mem>>)
      %dma_wait3A_588 = arith.constant 0 : i32
      %dma_wait3A_589 = arith.constant 0 : i32
      %dma_wait3A_590 = tpu.memref_slice %arg31[%dma_wait3A_588, %dma_wait3A_589] : memref<48x64xf32, #tpu.memory_space<vmem>> -> memref<48x64xf32, #tpu.memory_space<vmem>>
      %dma_wait3A_591 = arith.constant 0 : i32
      %dma_wait3A_592 = tpu.memref_slice %arg33[%add3A_536, %dma_wait3A_591] : memref<10000x64xf32, #tpu.memory_space<vmem_shared>> -> memref<48x64xf32, #tpu.memory_space<vmem_shared>>
      %dma_wait3A_593 = arith.constant 0 : i32
      %dma_wait3A_594 = arith.constant 0 : i32
      %dma_wait3A_595 = tpu.memref_slice %arg31[%dma_wait3A_593, %dma_wait3A_594] : memref<48x64xf32, #tpu.memory_space<vmem>> -> memref<48x64xf32, #tpu.memory_space<vmem>>
      %dma_wait3A_596 = arith.constant 0 : i32
      %dma_wait3A_597 = tpu.memref_slice %arg33[%add3A_536, %dma_wait3A_596] : memref<10000x64xf32, #tpu.memory_space<vmem_shared>> -> memref<48x64xf32, #tpu.memory_space<vmem_shared>>
      tpu.wait_dma2 semaphore(%run_scoped3A : memref<!tpu.dma_semaphore, #tpu.memory_space<semaphore_mem>>) src(%dma_wait3A_597 : memref<48x64xf32, #tpu.memory_space<vmem_shared>>) dst(%dma_wait3A_595 : memref<48x64xf32, #tpu.memory_space<vmem>>)
      tpu.yield
    }) : () -> ()
    "tpu.region"() ({
      %run_scoped3A = tpu.sem_alloc : memref<!tpu.dma_semaphore, #tpu.memory_space<semaphore_mem>>
      %dma_start3A_578 = arith.constant 0 : i32
      %dma_start3A_579 = arith.constant 0 : i32
      %dma_start3A_580 = tpu.memref_slice %arg32[%dma_start3A_578, %dma_start3A_579] : memref<48x16xf32, #tpu.memory_space<vmem>> -> memref<48x16xf32, #tpu.memory_space<vmem>>
      %dma_start3A_581 = arith.constant 0 : i32
      %dma_start3A_582 = tpu.memref_slice %arg34[%add3A_536, %dma_start3A_581] : memref<10000x16xf32, #tpu.memory_space<vmem_shared>> -> memref<48x16xf32, #tpu.memory_space<vmem_shared>>
      %dma_start3A_583 = arith.constant 0 : i32
      %dma_start3A_584 = arith.constant 0 : i32
      %dma_start3A_585 = tpu.memref_slice %arg32[%dma_start3A_583, %dma_start3A_584] : memref<48x16xf32, #tpu.memory_space<vmem>> -> memref<48x16xf32, #tpu.memory_space<vmem>>
      %dma_start3A_586 = arith.constant 0 : i32
      %dma_start3A_587 = tpu.memref_slice %arg34[%add3A_536, %dma_start3A_586] : memref<10000x16xf32, #tpu.memory_space<vmem_shared>> -> memref<48x16xf32, #tpu.memory_space<vmem_shared>>
      tpu.enqueue_dma source(%dma_start3A_587 : memref<48x16xf32, #tpu.memory_space<vmem_shared>>) target(%dma_start3A_585 : memref<48x16xf32, #tpu.memory_space<vmem>>) target_semaphore(%run_scoped3A : memref<!tpu.dma_semaphore, #tpu.memory_space<semaphore_mem>>)
      %dma_wait3A_588 = arith.constant 0 : i32
      %dma_wait3A_589 = arith.constant 0 : i32
      %dma_wait3A_590 = tpu.memref_slice %arg32[%dma_wait3A_588, %dma_wait3A_589] : memref<48x16xf32, #tpu.memory_space<vmem>> -> memref<48x16xf32, #tpu.memory_space<vmem>>
      %dma_wait3A_591 = arith.constant 0 : i32
      %dma_wait3A_592 = tpu.memref_slice %arg34[%add3A_536, %dma_wait3A_591] : memref<10000x16xf32, #tpu.memory_space<vmem_shared>> -> memref<48x16xf32, #tpu.memory_space<vmem_shared>>
      %dma_wait3A_593 = arith.constant 0 : i32
      %dma_wait3A_594 = arith.constant 0 : i32
      %dma_wait3A_595 = tpu.memref_slice %arg32[%dma_wait3A_593, %dma_wait3A_594] : memref<48x16xf32, #tpu.memory_space<vmem>> -> memref<48x16xf32, #tpu.memory_space<vmem>>
      %dma_wait3A_596 = arith.constant 0 : i32
      %dma_wait3A_597 = tpu.memref_slice %arg34[%add3A_536, %dma_wait3A_596] : memref<10000x16xf32, #tpu.memory_space<vmem_shared>> -> memref<48x16xf32, #tpu.memory_space<vmem_shared>>
      tpu.wait_dma2 semaphore(%run_scoped3A : memref<!tpu.dma_semaphore, #tpu.memory_space<semaphore_mem>>) src(%dma_wait3A_597 : memref<48x16xf32, #tpu.memory_space<vmem_shared>>) dst(%dma_wait3A_595 : memref<48x16xf32, #tpu.memory_space<vmem>>)
      tpu.yield
    }) : () -> ()
    %scan3A_537 = arith.constant 0 : i32
    %scan3A_538 = arith.constant 0 : i32
    %scan3A_539 = arith.constant 48 : i32
    %scan3A_540 = arith.addi %scan3A_538, %scan3A_539 : i32
    %scan3A_541 = arith.constant 1 : i32
    %scan3A_542 = scf.for %scan3A_578 = %scan3A_538 to %scan3A_540 step %scan3A_541 iter_args(%scan3A_579 = %scan3A_537) -> (i32)  : i32 {
      %get3A = arith.index_cast %scan3A_578 : i32 to index
      %get3A_580 = arith.constant 0 : index
      %get3A_581 = tpu.vector_load %arg32[%get3A, %get3A_580] {strides = array<i32>} : memref<48x16xf32, #tpu.memory_space<vmem>>, vector<16xf32>,
      %broadcast_in_dim3A_582 = arith.constant true
      %broadcast_in_dim3A_583 = vector.broadcast %broadcast_in_dim3A_582 : i1 to vector<16xi1>
      %masked_cumsum3A = tpu.scan <sum>, %get3A_581 masked %broadcast_in_dim3A_583 : vector<16xf32>, vector<16xi1> -> vector<16xf32>
      %max3A = arith.constant 1.000000e+00 : f32
      %max3A_584 = vector.broadcast %max3A : f32 to vector<16xf32>
      %max3A_585 = arith.maximumf %masked_cumsum3A, %max3A_584 : vector<16xf32>
      %div3A = arith.constant 1.000000e+00 : f32
      %div3A_586 = vector.broadcast %div3A : f32 to vector<16xf32>
      %div3A_587 = arith.divf %div3A_586, %max3A_585 : vector<16xf32>
      %get3A_588 = arith.index_cast %scan3A_578 : i32 to index
      %get3A_589 = arith.constant 0 : index
      %get3A_590 = tpu.vector_load %arg31[%get3A_588, %get3A_589] {strides = array<i32>} : memref<48x64xf32, #tpu.memory_space<vmem>>, vector<16xf32>,
      %mul3A_591 = arith.mulf %get3A_590, %div3A_587 : vector<16xf32>
      %swap3A = arith.index_cast %scan3A_578 : i32 to index
      %swap3A_592 = arith.constant 0 : index
      %swap3A_593 = tpu.vector_load %arg31[%swap3A, %swap3A_592] {strides = array<i32>} : memref<48x64xf32, #tpu.memory_space<vmem>>, vector<16xf32>,
      tpu.vector_store %arg31[%swap3A, %swap3A_592], %mul3A_591 {strides = array<i32>} : memref<48x64xf32, #tpu.memory_space<vmem>>, vector<16xf32>,
      %get3A_594 = arith.index_cast %scan3A_578 : i32 to index
      %get3A_595 = arith.constant 16 : index
      %get3A_596 = tpu.vector_load %arg31[%get3A_594, %get3A_595] {strides = array<i32>} : memref<48x64xf32, #tpu.memory_space<vmem>>, vector<16xf32>,
      %mul3A_597 = arith.mulf %get3A_596, %div3A_587 : vector<16xf32>
      %swap3A_598 = arith.index_cast %scan3A_578 : i32 to index
      %swap3A_599 = arith.constant 16 : index
      %swap3A_600 = tpu.vector_load %arg31[%swap3A_598, %swap3A_599] {strides = array<i32>} : memref<48x64xf32, #tpu.memory_space<vmem>>, vector<16xf32>,
      tpu.vector_store %arg31[%swap3A_598, %swap3A_599], %mul3A_597 {strides = array<i32>} : memref<48x64xf32, #tpu.memory_space<vmem>>, vector<16xf32>,
      %get3A_601 = arith.index_cast %scan3A_578 : i32 to index
      %get3A_602 = arith.constant 32 : index
      %get3A_603 = tpu.vector_load %arg31[%get3A_601, %get3A_602] {strides = array<i32>} : memref<48x64xf32, #tpu.memory_space<vmem>>, vector<16xf32>,
      %mul3A_604 = arith.mulf %get3A_603, %div3A_587 : vector<16xf32>
      %swap3A_605 = arith.index_cast %scan3A_578 : i32 to index
      %swap3A_606 = arith.constant 32 : index
      %swap3A_607 = tpu.vector_load %arg31[%swap3A_605, %swap3A_606] {strides = array<i32>} : memref<48x64xf32, #tpu.memory_space<vmem>>, vector<16xf32>,
      tpu.vector_store %arg31[%swap3A_605, %swap3A_606], %mul3A_604 {strides = array<i32>} : memref<48x64xf32, #tpu.memory_space<vmem>>, vector<16xf32>,
      %get3A_608 = arith.index_cast %scan3A_578 : i32 to index
      %get3A_609 = arith.constant 48 : index
      %get3A_610 = tpu.vector_load %arg31[%get3A_608, %get3A_609] {strides = array<i32>} : memref<48x64xf32, #tpu.memory_space<vmem>>, vector<16xf32>,
      %mul3A_611 = arith.mulf %get3A_610, %div3A_587 : vector<16xf32>
      %swap3A_612 = arith.index_cast %scan3A_578 : i32 to index
      %swap3A_613 = arith.constant 48 : index
      %swap3A_614 = tpu.vector_load %arg31[%swap3A_612, %swap3A_613] {strides = array<i32>} : memref<48x64xf32, #tpu.memory_space<vmem>>, vector<16xf32>,
      tpu.vector_store %arg31[%swap3A_612, %swap3A_613], %mul3A_611 {strides = array<i32>} : memref<48x64xf32, #tpu.memory_space<vmem>>, vector<16xf32>,
      %scan3A_615 = arith.constant 0 : i32
      scf.yield %scan3A_615 : i32
    }
    %scan3A_543 = arith.constant 48 : i32
    %eq3A_544 = arith.constant 0 : i32
    %eq3A_545 = arith.cmpi eq, %arg0, %eq3A_544 : i32
    %convert_element_type3A_546 = arith.extui %eq3A_545 : i1 to i32
    %cond3A_547 = arith.constant 0 : i32
    %cond3A_548 = arith.cmpi ne, %convert_element_type3A_546, %cond3A_547 : i32
    scf.if %cond3A_548 {
      "tpu.region"() ({
        %run_scoped3A = tpu.sem_alloc : memref<!tpu.dma_semaphore, #tpu.memory_space<semaphore_mem>>
        %dma_start3A_578 = arith.constant 0 : i32
        %dma_start3A_579 = arith.constant 0 : i32
        %dma_start3A_580 = tpu.memref_slice %arg31[%dma_start3A_578, %dma_start3A_579] : memref<48x64xf32, #tpu.memory_space<vmem>> -> memref<48x64xf32, #tpu.memory_space<vmem>>
        %dma_start3A_581 = arith.constant 0 : i32
        %dma_start3A_582 = tpu.memref_slice %arg9[%add3A_536, %dma_start3A_581] : memref<10000x128xf32, #tpu.memory_space<hbm>> -> memref<48x64xf32, #tpu.memory_space<hbm>>
        %dma_start3A_583 = arith.constant 0 : i32
        %dma_start3A_584 = tpu.memref_slice %arg9[%add3A_536, %dma_start3A_583] : memref<10000x128xf32, #tpu.memory_space<hbm>> -> memref<48x64xf32, #tpu.memory_space<hbm>>
        %dma_start3A_585 = arith.constant 0 : i32
        %dma_start3A_586 = arith.constant 0 : i32
        %dma_start3A_587 = tpu.memref_slice %arg31[%dma_start3A_585, %dma_start3A_586] : memref<48x64xf32, #tpu.memory_space<vmem>> -> memref<48x64xf32, #tpu.memory_space<vmem>>
        tpu.enqueue_dma source(%dma_start3A_587 : memref<48x64xf32, #tpu.memory_space<vmem>>) target(%dma_start3A_584 : memref<48x64xf32, #tpu.memory_space<hbm>>) target_semaphore(%run_scoped3A : memref<!tpu.dma_semaphore, #tpu.memory_space<semaphore_mem>>)
        %dma_wait3A_588 = arith.constant 0 : i32
        %dma_wait3A_589 = arith.constant 0 : i32
        %dma_wait3A_590 = tpu.memref_slice %arg31[%dma_wait3A_588, %dma_wait3A_589] : memref<48x64xf32, #tpu.memory_space<vmem>> -> memref<48x64xf32, #tpu.memory_space<vmem>>
        %dma_wait3A_591 = arith.constant 0 : i32
        %dma_wait3A_592 = tpu.memref_slice %arg9[%add3A_536, %dma_wait3A_591] : memref<10000x128xf32, #tpu.memory_space<hbm>> -> memref<48x64xf32, #tpu.memory_space<hbm>>
        %dma_wait3A_593 = arith.constant 0 : i32
        %dma_wait3A_594 = tpu.memref_slice %arg9[%add3A_536, %dma_wait3A_593] : memref<10000x128xf32, #tpu.memory_space<hbm>> -> memref<48x64xf32, #tpu.memory_space<hbm>>
        %dma_wait3A_595 = arith.constant 0 : i32
        %dma_wait3A_596 = arith.constant 0 : i32
        %dma_wait3A_597 = tpu.memref_slice %arg31[%dma_wait3A_595, %dma_wait3A_596] : memref<48x64xf32, #tpu.memory_space<vmem>> -> memref<48x64xf32, #tpu.memory_space<vmem>>
        tpu.wait_dma2 semaphore(%run_scoped3A : memref<!tpu.dma_semaphore, #tpu.memory_space<semaphore_mem>>) src(%dma_wait3A_597 : memref<48x64xf32, #tpu.memory_space<vmem>>) dst(%dma_wait3A_594 : memref<48x64xf32, #tpu.memory_space<hbm>>)
        tpu.yield
      }) : () -> ()
    } else {
    }
    %eq3A_549 = arith.constant 1 : i32
    %eq3A_550 = arith.cmpi eq, %arg0, %eq3A_549 : i32
    %convert_element_type3A_551 = arith.extui %eq3A_550 : i1 to i32
    %cond3A_552 = arith.constant 0 : i32
    %cond3A_553 = arith.cmpi ne, %convert_element_type3A_551, %cond3A_552 : i32
    scf.if %cond3A_553 {
      "tpu.region"() ({
        %run_scoped3A = tpu.sem_alloc : memref<!tpu.dma_semaphore, #tpu.memory_space<semaphore_mem>>
        %dma_start3A_578 = arith.constant 0 : i32
        %dma_start3A_579 = arith.constant 0 : i32
        %dma_start3A_580 = tpu.memref_slice %arg31[%dma_start3A_578, %dma_start3A_579] : memref<48x64xf32, #tpu.memory_space<vmem>> -> memref<48x64xf32, #tpu.memory_space<vmem>>
        %dma_start3A_581 = arith.constant 64 : i32
        %dma_start3A_582 = tpu.memref_slice %arg9[%add3A_536, %dma_start3A_581] : memref<10000x128xf32, #tpu.memory_space<hbm>> -> memref<48x64xf32, #tpu.memory_space<hbm>>
        %dma_start3A_583 = arith.constant 64 : i32
        %dma_start3A_584 = tpu.memref_slice %arg9[%add3A_536, %dma_start3A_583] : memref<10000x128xf32, #tpu.memory_space<hbm>> -> memref<48x64xf32, #tpu.memory_space<hbm>>
        %dma_start3A_585 = arith.constant 0 : i32
        %dma_start3A_586 = arith.constant 0 : i32
        %dma_start3A_587 = tpu.memref_slice %arg31[%dma_start3A_585, %dma_start3A_586] : memref<48x64xf32, #tpu.memory_space<vmem>> -> memref<48x64xf32, #tpu.memory_space<vmem>>
        tpu.enqueue_dma source(%dma_start3A_587 : memref<48x64xf32, #tpu.memory_space<vmem>>) target(%dma_start3A_584 : memref<48x64xf32, #tpu.memory_space<hbm>>) target_semaphore(%run_scoped3A : memref<!tpu.dma_semaphore, #tpu.memory_space<semaphore_mem>>)
        %dma_wait3A_588 = arith.constant 0 : i32
        %dma_wait3A_589 = arith.constant 0 : i32
        %dma_wait3A_590 = tpu.memref_slice %arg31[%dma_wait3A_588, %dma_wait3A_589] : memref<48x64xf32, #tpu.memory_space<vmem>> -> memref<48x64xf32, #tpu.memory_space<vmem>>
        %dma_wait3A_591 = arith.constant 64 : i32
        %dma_wait3A_592 = tpu.memref_slice %arg9[%add3A_536, %dma_wait3A_591] : memref<10000x128xf32, #tpu.memory_space<hbm>> -> memref<48x64xf32, #tpu.memory_space<hbm>>
        %dma_wait3A_593 = arith.constant 64 : i32
        %dma_wait3A_594 = tpu.memref_slice %arg9[%add3A_536, %dma_wait3A_593] : memref<10000x128xf32, #tpu.memory_space<hbm>> -> memref<48x64xf32, #tpu.memory_space<hbm>>
        %dma_wait3A_595 = arith.constant 0 : i32
        %dma_wait3A_596 = arith.constant 0 : i32
        %dma_wait3A_597 = tpu.memref_slice %arg31[%dma_wait3A_595, %dma_wait3A_596] : memref<48x64xf32, #tpu.memory_space<vmem>> -> memref<48x64xf32, #tpu.memory_space<vmem>>
        tpu.wait_dma2 semaphore(%run_scoped3A : memref<!tpu.dma_semaphore, #tpu.memory_space<semaphore_mem>>) src(%dma_wait3A_597 : memref<48x64xf32, #tpu.memory_space<vmem>>) dst(%dma_wait3A_594 : memref<48x64xf32, #tpu.memory_space<hbm>>)
        tpu.yield
      }) : () -> ()
    } else {
    }
    %add3A_554 = arith.constant 576 : i32
    %add3A_555 = arith.addi %mul3A_10, %add3A_554 : i32
    "tpu.region"() ({
      %run_scoped3A = tpu.sem_alloc : memref<!tpu.dma_semaphore, #tpu.memory_space<semaphore_mem>>
      %dma_start3A_578 = arith.constant 0 : i32
      %dma_start3A_579 = arith.constant 0 : i32
      %dma_start3A_580 = tpu.memref_slice %arg31[%dma_start3A_578, %dma_start3A_579] : memref<48x64xf32, #tpu.memory_space<vmem>> -> memref<48x64xf32, #tpu.memory_space<vmem>>
      %dma_start3A_581 = arith.constant 0 : i32
      %dma_start3A_582 = tpu.memref_slice %arg33[%add3A_555, %dma_start3A_581] : memref<10000x64xf32, #tpu.memory_space<vmem_shared>> -> memref<48x64xf32, #tpu.memory_space<vmem_shared>>
      %dma_start3A_583 = arith.constant 0 : i32
      %dma_start3A_584 = arith.constant 0 : i32
      %dma_start3A_585 = tpu.memref_slice %arg31[%dma_start3A_583, %dma_start3A_584] : memref<48x64xf32, #tpu.memory_space<vmem>> -> memref<48x64xf32, #tpu.memory_space<vmem>>
      %dma_start3A_586 = arith.constant 0 : i32
      %dma_start3A_587 = tpu.memref_slice %arg33[%add3A_555, %dma_start3A_586] : memref<10000x64xf32, #tpu.memory_space<vmem_shared>> -> memref<48x64xf32, #tpu.memory_space<vmem_shared>>
      tpu.enqueue_dma source(%dma_start3A_587 : memref<48x64xf32, #tpu.memory_space<vmem_shared>>) target(%dma_start3A_585 : memref<48x64xf32, #tpu.memory_space<vmem>>) target_semaphore(%run_scoped3A : memref<!tpu.dma_semaphore, #tpu.memory_space<semaphore_mem>>)
      %dma_wait3A_588 = arith.constant 0 : i32
      %dma_wait3A_589 = arith.constant 0 : i32
      %dma_wait3A_590 = tpu.memref_slice %arg31[%dma_wait3A_588, %dma_wait3A_589] : memref<48x64xf32, #tpu.memory_space<vmem>> -> memref<48x64xf32, #tpu.memory_space<vmem>>
      %dma_wait3A_591 = arith.constant 0 : i32
      %dma_wait3A_592 = tpu.memref_slice %arg33[%add3A_555, %dma_wait3A_591] : memref<10000x64xf32, #tpu.memory_space<vmem_shared>> -> memref<48x64xf32, #tpu.memory_space<vmem_shared>>
      %dma_wait3A_593 = arith.constant 0 : i32
      %dma_wait3A_594 = arith.constant 0 : i32
      %dma_wait3A_595 = tpu.memref_slice %arg31[%dma_wait3A_593, %dma_wait3A_594] : memref<48x64xf32, #tpu.memory_space<vmem>> -> memref<48x64xf32, #tpu.memory_space<vmem>>
      %dma_wait3A_596 = arith.constant 0 : i32
      %dma_wait3A_597 = tpu.memref_slice %arg33[%add3A_555, %dma_wait3A_596] : memref<10000x64xf32, #tpu.memory_space<vmem_shared>> -> memref<48x64xf32, #tpu.memory_space<vmem_shared>>
      tpu.wait_dma2 semaphore(%run_scoped3A : memref<!tpu.dma_semaphore, #tpu.memory_space<semaphore_mem>>) src(%dma_wait3A_597 : memref<48x64xf32, #tpu.memory_space<vmem_shared>>) dst(%dma_wait3A_595 : memref<48x64xf32, #tpu.memory_space<vmem>>)
      tpu.yield
    }) : () -> ()
    "tpu.region"() ({
      %run_scoped3A = tpu.sem_alloc : memref<!tpu.dma_semaphore, #tpu.memory_space<semaphore_mem>>
      %dma_start3A_578 = arith.constant 0 : i32
      %dma_start3A_579 = arith.constant 0 : i32
      %dma_start3A_580 = tpu.memref_slice %arg32[%dma_start3A_578, %dma_start3A_579] : memref<48x16xf32, #tpu.memory_space<vmem>> -> memref<48x16xf32, #tpu.memory_space<vmem>>
      %dma_start3A_581 = arith.constant 0 : i32
      %dma_start3A_582 = tpu.memref_slice %arg34[%add3A_555, %dma_start3A_581] : memref<10000x16xf32, #tpu.memory_space<vmem_shared>> -> memref<48x16xf32, #tpu.memory_space<vmem_shared>>
      %dma_start3A_583 = arith.constant 0 : i32
      %dma_start3A_584 = arith.constant 0 : i32
      %dma_start3A_585 = tpu.memref_slice %arg32[%dma_start3A_583, %dma_start3A_584] : memref<48x16xf32, #tpu.memory_space<vmem>> -> memref<48x16xf32, #tpu.memory_space<vmem>>
      %dma_start3A_586 = arith.constant 0 : i32
      %dma_start3A_587 = tpu.memref_slice %arg34[%add3A_555, %dma_start3A_586] : memref<10000x16xf32, #tpu.memory_space<vmem_shared>> -> memref<48x16xf32, #tpu.memory_space<vmem_shared>>
      tpu.enqueue_dma source(%dma_start3A_587 : memref<48x16xf32, #tpu.memory_space<vmem_shared>>) target(%dma_start3A_585 : memref<48x16xf32, #tpu.memory_space<vmem>>) target_semaphore(%run_scoped3A : memref<!tpu.dma_semaphore, #tpu.memory_space<semaphore_mem>>)
      %dma_wait3A_588 = arith.constant 0 : i32
      %dma_wait3A_589 = arith.constant 0 : i32
      %dma_wait3A_590 = tpu.memref_slice %arg32[%dma_wait3A_588, %dma_wait3A_589] : memref<48x16xf32, #tpu.memory_space<vmem>> -> memref<48x16xf32, #tpu.memory_space<vmem>>
      %dma_wait3A_591 = arith.constant 0 : i32
      %dma_wait3A_592 = tpu.memref_slice %arg34[%add3A_555, %dma_wait3A_591] : memref<10000x16xf32, #tpu.memory_space<vmem_shared>> -> memref<48x16xf32, #tpu.memory_space<vmem_shared>>
      %dma_wait3A_593 = arith.constant 0 : i32
      %dma_wait3A_594 = arith.constant 0 : i32
      %dma_wait3A_595 = tpu.memref_slice %arg32[%dma_wait3A_593, %dma_wait3A_594] : memref<48x16xf32, #tpu.memory_space<vmem>> -> memref<48x16xf32, #tpu.memory_space<vmem>>
      %dma_wait3A_596 = arith.constant 0 : i32
      %dma_wait3A_597 = tpu.memref_slice %arg34[%add3A_555, %dma_wait3A_596] : memref<10000x16xf32, #tpu.memory_space<vmem_shared>> -> memref<48x16xf32, #tpu.memory_space<vmem_shared>>
      tpu.wait_dma2 semaphore(%run_scoped3A : memref<!tpu.dma_semaphore, #tpu.memory_space<semaphore_mem>>) src(%dma_wait3A_597 : memref<48x16xf32, #tpu.memory_space<vmem_shared>>) dst(%dma_wait3A_595 : memref<48x16xf32, #tpu.memory_space<vmem>>)
      tpu.yield
    }) : () -> ()
    %scan3A_556 = arith.constant 0 : i32
    %scan3A_557 = arith.constant 0 : i32
    %scan3A_558 = arith.constant 48 : i32
    %scan3A_559 = arith.addi %scan3A_557, %scan3A_558 : i32
    %scan3A_560 = arith.constant 1 : i32
    %scan3A_561 = scf.for %scan3A_578 = %scan3A_557 to %scan3A_559 step %scan3A_560 iter_args(%scan3A_579 = %scan3A_556) -> (i32)  : i32 {
      %get3A = arith.index_cast %scan3A_578 : i32 to index
      %get3A_580 = arith.constant 0 : index
      %get3A_581 = tpu.vector_load %arg32[%get3A, %get3A_580] {strides = array<i32>} : memref<48x16xf32, #tpu.memory_space<vmem>>, vector<16xf32>,
      %broadcast_in_dim3A_582 = arith.constant true
      %broadcast_in_dim3A_583 = vector.broadcast %broadcast_in_dim3A_582 : i1 to vector<16xi1>
      %masked_cumsum3A = tpu.scan <sum>, %get3A_581 masked %broadcast_in_dim3A_583 : vector<16xf32>, vector<16xi1> -> vector<16xf32>
      %max3A = arith.constant 1.000000e+00 : f32
      %max3A_584 = vector.broadcast %max3A : f32 to vector<16xf32>
      %max3A_585 = arith.maximumf %masked_cumsum3A, %max3A_584 : vector<16xf32>
      %div3A = arith.constant 1.000000e+00 : f32
      %div3A_586 = vector.broadcast %div3A : f32 to vector<16xf32>
      %div3A_587 = arith.divf %div3A_586, %max3A_585 : vector<16xf32>
      %get3A_588 = arith.index_cast %scan3A_578 : i32 to index
      %get3A_589 = arith.constant 0 : index
      %get3A_590 = tpu.vector_load %arg31[%get3A_588, %get3A_589] {strides = array<i32>} : memref<48x64xf32, #tpu.memory_space<vmem>>, vector<16xf32>,
      %mul3A_591 = arith.mulf %get3A_590, %div3A_587 : vector<16xf32>
      %swap3A = arith.index_cast %scan3A_578 : i32 to index
      %swap3A_592 = arith.constant 0 : index
      %swap3A_593 = tpu.vector_load %arg31[%swap3A, %swap3A_592] {strides = array<i32>} : memref<48x64xf32, #tpu.memory_space<vmem>>, vector<16xf32>,
      tpu.vector_store %arg31[%swap3A, %swap3A_592], %mul3A_591 {strides = array<i32>} : memref<48x64xf32, #tpu.memory_space<vmem>>, vector<16xf32>,
      %get3A_594 = arith.index_cast %scan3A_578 : i32 to index
      %get3A_595 = arith.constant 16 : index
      %get3A_596 = tpu.vector_load %arg31[%get3A_594, %get3A_595] {strides = array<i32>} : memref<48x64xf32, #tpu.memory_space<vmem>>, vector<16xf32>,
      %mul3A_597 = arith.mulf %get3A_596, %div3A_587 : vector<16xf32>
      %swap3A_598 = arith.index_cast %scan3A_578 : i32 to index
      %swap3A_599 = arith.constant 16 : index
      %swap3A_600 = tpu.vector_load %arg31[%swap3A_598, %swap3A_599] {strides = array<i32>} : memref<48x64xf32, #tpu.memory_space<vmem>>, vector<16xf32>,
      tpu.vector_store %arg31[%swap3A_598, %swap3A_599], %mul3A_597 {strides = array<i32>} : memref<48x64xf32, #tpu.memory_space<vmem>>, vector<16xf32>,
      %get3A_601 = arith.index_cast %scan3A_578 : i32 to index
      %get3A_602 = arith.constant 32 : index
      %get3A_603 = tpu.vector_load %arg31[%get3A_601, %get3A_602] {strides = array<i32>} : memref<48x64xf32, #tpu.memory_space<vmem>>, vector<16xf32>,
      %mul3A_604 = arith.mulf %get3A_603, %div3A_587 : vector<16xf32>
      %swap3A_605 = arith.index_cast %scan3A_578 : i32 to index
      %swap3A_606 = arith.constant 32 : index
      %swap3A_607 = tpu.vector_load %arg31[%swap3A_605, %swap3A_606] {strides = array<i32>} : memref<48x64xf32, #tpu.memory_space<vmem>>, vector<16xf32>,
      tpu.vector_store %arg31[%swap3A_605, %swap3A_606], %mul3A_604 {strides = array<i32>} : memref<48x64xf32, #tpu.memory_space<vmem>>, vector<16xf32>,
      %get3A_608 = arith.index_cast %scan3A_578 : i32 to index
      %get3A_609 = arith.constant 48 : index
      %get3A_610 = tpu.vector_load %arg31[%get3A_608, %get3A_609] {strides = array<i32>} : memref<48x64xf32, #tpu.memory_space<vmem>>, vector<16xf32>,
      %mul3A_611 = arith.mulf %get3A_610, %div3A_587 : vector<16xf32>
      %swap3A_612 = arith.index_cast %scan3A_578 : i32 to index
      %swap3A_613 = arith.constant 48 : index
      %swap3A_614 = tpu.vector_load %arg31[%swap3A_612, %swap3A_613] {strides = array<i32>} : memref<48x64xf32, #tpu.memory_space<vmem>>, vector<16xf32>,
      tpu.vector_store %arg31[%swap3A_612, %swap3A_613], %mul3A_611 {strides = array<i32>} : memref<48x64xf32, #tpu.memory_space<vmem>>, vector<16xf32>,
      %scan3A_615 = arith.constant 0 : i32
      scf.yield %scan3A_615 : i32
    }
    %scan3A_562 = arith.constant 48 : i32
    %eq3A_563 = arith.constant 0 : i32
    %eq3A_564 = arith.cmpi eq, %arg0, %eq3A_563 : i32
    %convert_element_type3A_565 = arith.extui %eq3A_564 : i1 to i32
    %cond3A_566 = arith.constant 0 : i32
    %cond3A_567 = arith.cmpi ne, %convert_element_type3A_565, %cond3A_566 : i32
    scf.if %cond3A_567 {
      "tpu.region"() ({
        %run_scoped3A = tpu.sem_alloc : memref<!tpu.dma_semaphore, #tpu.memory_space<semaphore_mem>>
        %dma_start3A_578 = arith.constant 0 : i32
        %dma_start3A_579 = arith.constant 0 : i32
        %dma_start3A_580 = tpu.memref_slice %arg31[%dma_start3A_578, %dma_start3A_579] : memref<48x64xf32, #tpu.memory_space<vmem>> -> memref<48x64xf32, #tpu.memory_space<vmem>>
        %dma_start3A_581 = arith.constant 0 : i32
        %dma_start3A_582 = tpu.memref_slice %arg9[%add3A_555, %dma_start3A_581] : memref<10000x128xf32, #tpu.memory_space<hbm>> -> memref<48x64xf32, #tpu.memory_space<hbm>>
        %dma_start3A_583 = arith.constant 0 : i32
        %dma_start3A_584 = tpu.memref_slice %arg9[%add3A_555, %dma_start3A_583] : memref<10000x128xf32, #tpu.memory_space<hbm>> -> memref<48x64xf32, #tpu.memory_space<hbm>>
        %dma_start3A_585 = arith.constant 0 : i32
        %dma_start3A_586 = arith.constant 0 : i32
        %dma_start3A_587 = tpu.memref_slice %arg31[%dma_start3A_585, %dma_start3A_586] : memref<48x64xf32, #tpu.memory_space<vmem>> -> memref<48x64xf32, #tpu.memory_space<vmem>>
        tpu.enqueue_dma source(%dma_start3A_587 : memref<48x64xf32, #tpu.memory_space<vmem>>) target(%dma_start3A_584 : memref<48x64xf32, #tpu.memory_space<hbm>>) target_semaphore(%run_scoped3A : memref<!tpu.dma_semaphore, #tpu.memory_space<semaphore_mem>>)
        %dma_wait3A_588 = arith.constant 0 : i32
        %dma_wait3A_589 = arith.constant 0 : i32
        %dma_wait3A_590 = tpu.memref_slice %arg31[%dma_wait3A_588, %dma_wait3A_589] : memref<48x64xf32, #tpu.memory_space<vmem>> -> memref<48x64xf32, #tpu.memory_space<vmem>>
        %dma_wait3A_591 = arith.constant 0 : i32
        %dma_wait3A_592 = tpu.memref_slice %arg9[%add3A_555, %dma_wait3A_591] : memref<10000x128xf32, #tpu.memory_space<hbm>> -> memref<48x64xf32, #tpu.memory_space<hbm>>
        %dma_wait3A_593 = arith.constant 0 : i32
        %dma_wait3A_594 = tpu.memref_slice %arg9[%add3A_555, %dma_wait3A_593] : memref<10000x128xf32, #tpu.memory_space<hbm>> -> memref<48x64xf32, #tpu.memory_space<hbm>>
        %dma_wait3A_595 = arith.constant 0 : i32
        %dma_wait3A_596 = arith.constant 0 : i32
        %dma_wait3A_597 = tpu.memref_slice %arg31[%dma_wait3A_595, %dma_wait3A_596] : memref<48x64xf32, #tpu.memory_space<vmem>> -> memref<48x64xf32, #tpu.memory_space<vmem>>
        tpu.wait_dma2 semaphore(%run_scoped3A : memref<!tpu.dma_semaphore, #tpu.memory_space<semaphore_mem>>) src(%dma_wait3A_597 : memref<48x64xf32, #tpu.memory_space<vmem>>) dst(%dma_wait3A_594 : memref<48x64xf32, #tpu.memory_space<hbm>>)
        tpu.yield
      }) : () -> ()
    } else {
    }
    %eq3A_568 = arith.constant 1 : i32
    %eq3A_569 = arith.cmpi eq, %arg0, %eq3A_568 : i32
    %convert_element_type3A_570 = arith.extui %eq3A_569 : i1 to i32
    %cond3A_571 = arith.constant 0 : i32
    %cond3A_572 = arith.cmpi ne, %convert_element_type3A_570, %cond3A_571 : i32
    scf.if %cond3A_572 {
      "tpu.region"() ({
        %run_scoped3A = tpu.sem_alloc : memref<!tpu.dma_semaphore, #tpu.memory_space<semaphore_mem>>
        %dma_start3A_578 = arith.constant 0 : i32
        %dma_start3A_579 = arith.constant 0 : i32
        %dma_start3A_580 = tpu.memref_slice %arg31[%dma_start3A_578, %dma_start3A_579] : memref<48x64xf32, #tpu.memory_space<vmem>> -> memref<48x64xf32, #tpu.memory_space<vmem>>
        %dma_start3A_581 = arith.constant 64 : i32
        %dma_start3A_582 = tpu.memref_slice %arg9[%add3A_555, %dma_start3A_581] : memref<10000x128xf32, #tpu.memory_space<hbm>> -> memref<48x64xf32, #tpu.memory_space<hbm>>
        %dma_start3A_583 = arith.constant 64 : i32
        %dma_start3A_584 = tpu.memref_slice %arg9[%add3A_555, %dma_start3A_583] : memref<10000x128xf32, #tpu.memory_space<hbm>> -> memref<48x64xf32, #tpu.memory_space<hbm>>
        %dma_start3A_585 = arith.constant 0 : i32
        %dma_start3A_586 = arith.constant 0 : i32
        %dma_start3A_587 = tpu.memref_slice %arg31[%dma_start3A_585, %dma_start3A_586] : memref<48x64xf32, #tpu.memory_space<vmem>> -> memref<48x64xf32, #tpu.memory_space<vmem>>
        tpu.enqueue_dma source(%dma_start3A_587 : memref<48x64xf32, #tpu.memory_space<vmem>>) target(%dma_start3A_584 : memref<48x64xf32, #tpu.memory_space<hbm>>) target_semaphore(%run_scoped3A : memref<!tpu.dma_semaphore, #tpu.memory_space<semaphore_mem>>)
        %dma_wait3A_588 = arith.constant 0 : i32
        %dma_wait3A_589 = arith.constant 0 : i32
        %dma_wait3A_590 = tpu.memref_slice %arg31[%dma_wait3A_588, %dma_wait3A_589] : memref<48x64xf32, #tpu.memory_space<vmem>> -> memref<48x64xf32, #tpu.memory_space<vmem>>
        %dma_wait3A_591 = arith.constant 64 : i32
        %dma_wait3A_592 = tpu.memref_slice %arg9[%add3A_555, %dma_wait3A_591] : memref<10000x128xf32, #tpu.memory_space<hbm>> -> memref<48x64xf32, #tpu.memory_space<hbm>>
        %dma_wait3A_593 = arith.constant 64 : i32
        %dma_wait3A_594 = tpu.memref_slice %arg9[%add3A_555, %dma_wait3A_593] : memref<10000x128xf32, #tpu.memory_space<hbm>> -> memref<48x64xf32, #tpu.memory_space<hbm>>
        %dma_wait3A_595 = arith.constant 0 : i32
        %dma_wait3A_596 = arith.constant 0 : i32
        %dma_wait3A_597 = tpu.memref_slice %arg31[%dma_wait3A_595, %dma_wait3A_596] : memref<48x64xf32, #tpu.memory_space<vmem>> -> memref<48x64xf32, #tpu.memory_space<vmem>>
        tpu.wait_dma2 semaphore(%run_scoped3A : memref<!tpu.dma_semaphore, #tpu.memory_space<semaphore_mem>>) src(%dma_wait3A_597 : memref<48x64xf32, #tpu.memory_space<vmem>>) dst(%dma_wait3A_594 : memref<48x64xf32, #tpu.memory_space<hbm>>)
        tpu.yield
      }) : () -> ()
    } else {
    }
    %eq3A_573 = arith.constant 15 : i32
    %eq3A_574 = arith.cmpi eq, %arg1, %eq3A_573 : i32
    %convert_element_type3A_575 = arith.extui %eq3A_574 : i1 to i32
    %cond3A_576 = arith.constant 0 : i32
    %cond3A_577 = arith.cmpi ne, %convert_element_type3A_575, %cond3A_576 : i32
    scf.if %cond3A_577 {
      "tpu.region"() ({
        %run_scoped3A = tpu.sem_alloc : memref<!tpu.dma_semaphore, #tpu.memory_space<semaphore_mem>>
        %dma_start3A_595 = arith.constant 0 : i32
        %dma_start3A_596 = arith.constant 0 : i32
        %dma_start3A_597 = tpu.memref_slice %arg31[%dma_start3A_595, %dma_start3A_596] : memref<48x64xf32, #tpu.memory_space<vmem>> -> memref<16x64xf32, #tpu.memory_space<vmem>>
        %dma_start3A_598 = arith.constant 9984 : i32
        %dma_start3A_599 = arith.constant 0 : i32
        %dma_start3A_600 = tpu.memref_slice %arg33[%dma_start3A_598, %dma_start3A_599] : memref<10000x64xf32, #tpu.memory_space<vmem_shared>> -> memref<16x64xf32, #tpu.memory_space<vmem_shared>>
        %dma_start3A_601 = arith.constant 0 : i32
        %dma_start3A_602 = arith.constant 0 : i32
        %dma_start3A_603 = tpu.memref_slice %arg31[%dma_start3A_601, %dma_start3A_602] : memref<48x64xf32, #tpu.memory_space<vmem>> -> memref<16x64xf32, #tpu.memory_space<vmem>>
        %dma_start3A_604 = arith.constant 9984 : i32
        %dma_start3A_605 = arith.constant 0 : i32
        %dma_start3A_606 = tpu.memref_slice %arg33[%dma_start3A_604, %dma_start3A_605] : memref<10000x64xf32, #tpu.memory_space<vmem_shared>> -> memref<16x64xf32, #tpu.memory_space<vmem_shared>>
        tpu.enqueue_dma source(%dma_start3A_606 : memref<16x64xf32, #tpu.memory_space<vmem_shared>>) target(%dma_start3A_603 : memref<16x64xf32, #tpu.memory_space<vmem>>) target_semaphore(%run_scoped3A : memref<!tpu.dma_semaphore, #tpu.memory_space<semaphore_mem>>)
        %dma_wait3A_607 = arith.constant 0 : i32
        %dma_wait3A_608 = arith.constant 0 : i32
        %dma_wait3A_609 = tpu.memref_slice %arg31[%dma_wait3A_607, %dma_wait3A_608] : memref<48x64xf32, #tpu.memory_space<vmem>> -> memref<16x64xf32, #tpu.memory_space<vmem>>
        %dma_wait3A_610 = arith.constant 9984 : i32
        %dma_wait3A_611 = arith.constant 0 : i32
        %dma_wait3A_612 = tpu.memref_slice %arg33[%dma_wait3A_610, %dma_wait3A_611] : memref<10000x64xf32, #tpu.memory_space<vmem_shared>> -> memref<16x64xf32, #tpu.memory_space<vmem_shared>>
        %dma_wait3A_613 = arith.constant 0 : i32
        %dma_wait3A_614 = arith.constant 0 : i32
        %dma_wait3A_615 = tpu.memref_slice %arg31[%dma_wait3A_613, %dma_wait3A_614] : memref<48x64xf32, #tpu.memory_space<vmem>> -> memref<16x64xf32, #tpu.memory_space<vmem>>
        %dma_wait3A_616 = arith.constant 9984 : i32
        %dma_wait3A_617 = arith.constant 0 : i32
        %dma_wait3A_618 = tpu.memref_slice %arg33[%dma_wait3A_616, %dma_wait3A_617] : memref<10000x64xf32, #tpu.memory_space<vmem_shared>> -> memref<16x64xf32, #tpu.memory_space<vmem_shared>>
        tpu.wait_dma2 semaphore(%run_scoped3A : memref<!tpu.dma_semaphore, #tpu.memory_space<semaphore_mem>>) src(%dma_wait3A_618 : memref<16x64xf32, #tpu.memory_space<vmem_shared>>) dst(%dma_wait3A_615 : memref<16x64xf32, #tpu.memory_space<vmem>>)
        tpu.yield
      }) : () -> ()
      "tpu.region"() ({
        %run_scoped3A = tpu.sem_alloc : memref<!tpu.dma_semaphore, #tpu.memory_space<semaphore_mem>>
        %dma_start3A_595 = arith.constant 0 : i32
        %dma_start3A_596 = arith.constant 0 : i32
        %dma_start3A_597 = tpu.memref_slice %arg32[%dma_start3A_595, %dma_start3A_596] : memref<48x16xf32, #tpu.memory_space<vmem>> -> memref<16x16xf32, #tpu.memory_space<vmem>>
        %dma_start3A_598 = arith.constant 9984 : i32
        %dma_start3A_599 = arith.constant 0 : i32
        %dma_start3A_600 = tpu.memref_slice %arg34[%dma_start3A_598, %dma_start3A_599] : memref<10000x16xf32, #tpu.memory_space<vmem_shared>> -> memref<16x16xf32, #tpu.memory_space<vmem_shared>>
        %dma_start3A_601 = arith.constant 0 : i32
        %dma_start3A_602 = arith.constant 0 : i32
        %dma_start3A_603 = tpu.memref_slice %arg32[%dma_start3A_601, %dma_start3A_602] : memref<48x16xf32, #tpu.memory_space<vmem>> -> memref<16x16xf32, #tpu.memory_space<vmem>>
        %dma_start3A_604 = arith.constant 9984 : i32
        %dma_start3A_605 = arith.constant 0 : i32
        %dma_start3A_606 = tpu.memref_slice %arg34[%dma_start3A_604, %dma_start3A_605] : memref<10000x16xf32, #tpu.memory_space<vmem_shared>> -> memref<16x16xf32, #tpu.memory_space<vmem_shared>>
        tpu.enqueue_dma source(%dma_start3A_606 : memref<16x16xf32, #tpu.memory_space<vmem_shared>>) target(%dma_start3A_603 : memref<16x16xf32, #tpu.memory_space<vmem>>) target_semaphore(%run_scoped3A : memref<!tpu.dma_semaphore, #tpu.memory_space<semaphore_mem>>)
        %dma_wait3A_607 = arith.constant 0 : i32
        %dma_wait3A_608 = arith.constant 0 : i32
        %dma_wait3A_609 = tpu.memref_slice %arg32[%dma_wait3A_607, %dma_wait3A_608] : memref<48x16xf32, #tpu.memory_space<vmem>> -> memref<16x16xf32, #tpu.memory_space<vmem>>
        %dma_wait3A_610 = arith.constant 9984 : i32
        %dma_wait3A_611 = arith.constant 0 : i32
        %dma_wait3A_612 = tpu.memref_slice %arg34[%dma_wait3A_610, %dma_wait3A_611] : memref<10000x16xf32, #tpu.memory_space<vmem_shared>> -> memref<16x16xf32, #tpu.memory_space<vmem_shared>>
        %dma_wait3A_613 = arith.constant 0 : i32
        %dma_wait3A_614 = arith.constant 0 : i32
        %dma_wait3A_615 = tpu.memref_slice %arg32[%dma_wait3A_613, %dma_wait3A_614] : memref<48x16xf32, #tpu.memory_space<vmem>> -> memref<16x16xf32, #tpu.memory_space<vmem>>
        %dma_wait3A_616 = arith.constant 9984 : i32
        %dma_wait3A_617 = arith.constant 0 : i32
        %dma_wait3A_618 = tpu.memref_slice %arg34[%dma_wait3A_616, %dma_wait3A_617] : memref<10000x16xf32, #tpu.memory_space<vmem_shared>> -> memref<16x16xf32, #tpu.memory_space<vmem_shared>>
        tpu.wait_dma2 semaphore(%run_scoped3A : memref<!tpu.dma_semaphore, #tpu.memory_space<semaphore_mem>>) src(%dma_wait3A_618 : memref<16x16xf32, #tpu.memory_space<vmem_shared>>) dst(%dma_wait3A_615 : memref<16x16xf32, #tpu.memory_space<vmem>>)
        tpu.yield
      }) : () -> ()
      %scan3A_578 = arith.constant 0 : i32
      %scan3A_579 = arith.constant 0 : i32
      %scan3A_580 = arith.constant 16 : i32
      %scan3A_581 = arith.addi %scan3A_579, %scan3A_580 : i32
      %scan3A_582 = arith.constant 1 : i32
      %scan3A_583 = scf.for %scan3A_595 = %scan3A_579 to %scan3A_581 step %scan3A_582 iter_args(%scan3A_596 = %scan3A_578) -> (i32)  : i32 {
        %get3A = arith.index_cast %scan3A_595 : i32 to index
        %get3A_597 = arith.constant 0 : index
        %get3A_598 = tpu.vector_load %arg32[%get3A, %get3A_597] {strides = array<i32>} : memref<48x16xf32, #tpu.memory_space<vmem>>, vector<16xf32>,
        %broadcast_in_dim3A_599 = arith.constant true
        %broadcast_in_dim3A_600 = vector.broadcast %broadcast_in_dim3A_599 : i1 to vector<16xi1>
        %masked_cumsum3A = tpu.scan <sum>, %get3A_598 masked %broadcast_in_dim3A_600 : vector<16xf32>, vector<16xi1> -> vector<16xf32>
        %max3A = arith.constant 1.000000e+00 : f32
        %max3A_601 = vector.broadcast %max3A : f32 to vector<16xf32>
        %max3A_602 = arith.maximumf %masked_cumsum3A, %max3A_601 : vector<16xf32>
        %div3A = arith.constant 1.000000e+00 : f32
        %div3A_603 = vector.broadcast %div3A : f32 to vector<16xf32>
        %div3A_604 = arith.divf %div3A_603, %max3A_602 : vector<16xf32>
        %get3A_605 = arith.index_cast %scan3A_595 : i32 to index
        %get3A_606 = arith.constant 0 : index
        %get3A_607 = tpu.vector_load %arg31[%get3A_605, %get3A_606] {strides = array<i32>} : memref<48x64xf32, #tpu.memory_space<vmem>>, vector<16xf32>,
        %mul3A_608 = arith.mulf %get3A_607, %div3A_604 : vector<16xf32>
        %swap3A = arith.index_cast %scan3A_595 : i32 to index
        %swap3A_609 = arith.constant 0 : index
        %swap3A_610 = tpu.vector_load %arg31[%swap3A, %swap3A_609] {strides = array<i32>} : memref<48x64xf32, #tpu.memory_space<vmem>>, vector<16xf32>,
        tpu.vector_store %arg31[%swap3A, %swap3A_609], %mul3A_608 {strides = array<i32>} : memref<48x64xf32, #tpu.memory_space<vmem>>, vector<16xf32>,
        %get3A_611 = arith.index_cast %scan3A_595 : i32 to index
        %get3A_612 = arith.constant 16 : index
        %get3A_613 = tpu.vector_load %arg31[%get3A_611, %get3A_612] {strides = array<i32>} : memref<48x64xf32, #tpu.memory_space<vmem>>, vector<16xf32>,
        %mul3A_614 = arith.mulf %get3A_613, %div3A_604 : vector<16xf32>
        %swap3A_615 = arith.index_cast %scan3A_595 : i32 to index
        %swap3A_616 = arith.constant 16 : index
        %swap3A_617 = tpu.vector_load %arg31[%swap3A_615, %swap3A_616] {strides = array<i32>} : memref<48x64xf32, #tpu.memory_space<vmem>>, vector<16xf32>,
        tpu.vector_store %arg31[%swap3A_615, %swap3A_616], %mul3A_614 {strides = array<i32>} : memref<48x64xf32, #tpu.memory_space<vmem>>, vector<16xf32>,
        %get3A_618 = arith.index_cast %scan3A_595 : i32 to index
        %get3A_619 = arith.constant 32 : index
        %get3A_620 = tpu.vector_load %arg31[%get3A_618, %get3A_619] {strides = array<i32>} : memref<48x64xf32, #tpu.memory_space<vmem>>, vector<16xf32>,
        %mul3A_621 = arith.mulf %get3A_620, %div3A_604 : vector<16xf32>
        %swap3A_622 = arith.index_cast %scan3A_595 : i32 to index
        %swap3A_623 = arith.constant 32 : index
        %swap3A_624 = tpu.vector_load %arg31[%swap3A_622, %swap3A_623] {strides = array<i32>} : memref<48x64xf32, #tpu.memory_space<vmem>>, vector<16xf32>,
        tpu.vector_store %arg31[%swap3A_622, %swap3A_623], %mul3A_621 {strides = array<i32>} : memref<48x64xf32, #tpu.memory_space<vmem>>, vector<16xf32>,
        %get3A_625 = arith.index_cast %scan3A_595 : i32 to index
        %get3A_626 = arith.constant 48 : index
        %get3A_627 = tpu.vector_load %arg31[%get3A_625, %get3A_626] {strides = array<i32>} : memref<48x64xf32, #tpu.memory_space<vmem>>, vector<16xf32>,
        %mul3A_628 = arith.mulf %get3A_627, %div3A_604 : vector<16xf32>
        %swap3A_629 = arith.index_cast %scan3A_595 : i32 to index
        %swap3A_630 = arith.constant 48 : index
        %swap3A_631 = tpu.vector_load %arg31[%swap3A_629, %swap3A_630] {strides = array<i32>} : memref<48x64xf32, #tpu.memory_space<vmem>>, vector<16xf32>,
        tpu.vector_store %arg31[%swap3A_629, %swap3A_630], %mul3A_628 {strides = array<i32>} : memref<48x64xf32, #tpu.memory_space<vmem>>, vector<16xf32>,
        %scan3A_632 = arith.constant 0 : i32
        scf.yield %scan3A_632 : i32
      }
      %scan3A_584 = arith.constant 16 : i32
      %eq3A_585 = arith.constant 0 : i32
      %eq3A_586 = arith.cmpi eq, %arg0, %eq3A_585 : i32
      %convert_element_type3A_587 = arith.extui %eq3A_586 : i1 to i32
      %cond3A_588 = arith.constant 0 : i32
      %cond3A_589 = arith.cmpi ne, %convert_element_type3A_587, %cond3A_588 : i32
      scf.if %cond3A_589 {
        "tpu.region"() ({
          %run_scoped3A = tpu.sem_alloc : memref<!tpu.dma_semaphore, #tpu.memory_space<semaphore_mem>>
          %dma_start3A_595 = arith.constant 0 : i32
          %dma_start3A_596 = arith.constant 0 : i32
          %dma_start3A_597 = tpu.memref_slice %arg31[%dma_start3A_595, %dma_start3A_596] : memref<48x64xf32, #tpu.memory_space<vmem>> -> memref<16x64xf32, #tpu.memory_space<vmem>>
          %dma_start3A_598 = arith.constant 9984 : i32
          %dma_start3A_599 = arith.constant 0 : i32
          %dma_start3A_600 = tpu.memref_slice %arg9[%dma_start3A_598, %dma_start3A_599] : memref<10000x128xf32, #tpu.memory_space<hbm>> -> memref<16x64xf32, #tpu.memory_space<hbm>>
          %dma_start3A_601 = arith.constant 9984 : i32
          %dma_start3A_602 = arith.constant 0 : i32
          %dma_start3A_603 = tpu.memref_slice %arg9[%dma_start3A_601, %dma_start3A_602] : memref<10000x128xf32, #tpu.memory_space<hbm>> -> memref<16x64xf32, #tpu.memory_space<hbm>>
          %dma_start3A_604 = arith.constant 0 : i32
          %dma_start3A_605 = arith.constant 0 : i32
          %dma_start3A_606 = tpu.memref_slice %arg31[%dma_start3A_604, %dma_start3A_605] : memref<48x64xf32, #tpu.memory_space<vmem>> -> memref<16x64xf32, #tpu.memory_space<vmem>>
          tpu.enqueue_dma source(%dma_start3A_606 : memref<16x64xf32, #tpu.memory_space<vmem>>) target(%dma_start3A_603 : memref<16x64xf32, #tpu.memory_space<hbm>>) target_semaphore(%run_scoped3A : memref<!tpu.dma_semaphore, #tpu.memory_space<semaphore_mem>>)
          %dma_wait3A_607 = arith.constant 0 : i32
          %dma_wait3A_608 = arith.constant 0 : i32
          %dma_wait3A_609 = tpu.memref_slice %arg31[%dma_wait3A_607, %dma_wait3A_608] : memref<48x64xf32, #tpu.memory_space<vmem>> -> memref<16x64xf32, #tpu.memory_space<vmem>>
          %dma_wait3A_610 = arith.constant 9984 : i32
          %dma_wait3A_611 = arith.constant 0 : i32
          %dma_wait3A_612 = tpu.memref_slice %arg9[%dma_wait3A_610, %dma_wait3A_611] : memref<10000x128xf32, #tpu.memory_space<hbm>> -> memref<16x64xf32, #tpu.memory_space<hbm>>
          %dma_wait3A_613 = arith.constant 9984 : i32
          %dma_wait3A_614 = arith.constant 0 : i32
          %dma_wait3A_615 = tpu.memref_slice %arg9[%dma_wait3A_613, %dma_wait3A_614] : memref<10000x128xf32, #tpu.memory_space<hbm>> -> memref<16x64xf32, #tpu.memory_space<hbm>>
          %dma_wait3A_616 = arith.constant 0 : i32
          %dma_wait3A_617 = arith.constant 0 : i32
          %dma_wait3A_618 = tpu.memref_slice %arg31[%dma_wait3A_616, %dma_wait3A_617] : memref<48x64xf32, #tpu.memory_space<vmem>> -> memref<16x64xf32, #tpu.memory_space<vmem>>
          tpu.wait_dma2 semaphore(%run_scoped3A : memref<!tpu.dma_semaphore, #tpu.memory_space<semaphore_mem>>) src(%dma_wait3A_618 : memref<16x64xf32, #tpu.memory_space<vmem>>) dst(%dma_wait3A_615 : memref<16x64xf32, #tpu.memory_space<hbm>>)
          tpu.yield
        }) : () -> ()
      } else {
      }
      %eq3A_590 = arith.constant 1 : i32
      %eq3A_591 = arith.cmpi eq, %arg0, %eq3A_590 : i32
      %convert_element_type3A_592 = arith.extui %eq3A_591 : i1 to i32
      %cond3A_593 = arith.constant 0 : i32
      %cond3A_594 = arith.cmpi ne, %convert_element_type3A_592, %cond3A_593 : i32
      scf.if %cond3A_594 {
        "tpu.region"() ({
          %run_scoped3A = tpu.sem_alloc : memref<!tpu.dma_semaphore, #tpu.memory_space<semaphore_mem>>
          %dma_start3A_595 = arith.constant 0 : i32
          %dma_start3A_596 = arith.constant 0 : i32
          %dma_start3A_597 = tpu.memref_slice %arg31[%dma_start3A_595, %dma_start3A_596] : memref<48x64xf32, #tpu.memory_space<vmem>> -> memref<16x64xf32, #tpu.memory_space<vmem>>
          %dma_start3A_598 = arith.constant 9984 : i32
          %dma_start3A_599 = arith.constant 64 : i32
          %dma_start3A_600 = tpu.memref_slice %arg9[%dma_start3A_598, %dma_start3A_599] : memref<10000x128xf32, #tpu.memory_space<hbm>> -> memref<16x64xf32, #tpu.memory_space<hbm>>
          %dma_start3A_601 = arith.constant 9984 : i32
          %dma_start3A_602 = arith.constant 64 : i32
          %dma_start3A_603 = tpu.memref_slice %arg9[%dma_start3A_601, %dma_start3A_602] : memref<10000x128xf32, #tpu.memory_space<hbm>> -> memref<16x64xf32, #tpu.memory_space<hbm>>
          %dma_start3A_604 = arith.constant 0 : i32
          %dma_start3A_605 = arith.constant 0 : i32
          %dma_start3A_606 = tpu.memref_slice %arg31[%dma_start3A_604, %dma_start3A_605] : memref<48x64xf32, #tpu.memory_space<vmem>> -> memref<16x64xf32, #tpu.memory_space<vmem>>
          tpu.enqueue_dma source(%dma_start3A_606 : memref<16x64xf32, #tpu.memory_space<vmem>>) target(%dma_start3A_603 : memref<16x64xf32, #tpu.memory_space<hbm>>) target_semaphore(%run_scoped3A : memref<!tpu.dma_semaphore, #tpu.memory_space<semaphore_mem>>)
          %dma_wait3A_607 = arith.constant 0 : i32
          %dma_wait3A_608 = arith.constant 0 : i32
          %dma_wait3A_609 = tpu.memref_slice %arg31[%dma_wait3A_607, %dma_wait3A_608] : memref<48x64xf32, #tpu.memory_space<vmem>> -> memref<16x64xf32, #tpu.memory_space<vmem>>
          %dma_wait3A_610 = arith.constant 9984 : i32
          %dma_wait3A_611 = arith.constant 64 : i32
          %dma_wait3A_612 = tpu.memref_slice %arg9[%dma_wait3A_610, %dma_wait3A_611] : memref<10000x128xf32, #tpu.memory_space<hbm>> -> memref<16x64xf32, #tpu.memory_space<hbm>>
          %dma_wait3A_613 = arith.constant 9984 : i32
          %dma_wait3A_614 = arith.constant 64 : i32
          %dma_wait3A_615 = tpu.memref_slice %arg9[%dma_wait3A_613, %dma_wait3A_614] : memref<10000x128xf32, #tpu.memory_space<hbm>> -> memref<16x64xf32, #tpu.memory_space<hbm>>
          %dma_wait3A_616 = arith.constant 0 : i32
          %dma_wait3A_617 = arith.constant 0 : i32
          %dma_wait3A_618 = tpu.memref_slice %arg31[%dma_wait3A_616, %dma_wait3A_617] : memref<48x64xf32, #tpu.memory_space<vmem>> -> memref<16x64xf32, #tpu.memory_space<vmem>>
          tpu.wait_dma2 semaphore(%run_scoped3A : memref<!tpu.dma_semaphore, #tpu.memory_space<semaphore_mem>>) src(%dma_wait3A_618 : memref<16x64xf32, #tpu.memory_space<vmem>>) dst(%dma_wait3A_615 : memref<16x64xf32, #tpu.memory_space<hbm>>)
          tpu.yield
        }) : () -> ()
      } else {
      }
    } else {
    }
    return
  }
}

</mosaic_0001>

<sc_bundles>
// kernel: kernel.3.cloned.1.call-start
scs
__scs_entry_jumppad:
0x0: {  	(pc) =	sbr.rel $0x88, $3  }
0x1: {  	(tag) =	ssettag $0x0;
	lr =	simm.s32 $0x1  }
0x2: {  	[smem:$0x3F9E] =	sst lr;
	_ =	strace $0xD0000000  }
0x3: {  	_ = 	snop  }
0x4: {  	_ = 	snop  }
0x5: {  	_ = 	snop  }
0x6: {  	_ = 	snop  }
0x7: {  	_ = 	snop  }
__scs_overlays_trampoline_lowered:
0x8: {  	[smem:$0x3FAD] =	sst s0  }
0x9: {  	[smem:$0x3FAE] =	sst s1  }
0xa: {  	[smem:$0x3FAF] =	sst s2  }
0xb: {  	[smem:$0x3FB0] =	sst s3  }
0xc: {  	[smem:$0x3FB1] =	sst s4  }
0xd: {  	[smem:$0x3FB2] =	sst s5  }
0xe: {  	[smem:$0x3FB3] =	sst s6  }
0xf: {  	[smem:$0x3FB4] =	sst s7  }
0x10: {  	[smem:$0x3FB5] =	sst s8  }
0x11: {  	[smem:$0x3FB6] =	sst s9;
	s0 =	simm.s32 @!p0 $0x0  }
0x12: {  	s1 =	sld [smem:$0x3F9C];
	s0 =	simm.s32 @p0 $0x1  }
0x13: {  	[smem:$0x3FB7] =	sst s0;
	s0 =	simm.s32 @!p1 $0x0  }
0x14: {  	s2 =	sld [smem:$0x3F9B];
	s0 =	simm.s32 @p1 $0x1  }
0x15: {  	[smem:$0x3FB8] =	sst s0;
	s0 =	simm.s32 @!p2 $0x0  }
0x16: {  	s3 =	sld [smem:$0x3FDB];
	s0 =	simm.s32 @p2 $0x1  }
0x17: {  	s4 =	simm.s32 $0x1BF5;
	[smem:$0x3FBA] =	sst s0  }
0x18: {  	s0 =	sld [smem:$0x3F9D];
	_ =	swait.ge [sflag:s4], $0x0  }
0x19: {  	s7 =	sld [smem:$0x3F9E]  }
0x1a: {  	s8 =	sadd.s32 $0xFFFFE003, lr  }
0x1b: {  	s9 =	sadd.s32 $0xFFFFFEF7, lr;
	s5 =	simm.s32 $0xFFFFFFFF;
	p2 =	slt.u32 s8, $0xFFFFF086  }
0x1c: {  	p1 =	slt.u32 s9, $0xF7A;
	s5 =	simm.s32 @!p2 $0x0  }
0x1d: {  	s5 =	simm.s32 @p1 $0x1;
	p0 =	seq.s32 s7, s2  }
0x1e: {  	s7 =	smul.u32 @!p0 $0xF7A, s2;
	p2 =	seq.s32 @!p0 s5, $0x0  }
0x1f: {  	s9 =	smul.u32 $0xF7A, s1;
	s8 =	simm.s32 @!p0 $0x1BF5;
	p2 =	por !p2, p0  }
0x20: {  	[sflag:s8] =	ssyncset.s32 @!p0 $0xFFFFF086;
	s6 =	sadd.s32 @!p0 s3, s7;
	s7 =	simm.s32 @!p0 $0x108  }
0x21: {  	s3 =	sadd.s32 s3, s9;
	s6 =	sadd.s32 @!p0 $0x88, s6;
	s7 =	simm.s32 @p2 $0x1082  }
0x22: {  	[simem:s7], [sflag:s8] =	dma.local @!p0 [hbm:s6], $0xF7A  }
0x23: {  	s9 =	sor.u32 $0xD0000000, s2;
	s6 =	simm.s32 $0x108;
	_ =	swait.ge @!p0 [sflag:s8], $0x0  }
0x24: {  	s3 =	sadd.s32 $0x88, s3;
	s6 =	simm.s32 @!p1 $0x1082;
	[sflag:s4] =	ssyncset.s32 $0xFFFFF086  }
0x25: {  	[simem:s6], [sflag:s4] =	dma.local [hbm:s3], $0xF7A  }
0x26: {  	[smem:$0x3F9E] =	sst s1;
	(tag) =	ssettag s2;
	_ =	strace s9  }
0x27: {  	s1 =	sld [smem:$0x3FAE]  }
0x28: {  	s2 =	sld [smem:$0x3FAF]  }
0x29: {  	s4 =	sld [smem:$0x3FB1]  }
0x2a: {  	p0 =	seq.s32 s5, $0x0;
	s5 =	sld [smem:$0x3FB2]  }
0x2b: {  	s6 =	sld [smem:$0x3FB3]  }
0x2c: {  	s7 =	sld [smem:$0x3FB4]  }
0x2d: {  	s3 =	simm.s32 $0x108;
	s8 =	sld [smem:$0x3FB5]  }
0x2e: {  	s3 =	simm.s32 @!p0 $0x1082;
	s9 =	sld [smem:$0x3FB6]  }
0x2f: {  	lr =	sadd.s32 s0, s3;
	s0 =	sld [smem:$0x3FAD]  }
0x30: {  	s3 =	sld [smem:$0x3FB0]  }
0x31: {  	[smem:$0x3FB9] =	sst s10  }
0x32: {  	s10 =	sld [smem:$0x3FB7];
	_ =	sdelay $0x3  }
0x33: {  	p0 =	seq.s32 s10, $0x1;
	s10 =	sld [smem:$0x3FB9];
	_ =	sdelay $0x3  }
0x34: {  	[smem:$0x3FB9] =	sst s10  }
0x35: {  	s10 =	sld [smem:$0x3FB8];
	_ =	sdelay $0x3  }
0x36: {  	p1 =	seq.s32 s10, $0x1;
	s10 =	sld [smem:$0x3FB9];
	_ =	sdelay $0x3  }
0x37: {  	[smem:$0x3FB9] =	sst s10  }
0x38: {  	s10 =	sld [smem:$0x3FBA]  }
0x39: {  	_ = 	snop;
	(pc) =	sbr.ind lr, $3  }
0x3a: {  	_ = 	snop  }
0x3b: {  	_ = 	snop  }
0x3c: {  	p2 =	seq.s32 s10, $0x1;
	s10 =	sld [smem:$0x3FB9]  }
0x3d: {  	_ =	shalt  }
0x3e: {  	_ =	shalt  }
0x3f: {  	_ =	shalt  }
0x40: {  	_ =	shalt  }
0x41: {  	_ =	shalt  }
0x42: {  	_ =	shalt  }
0x43: {  	_ =	shalt  }
0x44: {  	_ =	shalt  }
0x45: {  	_ =	shalt  }
0x46: {  	_ =	shalt  }
0x47: {  	_ =	shalt  }
0x48: {  	_ =	shalt  }
0x49: {  	_ =	shalt  }
0x4a: {  	_ =	shalt  }
0x4b: {  	_ =	shalt  }
0x4c: {  	_ =	shalt  }
0x4d: {  	_ =	shalt  }
0x4e: {  	_ =	shalt  }
0x4f: {  	_ =	shalt  }
0x50: {  	_ =	shalt  }
0x51: {  	_ =	shalt  }
0x52: {  	_ =	shalt  }
0x53: {  	_ =	shalt  }
0x54: {  	_ =	shalt  }
0x55: {  	_ =	shalt  }
0x56: {  	_ =	shalt  }
0x57: {  	_ =	shalt  }
0x58: {  	_ =	shalt  }
0x59: {  	_ =	shalt  }
0x5a: {  	_ =	shalt  }
0x5b: {  	_ =	shalt  }
0x5c: {  	_ =	shalt  }
0x5d: {  	_ =	shalt  }
0x5e: {  	_ =	shalt  }
0x5f: {  	_ =	shalt  }
0x60: {  	_ =	shalt  }
0x61: {  	_ =	shalt  }
0x62: {  	_ =	shalt  }
0x63: {  	_ =	shalt  }
0x64: {  	_ =	shalt  }
0x65: {  	_ =	shalt  }
0x66: {  	_ =	shalt  }
0x67: {  	_ =	shalt  }
0x68: {  	_ =	shalt  }
0x69: {  	_ =	shalt  }
0x6a: {  	_ =	shalt  }
0x6b: {  	_ =	shalt  }
0x6c: {  	_ =	shalt  }
0x6d: {  	_ =	shalt  }
0x6e: {  	_ =	shalt  }
0x6f: {  	_ =	shalt  }
0x70: {  	_ =	shalt  }
0x71: {  	_ =	shalt  }
0x72: {  	_ =	shalt  }
0x73: {  	_ =	shalt  }
0x74: {  	_ =	shalt  }
0x75: {  	_ =	shalt  }
0x76: {  	_ =	shalt  }
0x77: {  	_ =	shalt  }
0x78: {  	_ =	shalt  }
0x79: {  	_ =	shalt  }
0x7a: {  	_ =	shalt  }
0x7b: {  	_ =	shalt  }
0x7c: {  	_ =	shalt  }
0x7d: {  	_ =	shalt  }
0x7e: {  	_ =	shalt  }
0x7f: {  	_ =	shalt  }
0x80: {  	_ =	shalt  }
0x81: {  	_ =	shalt  }
0x82: {  	_ =	shalt  }
0x83: {  	_ =	shalt  }
0x84: {  	_ =	shalt  }
0x85: {  	_ =	shalt  }
0x86: {  	_ =	shalt  }
0x87: {  	_ =	shalt  }
.Lfunc_end0:
.L_simem_size_0:
called_computation_lowered:
.L_overlay_start_0:
0x88: {  	s2 =	sld [smem:$0x3FD9]  }
0x89: {  	s3 =	sld [smem:$0x3FFE];
	_ =	sdelay $0x1  }
0x8a: {  	s1 =	srdreg.scid  }
0x8b: {  	s0 =	sand.u32 $0x1, s1  }
0x8c: {  	s17 =	sshll.u32 s0, $0xA;
	s2 =	sadd.s32 s3, s2  }
0x8d: {  	s2 =	sadd.s32 s2, s17  }
0x8e: {  	[smem:$0x3FC5] =	sst s2  }
0x8f: {  	_ = 	snop  }
0x90: {  	s2 =	sld [smem:$0x3FC8]  }
0x91: {  	s18 =	sld [smem:$0x3FD0];
	(tm) =	ssettm $0x1  }
0x92: {  	s4 =	sld [smem:$0x3FFB];
	_ =	sdelay $0x3  }
0x93: {  	_ =	strace s4  }
0x94: {  	s4 =	sld [smem:$0x3FFC];
	_ =	sdelay $0x3  }
0x95: {  	_ =	strace s4  }
0x96: {  	s4 =	sld [smem:$0x3FFD];
	_ =	sdelay $0x3  }
0x97: {  	_ =	strace s4  }
0x98: {  	_ =	strace $0x8FFFFFFF  }
0x99: {  	s19 =	sld [smem:$0x3FDB];
	_ =	sdelay $0x1  }
0x9a: {  	s5 =	simm.s32 $_scs_section_size  }
0x9b: {  	s6 =	simm.s32 $_size__tile_overlayer_lowered;
	s7 =	simm.s32 $_tile_overlayer_lowered  }
0x9c: {  	s22 =	simm.s32 $0x1BFF;
	s21 =	sshll.u32 s7, $0x1;
	s4 =	sadd.s32 s5, s19  }
0x9d: {  	s8 =	simm.s32 $0x0;
	s20 =	sshll.u32 s6, $0x1;
	s6 =	sadd.s32 s21, s4  }
0x9e: {  	[timem:s8], [sflag:s22] =	dma.local [hbm:s6], s20  }
0x9f: {  	_ =	swait.ge [sflag:s22], s20  }
0xa0: {  	s5 =	ssub.s32 $0x0, s20;
	[sflag:s22] =	ssyncset.done $0x0  }
0xa1: {  	[sflag:s22] =	ssyncadd.s32 s5;
	_ =	sdelay $0x1  }
0xa2: {  	s23 =	simm.s32 $0x1B8B  }
0xa3: {  	_ =	swait.ge [sflag:s23], $0x1  }
0xa4: {  	[sflag:s23] =	ssyncset.done $0x0  }
0xa5: {  	s25 =	simm.s32 $0x1B8E;
	s24 =	sld [smem:$0x3FFE];
	[sflag:s23] =	ssyncadd.s32 $0xFFFFFFFF  }
0xa6: {  	s26 =	simm.s32 $execute0_lowered;
	[smem:$0x3FD2] =	sst s25  }
0xa7: {  	s6 =	sshll.u32 s26, $0x1;
	_ =	strace $0x80000046;
	[dreg:$0x1] =	wrdreg $0xFFFFFFFF  }
0xa8: {  	s28 =	simm.s32 $_size_execute0_lowered;
	s4 =	sadd.s32 s4, s6;
	[dreg:$0x0] =	wrdreg $0x0  }
0xa9: {  	s6 =	sshll.u32 s28, $0x1;
	[dreg:$0x2] =	wrdreg s4  }
0xaa: {  	[dreg:$0x3] =	wrdreg s6  }
0xab: {  	[dreg:$0x4] =	wrdreg $0xC0  }
0xac: {  	_ =	task [dreg:s8], $0x5FFFF  }
0xad: {  	[dreg:$0x1] =	wrdreg $0xFFFFFFFF  }
0xae: {  	[dreg:$0x0] =	wrdreg $0x60  }
0xaf: {  	[dreg:$0x2] =	wrdreg s24  }
0xb0: {  	[dreg:$0x3] =	wrdreg s2  }
0xb1: {  	[dreg:$0x4] =	wrdreg s18  }
0xb2: {  	[dreg:$0x5] =	wrdreg $0x77100  }
0xb3: {  	[dreg:$0x6] =	wrdreg $0x113500  }
0xb4: {  	[dreg:$0x7] =	wrdreg $0x9  }
0xb5: {  	_ =	task.clear_ibuf [dreg:s8], $0x8FFFF;
	_ =	strace $0x90000046  }
0xb6: {  	s29 =	simm.s32 $0x9;
	_ =	strace $0x80000048  }
0xb7: {  	_ =	swait.ge [sflag:s29], $0x1  }
0xb8: {  	[sflag:s29] =	ssyncadd.s32 $0xFFFFFFFF  }
0xb9: {  	_ =	strace $0x90000048  }
0xba: {  	_ =	sfence  }
0xbb: {  	s30 =	sld [smem:$0x0];
	_ =	sdelay $0x2  }
0xbc: {  	s31 =	sshll.u32 s1, $0xD;
	s1 =	sshrl.u32 s1, $0x2  }
0xbd: {  	s3 =	sand.u32 $0x4000, s31;
	s1 =	sadd.s32 s1, s30  }
0xbe: {  	s0 =	sor.u32 s3, s0;
	s1 =	sshll.u32 s1, $0x11  }
0xbf: {  	s0 =	sor.u32 s1, s0  }
0xc0: {  	s0 =	sadd.s32 $0x8F2B, s0  }
0xc1: {  	[sflag:s0] =	ssyncadd.remote.s32 $0x1  }
0xc2: {  	_ =	sfence.sel $0xFFFF  }
0xc3: {  	[dreg:$0x0] =	wrdreg $0xFFFFFFFF;
	(pc) =	sbr.abs _section_cstart, $3  }
0xc4: {  	[dreg:$0x1] =	wrdreg $0xFFFFFFFF  }
0xc5: {  	_ =	task.clear_ibuf [dreg:s8], $0x2FFFF;
	_ =	strace $0x9FFFFFFF  }
0xc6: {  	(tm) =	ssettm $0x7FFFFFFF  }
0xc7: {  	_ =	shalt  }
tec
execute0_lowered:
.L_overlay_start_1:
0x0: {  	(tag) =	ssettag $0x1  }
0x1: {  	s24 =	rddreg [dreg:$0x0]  }
0x2: {  	s25 =	rddreg [dreg:$0x1]  }
0x3: {  	s1 =	rddreg [dreg:$0x2]  }
0x4: {  	s4 =	rddreg [dreg:$0x3]  }
0x5: {  	s2 =	srdreg.scid;
	s23 =	rddreg [dreg:$0x4]  }
0x6: {  	s0 =	stileid.u32;
	s22 =	simm.s32 $0x0;
	s6 =	sand.u32 $0x1, s2  }
0x7: {  	s5 =	smul.u32 $0x4E20, s0;
	s8 =	sadd.s32 $0x31200, s24;
	s9 =	sadd.s32 $0x27400, s24  }
0x8: {  	s14 =	smul.u32 $0x9C4, s0;
	[smem:$0x7FF] =	sst s22;
	s2 =	ssub.s32 $0x2, s6  }
0x9: {  	p1 =	seq.s32 s6, $0x0;
	s7 =	sshll.u32 s6, $0x3;
	p0 =	sne.s32 s6, $0x0  }
0xa: {  	s3 =	sshrl.u32 s2, $0x1;
	s18 =	sshrl.u32 s5, $0x3;
	s26 =	sadd.s32 $0x78, s5  }
0xb: {  	s11 =	sadd.s32 $0x50, s5;
	s16 =	sadd.s32 s14, s9;
	[dreg:$0xd] =	wrdreg s26  }
0xc: {  	s17 =	sadd.s32 s14, s8;
	s2 =	ssub.s32 s2, s3;
	[dreg:$0x11] =	wrdreg s16  }
0xd: {  	s10 =	sadd.s32 s8, s18;
	s3 =	sadd.s32 s9, s18;
	[dreg:$0x12] =	wrdreg s17  }
0xe: {  	s12 =	sshrl.u32 s11, $0x3;
	s31 =	sshrl.u32 s26, $0x3;
	[dreg:$0x7] =	wrdreg s10  }
0xf: {  	s18 =	smul.u32 $0x27000, s0;
	[dreg:$0x8] =	wrdreg s3;
	s20 =	sadd.s32 s8, s12  }
0x10: {  	s10 =	sadd.s32 $0x28, s5;
	s21 =	sadd.s32 s9, s12;
	[dreg:$0xb] =	wrdreg s20  }
0x11: {  	s15 =	sadd.s32 s9, s31;
	s19 =	sshrl.u32 s10, $0x3;
	[dreg:$0xc] =	wrdreg s21  }
0x12: {  	s2 =	smax.u32 s2, $0x1;
	[dreg:$0x10] =	wrdreg s15;
	s13 =	sadd.s32 s8, s19  }
0x13: {  	s21 =	sshll.u32 s0, $0x6;
	[dreg:$0x9] =	wrdreg s13;
	s13 =	simm.s32 $0x27000  }
0x14: {  	s3 =	sadd.s32 s9, s19;
	s19 =	smul.u32 $0x9C00, s0;
	s13 =	simm.s32 @!p1 $0x27008  }
0x15: {  	[dreg:$0xa] =	wrdreg s3;
	s3 =	sadd.s32 s7, s1;
	s1 =	sadd.s32 s13, s1  }
0x16: {  	s6 =	sor.u32 $0x1C10, s21;
	s13 =	sadd.s32 s8, s31;
	[dreg:$0xe] =	wrdreg s1  }
0x17: {  	s8 =	smul.u32 $0x270, s0;
	[dreg:$0xf] =	wrdreg s13;
	s1 =	sshrl.u32 s18, $0x2  }
0x18: {  	s20 =	sshrl.u32 s19, $0x2;
	_ =	strace $0x80000047;
	s29 =	sadd.s32 s1, s4  }
0x19: {  	[dreg:$0x14] =	wrdreg s6;
	s1 =	sadd.s32 s20, s23;
	s26 =	sadd.s32 $0x30, s8  }
0x1a: {  	s7 =	sadd.s32 $0x60, s8;
	s6 =	sshll.u32 s11, $0x4;
	[smem:$0x7F1] =	sst s2  }
0x1b: {  	s13 =	sadd.s32 $0x90, s8;
	s15 =	sadd.s32 $0xC0, s8;
	[dreg:$0x6] =	wrdreg s5  }
0x1c: {  	s17 =	sadd.s32 $0xF0, s8;
	s19 =	sadd.s32 $0x120, s8;
	[dreg:$0x15] =	wrdreg s1  }
0x1d: {  	s1 =	sshll.u32 s10, $0x4;
	s31 =	sshll.u32 s26, $0x6;
	s11 =	sshll.u32 s7, $0x6  }
0x1e: {  	s9 =	sshll.u32 s26, $0x4;
	s14 =	sshll.u32 s13, $0x6;
	s16 =	sshll.u32 s15, $0x6  }
0x1f: {  	s18 =	sshll.u32 s17, $0x6;
	s26 =	sadd.s32 $0x1B0, s8;
	[dreg:$0x13] =	wrdreg s29  }
0x20: {  	s10 =	sadd.s32 s31, s4;
	s12 =	sadd.s32 s14, s4;
	s14 =	sshll.u32 s17, $0x4  }
0x21: {  	s17 =	sadd.s32 $0x180, s8;
	[dreg:$0x16] =	wrdreg s10;
	s10 =	sadd.s32 s11, s4  }
0x22: {  	s11 =	sshll.u32 s7, $0x4;
	[dreg:$0x18] =	wrdreg s12;
	s12 =	sadd.s32 s16, s4  }
0x23: {  	s16 =	sadd.s32 $0x150, s8;
	s21 =	sshll.u32 s17, $0x6;
	[dreg:$0x17] =	wrdreg s10  }
0x24: {  	s10 =	sshll.u32 s13, $0x4;
	[dreg:$0x19] =	wrdreg s12;
	s13 =	sshll.u32 s15, $0x4  }
0x25: {  	s12 =	sadd.s32 s18, s4;
	s15 =	sshll.u32 s19, $0x6;
	s20 =	sshll.u32 s16, $0x6  }
0x26: {  	s18 =	sshll.u32 s26, $0x6;
	[dreg:$0x1a] =	wrdreg s12;
	s15 =	sadd.s32 s15, s4  }
0x27: {  	s12 =	sshll.u32 s19, $0x4;
	s18 =	sadd.s32 s18, s4;
	[dreg:$0x1b] =	wrdreg s15  }
0x28: {  	s19 =	sadd.s32 $0x1E0, s8;
	s15 =	sadd.s32 s20, s4;
	[dreg:$0x1e] =	wrdreg s18  }
0x29: {  	s31 =	sshll.u32 s19, $0x6;
	[dreg:$0x1c] =	wrdreg s15;
	s15 =	sadd.s32 s21, s4  }
0x2a: {  	s7 =	sadd.s32 $0x210, s8;
	s18 =	sadd.s32 s31, s4;
	[dreg:$0x1d] =	wrdreg s15  }
0x2b: {  	s20 =	smul.u32 $0x2700, s0;
	s31 =	sadd.s32 s9, s23;
	[dreg:$0x1f] =	wrdreg s18  }
0x2c: {  	s21 =	sshll.u32 s7, $0x6;
	s9 =	sadd.s32 s3, s9;
	[smem:$0x7D9] =	sst s31  }
0x2d: {  	s8 =	sadd.s32 $0x240, s8;
	s21 =	sadd.s32 s21, s4;
	[smem:$0x7DA] =	sst s9  }
0x2e: {  	s18 =	sshll.u32 s19, $0x4;
	s20 =	sadd.s32 s3, s20;
	[smem:$0x7D6] =	sst s21  }
0x2f: {  	s19 =	sshll.u32 s7, $0x4;
	s7 =	sadd.s32 s11, s23;
	[smem:$0x7D8] =	sst s20  }
0x30: {  	s15 =	sshll.u32 s26, $0x4;
	s11 =	sadd.s32 s3, s11;
	[smem:$0x7DB] =	sst s7  }
0x31: {  	s26 =	sshll.u32 s8, $0x6;
	s31 =	sadd.s32 s3, s13;
	[smem:$0x7DC] =	sst s11  }
0x32: {  	s21 =	sadd.s32 s26, s4;
	[smem:$0x7E0] =	sst s31  }
0x33: {  	s20 =	sadd.s32 s10, s23;
	[smem:$0x7D7] =	sst s21  }
0x34: {  	s26 =	sadd.s32 s13, s23;
	[smem:$0x7DD] =	sst s20  }
0x35: {  	s7 =	sadd.s32 s14, s23;
	[smem:$0x7DF] =	sst s26  }
0x36: {  	s11 =	sadd.s32 s12, s23;
	[smem:$0x7E1] =	sst s7  }
0x37: {  	s16 =	sshll.u32 s16, $0x4;
	s12 =	sadd.s32 s3, s12;
	[smem:$0x7E3] =	sst s11  }
0x38: {  	s13 =	sadd.s32 s16, s23;
	[smem:$0x7E4] =	sst s12  }
0x39: {  	s31 =	sadd.s32 s18, s23;
	[smem:$0x7E5] =	sst s13  }
0x3a: {  	s21 =	sadd.s32 s3, s10;
	[smem:$0x7EB] =	sst s31  }
0x3b: {  	s10 =	sadd.s32 s3, s14;
	[smem:$0x7DE] =	sst s21  }
0x3c: {  	s17 =	sshll.u32 s17, $0x4;
	s14 =	sadd.s32 s3, s16;
	[smem:$0x7E2] =	sst s10  }
0x3d: {  	s16 =	sadd.s32 s17, s23;
	[smem:$0x7E6] =	sst s14  }
0x3e: {  	s20 =	sadd.s32 s3, s17;
	[smem:$0x7E7] =	sst s16  }
0x3f: {  	s26 =	sadd.s32 s3, s15;
	[smem:$0x7E8] =	sst s20  }
0x40: {  	s30 =	simm.s32 $0x118;
	s7 =	sadd.s32 s3, s18;
	[smem:$0x7EA] =	sst s26  }
0x41: {  	s8 =	sshll.u32 s8, $0x4;
	s11 =	sadd.s32 s3, s19;
	[smem:$0x7EC] =	sst s7  }
0x42: {  	s28 =	simm.s32 $0xB;
	s3 =	sadd.s32 s3, s8;
	[smem:$0x7EE] =	sst s11  }
0x43: {  	s2 =	smov.u32 s24;
	s8 =	sadd.s32 s8, s23;
	[smem:$0x7EF] =	sst s3  }
0x44: {  	s9 =	simm.s32 $0xD;
	s17 =	sadd.s32 $0x3C400, s24;
	[smem:$0x7F0] =	sst s8  }
0x45: {  	s12 =	smul.u32 $0x4E200, s0;
	s18 =	sadd.s32 $0x9C000, s4;
	[smem:$0x7F8] =	sst s17  }
0x46: {  	s31 =	sadd.s32 $0x118, s5;
	s21 =	sadd.s32 s15, s23;
	[smem:$0x7F9] =	sst s18  }
0x47: {  	s10 =	sadd.s32 s19, s23;
	s3 =	sadd.s32 $0x8, s25;
	[smem:$0x7FD] =	sst s31  }
0x48: {  	s26 =	sadd.s32 $0x13A00, s24;
	s16 =	sadd.s32 $0x3B000, s24;
	[smem:$0x7E9] =	sst s21  }
0x49: {  	s19 =	sadd.s32 $0x27000, s23;
	s20 =	sadd.s32 $0xA0, s5;
	[smem:$0x7ED] =	sst s10  }
0x4a: {  	s11 =	simm.s32 $0x10;
	s17 =	simm.s32 $0x140;
	[smem:$0x7F7] =	sst s16  }
0x4b: {  	s7 =	simm.s32 $0x80;
	s3 =	smov.u32 @p1 s25;
	[smem:$0x7FA] =	sst s19  }
0x4c: {  	s15 =	sadd.s32 s12, s25;
	s2 =	smov.u32 @p1 s26;
	[smem:$0x7FB] =	sst s20  }
0x4d: {  	p1 =	sne.s32 s0, $0xF;
	s21 =	sadd.s32 $0xF0, s5;
	[smem:$0x7F5] =	sst s2  }
.Ltmp0:
0x4e: {  	s1 =	sadd.s32 s3, s1;
	[smem:$0x7FC] =	sst s21;
	(pc) =	sbr.rel .LBB2_1-.Ltmp0, $4  }
0x4f: {  	s20 =	simm.s32 $0x168;
	s13 =	sadd.s32 s3, s6;
	[smem:$0x7F2] =	sst s1  }
0x50: {  	s16 =	simm.s32 $0x0;
	s14 =	sadd.s32 s3, s12;
	[smem:$0x7F3] =	sst s13  }
0x51: {  	v0 =	vimm.f32 $0.0e+00;
	vm0 =	vcmask $0x300;
	s12 =	simm.s32 $0x28;
	[smem:$0x7F4] =	sst s14;
	s1 =	sadd.s32 $0x1188, s15  }
0x52: {  	v0 =	vsel vm0, $0x3F800000, v0;
	s6 =	simm.s32 $0xC;
	[smem:$0x7F6] =	sst s1;
	s1 =	simm.s32 $0x0  }
.LBB2_33:
0x53: {  	v1 =	vld [tilespmem:s13+$0x7410];
	_ =	sdelay $0x4  }
0x54: {  	(xrf2) =	vadd.scan.msk.f32 $0xffff, v1;
	_ =	sdelay $0x9  }
0x55: {  	v1, _, _ =	vpop (xrf2)  }
0x56: {  	v1 =	vmax.f32 v1, $1.000000000e+00  }
0x57: {  	(erf) = vrcp.f32 v1;
	_ =	sdelay $0x3  }
0x58: {  	s0 =	sadd.s32 $0x40, s1  }
0x59: {  	v1 =	vld [tilespmem:s0+$0xFFFFFFE0]  }
0x5a: {  	v2 =	vld [tilespmem:s0+$0xFFFFFFF0]  }
0x5b: {  	v3 =	vld [tilespmem:s0+$0x0]  }
0x5c: {  	v4 =	vld [tilespmem:s0+$0x10]  }
0x5d: {  	v5 =	vpop (erf)  }
0x5e: {  	v1 =	vmul.f32 v5, v1  }
0x5f: {  	v2 =	vmul.f32 v5, v2  }
0x60: {  	v3 =	vmul.f32 v3, v5;
	[tilespmem:s0+$0xFFFFFFE0] =	vst v1  }
0x61: {  	v1 =	vmul.f32 v4, v5;
	[tilespmem:s0+$0xFFFFFFF0] =	vst v2  }
0x62: {  	[tilespmem:s0+$0x0] =	vst v3  }
0x63: {  	s21 =	rddreg [dreg:$0xe];
	[tilespmem:s0+$0x10] =	vst v1  }
0x64: {  	[hbm4b:s21+s3] =	stream.strided.scatter [tilespmem:s2], [sflag:$0x10], $0x400, s31, s3, $0x38;
	[tilespmem:$0x13A60] =	vst v63  }
0x65: {  	_ =	swait.ge [sflag:s11], $0x400  }
0x66: {  	[sflag:s11] =	ssyncset.done $0x0  }
0x67: {  	s1 =	sld [smem:$0x7D5];
	[sflag:s11] =	ssyncadd.s32 $0xFFFFFC00  }
.LBB2_34:
0x68: {  	s0 =	sld [smem:$0x7F1];
	_ =	sdelay $0x1  }
0x69: {  	s1 =	sadd.s32 $0x1, s1  }
0x6a: {  	p2 =	sne.s32 s1, s0  }
.Ltmp1:
0x6b: {  	_ = 	snop;
	(pc) =	sbr.rel @!p2 .LBB2_35-.Ltmp1, $1  }
0x6c: {  	_ =	sdelay $0x3  }
.LBB2_1:
0x6d: {  	[tilespmem:$0x6590] =	vst v0  }
0x6e: {  	[tilespmem:$0x65A0] =	vst v0  }
0x6f: {  	[tilespmem:$0x65B0] =	vst v0  }
0x70: {  	[tilespmem:$0x65C0] =	vst v0  }
0x71: {  	[tilespmem:$0x65D0] =	vst v0  }
0x72: {  	[tilespmem:$0x65E0] =	vst v0  }
0x73: {  	[tilespmem:$0x65F0] =	vst v0  }
0x74: {  	[tilespmem:$0x6600] =	vst v0  }
0x75: {  	[tilespmem:$0x6610] =	vst v0  }
0x76: {  	[tilespmem:$0x6620] =	vst v0  }
0x77: {  	[tilespmem:$0x6630] =	vst v0  }
0x78: {  	[tilespmem:$0x6640] =	vst v0  }
0x79: {  	[tilespmem:$0x6650] =	vst v0  }
0x7a: {  	[tilespmem:$0x6660] =	vst v0  }
0x7b: {  	[tilespmem:$0x6670] =	vst v0  }
0x7c: {  	[tilespmem:$0x6680] =	vst v0  }
0x7d: {  	[tilespmem:$0x6690] =	vst v0  }
0x7e: {  	[tilespmem:$0x66A0] =	vst v0  }
0x7f: {  	[tilespmem:$0x66B0] =	vst v0  }
0x80: {  	[tilespmem:$0x66C0] =	vst v0  }
0x81: {  	[tilespmem:$0x66D0] =	vst v0  }
0x82: {  	[tilespmem:$0x66E0] =	vst v0  }
0x83: {  	[tilespmem:$0x66F0] =	vst v0  }
0x84: {  	[tilespmem:$0x6700] =	vst v0  }
0x85: {  	[tilespmem:$0x6710] =	vst v0  }
0x86: {  	[tilespmem:$0x6720] =	vst v0  }
0x87: {  	[tilespmem:$0x6730] =	vst v0  }
0x88: {  	[tilespmem:$0x6740] =	vst v0  }
0x89: {  	[tilespmem:$0x6750] =	vst v0  }
0x8a: {  	[tilespmem:$0x6760] =	vst v0  }
0x8b: {  	[tilespmem:$0x6770] =	vst v0  }
0x8c: {  	[tilespmem:$0x6780] =	vst v0  }
0x8d: {  	[tilespmem:$0x6790] =	vst v0  }
0x8e: {  	[tilespmem:$0x67A0] =	vst v0  }
0x8f: {  	[tilespmem:$0x67B0] =	vst v0  }
0x90: {  	[tilespmem:$0x67C0] =	vst v0  }
0x91: {  	[tilespmem:$0x67D0] =	vst v0  }
0x92: {  	[tilespmem:$0x67E0] =	vst v0;
	s3 =	sld [smem:$0x7F7]  }
0x93: {  	[smem:$0x7D5] =	sst s1;
	[tilespmem:$0x67F0] =	vst v0  }
0x94: {  	[tilespmem:$0x6800] =	vst v0;
	s19 =	sshrl.u32 s29, $0x3;
	s0 =	rddreg [dreg:$0x14]  }
0x95: {  	[spmem:s19], [sflag:s0] =	dma.local [hbm:s3], $0x1380  }
0x96: {  	_ =	swait.ge [sflag:s11], $0x1380  }
0x97: {  	s5 =	sld [smem:$0x7F8]  }
0x98: {  	[sflag:s11] =	ssyncset.done $0x0;
	s21 =	rddreg [dreg:$0x15]  }
0x99: {  	[sflag:s11] =	ssyncadd.s32 $0xFFFFEC80;
	s1 =	sshrl.u32 s21, $0x3  }
0x9a: {  	[spmem:s1], [sflag:s0] =	dma.local [hbm:s5], $0x4E0  }
0x9b: {  	_ =	swait.ge [sflag:s11], $0x4E0  }
0x9c: {  	s1 =	sld [smem:$0x7F9];
	_ =	sdelay $0x1  }
0x9d: {  	[sflag:s11] =	ssyncset.done $0x0  }
0x9e: {  	[sflag:s11] =	ssyncadd.s32 $0xFFFFFB20;
	s1 =	sshrl.u32 @!p1 s1, $0x3  }
0x9f: {  	[spmem:s1], [sflag:s0] =	dma.local @!p1 [hbm:s3], $0x80  }
0xa0: {  	s1 =	simm.s32 @!p1 $0x10  }
0xa1: {  	_ =	swait.ge @!p1 [sflag:s1], $0x80  }
0xa2: {  	s3 =	sld [smem:$0x7FA];
	_ =	sdelay $0x1  }
0xa3: {  	[sflag:s1] =	ssyncset.done @!p1 $0x0  }
0xa4: {  	[sflag:s1] =	ssyncadd.s32 @!p1 $0xFFFFFF80;
	s10 =	sshrl.u32 @!p1 s3, $0x3  }
0xa5: {  	[spmem:s10], [sflag:s0] =	dma.local @!p1 [hbm:s5], $0x20  }
0xa6: {  	_ =	swait.ge @!p1 [sflag:s1], $0x20  }
0xa7: {  	[sflag:s1] =	ssyncset.done @!p1 $0x0  }
0xa8: {  	[sflag:s1] =	ssyncadd.s32 @!p1 $0xFFFFFFE0  }
0xa9: {  	[bflag:$0x0] =	sbarrier.arrive $0xFFFF  }
0xaa: {  	s5 =	rddreg [dreg:$0x7]  }
0xab: {  	[tilespmem:s22], [sflag:$0x1] =	stream.linear.gather [hbm4b:s5+s22], $0x28, $0x38;
	[tilespmem:$0x13A60] =	vst v63  }
0xac: {  	s11 =	simm.s32 $0xC8;
	s10 =	rddreg [dreg:$0x8]  }
0xad: {  	[tilespmem:s11], [sflag:$0x1] =	stream.linear.gather [hbm4b:s10+s22], $0x28, $0x38;
	[tilespmem:$0x13A60] =	vst v63  }
0xae: {  	s18 =	rddreg [dreg:$0x9]  }
0xaf: {  	[tilespmem:s12], [sflag:$0x2] =	stream.linear.gather [hbm4b:s18+s22], $0x28, $0x38;
	[tilespmem:$0x13A60] =	vst v63  }
0xb0: {  	s19 =	rddreg [dreg:$0xa];
	s11 =	simm.s32 $0xF0  }
0xb1: {  	[tilespmem:s11], [sflag:$0x2] =	stream.linear.gather [hbm4b:s19+s22], $0x28, $0x38;
	[tilespmem:$0x13A60] =	vst v63  }
0xb2: {  	s3 =	simm.s32 $0x50;
	s21 =	rddreg [dreg:$0xb]  }
0xb3: {  	[tilespmem:s3], [sflag:$0x3] =	stream.linear.gather [hbm4b:s21+s22], $0x28, $0x38;
	[tilespmem:$0x13A60] =	vst v63  }
0xb4: {  	s1 =	rddreg [dreg:$0xc];
	s5 =	simm.s32 $0x1  }
0xb5: {  	[tilespmem:s30], [sflag:$0x3] =	stream.linear.gather [hbm4b:s1+s22], $0x28, $0x38;
	[tilespmem:$0x13A60] =	vst v63  }
0xb6: {  	_ =	swait.ge [sflag:s5], $0x28  }
0xb7: {  	[sflag:s5] =	ssyncset.done $0x0  }
0xb8: {  	[sflag:s5] =	ssyncadd.s32 $0xFFFFFFD8  }
0xb9: {  	_ =	swait.ge [sflag:s5], $0x28  }
0xba: {  	s1 =	sld [smem:$0x7F5]  }
0xbb: {  	s14 =	simm.s32 $0x80;
	[sflag:s5] =	ssyncset.done $0x0  }
0xbc: {  	s10 =	simm.s32 $0x190;
	s18 =	sld [smem:$0x7F4];
	[sflag:s5] =	ssyncadd.s32 $0xFFFFFFD8  }
0xbd: {  	[tilespmem:s10], [sflag:$0x6] =	stream.indirect.gather [hbm4b:s1+s12], $0x40, s22, s12, $0xb8;
	[tilespmem:$0x13A60] =	vst v63  }
0xbe: {  	s31 =	simm.s32 $0x40;
	s29 =	simm.s32 $0x3390;
	s19 =	simm.s32 $0x2  }
0xbf: {  	[tilespmem:s29], [sflag:$0x6] =	stream.strided.gather [hbm4b:s18+s31], $0xA00, s14, s31, $0x38;
	[tilespmem:$0x13A60] =	vst v63  }
0xc0: {  	_ =	swait.ge [sflag:s19], $0x28  }
0xc1: {  	[sflag:s19] =	ssyncset.done $0x0  }
0xc2: {  	[sflag:s19] =	ssyncadd.s32 $0xFFFFFFD8  }
0xc3: {  	_ =	swait.ge [sflag:s19], $0x28  }
0xc4: {  	[sflag:s19] =	ssyncset.done $0x0  }
0xc5: {  	s21 =	simm.s32 $0xB90;
	s30 =	sld [smem:$0x7F2];
	[sflag:s19] =	ssyncadd.s32 $0xFFFFFFD8  }
0xc6: {  	[tilespmem:s21], [sflag:$0x7] =	stream.indirect.gather [hbm4b:s1+s12], $0x40, s12, s12, $0xb8;
	[tilespmem:$0x13A60] =	vst v63  }
0xc7: {  	s8 =	simm.s32 $0x3D90;
	s5 =	simm.s32 $0x3  }
0xc8: {  	[tilespmem:s8], [sflag:$0x7] =	stream.strided.gather [hbm4b:s30+s31], $0xA00, s14, s31, $0x38;
	[tilespmem:$0x13A60] =	vst v63  }
0xc9: {  	_ =	swait.ge [sflag:s5], $0x28  }
0xca: {  	[sflag:s5] =	ssyncset.done $0x0  }
0xcb: {  	[sflag:s5] =	ssyncadd.s32 $0xFFFFFFD8  }
0xcc: {  	_ =	swait.ge [sflag:s5], $0x28  }
0xcd: {  	[sflag:s5] =	ssyncset.done $0x0  }
0xce: {  	s10 =	simm.s32 $0x1590;
	s18 =	sld [smem:$0x7F3];
	[sflag:s5] =	ssyncadd.s32 $0xFFFFFFD8  }
0xcf: {  	[tilespmem:s10], [sflag:$0x8] =	stream.indirect.gather [hbm4b:s1+s12], $0x40, s3, s12, $0xb8;
	[tilespmem:$0x13A60] =	vst v63  }
0xd0: {  	s13 =	simm.s32 $0x4790;
	s15 =	simm.s32 $0x6590;
	s19 =	rddreg [dreg:$0xf]  }
0xd1: {  	[tilespmem:s13], [sflag:$0x8] =	stream.strided.gather [hbm4b:s18+s31], $0xA00, s14, s31, $0x38;
	[tilespmem:$0x13A60] =	vst v63  }
0xd2: {  	s2 =	simm.s32 $0x5190;
	s21 =	simm.s32 $0x78;
	s30 =	rddreg [dreg:$0x10]  }
0xd3: {  	[tilespmem:s21], [sflag:$0x4] =	stream.linear.gather [hbm4b:s19+s22], $0x28, $0x38;
	[tilespmem:$0x13A60] =	vst v63  }
0xd4: {  	s10 =	simm.s32 $0x0;
	s18 =	simm.s32 $0x0;
	s19 =	sld [smem:$0x7F6]  }
0xd5: {  	[tilespmem:s17], [sflag:$0x4] =	stream.linear.gather [hbm4b:s30+s22], $0x28, $0x38;
	[tilespmem:$0x13A60] =	vst v63  }
.LBB2_2:
0xd6: {  	s0 =	simm.s32 $0x6  }
0xd7: {  	_ =	swait.ge [sflag:s0], $0xA00  }
0xd8: {  	[sflag:s0] =	ssyncset.done $0x0  }
0xd9: {  	[sflag:s0] =	ssyncadd.s32 $0xFFFFF600  }
0xda: {  	_ =	swait.ge [sflag:s0], $0xA00  }
0xdb: {  	[sflag:s0] =	ssyncset.done $0x0  }
0xdc: {  	s21 =	simm.s32 $0xC8;
	s1 =	simm.s32 $0x190;
	[sflag:s0] =	ssyncadd.s32 $0xFFFFF600  }
0xdd: {  	[spmem:s4] =	stream.indirect.scatter.add.f32 [tilespmem:s1], [sflag:$0xB], $0x40, s21, s12, $0xb8;
	[tilespmem:$0x13A60] =	vst v63  }
0xde: {  	s30 =	rddreg [dreg:$0x12]  }
0xdf: {  	[spmem:s4] =	stream.indirect.scatter.add.f32 [tilespmem:s29], [sflag:$0xB], $0x40, s21, s12, $0xb8;
	[tilespmem:$0x13A60] =	vst v63  }
0xe0: {  	s17 =	sadd.s32 s18, s30  }
0xe1: {  	[spmem:s23] =	stream.indirect.scatter.add.f32 [tilespmem:s15], [sflag:$0xB], $0x10, s21, s12, $0xb8;
	[tilespmem:$0x13A60] =	vst v63  }
0xe2: {  	s5 =	simm.s32 $0xA0;
	s3 =	sadd.s32 $0x14, s17  }
0xe3: {  	[tilespmem:s5], [sflag:$0x5] =	stream.linear.gather [hbm4b:s3+s22], $0x28, $0x38;
	[tilespmem:$0x13A60] =	vst v63  }
0xe4: {  	s3 =	rddreg [dreg:$0x11]  }
0xe5: {  	p2 =	seq.s32 s18, $0x0;
	s21 =	sadd.s32 s18, s3  }
0xe6: {  	s1 =	simm.s32 @!p2 $0xE;
	s13 =	sadd.s32 $0x14, s21  }
0xe7: {  	[tilespmem:s20], [sflag:$0x5] =	stream.linear.gather [hbm4b:s13+s22], $0x28, $0x38;
	[tilespmem:$0x13A60] =	vst v63  }
0xe8: {  	_ =	swait.ge @!p2 [sflag:s1], $0xA00  }
0xe9: {  	[sflag:s1] =	ssyncset.done @!p2 $0x0  }
0xea: {  	[sflag:s1] =	ssyncadd.s32 @!p2 $0xFFFFF600  }
0xeb: {  	_ =	swait.ge @!p2 [sflag:s1], $0xA00  }
0xec: {  	[sflag:s1] =	ssyncset.done @!p2 $0x0  }
0xed: {  	[sflag:s1] =	ssyncadd.s32 @!p2 $0xFFFFF600  }
0xee: {  	_ =	swait.ge @!p2 [sflag:s1], $0x280  }
0xef: {  	[sflag:s1] =	ssyncset.done @!p2 $0x0  }
0xf0: {  	s5 =	simm.s32 $0x4;
	[sflag:s1] =	ssyncadd.s32 @!p2 $0xFFFFFD80  }
0xf1: {  	_ =	swait.ge [sflag:s5], $0x28  }
0xf2: {  	[sflag:s5] =	ssyncset.done $0x0  }
0xf3: {  	[sflag:s5] =	ssyncadd.s32 $0xFFFFFFD8  }
0xf4: {  	s13 =	smul.u32 $0xC8, s10;
	_ =	swait.ge [sflag:s5], $0x28  }
0xf5: {  	s29 =	smov.u32 s24;
	s20 =	rddreg [dreg:$0xd];
	[sflag:s5] =	ssyncset.done $0x0  }
0xf6: {  	s1 =	simm.s32 @p0 $0x28;
	s0 =	sadd.s32 s13, s20;
	[sflag:s5] =	ssyncadd.s32 $0xFFFFFFD8  }
0xf7: {  	s20 =	simm.s32 @p0 $0x78;
	s5 =	simm.s32 @p0 $0x1F90;
	s0 =	sshll.u32 s0, $0x4  }
0xf8: {  	[tilespmem:s5], [sflag:$0x9] =	stream.indirect.gather @p0 [hbm4b:s24+s1], $0x40, s20, s1, $0xb8;
	[tilespmem:$0x13A60] =	vst v63  }
0xf9: {  	s20 =	simm.s32 @!p0 $0x28;
	s5 =	simm.s32 @!p0 $0x78;
	s24 =	simm.s32 @!p0 $0x1F90  }
0xfa: {  	[tilespmem:s24], [sflag:$0x9] =	stream.indirect.gather @!p0 [hbm4b:s26+s20], $0x40, s5, s20, $0xb8;
	[tilespmem:$0x13A60] =	vst v63  }
0xfb: {  	s0 =	sadd.s32 @!p0 s25, s0;
	s5 =	sadd.s32 @p0 $0xFFFFF600, s19  }
0xfc: {  	s0 =	smov.u32 @p0 s5  }
0xfd: {  	[tilespmem:s2], [sflag:$0x9] =	stream.strided.gather [hbm4b:s0+s31], $0xA00, s14, s31, $0x38;
	[tilespmem:$0x13A60] =	vst v63  }
0xfe: {  	s14 =	simm.s32 $0x7  }
0xff: {  	_ =	swait.ge [sflag:s14], $0xA00  }
0x100: {  	[sflag:s14] =	ssyncset.done $0x0  }
0x101: {  	[sflag:s14] =	ssyncadd.s32 $0xFFFFF600  }
0x102: {  	_ =	swait.ge [sflag:s14], $0xA00  }
0x103: {  	s24 =	smov.u32 s23;
	[sflag:s14] =	ssyncset.done $0x0  }
0x104: {  	s23 =	smov.u32 s25;
	s25 =	simm.s32 $0xB90;
	[sflag:s14] =	ssyncadd.s32 $0xFFFFF600  }
0x105: {  	[spmem:s4] =	stream.indirect.scatter.add.f32 [tilespmem:s25], [sflag:$0xC], $0x40, s11, s12, $0xb8;
	[tilespmem:$0x13A60] =	vst v63  }
0x106: {  	p2 =	seq.s32 s18, $0x9AB  }
0x107: {  	[spmem:s4] =	stream.indirect.scatter.add.f32 [tilespmem:s8], [sflag:$0xC], $0x40, s11, s12, $0xb8;
	[tilespmem:$0x13A60] =	vst v63  }
0x108: {  	s2 =	simm.s32 $0xF0;
	s0 =	sadd.s32 @!p2 s18, s30  }
0x109: {  	[spmem:s24] =	stream.indirect.scatter.add.f32 [tilespmem:s15], [sflag:$0xC], $0x10, s2, s12, $0xb8;
	[tilespmem:$0x13A60] =	vst v63  }
0x10a: {  	p3 =	seq.s32 @!p2 s18, $0x0;
	s5 =	simm.s32 @!p2 $0x0;
	s0 =	sadd.s32 @!p2 $0x19, s0  }
0x10b: {  	[tilespmem:s5], [sflag:$0x1] =	stream.linear.gather @!p2 [hbm4b:s0+s5], $0x28, $0x38;
	[tilespmem:$0x13A60] =	vst v63  }
0x10c: {  	p3 =	por p2, !p3;
	s0 =	sadd.s32 @!p2 s18, s3  }
0x10d: {  	s11 =	smov.u32 s24;
	s24 =	simm.s32 @!p2 $0xC8;
	s0 =	sadd.s32 @!p2 $0x19, s0  }
0x10e: {  	[tilespmem:s24], [sflag:$0x1] =	stream.linear.gather @!p2 [hbm4b:s0+s5], $0x28, $0x38;
	[tilespmem:$0x13A60] =	vst v63  }
0x10f: {  	s0 =	simm.s32 @p3 $0xF  }
0x110: {  	_ =	swait.ge @p3 [sflag:s0], $0xA00  }
0x111: {  	[sflag:s0] =	ssyncset.done @p3 $0x0  }
0x112: {  	[sflag:s0] =	ssyncadd.s32 @p3 $0xFFFFF600  }
0x113: {  	_ =	swait.ge @p3 [sflag:s0], $0xA00  }
0x114: {  	[sflag:s0] =	ssyncset.done @p3 $0x0  }
0x115: {  	[sflag:s0] =	ssyncadd.s32 @p3 $0xFFFFF600  }
0x116: {  	_ =	swait.ge @p3 [sflag:s0], $0x280  }
0x117: {  	[sflag:s0] =	ssyncset.done @p3 $0x0  }
0x118: {  	s5 =	simm.s32 $0x5;
	[sflag:s0] =	ssyncadd.s32 @p3 $0xFFFFFD80  }
0x119: {  	_ =	swait.ge [sflag:s5], $0x28  }
0x11a: {  	[sflag:s5] =	ssyncset.done $0x0  }
0x11b: {  	[sflag:s5] =	ssyncadd.s32 $0xFFFFFFD8  }
0x11c: {  	_ =	swait.ge [sflag:s5], $0x28  }
0x11d: {  	s8 =	sld [smem:$0x7FB];
	[sflag:s5] =	ssyncset.done $0x0  }
0x11e: {  	s24 =	simm.s32 @p0 $0x2990;
	[sflag:s5] =	ssyncadd.s32 $0xFFFFFFD8;
	s5 =	simm.s32 @p0 $0xA0  }
0x11f: {  	[tilespmem:s24], [sflag:$0xA] =	stream.indirect.gather @p0 [hbm4b:s29+s1], $0x40, s5, s1, $0xb8;
	[tilespmem:$0x13A60] =	vst v63  }
0x120: {  	s31 =	simm.s32 $0x80;
	s0 =	sadd.s32 s13, s8  }
0x121: {  	s1 =	simm.s32 @!p0 $0xA0;
	s5 =	simm.s32 @!p0 $0x2990;
	s0 =	sshll.u32 s0, $0x4  }
0x122: {  	[tilespmem:s5], [sflag:$0xA] =	stream.indirect.gather @!p0 [hbm4b:s26+s20], $0x40, s1, s20, $0xb8;
	[tilespmem:$0x13A60] =	vst v63  }
0x123: {  	s3 =	simm.s32 $0x40;
	s1 =	sadd.s32 @p0 $0xFFFFF880, s19;
	s0 =	sadd.s32 @!p0 s23, s0  }
0x124: {  	s20 =	simm.s32 $0x8;
	s0 =	smov.u32 @p0 s1;
	s1 =	simm.s32 $0x5B90  }
0x125: {  	[tilespmem:s1], [sflag:$0xA] =	stream.strided.gather [hbm4b:s0+s3], $0xA00, s31, s3, $0x38;
	[tilespmem:$0x13A60] =	vst v63  }
0x126: {  	_ =	swait.ge [sflag:s20], $0xA00  }
0x127: {  	[sflag:s20] =	ssyncset.done $0x0  }
0x128: {  	[sflag:s20] =	ssyncadd.s32 $0xFFFFF600  }
0x129: {  	_ =	swait.ge [sflag:s20], $0xA00  }
0x12a: {  	s30 =	simm.s32 $0x118;
	[sflag:s20] =	ssyncset.done $0x0  }
0x12b: {  	s25 =	smov.u32 s23;
	s23 =	simm.s32 $0x1590;
	[sflag:s20] =	ssyncadd.s32 $0xFFFFF600  }
0x12c: {  	[spmem:s4] =	stream.indirect.scatter.add.f32 [tilespmem:s23], [sflag:$0xD], $0x40, s30, s12, $0xb8;
	[tilespmem:$0x13A60] =	vst v63  }
.Ltmp2:
0x12d: {  	_ = 	snop;
	(pc) =	sbr.rel @p2 .LBB2_4-.Ltmp2, $4  }
0x12e: {  	s14 =	simm.s32 $0x3D90;
	s15 =	simm.s32 $0x6590;
	s8 =	simm.s32 $0x4790  }
0x12f: {  	[spmem:s4] =	stream.indirect.scatter.add.f32 [tilespmem:s8], [sflag:$0xD], $0x40, s30, s12, $0xb8;
	[tilespmem:$0x13A60] =	vst v63  }
0x130: {  	s2 =	simm.s32 $0x5190;
	s24 =	smov.u32 s29;
	s23 =	smov.u32 s11  }
0x131: {  	[spmem:s11] =	stream.indirect.scatter.add.f32 [tilespmem:s15], [sflag:$0xD], $0x10, s30, s12, $0xb8;
	[tilespmem:$0x13A60] =	vst v63  }
0x132: {  	s0 =	sadd.s32 $0x1E, s17  }
0x133: {  	[tilespmem:s12], [sflag:$0x2] =	stream.linear.gather [hbm4b:s0+s22], $0x28, $0x38;
	[tilespmem:$0x13A60] =	vst v63  }
0x134: {  	s2 =	sadd.s32 $0x1E, s21;
	s11 =	simm.s32 $0xF0  }
0x135: {  	[tilespmem:s11], [sflag:$0x2] =	stream.linear.gather [hbm4b:s2+s22], $0x28, $0x38;
	[tilespmem:$0x13A60] =	vst v63  }
0x136: {  	_ =	swait.ge [sflag:s28], $0xA00  }
0x137: {  	[sflag:s28] =	ssyncset.done $0x0  }
0x138: {  	[sflag:s28] =	ssyncadd.s32 $0xFFFFF600  }
0x139: {  	_ =	swait.ge [sflag:s28], $0xA00  }
0x13a: {  	[sflag:s28] =	ssyncset.done $0x0  }
0x13b: {  	[sflag:s28] =	ssyncadd.s32 $0xFFFFF600  }
0x13c: {  	_ =	swait.ge [sflag:s28], $0x280  }
0x13d: {  	[sflag:s28] =	ssyncset.done $0x0  }
0x13e: {  	s1 =	simm.s32 $0x1;
	[sflag:s28] =	ssyncadd.s32 $0xFFFFFD80  }
0x13f: {  	_ =	swait.ge [sflag:s1], $0x28  }
0x140: {  	s5 =	smul.u32 $0x5, s10;
	[sflag:s1] =	ssyncset.done $0x0  }
0x141: {  	[sflag:s1] =	ssyncadd.s32 $0xFFFFFFD8  }
0x142: {  	s20 =	simm.s32 @p0 $0x28;
	s0 =	sadd.s32 $0x5, s5;
	_ =	swait.ge [sflag:s1], $0x28  }
0x143: {  	s5 =	simm.s32 @p0 $0x190;
	s0 =	smul.u32 $0x28, s0;
	[sflag:s1] =	ssyncset.done $0x0  }
0x144: {  	s15 =	rddreg [dreg:$0x6];
	[sflag:s1] =	ssyncadd.s32 $0xFFFFFFD8;
	s1 =	simm.s32 @p0 $0x0  }
0x145: {  	[tilespmem:s5], [sflag:$0x6] =	stream.indirect.gather @p0 [hbm4b:s24+s20], $0x40, s1, s20, $0xb8;
	[tilespmem:$0x13A60] =	vst v63  }
0x146: {  	s0 =	sadd.s32 s15, s0;
	s1 =	simm.s32 @!p0 $0x28  }
0x147: {  	s5 =	simm.s32 @!p0 $0x0;
	s24 =	simm.s32 @!p0 $0x190;
	s0 =	sshll.u32 s0, $0x4  }
0x148: {  	[tilespmem:s24], [sflag:$0x6] =	stream.indirect.gather @!p0 [hbm4b:s26+s1], $0x40, s5, s1, $0xb8;
	[tilespmem:$0x13A60] =	vst v63  }
0x149: {  	s2 =	simm.s32 $0x9;
	s0 =	sadd.s32 @!p0 s25, s0;
	s5 =	sadd.s32 @p0 $0xFFFFFB00, s19  }
0x14a: {  	s24 =	smov.u32 s29;
	s29 =	simm.s32 $0x3390;
	s0 =	smov.u32 @p0 s5  }
0x14b: {  	[tilespmem:s29], [sflag:$0x6] =	stream.strided.gather [hbm4b:s0+s3], $0xA00, s31, s3, $0x38;
	[tilespmem:$0x13A60] =	vst v63  }
0x14c: {  	_ =	swait.ge [sflag:s2], $0xA00  }
0x14d: {  	[sflag:s2] =	ssyncset.done $0x0  }
0x14e: {  	[sflag:s2] =	ssyncadd.s32 $0xFFFFF600  }
0x14f: {  	_ =	swait.ge [sflag:s2], $0xA00  }
0x150: {  	[sflag:s2] =	ssyncset.done $0x0  }
0x151: {  	s5 =	simm.s32 $0x1F90;
	s31 =	simm.s32 $0x140;
	[sflag:s2] =	ssyncadd.s32 $0xFFFFF600  }
0x152: {  	[spmem:s4] =	stream.indirect.scatter.add.f32 [tilespmem:s5], [sflag:$0xE], $0x40, s31, s12, $0xb8;
	[tilespmem:$0x13A60] =	vst v63  }
0x153: {  	s2 =	simm.s32 $0x5190  }
0x154: {  	[spmem:s4] =	stream.indirect.scatter.add.f32 [tilespmem:s2], [sflag:$0xE], $0x40, s31, s12, $0xb8;
	[tilespmem:$0x13A60] =	vst v63  }
0x155: {  	s15 =	simm.s32 $0x6590  }
0x156: {  	[spmem:s23] =	stream.indirect.scatter.add.f32 [tilespmem:s15], [sflag:$0xE], $0x10, s31, s12, $0xb8;
	[tilespmem:$0x13A60] =	vst v63  }
0x157: {  	s0 =	sadd.s32 $0x23, s17;
	s5 =	simm.s32 $0x50  }
0x158: {  	[tilespmem:s5], [sflag:$0x3] =	stream.linear.gather [hbm4b:s0+s16], $0x28, $0x38;
	[tilespmem:$0x13A60] =	vst v63  }
0x159: {  	s5 =	sadd.s32 $0x23, s21  }
0x15a: {  	[tilespmem:s30], [sflag:$0x3] =	stream.linear.gather [hbm4b:s5+s16], $0x28, $0x38;
	[tilespmem:$0x13A60] =	vst v63  }
0x15b: {  	_ =	swait.ge [sflag:s6], $0xA00  }
0x15c: {  	[sflag:s6] =	ssyncset.done $0x0  }
0x15d: {  	[sflag:s6] =	ssyncadd.s32 $0xFFFFF600  }
0x15e: {  	_ =	swait.ge [sflag:s6], $0xA00  }
0x15f: {  	[sflag:s6] =	ssyncset.done $0x0  }
0x160: {  	[sflag:s6] =	ssyncadd.s32 $0xFFFFF600  }
0x161: {  	_ =	swait.ge [sflag:s6], $0x280  }
0x162: {  	[sflag:s6] =	ssyncset.done $0x0  }
0x163: {  	s5 =	simm.s32 $0x2;
	[sflag:s6] =	ssyncadd.s32 $0xFFFFFD80  }
0x164: {  	_ =	swait.ge [sflag:s5], $0x28  }
0x165: {  	[sflag:s5] =	ssyncset.done $0x0  }
0x166: {  	[sflag:s5] =	ssyncadd.s32 $0xFFFFFFD8  }
0x167: {  	_ =	swait.ge [sflag:s5], $0x28  }
0x168: {  	[sflag:s5] =	ssyncset.done $0x0;
	s30 =	sld [smem:$0x7FC]  }
0x169: {  	[sflag:s5] =	ssyncadd.s32 $0xFFFFFFD8;
	s5 =	simm.s32 @p0 $0xB90  }
0x16a: {  	[tilespmem:s5], [sflag:$0x7] =	stream.indirect.gather @p0 [hbm4b:s24+s20], $0x40, s20, s20, $0xb8;
	[tilespmem:$0x13A60] =	vst v63  }
0x16b: {  	s0 =	sadd.s32 s30, s13  }
0x16c: {  	s5 =	simm.s32 @!p0 $0xB90;
	s0 =	sshll.u32 s0, $0x4  }
0x16d: {  	[tilespmem:s5], [sflag:$0x7] =	stream.indirect.gather @!p0 [hbm4b:s26+s1], $0x40, s1, s1, $0xb8;
	[tilespmem:$0x13A60] =	vst v63  }
0x16e: {  	s5 =	sadd.s32 @p0 $0xFFFFFD80, s19;
	s0 =	sadd.s32 @!p0 s25, s0  }
0x16f: {  	s0 =	smov.u32 @p0 s5;
	s5 =	simm.s32 $0xA  }
0x170: {  	[tilespmem:s14], [sflag:$0x7] =	stream.strided.gather [hbm4b:s0+s3], $0xA00, s7, s3, $0x38;
	[tilespmem:$0x13A60] =	vst v63  }
0x171: {  	_ =	swait.ge [sflag:s5], $0xA00  }
0x172: {  	[sflag:s5] =	ssyncset.done $0x0  }
0x173: {  	[sflag:s5] =	ssyncadd.s32 $0xFFFFF600  }
0x174: {  	_ =	swait.ge [sflag:s5], $0xA00  }
0x175: {  	[sflag:s5] =	ssyncset.done $0x0  }
0x176: {  	s30 =	simm.s32 $0x2990;
	s14 =	simm.s32 $0x168;
	[sflag:s5] =	ssyncadd.s32 $0xFFFFF600  }
0x177: {  	[spmem:s4] =	stream.indirect.scatter.add.f32 [tilespmem:s30], [sflag:$0xF], $0x40, s14, s12, $0xb8;
	[tilespmem:$0x13A60] =	vst v63  }
0x178: {  	s22 =	simm.s32 $0x5B90  }
0x179: {  	[spmem:s4] =	stream.indirect.scatter.add.f32 [tilespmem:s22], [sflag:$0xF], $0x40, s14, s12, $0xb8;
	[tilespmem:$0x13A60] =	vst v63  }
0x17a: {  	_ = 	snop  }
0x17b: {  	[spmem:s23] =	stream.indirect.scatter.add.f32 [tilespmem:s15], [sflag:$0xF], $0x10, s14, s12, $0xb8;
	[tilespmem:$0x13A60] =	vst v63  }
0x17c: {  	s5 =	sadd.s32 $0x28, s17;
	s22 =	simm.s32 $0x0;
	s14 =	simm.s32 $0x78  }
0x17d: {  	[tilespmem:s14], [sflag:$0x4] =	stream.linear.gather [hbm4b:s5+s22], $0x28, $0x38;
	[tilespmem:$0x13A60] =	vst v63  }
0x17e: {  	s17 =	sadd.s32 $0x28, s21  }
0x17f: {  	[tilespmem:s31], [sflag:$0x4] =	stream.linear.gather [hbm4b:s17+s22], $0x28, $0x38;
	[tilespmem:$0x13A60] =	vst v63  }
0x180: {  	_ =	swait.ge [sflag:s9], $0xA00  }
0x181: {  	[sflag:s9] =	ssyncset.done $0x0  }
0x182: {  	[sflag:s9] =	ssyncadd.s32 $0xFFFFF600  }
0x183: {  	_ =	swait.ge [sflag:s9], $0xA00  }
0x184: {  	[sflag:s9] =	ssyncset.done $0x0  }
0x185: {  	[sflag:s9] =	ssyncadd.s32 $0xFFFFF600  }
0x186: {  	_ =	swait.ge [sflag:s9], $0x280  }
0x187: {  	[sflag:s9] =	ssyncset.done $0x0  }
0x188: {  	s21 =	simm.s32 $0x3;
	[sflag:s9] =	ssyncadd.s32 $0xFFFFFD80  }
0x189: {  	_ =	swait.ge [sflag:s21], $0x28  }
0x18a: {  	[sflag:s21] =	ssyncset.done $0x0  }
0x18b: {  	[sflag:s21] =	ssyncadd.s32 $0xFFFFFFD8  }
0x18c: {  	_ =	swait.ge [sflag:s21], $0x28  }
0x18d: {  	s0 =	simm.s32 @p0 $0x50;
	[sflag:s21] =	ssyncset.done $0x0  }
0x18e: {  	s5 =	simm.s32 @p0 $0x1590;
	s30 =	sld [smem:$0x7FD];
	[sflag:s21] =	ssyncadd.s32 $0xFFFFFFD8  }
0x18f: {  	[tilespmem:s5], [sflag:$0x8] =	stream.indirect.gather @p0 [hbm4b:s24+s20], $0x40, s0, s20, $0xb8;
	[tilespmem:$0x13A60] =	vst v63  }
0x190: {  	s0 =	simm.s32 @!p0 $0x50;
	s5 =	simm.s32 @!p0 $0x1590  }
0x191: {  	[tilespmem:s5], [sflag:$0x8] =	stream.indirect.gather @!p0 [hbm4b:s26+s1], $0x40, s0, s1, $0xb8;
	[tilespmem:$0x13A60] =	vst v63  }
0x192: {  	s0 =	sadd.s32 s30, s13  }
.Ltmp3:
0x193: {  	s0 =	sshll.u32 s0, $0x4;
	(pc) =	sbr.rel .LBB2_2-.Ltmp3, $4  }
0x194: {  	s10 =	sadd.s32 $0x1, s10;
	s18 =	sadd.s32 $0x19, s18;
	s0 =	sadd.s32 @!p0 s25, s0  }
0x195: {  	s14 =	simm.s32 $0x80;
	s31 =	simm.s32 $0x40;
	s0 =	smov.u32 @p0 s19  }
0x196: {  	[tilespmem:s8], [sflag:$0x8] =	stream.strided.gather [hbm4b:s0+s3], $0xA00, s7, s3, $0x38;
	[tilespmem:$0x13A60] =	vst v63  }
0x197: {  	s20 =	simm.s32 $0x168;
	s19 =	sadd.s32 $0xC80, s19;
	s8 =	simm.s32 $0x3D90  }
.LBB2_4:
0x198: {  	s0 =	simm.s32 $0x9  }
0x199: {  	_ =	swait.ge [sflag:s0], $0xA00  }
0x19a: {  	[sflag:s0] =	ssyncset.done $0x0  }
0x19b: {  	[sflag:s0] =	ssyncadd.s32 $0xFFFFF600  }
0x19c: {  	_ =	swait.ge [sflag:s0], $0xA00  }
0x19d: {  	[sflag:s0] =	ssyncset.done $0x0  }
0x19e: {  	s11 =	simm.s32 $0x140;
	s5 =	simm.s32 $0x1F90;
	[sflag:s0] =	ssyncadd.s32 $0xFFFFF600  }
0x19f: {  	[spmem:s4] =	stream.indirect.scatter.add.f32 [tilespmem:s5], [sflag:$0xE], $0x40, s11, s12, $0xb8;
	[tilespmem:$0x13A60] =	vst v63  }
0x1a0: {  	_ = 	snop  }
0x1a1: {  	[spmem:s4] =	stream.indirect.scatter.add.f32 [tilespmem:s2], [sflag:$0xE], $0x40, s11, s12, $0xb8;
	[tilespmem:$0x13A60] =	vst v63  }
0x1a2: {  	s13 =	simm.s32 $0xA  }
0x1a3: {  	[spmem:s23] =	stream.indirect.scatter.add.f32 [tilespmem:s15], [sflag:$0xE], $0x10, s11, s12, $0xb8;
	[tilespmem:$0x13A60] =	vst v63  }
0x1a4: {  	_ =	swait.ge [sflag:s13], $0xA00  }
0x1a5: {  	[sflag:s13] =	ssyncset.done $0x0  }
0x1a6: {  	[sflag:s13] =	ssyncadd.s32 $0xFFFFF600  }
0x1a7: {  	_ =	swait.ge [sflag:s13], $0xA00  }
0x1a8: {  	[sflag:s13] =	ssyncset.done $0x0  }
0x1a9: {  	s20 =	simm.s32 $0x168;
	s14 =	simm.s32 $0x2990;
	[sflag:s13] =	ssyncadd.s32 $0xFFFFF600  }
0x1aa: {  	[spmem:s4] =	stream.indirect.scatter.add.f32 [tilespmem:s14], [sflag:$0xF], $0x40, s20, s12, $0xb8;
	[tilespmem:$0x13A60] =	vst v63  }
0x1ab: {  	_ = 	snop  }
0x1ac: {  	[spmem:s4] =	stream.indirect.scatter.add.f32 [tilespmem:s1], [sflag:$0xF], $0x40, s20, s12, $0xb8;
	[tilespmem:$0x13A60] =	vst v63  }
0x1ad: {  	_ = 	snop  }
0x1ae: {  	[spmem:s23] =	stream.indirect.scatter.add.f32 [tilespmem:s15], [sflag:$0xF], $0x10, s20, s12, $0xb8;
	[tilespmem:$0x13A60] =	vst v63  }
0x1af: {  	_ =	swait.ge [sflag:s28], $0xA00  }
0x1b0: {  	[sflag:s28] =	ssyncset.done $0x0  }
0x1b1: {  	[sflag:s28] =	ssyncadd.s32 $0xFFFFF600  }
0x1b2: {  	_ =	swait.ge [sflag:s28], $0xA00  }
0x1b3: {  	[sflag:s28] =	ssyncset.done $0x0  }
0x1b4: {  	[sflag:s28] =	ssyncadd.s32 $0xFFFFF600  }
0x1b5: {  	_ =	swait.ge [sflag:s28], $0x280  }
0x1b6: {  	[sflag:s28] =	ssyncset.done $0x0  }
0x1b7: {  	[sflag:s28] =	ssyncadd.s32 $0xFFFFFD80  }
0x1b8: {  	_ =	swait.ge [sflag:s6], $0xA00  }
0x1b9: {  	[sflag:s6] =	ssyncset.done $0x0  }
0x1ba: {  	[sflag:s6] =	ssyncadd.s32 $0xFFFFF600  }
0x1bb: {  	_ =	swait.ge [sflag:s6], $0xA00  }
0x1bc: {  	[sflag:s6] =	ssyncset.done $0x0  }
0x1bd: {  	[sflag:s6] =	ssyncadd.s32 $0xFFFFF600  }
0x1be: {  	_ =	swait.ge [sflag:s6], $0x280  }
0x1bf: {  	[sflag:s6] =	ssyncset.done $0x0  }
0x1c0: {  	[sflag:s6] =	ssyncadd.s32 $0xFFFFFD80  }
0x1c1: {  	_ =	swait.ge [sflag:s9], $0xA00  }
0x1c2: {  	[sflag:s9] =	ssyncset.done $0x0  }
0x1c3: {  	[sflag:s9] =	ssyncadd.s32 $0xFFFFF600  }
0x1c4: {  	_ =	swait.ge [sflag:s9], $0xA00  }
0x1c5: {  	[sflag:s9] =	ssyncset.done $0x0  }
0x1c6: {  	[sflag:s9] =	ssyncadd.s32 $0xFFFFF600  }
0x1c7: {  	_ =	swait.ge [sflag:s9], $0x280  }
0x1c8: {  	[sflag:s9] =	ssyncset.done $0x0  }
0x1c9: {  	s15 =	simm.s32 $0xE;
	[sflag:s9] =	ssyncadd.s32 $0xFFFFFD80  }
0x1ca: {  	_ =	swait.ge [sflag:s15], $0xA00  }
0x1cb: {  	[sflag:s15] =	ssyncset.done $0x0  }
0x1cc: {  	[sflag:s15] =	ssyncadd.s32 $0xFFFFF600  }
0x1cd: {  	_ =	swait.ge [sflag:s15], $0xA00  }
0x1ce: {  	[sflag:s15] =	ssyncset.done $0x0  }
0x1cf: {  	[sflag:s15] =	ssyncadd.s32 $0xFFFFF600  }
0x1d0: {  	_ =	swait.ge [sflag:s15], $0x280  }
0x1d1: {  	[sflag:s15] =	ssyncset.done $0x0  }
0x1d2: {  	s18 =	simm.s32 $0xF;
	[sflag:s15] =	ssyncadd.s32 $0xFFFFFD80  }
0x1d3: {  	_ =	swait.ge [sflag:s18], $0xA00  }
0x1d4: {  	[sflag:s18] =	ssyncset.done $0x0  }
0x1d5: {  	[sflag:s18] =	ssyncadd.s32 $0xFFFFF600  }
0x1d6: {  	_ =	swait.ge [sflag:s18], $0xA00  }
0x1d7: {  	[sflag:s18] =	ssyncset.done $0x0  }
0x1d8: {  	[sflag:s18] =	ssyncadd.s32 $0xFFFFF600  }
0x1d9: {  	_ =	swait.ge [sflag:s18], $0x280  }
0x1da: {  	[sflag:s18] =	ssyncset.done $0x0  }
0x1db: {  	[sflag:s18] =	ssyncadd.s32 $0xFFFFFD80  }
0x1dc: {  	[bflag:$0x0] =	sbarrier.arrive $0xFFFF  }
0x1dd: {  	s2 =	simm.s32 $0x6810;
	s11 =	simm.s32 $0x10;
	s29 =	rddreg [dreg:$0x13]  }
0x1de: {  	[tilespmem:s2], [sflag:$0x10] =	stream.linear.gather [spmem:s29], $0xC00, $0x38;
	[tilespmem:$0x13A60] =	vst v63  }
0x1df: {  	_ =	swait.ge [sflag:s11], $0xC00  }
0x1e0: {  	[sflag:s11] =	ssyncset.done $0x0  }
0x1e1: {  	s5 =	simm.s32 $0x7410;
	s19 =	rddreg [dreg:$0x15];
	[sflag:s11] =	ssyncadd.s32 $0xFFFFF400  }
0x1e2: {  	[tilespmem:s5], [sflag:$0x10] =	stream.linear.gather [spmem:s19], $0x300, $0x38;
	[tilespmem:$0x13A60] =	vst v63  }
0x1e3: {  	_ =	swait.ge [sflag:s11], $0x300  }
0x1e4: {  	[sflag:s11] =	ssyncset.done $0x0  }
0x1e5: {  	s21 =	simm.s32 $0x0;
	[sflag:s11] =	ssyncadd.s32 $0xFFFFFD00  }
0x1e6: {  	v1 =	vld [tilespmem:s21+$0x7410];
	_ =	sdelay $0x4  }
0x1e7: {  	(xrf2) =	vadd.scan.msk.f32 $0xffff, v1;
	_ =	sdelay $0x9  }
0x1e8: {  	v1, _, _ =	vpop (xrf2)  }
0x1e9: {  	v1 =	vmax.f32 v1, $1.000000000e+00  }
0x1ea: {  	(erf) = vrcp.f32 v1;
	_ =	sdelay $0x3  }
0x1eb: {  	s1 =	simm.s32 $0x6830  }
0x1ec: {  	v1 =	vld [tilespmem:s1+$0xFFFFFFE0]  }
0x1ed: {  	v2 =	vld [tilespmem:s1+$0xFFFFFFF0]  }
0x1ee: {  	v3 =	vld [tilespmem:s1+$0x0]  }
0x1ef: {  	v4 =	vld [tilespmem:s1+$0x10]  }
0x1f0: {  	v5 =	vpop (erf)  }
0x1f1: {  	v1 =	vmul.f32 v5, v1  }
0x1f2: {  	v2 =	vmul.f32 v5, v2  }
0x1f3: {  	v3 =	vmul.f32 v3, v5;
	[tilespmem:s1+$0xFFFFFFE0] =	vst v1  }
0x1f4: {  	v1 =	vmul.f32 v4, v5;
	[tilespmem:s1+$0xFFFFFFF0] =	vst v2  }
0x1f5: {  	[tilespmem:s1+$0x0] =	vst v3  }
0x1f6: {  	s17 =	simm.s32 $0x140;
	s10 =	simm.s32 $0x80;
	s13 =	simm.s32 $0x10;
	[tilespmem:s1+$0x10] =	vst v1  }
.LBB2_5:
0x1f7: {  	p2 =	sne.s32 s10, $0xBC0;
	v1 =	vld [tilespmem:s13+$0x7410];
	_ =	sdelay $0x4  }
0x1f8: {  	(xrf2) =	vadd.scan.msk.f32 $0xffff, v1;
	_ =	sdelay $0x9  }
0x1f9: {  	v1, _, _ =	vpop (xrf2)  }
0x1fa: {  	v1 =	vmax.f32 v1, $1.000000000e+00  }
0x1fb: {  	(erf) = vrcp.f32 v1;
	_ =	sdelay $0x1  }
0x1fc: {  	s1 =	sadd.s32 $0x40, s1  }
0x1fd: {  	v1 =	vld [tilespmem:s1+$0xFFFFFFF0]  }
0x1fe: {  	v2 =	vld [tilespmem:s1+$0x10]  }
0x1ff: {  	v3 =	vld [tilespmem:s1+$0xFFFFFFE0]  }
0x200: {  	v4 =	vld [tilespmem:s1+$0x0];
	_ =	sdelay $0x2  }
0x201: {  	v5 =	vpop (erf)  }
0x202: {  	v3 =	vmul.f32 v5, v3;
	v1 =	vmul.f32 v5, v1  }
.Ltmp4:
0x203: {  	v2 =	vmul.f32 v2, v5;
	v4 =	vmul.f32 v4, v5;
	(pc) =	sbr.rel @p2 .LBB2_5-.Ltmp4, $4  }
0x204: {  	[tilespmem:s1+$0xFFFFFFE0] =	vst v3  }
0x205: {  	[tilespmem:s1+$0xFFFFFFF0] =	vst v1  }
0x206: {  	[tilespmem:s1+$0x0] =	vst v4  }
0x207: {  	s13 =	sshra.s32 s10, $0x2;
	s10 =	sadd.s32 $0x40, s10;
	[tilespmem:s1+$0x10] =	vst v2  }
0x208: {  	v1 =	vld [tilespmem:s13+$0x7410];
	_ =	sdelay $0x4  }
0x209: {  	(xrf2) =	vadd.scan.msk.f32 $0xffff, v1;
	_ =	sdelay $0x9  }
0x20a: {  	v1, _, _ =	vpop (xrf2)  }
0x20b: {  	v1 =	vmax.f32 v1, $1.000000000e+00  }
0x20c: {  	(erf) = vrcp.f32 v1;
	_ =	sdelay $0x3  }
0x20d: {  	s0 =	sadd.s32 $0x40, s1  }
0x20e: {  	v1 =	vld [tilespmem:s0+$0xFFFFFFE0]  }
0x20f: {  	v2 =	vld [tilespmem:s0+$0xFFFFFFF0]  }
0x210: {  	v3 =	vld [tilespmem:s0+$0x0]  }
0x211: {  	v4 =	vld [tilespmem:s0+$0x10]  }
0x212: {  	v5 =	vpop (erf)  }
0x213: {  	v1 =	vmul.f32 v5, v1  }
0x214: {  	v2 =	vmul.f32 v5, v2  }
0x215: {  	v3 =	vmul.f32 v3, v5;
	[tilespmem:s0+$0xFFFFFFE0] =	vst v1  }
0x216: {  	s15 =	sld [smem:$0x7D8];
	v1 =	vmul.f32 v4, v5;
	[tilespmem:s0+$0xFFFFFFF0] =	vst v2  }
0x217: {  	[tilespmem:s0+$0x0] =	vst v3  }
0x218: {  	[tilespmem:s0+$0x10] =	vst v1  }
0x219: {  	[hbm4b:s15+s3] =	stream.strided.scatter [tilespmem:s2], [sflag:$0x10], $0xC00, s31, s3, $0x38;
	[tilespmem:$0x13A60] =	vst v63  }
0x21a: {  	_ =	swait.ge [sflag:s11], $0xC00  }
0x21b: {  	[sflag:s11] =	ssyncset.done $0x0  }
0x21c: {  	s18 =	rddreg [dreg:$0x16];
	[sflag:s11] =	ssyncadd.s32 $0xFFFFF400  }
0x21d: {  	[tilespmem:s2], [sflag:$0x10] =	stream.linear.gather [spmem:s18], $0xC00, $0x38;
	[tilespmem:$0x13A60] =	vst v63  }
0x21e: {  	_ =	swait.ge [sflag:s11], $0xC00  }
0x21f: {  	s19 =	sld [smem:$0x7D9]  }
0x220: {  	[sflag:s11] =	ssyncset.done $0x0  }
0x221: {  	[sflag:s11] =	ssyncadd.s32 $0xFFFFF400  }
0x222: {  	[tilespmem:s5], [sflag:$0x10] =	stream.linear.gather [spmem:s19], $0x300, $0x38;
	[tilespmem:$0x13A60] =	vst v63  }
0x223: {  	_ =	swait.ge [sflag:s11], $0x300  }
0x224: {  	[sflag:s11] =	ssyncset.done $0x0  }
0x225: {  	s21 =	simm.s32 $0x0;
	[sflag:s11] =	ssyncadd.s32 $0xFFFFFD00  }
0x226: {  	v1 =	vld [tilespmem:s21+$0x7410];
	_ =	sdelay $0x4  }
0x227: {  	(xrf2) =	vadd.scan.msk.f32 $0xffff, v1;
	_ =	sdelay $0x9  }
0x228: {  	v1, _, _ =	vpop (xrf2)  }
0x229: {  	v1 =	vmax.f32 v1, $1.000000000e+00  }
0x22a: {  	(erf) = vrcp.f32 v1;
	_ =	sdelay $0x3  }
0x22b: {  	s1 =	simm.s32 $0x6830  }
0x22c: {  	v1 =	vld [tilespmem:s1+$0xFFFFFFE0]  }
0x22d: {  	v2 =	vld [tilespmem:s1+$0xFFFFFFF0]  }
0x22e: {  	v3 =	vld [tilespmem:s1+$0x0]  }
0x22f: {  	v62 =	vld [tilespmem:s1+$0x10]  }
0x230: {  	v63 =	vpop (erf)  }
0x231: {  	v1 =	vmul.f32 v63, v1  }
0x232: {  	v2 =	vmul.f32 v63, v2  }
0x233: {  	v3 =	vmul.f32 v3, v63;
	[tilespmem:s1+$0xFFFFFFE0] =	vst v1  }
0x234: {  	v1 =	vmul.f32 v62, v63;
	[tilespmem:s1+$0xFFFFFFF0] =	vst v2  }
0x235: {  	[tilespmem:s1+$0x0] =	vst v3  }
0x236: {  	s13 =	simm.s32 $0x10;
	s10 =	simm.s32 $0x80;
	[tilespmem:s1+$0x10] =	vst v1  }
.LBB2_7:
0x237: {  	p2 =	sne.s32 s10, $0xBC0;
	v1 =	vld [tilespmem:s13+$0x7410];
	_ =	sdelay $0x4  }
0x238: {  	(xrf2) =	vadd.scan.msk.f32 $0xffff, v1;
	_ =	sdelay $0x9  }
0x239: {  	v1, _, _ =	vpop (xrf2)  }
0x23a: {  	v1 =	vmax.f32 v1, $1.000000000e+00  }
0x23b: {  	(erf) = vrcp.f32 v1;
	_ =	sdelay $0x1  }
0x23c: {  	s1 =	sadd.s32 $0x40, s1  }
0x23d: {  	v1 =	vld [tilespmem:s1+$0xFFFFFFF0]  }
0x23e: {  	v2 =	vld [tilespmem:s1+$0x10]  }
0x23f: {  	v3 =	vld [tilespmem:s1+$0xFFFFFFE0]  }
0x240: {  	v4 =	vld [tilespmem:s1+$0x0];
	_ =	sdelay $0x2  }
0x241: {  	v5 =	vpop (erf)  }
0x242: {  	v3 =	vmul.f32 v5, v3;
	v1 =	vmul.f32 v5, v1  }
.Ltmp5:
0x243: {  	v2 =	vmul.f32 v2, v5;
	v4 =	vmul.f32 v4, v5;
	(pc) =	sbr.rel @p2 .LBB2_7-.Ltmp5, $4  }
0x244: {  	[tilespmem:s1+$0xFFFFFFE0] =	vst v3  }
0x245: {  	[tilespmem:s1+$0xFFFFFFF0] =	vst v1  }
0x246: {  	[tilespmem:s1+$0x0] =	vst v4  }
0x247: {  	s13 =	sshra.s32 s10, $0x2;
	s10 =	sadd.s32 $0x40, s10;
	[tilespmem:s1+$0x10] =	vst v2  }
0x248: {  	v1 =	vld [tilespmem:s13+$0x7410];
	_ =	sdelay $0x4  }
0x249: {  	(xrf2) =	vadd.scan.msk.f32 $0xffff, v1;
	_ =	sdelay $0x9  }
0x24a: {  	v1, _, _ =	vpop (xrf2)  }
0x24b: {  	v1 =	vmax.f32 v1, $1.000000000e+00  }
0x24c: {  	(erf) = vrcp.f32 v1;
	_ =	sdelay $0x3  }
0x24d: {  	s0 =	sadd.s32 $0x40, s1  }
0x24e: {  	v1 =	vld [tilespmem:s0+$0xFFFFFFE0]  }
0x24f: {  	v2 =	vld [tilespmem:s0+$0xFFFFFFF0]  }
0x250: {  	v3 =	vld [tilespmem:s0+$0x0]  }
0x251: {  	v4 =	vld [tilespmem:s0+$0x10]  }
0x252: {  	v5 =	vpop (erf)  }
0x253: {  	v1 =	vmul.f32 v5, v1  }
0x254: {  	v2 =	vmul.f32 v5, v2  }
0x255: {  	v3 =	vmul.f32 v3, v5;
	[tilespmem:s0+$0xFFFFFFE0] =	vst v1  }
0x256: {  	s15 =	sld [smem:$0x7DA];
	v1 =	vmul.f32 v4, v5;
	[tilespmem:s0+$0xFFFFFFF0] =	vst v2  }
0x257: {  	[tilespmem:s0+$0x0] =	vst v3  }
0x258: {  	[tilespmem:s0+$0x10] =	vst v1  }
0x259: {  	[hbm4b:s15+s3] =	stream.strided.scatter [tilespmem:s2], [sflag:$0x10], $0xC00, s31, s3, $0x38;
	[tilespmem:$0x13A60] =	vst v63  }
0x25a: {  	_ =	swait.ge [sflag:s11], $0xC00  }
0x25b: {  	[sflag:s11] =	ssyncset.done $0x0  }
0x25c: {  	s18 =	rddreg [dreg:$0x17];
	[sflag:s11] =	ssyncadd.s32 $0xFFFFF400  }
0x25d: {  	[tilespmem:s2], [sflag:$0x10] =	stream.linear.gather [spmem:s18], $0xC00, $0x38;
	[tilespmem:$0x13A60] =	vst v63  }
0x25e: {  	_ =	swait.ge [sflag:s11], $0xC00  }
0x25f: {  	s19 =	sld [smem:$0x7DB]  }
0x260: {  	[sflag:s11] =	ssyncset.done $0x0  }
0x261: {  	[sflag:s11] =	ssyncadd.s32 $0xFFFFF400  }
0x262: {  	[tilespmem:s5], [sflag:$0x10] =	stream.linear.gather [spmem:s19], $0x300, $0x38;
	[tilespmem:$0x13A60] =	vst v63  }
0x263: {  	_ =	swait.ge [sflag:s11], $0x300  }
0x264: {  	[sflag:s11] =	ssyncset.done $0x0  }
0x265: {  	s21 =	simm.s32 $0x0;
	[sflag:s11] =	ssyncadd.s32 $0xFFFFFD00  }
0x266: {  	v1 =	vld [tilespmem:s21+$0x7410];
	_ =	sdelay $0x4  }
0x267: {  	(xrf2) =	vadd.scan.msk.f32 $0xffff, v1;
	_ =	sdelay $0x9  }
0x268: {  	v1, _, _ =	vpop (xrf2)  }
0x269: {  	v1 =	vmax.f32 v1, $1.000000000e+00  }
0x26a: {  	(erf) = vrcp.f32 v1;
	_ =	sdelay $0x3  }
0x26b: {  	s1 =	simm.s32 $0x6830  }
0x26c: {  	v1 =	vld [tilespmem:s1+$0xFFFFFFE0]  }
0x26d: {  	v2 =	vld [tilespmem:s1+$0xFFFFFFF0]  }
0x26e: {  	v3 =	vld [tilespmem:s1+$0x0]  }
0x26f: {  	v62 =	vld [tilespmem:s1+$0x10]  }
0x270: {  	v63 =	vpop (erf)  }
0x271: {  	v1 =	vmul.f32 v63, v1  }
0x272: {  	v2 =	vmul.f32 v63, v2  }
0x273: {  	v3 =	vmul.f32 v3, v63;
	[tilespmem:s1+$0xFFFFFFE0] =	vst v1  }
0x274: {  	v1 =	vmul.f32 v62, v63;
	[tilespmem:s1+$0xFFFFFFF0] =	vst v2  }
0x275: {  	[tilespmem:s1+$0x0] =	vst v3  }
0x276: {  	s13 =	simm.s32 $0x10;
	s10 =	simm.s32 $0x80;
	[tilespmem:s1+$0x10] =	vst v1  }
.LBB2_9:
0x277: {  	p2 =	sne.s32 s10, $0xBC0;
	v1 =	vld [tilespmem:s13+$0x7410];
	_ =	sdelay $0x4  }
0x278: {  	(xrf2) =	vadd.scan.msk.f32 $0xffff, v1;
	_ =	sdelay $0x9  }
0x279: {  	v1, _, _ =	vpop (xrf2)  }
0x27a: {  	v1 =	vmax.f32 v1, $1.000000000e+00  }
0x27b: {  	(erf) = vrcp.f32 v1;
	_ =	sdelay $0x1  }
0x27c: {  	s1 =	sadd.s32 $0x40, s1  }
0x27d: {  	v1 =	vld [tilespmem:s1+$0xFFFFFFF0]  }
0x27e: {  	v2 =	vld [tilespmem:s1+$0x10]  }
0x27f: {  	v3 =	vld [tilespmem:s1+$0xFFFFFFE0]  }
0x280: {  	v4 =	vld [tilespmem:s1+$0x0];
	_ =	sdelay $0x2  }
0x281: {  	v5 =	vpop (erf)  }
0x282: {  	v3 =	vmul.f32 v5, v3;
	v1 =	vmul.f32 v5, v1  }
.Ltmp6:
0x283: {  	v2 =	vmul.f32 v2, v5;
	v4 =	vmul.f32 v4, v5;
	(pc) =	sbr.rel @p2 .LBB2_9-.Ltmp6, $4  }
0x284: {  	[tilespmem:s1+$0xFFFFFFE0] =	vst v3  }
0x285: {  	[tilespmem:s1+$0xFFFFFFF0] =	vst v1  }
0x286: {  	[tilespmem:s1+$0x0] =	vst v4  }
0x287: {  	s13 =	sshra.s32 s10, $0x2;
	s10 =	sadd.s32 $0x40, s10;
	[tilespmem:s1+$0x10] =	vst v2  }
0x288: {  	v1 =	vld [tilespmem:s13+$0x7410];
	_ =	sdelay $0x4  }
0x289: {  	(xrf2) =	vadd.scan.msk.f32 $0xffff, v1;
	_ =	sdelay $0x9  }
0x28a: {  	v1, _, _ =	vpop (xrf2)  }
0x28b: {  	v1 =	vmax.f32 v1, $1.000000000e+00  }
0x28c: {  	(erf) = vrcp.f32 v1;
	_ =	sdelay $0x3  }
0x28d: {  	s0 =	sadd.s32 $0x40, s1  }
0x28e: {  	v1 =	vld [tilespmem:s0+$0xFFFFFFE0]  }
0x28f: {  	v2 =	vld [tilespmem:s0+$0xFFFFFFF0]  }
0x290: {  	v3 =	vld [tilespmem:s0+$0x0]  }
0x291: {  	v4 =	vld [tilespmem:s0+$0x10]  }
0x292: {  	v5 =	vpop (erf)  }
0x293: {  	v1 =	vmul.f32 v5, v1  }
0x294: {  	v2 =	vmul.f32 v5, v2  }
0x295: {  	v3 =	vmul.f32 v3, v5;
	[tilespmem:s0+$0xFFFFFFE0] =	vst v1  }
0x296: {  	s15 =	sld [smem:$0x7DC];
	v1 =	vmul.f32 v4, v5;
	[tilespmem:s0+$0xFFFFFFF0] =	vst v2  }
0x297: {  	[tilespmem:s0+$0x0] =	vst v3  }
0x298: {  	[tilespmem:s0+$0x10] =	vst v1  }
0x299: {  	[hbm4b:s15+s3] =	stream.strided.scatter [tilespmem:s2], [sflag:$0x10], $0xC00, s31, s3, $0x38;
	[tilespmem:$0x13A60] =	vst v63  }
0x29a: {  	_ =	swait.ge [sflag:s11], $0xC00  }
0x29b: {  	[sflag:s11] =	ssyncset.done $0x0  }
0x29c: {  	s18 =	rddreg [dreg:$0x18];
	[sflag:s11] =	ssyncadd.s32 $0xFFFFF400  }
0x29d: {  	[tilespmem:s2], [sflag:$0x10] =	stream.linear.gather [spmem:s18], $0xC00, $0x38;
	[tilespmem:$0x13A60] =	vst v63  }
0x29e: {  	_ =	swait.ge [sflag:s11], $0xC00  }
0x29f: {  	s19 =	sld [smem:$0x7DD]  }
0x2a0: {  	[sflag:s11] =	ssyncset.done $0x0  }
0x2a1: {  	[sflag:s11] =	ssyncadd.s32 $0xFFFFF400  }
0x2a2: {  	[tilespmem:s5], [sflag:$0x10] =	stream.linear.gather [spmem:s19], $0x300, $0x38;
	[tilespmem:$0x13A60] =	vst v63  }
0x2a3: {  	_ =	swait.ge [sflag:s11], $0x300  }
0x2a4: {  	[sflag:s11] =	ssyncset.done $0x0  }
0x2a5: {  	s21 =	simm.s32 $0x0;
	[sflag:s11] =	ssyncadd.s32 $0xFFFFFD00  }
0x2a6: {  	v1 =	vld [tilespmem:s21+$0x7410];
	_ =	sdelay $0x4  }
0x2a7: {  	(xrf2) =	vadd.scan.msk.f32 $0xffff, v1;
	_ =	sdelay $0x9  }
0x2a8: {  	v1, _, _ =	vpop (xrf2)  }
0x2a9: {  	v1 =	vmax.f32 v1, $1.000000000e+00  }
0x2aa: {  	(erf) = vrcp.f32 v1;
	_ =	sdelay $0x3  }
0x2ab: {  	s1 =	simm.s32 $0x6830  }
0x2ac: {  	v1 =	vld [tilespmem:s1+$0xFFFFFFE0]  }
0x2ad: {  	v2 =	vld [tilespmem:s1+$0xFFFFFFF0]  }
0x2ae: {  	v3 =	vld [tilespmem:s1+$0x0]  }
0x2af: {  	v62 =	vld [tilespmem:s1+$0x10]  }
0x2b0: {  	v63 =	vpop (erf)  }
0x2b1: {  	v1 =	vmul.f32 v63, v1  }
0x2b2: {  	v2 =	vmul.f32 v63, v2  }
0x2b3: {  	v3 =	vmul.f32 v3, v63;
	[tilespmem:s1+$0xFFFFFFE0] =	vst v1  }
0x2b4: {  	v1 =	vmul.f32 v62, v63;
	[tilespmem:s1+$0xFFFFFFF0] =	vst v2  }
0x2b5: {  	[tilespmem:s1+$0x0] =	vst v3  }
0x2b6: {  	s13 =	simm.s32 $0x10;
	s10 =	simm.s32 $0x80;
	[tilespmem:s1+$0x10] =	vst v1  }
.LBB2_11:
0x2b7: {  	p2 =	sne.s32 s10, $0xBC0;
	v1 =	vld [tilespmem:s13+$0x7410];
	_ =	sdelay $0x4  }
0x2b8: {  	(xrf2) =	vadd.scan.msk.f32 $0xffff, v1;
	_ =	sdelay $0x9  }
0x2b9: {  	v1, _, _ =	vpop (xrf2)  }
0x2ba: {  	v1 =	vmax.f32 v1, $1.000000000e+00  }
0x2bb: {  	(erf) = vrcp.f32 v1;
	_ =	sdelay $0x1  }
0x2bc: {  	s1 =	sadd.s32 $0x40, s1  }
0x2bd: {  	v1 =	vld [tilespmem:s1+$0xFFFFFFF0]  }
0x2be: {  	v2 =	vld [tilespmem:s1+$0x10]  }
0x2bf: {  	v3 =	vld [tilespmem:s1+$0xFFFFFFE0]  }
0x2c0: {  	v4 =	vld [tilespmem:s1+$0x0];
	_ =	sdelay $0x2  }
0x2c1: {  	v5 =	vpop (erf)  }
0x2c2: {  	v3 =	vmul.f32 v5, v3;
	v1 =	vmul.f32 v5, v1  }
.Ltmp7:
0x2c3: {  	v2 =	vmul.f32 v2, v5;
	v4 =	vmul.f32 v4, v5;
	(pc) =	sbr.rel @p2 .LBB2_11-.Ltmp7, $4  }
0x2c4: {  	[tilespmem:s1+$0xFFFFFFE0] =	vst v3  }
0x2c5: {  	[tilespmem:s1+$0xFFFFFFF0] =	vst v1  }
0x2c6: {  	[tilespmem:s1+$0x0] =	vst v4  }
0x2c7: {  	s13 =	sshra.s32 s10, $0x2;
	s10 =	sadd.s32 $0x40, s10;
	[tilespmem:s1+$0x10] =	vst v2  }
0x2c8: {  	v1 =	vld [tilespmem:s13+$0x7410];
	_ =	sdelay $0x4  }
0x2c9: {  	(xrf2) =	vadd.scan.msk.f32 $0xffff, v1;
	_ =	sdelay $0x9  }
0x2ca: {  	v1, _, _ =	vpop (xrf2)  }
0x2cb: {  	v1 =	vmax.f32 v1, $1.000000000e+00  }
0x2cc: {  	(erf) = vrcp.f32 v1;
	_ =	sdelay $0x3  }
0x2cd: {  	s0 =	sadd.s32 $0x40, s1  }
0x2ce: {  	v1 =	vld [tilespmem:s0+$0xFFFFFFE0]  }
0x2cf: {  	v2 =	vld [tilespmem:s0+$0xFFFFFFF0]  }
0x2d0: {  	v3 =	vld [tilespmem:s0+$0x0]  }
0x2d1: {  	v4 =	vld [tilespmem:s0+$0x10]  }
0x2d2: {  	v5 =	vpop (erf)  }
0x2d3: {  	v1 =	vmul.f32 v5, v1  }
0x2d4: {  	v2 =	vmul.f32 v5, v2  }
0x2d5: {  	v3 =	vmul.f32 v3, v5;
	[tilespmem:s0+$0xFFFFFFE0] =	vst v1  }
0x2d6: {  	s15 =	sld [smem:$0x7DE];
	v1 =	vmul.f32 v4, v5;
	[tilespmem:s0+$0xFFFFFFF0] =	vst v2  }
0x2d7: {  	[tilespmem:s0+$0x0] =	vst v3  }
0x2d8: {  	[tilespmem:s0+$0x10] =	vst v1  }
0x2d9: {  	[hbm4b:s15+s3] =	stream.strided.scatter [tilespmem:s2], [sflag:$0x10], $0xC00, s31, s3, $0x38;
	[tilespmem:$0x13A60] =	vst v63  }
0x2da: {  	_ =	swait.ge [sflag:s11], $0xC00  }
0x2db: {  	[sflag:s11] =	ssyncset.done $0x0  }
0x2dc: {  	s18 =	rddreg [dreg:$0x19];
	[sflag:s11] =	ssyncadd.s32 $0xFFFFF400  }
0x2dd: {  	[tilespmem:s2], [sflag:$0x10] =	stream.linear.gather [spmem:s18], $0xC00, $0x38;
	[tilespmem:$0x13A60] =	vst v63  }
0x2de: {  	_ =	swait.ge [sflag:s11], $0xC00  }
0x2df: {  	s19 =	sld [smem:$0x7DF]  }
0x2e0: {  	[sflag:s11] =	ssyncset.done $0x0  }
0x2e1: {  	[sflag:s11] =	ssyncadd.s32 $0xFFFFF400  }
0x2e2: {  	[tilespmem:s5], [sflag:$0x10] =	stream.linear.gather [spmem:s19], $0x300, $0x38;
	[tilespmem:$0x13A60] =	vst v63  }
0x2e3: {  	_ =	swait.ge [sflag:s11], $0x300  }
0x2e4: {  	[sflag:s11] =	ssyncset.done $0x0  }
0x2e5: {  	s21 =	simm.s32 $0x0;
	[sflag:s11] =	ssyncadd.s32 $0xFFFFFD00  }
0x2e6: {  	v1 =	vld [tilespmem:s21+$0x7410];
	_ =	sdelay $0x4  }
0x2e7: {  	(xrf2) =	vadd.scan.msk.f32 $0xffff, v1;
	_ =	sdelay $0x9  }
0x2e8: {  	v1, _, _ =	vpop (xrf2)  }
0x2e9: {  	v1 =	vmax.f32 v1, $1.000000000e+00  }
0x2ea: {  	(erf) = vrcp.f32 v1;
	_ =	sdelay $0x3  }
0x2eb: {  	s1 =	simm.s32 $0x6830  }
0x2ec: {  	v1 =	vld [tilespmem:s1+$0xFFFFFFE0]  }
0x2ed: {  	v2 =	vld [tilespmem:s1+$0xFFFFFFF0]  }
0x2ee: {  	v3 =	vld [tilespmem:s1+$0x0]  }
0x2ef: {  	v62 =	vld [tilespmem:s1+$0x10]  }
0x2f0: {  	v63 =	vpop (erf)  }
0x2f1: {  	v1 =	vmul.f32 v63, v1  }
0x2f2: {  	v2 =	vmul.f32 v63, v2  }
0x2f3: {  	v3 =	vmul.f32 v3, v63;
	[tilespmem:s1+$0xFFFFFFE0] =	vst v1  }
0x2f4: {  	v1 =	vmul.f32 v62, v63;
	[tilespmem:s1+$0xFFFFFFF0] =	vst v2  }
0x2f5: {  	[tilespmem:s1+$0x0] =	vst v3  }
0x2f6: {  	s13 =	simm.s32 $0x10;
	s10 =	simm.s32 $0x80;
	[tilespmem:s1+$0x10] =	vst v1  }
.LBB2_13:
0x2f7: {  	p2 =	sne.s32 s10, $0xBC0;
	v1 =	vld [tilespmem:s13+$0x7410];
	_ =	sdelay $0x4  }
0x2f8: {  	(xrf2) =	vadd.scan.msk.f32 $0xffff, v1;
	_ =	sdelay $0x9  }
0x2f9: {  	v1, _, _ =	vpop (xrf2)  }
0x2fa: {  	v1 =	vmax.f32 v1, $1.000000000e+00  }
0x2fb: {  	(erf) = vrcp.f32 v1;
	_ =	sdelay $0x1  }
0x2fc: {  	s1 =	sadd.s32 $0x40, s1  }
0x2fd: {  	v1 =	vld [tilespmem:s1+$0xFFFFFFF0]  }
0x2fe: {  	v2 =	vld [tilespmem:s1+$0x10]  }
0x2ff: {  	v3 =	vld [tilespmem:s1+$0xFFFFFFE0]  }
0x300: {  	v4 =	vld [tilespmem:s1+$0x0];
	_ =	sdelay $0x2  }
0x301: {  	v5 =	vpop (erf)  }
0x302: {  	v3 =	vmul.f32 v5, v3;
	v1 =	vmul.f32 v5, v1  }
.Ltmp8:
0x303: {  	v2 =	vmul.f32 v2, v5;
	v4 =	vmul.f32 v4, v5;
	(pc) =	sbr.rel @p2 .LBB2_13-.Ltmp8, $4  }
0x304: {  	[tilespmem:s1+$0xFFFFFFE0] =	vst v3  }
0x305: {  	[tilespmem:s1+$0xFFFFFFF0] =	vst v1  }
0x306: {  	[tilespmem:s1+$0x0] =	vst v4  }
0x307: {  	s13 =	sshra.s32 s10, $0x2;
	s10 =	sadd.s32 $0x40, s10;
	[tilespmem:s1+$0x10] =	vst v2  }
0x308: {  	v1 =	vld [tilespmem:s13+$0x7410];
	_ =	sdelay $0x4  }
0x309: {  	(xrf2) =	vadd.scan.msk.f32 $0xffff, v1;
	_ =	sdelay $0x9  }
0x30a: {  	v1, _, _ =	vpop (xrf2)  }
0x30b: {  	v1 =	vmax.f32 v1, $1.000000000e+00  }
0x30c: {  	(erf) = vrcp.f32 v1;
	_ =	sdelay $0x3  }
0x30d: {  	s0 =	sadd.s32 $0x40, s1  }
0x30e: {  	v1 =	vld [tilespmem:s0+$0xFFFFFFE0]  }
0x30f: {  	v2 =	vld [tilespmem:s0+$0xFFFFFFF0]  }
0x310: {  	v3 =	vld [tilespmem:s0+$0x0]  }
0x311: {  	v4 =	vld [tilespmem:s0+$0x10]  }
0x312: {  	v5 =	vpop (erf)  }
0x313: {  	v1 =	vmul.f32 v5, v1  }
0x314: {  	v2 =	vmul.f32 v5, v2  }
0x315: {  	v3 =	vmul.f32 v3, v5;
	[tilespmem:s0+$0xFFFFFFE0] =	vst v1  }
0x316: {  	s15 =	sld [smem:$0x7E0];
	v1 =	vmul.f32 v4, v5;
	[tilespmem:s0+$0xFFFFFFF0] =	vst v2  }
0x317: {  	[tilespmem:s0+$0x0] =	vst v3  }
0x318: {  	[tilespmem:s0+$0x10] =	vst v1  }
0x319: {  	[hbm4b:s15+s3] =	stream.strided.scatter [tilespmem:s2], [sflag:$0x10], $0xC00, s31, s3, $0x38;
	[tilespmem:$0x13A60] =	vst v63  }
0x31a: {  	_ =	swait.ge [sflag:s11], $0xC00  }
0x31b: {  	[sflag:s11] =	ssyncset.done $0x0  }
0x31c: {  	s18 =	rddreg [dreg:$0x1a];
	[sflag:s11] =	ssyncadd.s32 $0xFFFFF400  }
0x31d: {  	[tilespmem:s2], [sflag:$0x10] =	stream.linear.gather [spmem:s18], $0xC00, $0x38;
	[tilespmem:$0x13A60] =	vst v63  }
0x31e: {  	_ =	swait.ge [sflag:s11], $0xC00  }
0x31f: {  	s19 =	sld [smem:$0x7E1]  }
0x320: {  	[sflag:s11] =	ssyncset.done $0x0  }
0x321: {  	[sflag:s11] =	ssyncadd.s32 $0xFFFFF400  }
0x322: {  	[tilespmem:s5], [sflag:$0x10] =	stream.linear.gather [spmem:s19], $0x300, $0x38;
	[tilespmem:$0x13A60] =	vst v63  }
0x323: {  	_ =	swait.ge [sflag:s11], $0x300  }
0x324: {  	[sflag:s11] =	ssyncset.done $0x0  }
0x325: {  	s21 =	simm.s32 $0x0;
	[sflag:s11] =	ssyncadd.s32 $0xFFFFFD00  }
0x326: {  	v1 =	vld [tilespmem:s21+$0x7410];
	_ =	sdelay $0x4  }
0x327: {  	(xrf2) =	vadd.scan.msk.f32 $0xffff, v1;
	_ =	sdelay $0x9  }
0x328: {  	v1, _, _ =	vpop (xrf2)  }
0x329: {  	v1 =	vmax.f32 v1, $1.000000000e+00  }
0x32a: {  	(erf) = vrcp.f32 v1;
	_ =	sdelay $0x3  }
0x32b: {  	s1 =	simm.s32 $0x6830  }
0x32c: {  	v1 =	vld [tilespmem:s1+$0xFFFFFFE0]  }
0x32d: {  	v2 =	vld [tilespmem:s1+$0xFFFFFFF0]  }
0x32e: {  	v3 =	vld [tilespmem:s1+$0x0]  }
0x32f: {  	v62 =	vld [tilespmem:s1+$0x10]  }
0x330: {  	v63 =	vpop (erf)  }
0x331: {  	v1 =	vmul.f32 v63, v1  }
0x332: {  	v2 =	vmul.f32 v63, v2  }
0x333: {  	v3 =	vmul.f32 v3, v63;
	[tilespmem:s1+$0xFFFFFFE0] =	vst v1  }
0x334: {  	v1 =	vmul.f32 v62, v63;
	[tilespmem:s1+$0xFFFFFFF0] =	vst v2  }
0x335: {  	[tilespmem:s1+$0x0] =	vst v3  }
0x336: {  	s13 =	simm.s32 $0x10;
	s10 =	simm.s32 $0x80;
	[tilespmem:s1+$0x10] =	vst v1  }
.LBB2_15:
0x337: {  	p2 =	sne.s32 s10, $0xBC0;
	v1 =	vld [tilespmem:s13+$0x7410];
	_ =	sdelay $0x4  }
0x338: {  	(xrf2) =	vadd.scan.msk.f32 $0xffff, v1;
	_ =	sdelay $0x9  }
0x339: {  	v1, _, _ =	vpop (xrf2)  }
0x33a: {  	v1 =	vmax.f32 v1, $1.000000000e+00  }
0x33b: {  	(erf) = vrcp.f32 v1;
	_ =	sdelay $0x1  }
0x33c: {  	s1 =	sadd.s32 $0x40, s1  }
0x33d: {  	v1 =	vld [tilespmem:s1+$0xFFFFFFF0]  }
0x33e: {  	v2 =	vld [tilespmem:s1+$0x10]  }
0x33f: {  	v3 =	vld [tilespmem:s1+$0xFFFFFFE0]  }
0x340: {  	v4 =	vld [tilespmem:s1+$0x0];
	_ =	sdelay $0x2  }
0x341: {  	v5 =	vpop (erf)  }
0x342: {  	v3 =	vmul.f32 v5, v3;
	v1 =	vmul.f32 v5, v1  }
.Ltmp9:
0x343: {  	v2 =	vmul.f32 v2, v5;
	v4 =	vmul.f32 v4, v5;
	(pc) =	sbr.rel @p2 .LBB2_15-.Ltmp9, $4  }
0x344: {  	[tilespmem:s1+$0xFFFFFFE0] =	vst v3  }
0x345: {  	[tilespmem:s1+$0xFFFFFFF0] =	vst v1  }
0x346: {  	[tilespmem:s1+$0x0] =	vst v4  }
0x347: {  	s13 =	sshra.s32 s10, $0x2;
	s10 =	sadd.s32 $0x40, s10;
	[tilespmem:s1+$0x10] =	vst v2  }
0x348: {  	v1 =	vld [tilespmem:s13+$0x7410];
	_ =	sdelay $0x4  }
0x349: {  	(xrf2) =	vadd.scan.msk.f32 $0xffff, v1;
	_ =	sdelay $0x9  }
0x34a: {  	v1, _, _ =	vpop (xrf2)  }
0x34b: {  	v1 =	vmax.f32 v1, $1.000000000e+00  }
0x34c: {  	(erf) = vrcp.f32 v1;
	_ =	sdelay $0x3  }
0x34d: {  	s0 =	sadd.s32 $0x40, s1  }
0x34e: {  	v1 =	vld [tilespmem:s0+$0xFFFFFFE0]  }
0x34f: {  	v2 =	vld [tilespmem:s0+$0xFFFFFFF0]  }
0x350: {  	v3 =	vld [tilespmem:s0+$0x0]  }
0x351: {  	v4 =	vld [tilespmem:s0+$0x10]  }
0x352: {  	v5 =	vpop (erf)  }
0x353: {  	v1 =	vmul.f32 v5, v1  }
0x354: {  	v2 =	vmul.f32 v5, v2  }
0x355: {  	v3 =	vmul.f32 v3, v5;
	[tilespmem:s0+$0xFFFFFFE0] =	vst v1  }
0x356: {  	s15 =	sld [smem:$0x7E2];
	v1 =	vmul.f32 v4, v5;
	[tilespmem:s0+$0xFFFFFFF0] =	vst v2  }
0x357: {  	[tilespmem:s0+$0x0] =	vst v3  }
0x358: {  	[tilespmem:s0+$0x10] =	vst v1  }
0x359: {  	[hbm4b:s15+s3] =	stream.strided.scatter [tilespmem:s2], [sflag:$0x10], $0xC00, s31, s3, $0x38;
	[tilespmem:$0x13A60] =	vst v63  }
0x35a: {  	_ =	swait.ge [sflag:s11], $0xC00  }
0x35b: {  	[sflag:s11] =	ssyncset.done $0x0  }
0x35c: {  	s18 =	rddreg [dreg:$0x1b];
	[sflag:s11] =	ssyncadd.s32 $0xFFFFF400  }
0x35d: {  	[tilespmem:s2], [sflag:$0x10] =	stream.linear.gather [spmem:s18], $0xC00, $0x38;
	[tilespmem:$0x13A60] =	vst v63  }
0x35e: {  	_ =	swait.ge [sflag:s11], $0xC00  }
0x35f: {  	s19 =	sld [smem:$0x7E3]  }
0x360: {  	[sflag:s11] =	ssyncset.done $0x0  }
0x361: {  	[sflag:s11] =	ssyncadd.s32 $0xFFFFF400  }
0x362: {  	[tilespmem:s5], [sflag:$0x10] =	stream.linear.gather [spmem:s19], $0x300, $0x38;
	[tilespmem:$0x13A60] =	vst v63  }
0x363: {  	_ =	swait.ge [sflag:s11], $0x300  }
0x364: {  	[sflag:s11] =	ssyncset.done $0x0  }
0x365: {  	s21 =	simm.s32 $0x0;
	[sflag:s11] =	ssyncadd.s32 $0xFFFFFD00  }
0x366: {  	v1 =	vld [tilespmem:s21+$0x7410];
	_ =	sdelay $0x4  }
0x367: {  	(xrf2) =	vadd.scan.msk.f32 $0xffff, v1;
	_ =	sdelay $0x9  }
0x368: {  	v1, _, _ =	vpop (xrf2)  }
0x369: {  	v1 =	vmax.f32 v1, $1.000000000e+00  }
0x36a: {  	(erf) = vrcp.f32 v1;
	_ =	sdelay $0x3  }
0x36b: {  	s1 =	simm.s32 $0x6830  }
0x36c: {  	v1 =	vld [tilespmem:s1+$0xFFFFFFE0]  }
0x36d: {  	v2 =	vld [tilespmem:s1+$0xFFFFFFF0]  }
0x36e: {  	v3 =	vld [tilespmem:s1+$0x0]  }
0x36f: {  	v62 =	vld [tilespmem:s1+$0x10]  }
0x370: {  	v63 =	vpop (erf)  }
0x371: {  	v1 =	vmul.f32 v63, v1  }
0x372: {  	v2 =	vmul.f32 v63, v2  }
0x373: {  	v3 =	vmul.f32 v3, v63;
	[tilespmem:s1+$0xFFFFFFE0] =	vst v1  }
0x374: {  	v1 =	vmul.f32 v62, v63;
	[tilespmem:s1+$0xFFFFFFF0] =	vst v2  }
0x375: {  	[tilespmem:s1+$0x0] =	vst v3  }
0x376: {  	s13 =	simm.s32 $0x10;
	s10 =	simm.s32 $0x80;
	[tilespmem:s1+$0x10] =	vst v1  }
.LBB2_17:
0x377: {  	p2 =	sne.s32 s10, $0xBC0;
	v1 =	vld [tilespmem:s13+$0x7410];
	_ =	sdelay $0x4  }
0x378: {  	(xrf2) =	vadd.scan.msk.f32 $0xffff, v1;
	_ =	sdelay $0x9  }
0x379: {  	v1, _, _ =	vpop (xrf2)  }
0x37a: {  	v1 =	vmax.f32 v1, $1.000000000e+00  }
0x37b: {  	(erf) = vrcp.f32 v1;
	_ =	sdelay $0x1  }
0x37c: {  	s1 =	sadd.s32 $0x40, s1  }
0x37d: {  	v1 =	vld [tilespmem:s1+$0xFFFFFFF0]  }
0x37e: {  	v2 =	vld [tilespmem:s1+$0x10]  }
0x37f: {  	v3 =	vld [tilespmem:s1+$0xFFFFFFE0]  }
0x380: {  	v4 =	vld [tilespmem:s1+$0x0];
	_ =	sdelay $0x2  }
0x381: {  	v5 =	vpop (erf)  }
0x382: {  	v3 =	vmul.f32 v5, v3;
	v1 =	vmul.f32 v5, v1  }
.Ltmp10:
0x383: {  	v2 =	vmul.f32 v2, v5;
	v4 =	vmul.f32 v4, v5;
	(pc) =	sbr.rel @p2 .LBB2_17-.Ltmp10, $4  }
0x384: {  	[tilespmem:s1+$0xFFFFFFE0] =	vst v3  }
0x385: {  	[tilespmem:s1+$0xFFFFFFF0] =	vst v1  }
0x386: {  	[tilespmem:s1+$0x0] =	vst v4  }
0x387: {  	s13 =	sshra.s32 s10, $0x2;
	s10 =	sadd.s32 $0x40, s10;
	[tilespmem:s1+$0x10] =	vst v2  }
0x388: {  	v1 =	vld [tilespmem:s13+$0x7410];
	_ =	sdelay $0x4  }
0x389: {  	(xrf2) =	vadd.scan.msk.f32 $0xffff, v1;
	_ =	sdelay $0x9  }
0x38a: {  	v1, _, _ =	vpop (xrf2)  }
0x38b: {  	v1 =	vmax.f32 v1, $1.000000000e+00  }
0x38c: {  	(erf) = vrcp.f32 v1;
	_ =	sdelay $0x3  }
0x38d: {  	s0 =	sadd.s32 $0x40, s1  }
0x38e: {  	v1 =	vld [tilespmem:s0+$0xFFFFFFE0]  }
0x38f: {  	v2 =	vld [tilespmem:s0+$0xFFFFFFF0]  }
0x390: {  	v3 =	vld [tilespmem:s0+$0x0]  }
0x391: {  	v4 =	vld [tilespmem:s0+$0x10]  }
0x392: {  	v5 =	vpop (erf)  }
0x393: {  	v1 =	vmul.f32 v5, v1  }
0x394: {  	v2 =	vmul.f32 v5, v2  }
0x395: {  	v3 =	vmul.f32 v3, v5;
	[tilespmem:s0+$0xFFFFFFE0] =	vst v1  }
0x396: {  	s15 =	sld [smem:$0x7E4];
	v1 =	vmul.f32 v4, v5;
	[tilespmem:s0+$0xFFFFFFF0] =	vst v2  }
0x397: {  	[tilespmem:s0+$0x0] =	vst v3  }
0x398: {  	[tilespmem:s0+$0x10] =	vst v1  }
0x399: {  	[hbm4b:s15+s3] =	stream.strided.scatter [tilespmem:s2], [sflag:$0x10], $0xC00, s31, s3, $0x38;
	[tilespmem:$0x13A60] =	vst v63  }
0x39a: {  	_ =	swait.ge [sflag:s11], $0xC00  }
0x39b: {  	[sflag:s11] =	ssyncset.done $0x0  }
0x39c: {  	s18 =	rddreg [dreg:$0x1c];
	[sflag:s11] =	ssyncadd.s32 $0xFFFFF400  }
0x39d: {  	[tilespmem:s2], [sflag:$0x10] =	stream.linear.gather [spmem:s18], $0xC00, $0x38;
	[tilespmem:$0x13A60] =	vst v63  }
0x39e: {  	_ =	swait.ge [sflag:s11], $0xC00  }
0x39f: {  	s19 =	sld [smem:$0x7E5]  }
0x3a0: {  	[sflag:s11] =	ssyncset.done $0x0  }
0x3a1: {  	[sflag:s11] =	ssyncadd.s32 $0xFFFFF400  }
0x3a2: {  	[tilespmem:s5], [sflag:$0x10] =	stream.linear.gather [spmem:s19], $0x300, $0x38;
	[tilespmem:$0x13A60] =	vst v63  }
0x3a3: {  	_ =	swait.ge [sflag:s11], $0x300  }
0x3a4: {  	[sflag:s11] =	ssyncset.done $0x0  }
0x3a5: {  	s21 =	simm.s32 $0x0;
	[sflag:s11] =	ssyncadd.s32 $0xFFFFFD00  }
0x3a6: {  	v1 =	vld [tilespmem:s21+$0x7410];
	_ =	sdelay $0x4  }
0x3a7: {  	(xrf2) =	vadd.scan.msk.f32 $0xffff, v1;
	_ =	sdelay $0x9  }
0x3a8: {  	v1, _, _ =	vpop (xrf2)  }
0x3a9: {  	v1 =	vmax.f32 v1, $1.000000000e+00  }
0x3aa: {  	(erf) = vrcp.f32 v1;
	_ =	sdelay $0x3  }
0x3ab: {  	s1 =	simm.s32 $0x6830  }
0x3ac: {  	v1 =	vld [tilespmem:s1+$0xFFFFFFE0]  }
0x3ad: {  	v2 =	vld [tilespmem:s1+$0xFFFFFFF0]  }
0x3ae: {  	v3 =	vld [tilespmem:s1+$0x0]  }
0x3af: {  	v62 =	vld [tilespmem:s1+$0x10]  }
0x3b0: {  	v63 =	vpop (erf)  }
0x3b1: {  	v1 =	vmul.f32 v63, v1  }
0x3b2: {  	v2 =	vmul.f32 v63, v2  }
0x3b3: {  	v3 =	vmul.f32 v3, v63;
	[tilespmem:s1+$0xFFFFFFE0] =	vst v1  }
0x3b4: {  	v1 =	vmul.f32 v62, v63;
	[tilespmem:s1+$0xFFFFFFF0] =	vst v2  }
0x3b5: {  	[tilespmem:s1+$0x0] =	vst v3  }
0x3b6: {  	s13 =	simm.s32 $0x10;
	s10 =	simm.s32 $0x80;
	[tilespmem:s1+$0x10] =	vst v1  }
.LBB2_19:
0x3b7: {  	p2 =	sne.s32 s10, $0xBC0;
	v1 =	vld [tilespmem:s13+$0x7410];
	_ =	sdelay $0x4  }
0x3b8: {  	(xrf2) =	vadd.scan.msk.f32 $0xffff, v1;
	_ =	sdelay $0x9  }
0x3b9: {  	v1, _, _ =	vpop (xrf2)  }
0x3ba: {  	v1 =	vmax.f32 v1, $1.000000000e+00  }
0x3bb: {  	(erf) = vrcp.f32 v1;
	_ =	sdelay $0x1  }
0x3bc: {  	s1 =	sadd.s32 $0x40, s1  }
0x3bd: {  	v1 =	vld [tilespmem:s1+$0xFFFFFFF0]  }
0x3be: {  	v2 =	vld [tilespmem:s1+$0x10]  }
0x3bf: {  	v3 =	vld [tilespmem:s1+$0xFFFFFFE0]  }
0x3c0: {  	v4 =	vld [tilespmem:s1+$0x0];
	_ =	sdelay $0x2  }
0x3c1: {  	v5 =	vpop (erf)  }
0x3c2: {  	v3 =	vmul.f32 v5, v3;
	v1 =	vmul.f32 v5, v1  }
.Ltmp11:
0x3c3: {  	v2 =	vmul.f32 v2, v5;
	v4 =	vmul.f32 v4, v5;
	(pc) =	sbr.rel @p2 .LBB2_19-.Ltmp11, $4  }
0x3c4: {  	[tilespmem:s1+$0xFFFFFFE0] =	vst v3  }
0x3c5: {  	[tilespmem:s1+$0xFFFFFFF0] =	vst v1  }
0x3c6: {  	[tilespmem:s1+$0x0] =	vst v4  }
0x3c7: {  	s13 =	sshra.s32 s10, $0x2;
	s10 =	sadd.s32 $0x40, s10;
	[tilespmem:s1+$0x10] =	vst v2  }
0x3c8: {  	v1 =	vld [tilespmem:s13+$0x7410];
	_ =	sdelay $0x4  }
0x3c9: {  	(xrf2) =	vadd.scan.msk.f32 $0xffff, v1;
	_ =	sdelay $0x9  }
0x3ca: {  	v1, _, _ =	vpop (xrf2)  }
0x3cb: {  	v1 =	vmax.f32 v1, $1.000000000e+00  }
0x3cc: {  	(erf) = vrcp.f32 v1;
	_ =	sdelay $0x3  }
0x3cd: {  	s0 =	sadd.s32 $0x40, s1  }
0x3ce: {  	v1 =	vld [tilespmem:s0+$0xFFFFFFE0]  }
0x3cf: {  	v2 =	vld [tilespmem:s0+$0xFFFFFFF0]  }
0x3d0: {  	v3 =	vld [tilespmem:s0+$0x0]  }
0x3d1: {  	v4 =	vld [tilespmem:s0+$0x10]  }
0x3d2: {  	v5 =	vpop (erf)  }
0x3d3: {  	v1 =	vmul.f32 v5, v1  }
0x3d4: {  	v2 =	vmul.f32 v5, v2  }
0x3d5: {  	v3 =	vmul.f32 v3, v5;
	[tilespmem:s0+$0xFFFFFFE0] =	vst v1  }
0x3d6: {  	s15 =	sld [smem:$0x7E6];
	v1 =	vmul.f32 v4, v5;
	[tilespmem:s0+$0xFFFFFFF0] =	vst v2  }
0x3d7: {  	[tilespmem:s0+$0x0] =	vst v3  }
0x3d8: {  	[tilespmem:s0+$0x10] =	vst v1  }
0x3d9: {  	[hbm4b:s15+s3] =	stream.strided.scatter [tilespmem:s2], [sflag:$0x10], $0xC00, s31, s3, $0x38;
	[tilespmem:$0x13A60] =	vst v63  }
0x3da: {  	_ =	swait.ge [sflag:s11], $0xC00  }
0x3db: {  	[sflag:s11] =	ssyncset.done $0x0  }
0x3dc: {  	s18 =	rddreg [dreg:$0x1d];
	[sflag:s11] =	ssyncadd.s32 $0xFFFFF400  }
0x3dd: {  	[tilespmem:s2], [sflag:$0x10] =	stream.linear.gather [spmem:s18], $0xC00, $0x38;
	[tilespmem:$0x13A60] =	vst v63  }
0x3de: {  	_ =	swait.ge [sflag:s11], $0xC00  }
0x3df: {  	s19 =	sld [smem:$0x7E7]  }
0x3e0: {  	[sflag:s11] =	ssyncset.done $0x0  }
0x3e1: {  	[sflag:s11] =	ssyncadd.s32 $0xFFFFF400  }
0x3e2: {  	[tilespmem:s5], [sflag:$0x10] =	stream.linear.gather [spmem:s19], $0x300, $0x38;
	[tilespmem:$0x13A60] =	vst v63  }
0x3e3: {  	_ =	swait.ge [sflag:s11], $0x300  }
0x3e4: {  	[sflag:s11] =	ssyncset.done $0x0  }
0x3e5: {  	s21 =	simm.s32 $0x0;
	[sflag:s11] =	ssyncadd.s32 $0xFFFFFD00  }
0x3e6: {  	v1 =	vld [tilespmem:s21+$0x7410];
	_ =	sdelay $0x4  }
0x3e7: {  	(xrf2) =	vadd.scan.msk.f32 $0xffff, v1;
	_ =	sdelay $0x9  }
0x3e8: {  	v1, _, _ =	vpop (xrf2)  }
0x3e9: {  	v1 =	vmax.f32 v1, $1.000000000e+00  }
0x3ea: {  	(erf) = vrcp.f32 v1;
	_ =	sdelay $0x3  }
0x3eb: {  	s1 =	simm.s32 $0x6830  }
0x3ec: {  	v1 =	vld [tilespmem:s1+$0xFFFFFFE0]  }
0x3ed: {  	v2 =	vld [tilespmem:s1+$0xFFFFFFF0]  }
0x3ee: {  	v3 =	vld [tilespmem:s1+$0x0]  }
0x3ef: {  	v62 =	vld [tilespmem:s1+$0x10]  }
0x3f0: {  	v63 =	vpop (erf)  }
0x3f1: {  	v1 =	vmul.f32 v63, v1  }
0x3f2: {  	v2 =	vmul.f32 v63, v2  }
0x3f3: {  	v3 =	vmul.f32 v3, v63;
	[tilespmem:s1+$0xFFFFFFE0] =	vst v1  }
0x3f4: {  	v1 =	vmul.f32 v62, v63;
	[tilespmem:s1+$0xFFFFFFF0] =	vst v2  }
0x3f5: {  	[tilespmem:s1+$0x0] =	vst v3  }
0x3f6: {  	s13 =	simm.s32 $0x10;
	s10 =	simm.s32 $0x80;
	[tilespmem:s1+$0x10] =	vst v1  }
.LBB2_21:
0x3f7: {  	p2 =	sne.s32 s10, $0xBC0;
	v1 =	vld [tilespmem:s13+$0x7410];
	_ =	sdelay $0x4  }
0x3f8: {  	(xrf2) =	vadd.scan.msk.f32 $0xffff, v1;
	_ =	sdelay $0x9  }
0x3f9: {  	v1, _, _ =	vpop (xrf2)  }
0x3fa: {  	v1 =	vmax.f32 v1, $1.000000000e+00  }
0x3fb: {  	(erf) = vrcp.f32 v1;
	_ =	sdelay $0x1  }
0x3fc: {  	s1 =	sadd.s32 $0x40, s1  }
0x3fd: {  	v1 =	vld [tilespmem:s1+$0xFFFFFFF0]  }
0x3fe: {  	v2 =	vld [tilespmem:s1+$0x10]  }
0x3ff: {  	v3 =	vld [tilespmem:s1+$0xFFFFFFE0]  }
0x400: {  	v4 =	vld [tilespmem:s1+$0x0];
	_ =	sdelay $0x2  }
0x401: {  	v5 =	vpop (erf)  }
0x402: {  	v3 =	vmul.f32 v5, v3;
	v1 =	vmul.f32 v5, v1  }
.Ltmp12:
0x403: {  	v2 =	vmul.f32 v2, v5;
	v4 =	vmul.f32 v4, v5;
	(pc) =	sbr.rel @p2 .LBB2_21-.Ltmp12, $4  }
0x404: {  	[tilespmem:s1+$0xFFFFFFE0] =	vst v3  }
0x405: {  	[tilespmem:s1+$0xFFFFFFF0] =	vst v1  }
0x406: {  	[tilespmem:s1+$0x0] =	vst v4  }
0x407: {  	s13 =	sshra.s32 s10, $0x2;
	s10 =	sadd.s32 $0x40, s10;
	[tilespmem:s1+$0x10] =	vst v2  }
0x408: {  	v1 =	vld [tilespmem:s13+$0x7410];
	_ =	sdelay $0x4  }
0x409: {  	(xrf2) =	vadd.scan.msk.f32 $0xffff, v1;
	_ =	sdelay $0x9  }
0x40a: {  	v1, _, _ =	vpop (xrf2)  }
0x40b: {  	v1 =	vmax.f32 v1, $1.000000000e+00  }
0x40c: {  	(erf) = vrcp.f32 v1;
	_ =	sdelay $0x3  }
0x40d: {  	s0 =	sadd.s32 $0x40, s1  }
0x40e: {  	v1 =	vld [tilespmem:s0+$0xFFFFFFE0]  }
0x40f: {  	v2 =	vld [tilespmem:s0+$0xFFFFFFF0]  }
0x410: {  	v3 =	vld [tilespmem:s0+$0x0]  }
0x411: {  	v4 =	vld [tilespmem:s0+$0x10]  }
0x412: {  	v5 =	vpop (erf)  }
0x413: {  	v1 =	vmul.f32 v5, v1  }
0x414: {  	v2 =	vmul.f32 v5, v2  }
0x415: {  	v3 =	vmul.f32 v3, v5;
	[tilespmem:s0+$0xFFFFFFE0] =	vst v1  }
0x416: {  	s15 =	sld [smem:$0x7E8];
	v1 =	vmul.f32 v4, v5;
	[tilespmem:s0+$0xFFFFFFF0] =	vst v2  }
0x417: {  	[tilespmem:s0+$0x0] =	vst v3  }
0x418: {  	[tilespmem:s0+$0x10] =	vst v1  }
0x419: {  	[hbm4b:s15+s3] =	stream.strided.scatter [tilespmem:s2], [sflag:$0x10], $0xC00, s31, s3, $0x38;
	[tilespmem:$0x13A60] =	vst v63  }
0x41a: {  	_ =	swait.ge [sflag:s11], $0xC00  }
0x41b: {  	[sflag:s11] =	ssyncset.done $0x0  }
0x41c: {  	s18 =	rddreg [dreg:$0x1e];
	[sflag:s11] =	ssyncadd.s32 $0xFFFFF400  }
0x41d: {  	[tilespmem:s2], [sflag:$0x10] =	stream.linear.gather [spmem:s18], $0xC00, $0x38;
	[tilespmem:$0x13A60] =	vst v63  }
0x41e: {  	_ =	swait.ge [sflag:s11], $0xC00  }
0x41f: {  	s19 =	sld [smem:$0x7E9]  }
0x420: {  	[sflag:s11] =	ssyncset.done $0x0  }
0x421: {  	[sflag:s11] =	ssyncadd.s32 $0xFFFFF400  }
0x422: {  	[tilespmem:s5], [sflag:$0x10] =	stream.linear.gather [spmem:s19], $0x300, $0x38;
	[tilespmem:$0x13A60] =	vst v63  }
0x423: {  	_ =	swait.ge [sflag:s11], $0x300  }
0x424: {  	[sflag:s11] =	ssyncset.done $0x0  }
0x425: {  	s21 =	simm.s32 $0x0;
	[sflag:s11] =	ssyncadd.s32 $0xFFFFFD00  }
0x426: {  	v1 =	vld [tilespmem:s21+$0x7410];
	_ =	sdelay $0x4  }
0x427: {  	(xrf2) =	vadd.scan.msk.f32 $0xffff, v1;
	_ =	sdelay $0x9  }
0x428: {  	v1, _, _ =	vpop (xrf2)  }
0x429: {  	v1 =	vmax.f32 v1, $1.000000000e+00  }
0x42a: {  	(erf) = vrcp.f32 v1;
	_ =	sdelay $0x3  }
0x42b: {  	s1 =	simm.s32 $0x6830  }
0x42c: {  	v1 =	vld [tilespmem:s1+$0xFFFFFFE0]  }
0x42d: {  	v2 =	vld [tilespmem:s1+$0xFFFFFFF0]  }
0x42e: {  	v3 =	vld [tilespmem:s1+$0x0]  }
0x42f: {  	v62 =	vld [tilespmem:s1+$0x10]  }
0x430: {  	v63 =	vpop (erf)  }
0x431: {  	v1 =	vmul.f32 v63, v1  }
0x432: {  	v2 =	vmul.f32 v63, v2  }
0x433: {  	v3 =	vmul.f32 v3, v63;
	[tilespmem:s1+$0xFFFFFFE0] =	vst v1  }
0x434: {  	v1 =	vmul.f32 v62, v63;
	[tilespmem:s1+$0xFFFFFFF0] =	vst v2  }
0x435: {  	[tilespmem:s1+$0x0] =	vst v3  }
0x436: {  	s13 =	simm.s32 $0x10;
	s10 =	simm.s32 $0x80;
	[tilespmem:s1+$0x10] =	vst v1  }
.LBB2_23:
0x437: {  	p2 =	sne.s32 s10, $0xBC0;
	v1 =	vld [tilespmem:s13+$0x7410];
	_ =	sdelay $0x4  }
0x438: {  	(xrf2) =	vadd.scan.msk.f32 $0xffff, v1;
	_ =	sdelay $0x9  }
0x439: {  	v1, _, _ =	vpop (xrf2)  }
0x43a: {  	v1 =	vmax.f32 v1, $1.000000000e+00  }
0x43b: {  	(erf) = vrcp.f32 v1;
	_ =	sdelay $0x1  }
0x43c: {  	s1 =	sadd.s32 $0x40, s1  }
0x43d: {  	v1 =	vld [tilespmem:s1+$0xFFFFFFF0]  }
0x43e: {  	v2 =	vld [tilespmem:s1+$0x10]  }
0x43f: {  	v3 =	vld [tilespmem:s1+$0xFFFFFFE0]  }
0x440: {  	v4 =	vld [tilespmem:s1+$0x0];
	_ =	sdelay $0x2  }
0x441: {  	v5 =	vpop (erf)  }
0x442: {  	v3 =	vmul.f32 v5, v3;
	v1 =	vmul.f32 v5, v1  }
.Ltmp13:
0x443: {  	v2 =	vmul.f32 v2, v5;
	v4 =	vmul.f32 v4, v5;
	(pc) =	sbr.rel @p2 .LBB2_23-.Ltmp13, $4  }
0x444: {  	[tilespmem:s1+$0xFFFFFFE0] =	vst v3  }
0x445: {  	[tilespmem:s1+$0xFFFFFFF0] =	vst v1  }
0x446: {  	[tilespmem:s1+$0x0] =	vst v4  }
0x447: {  	s13 =	sshra.s32 s10, $0x2;
	s10 =	sadd.s32 $0x40, s10;
	[tilespmem:s1+$0x10] =	vst v2  }
0x448: {  	v1 =	vld [tilespmem:s13+$0x7410];
	_ =	sdelay $0x4  }
0x449: {  	(xrf2) =	vadd.scan.msk.f32 $0xffff, v1;
	_ =	sdelay $0x9  }
0x44a: {  	v1, _, _ =	vpop (xrf2)  }
0x44b: {  	v1 =	vmax.f32 v1, $1.000000000e+00  }
0x44c: {  	(erf) = vrcp.f32 v1;
	_ =	sdelay $0x3  }
0x44d: {  	s0 =	sadd.s32 $0x40, s1  }
0x44e: {  	v1 =	vld [tilespmem:s0+$0xFFFFFFE0]  }
0x44f: {  	v2 =	vld [tilespmem:s0+$0xFFFFFFF0]  }
0x450: {  	v3 =	vld [tilespmem:s0+$0x0]  }
0x451: {  	v4 =	vld [tilespmem:s0+$0x10]  }
0x452: {  	v5 =	vpop (erf)  }
0x453: {  	v1 =	vmul.f32 v5, v1  }
0x454: {  	v2 =	vmul.f32 v5, v2  }
0x455: {  	v3 =	vmul.f32 v3, v5;
	[tilespmem:s0+$0xFFFFFFE0] =	vst v1  }
0x456: {  	s15 =	sld [smem:$0x7EA];
	v1 =	vmul.f32 v4, v5;
	[tilespmem:s0+$0xFFFFFFF0] =	vst v2  }
0x457: {  	[tilespmem:s0+$0x0] =	vst v3  }
0x458: {  	[tilespmem:s0+$0x10] =	vst v1  }
0x459: {  	[hbm4b:s15+s3] =	stream.strided.scatter [tilespmem:s2], [sflag:$0x10], $0xC00, s31, s3, $0x38;
	[tilespmem:$0x13A60] =	vst v63  }
0x45a: {  	_ =	swait.ge [sflag:s11], $0xC00  }
0x45b: {  	[sflag:s11] =	ssyncset.done $0x0  }
0x45c: {  	s18 =	rddreg [dreg:$0x1f];
	[sflag:s11] =	ssyncadd.s32 $0xFFFFF400  }
0x45d: {  	[tilespmem:s2], [sflag:$0x10] =	stream.linear.gather [spmem:s18], $0xC00, $0x38;
	[tilespmem:$0x13A60] =	vst v63  }
0x45e: {  	_ =	swait.ge [sflag:s11], $0xC00  }
0x45f: {  	s19 =	sld [smem:$0x7EB]  }
0x460: {  	[sflag:s11] =	ssyncset.done $0x0  }
0x461: {  	[sflag:s11] =	ssyncadd.s32 $0xFFFFF400  }
0x462: {  	[tilespmem:s5], [sflag:$0x10] =	stream.linear.gather [spmem:s19], $0x300, $0x38;
	[tilespmem:$0x13A60] =	vst v63  }
0x463: {  	_ =	swait.ge [sflag:s11], $0x300  }
0x464: {  	[sflag:s11] =	ssyncset.done $0x0  }
0x465: {  	s21 =	simm.s32 $0x0;
	[sflag:s11] =	ssyncadd.s32 $0xFFFFFD00  }
0x466: {  	v1 =	vld [tilespmem:s21+$0x7410];
	_ =	sdelay $0x4  }
0x467: {  	(xrf2) =	vadd.scan.msk.f32 $0xffff, v1;
	_ =	sdelay $0x9  }
0x468: {  	v1, _, _ =	vpop (xrf2)  }
0x469: {  	v1 =	vmax.f32 v1, $1.000000000e+00  }
0x46a: {  	(erf) = vrcp.f32 v1;
	_ =	sdelay $0x3  }
0x46b: {  	s1 =	simm.s32 $0x6830  }
0x46c: {  	v1 =	vld [tilespmem:s1+$0xFFFFFFE0]  }
0x46d: {  	v2 =	vld [tilespmem:s1+$0xFFFFFFF0]  }
0x46e: {  	v3 =	vld [tilespmem:s1+$0x0]  }
0x46f: {  	v62 =	vld [tilespmem:s1+$0x10]  }
0x470: {  	v63 =	vpop (erf)  }
0x471: {  	v1 =	vmul.f32 v63, v1  }
0x472: {  	v2 =	vmul.f32 v63, v2  }
0x473: {  	v3 =	vmul.f32 v3, v63;
	[tilespmem:s1+$0xFFFFFFE0] =	vst v1  }
0x474: {  	v1 =	vmul.f32 v62, v63;
	[tilespmem:s1+$0xFFFFFFF0] =	vst v2  }
0x475: {  	[tilespmem:s1+$0x0] =	vst v3  }
0x476: {  	s13 =	simm.s32 $0x10;
	s10 =	simm.s32 $0x80;
	[tilespmem:s1+$0x10] =	vst v1  }
.LBB2_25:
0x477: {  	p2 =	sne.s32 s10, $0xBC0;
	v1 =	vld [tilespmem:s13+$0x7410];
	_ =	sdelay $0x4  }
0x478: {  	(xrf2) =	vadd.scan.msk.f32 $0xffff, v1;
	_ =	sdelay $0x9  }
0x479: {  	v1, _, _ =	vpop (xrf2)  }
0x47a: {  	v1 =	vmax.f32 v1, $1.000000000e+00  }
0x47b: {  	(erf) = vrcp.f32 v1;
	_ =	sdelay $0x1  }
0x47c: {  	s1 =	sadd.s32 $0x40, s1  }
0x47d: {  	v1 =	vld [tilespmem:s1+$0xFFFFFFF0]  }
0x47e: {  	v2 =	vld [tilespmem:s1+$0x10]  }
0x47f: {  	v3 =	vld [tilespmem:s1+$0xFFFFFFE0]  }
0x480: {  	v4 =	vld [tilespmem:s1+$0x0];
	_ =	sdelay $0x2  }
0x481: {  	v5 =	vpop (erf)  }
0x482: {  	v3 =	vmul.f32 v5, v3;
	v1 =	vmul.f32 v5, v1  }
.Ltmp14:
0x483: {  	v2 =	vmul.f32 v2, v5;
	v4 =	vmul.f32 v4, v5;
	(pc) =	sbr.rel @p2 .LBB2_25-.Ltmp14, $4  }
0x484: {  	[tilespmem:s1+$0xFFFFFFE0] =	vst v3  }
0x485: {  	[tilespmem:s1+$0xFFFFFFF0] =	vst v1  }
0x486: {  	[tilespmem:s1+$0x0] =	vst v4  }
0x487: {  	s13 =	sshra.s32 s10, $0x2;
	s10 =	sadd.s32 $0x40, s10;
	[tilespmem:s1+$0x10] =	vst v2  }
0x488: {  	v1 =	vld [tilespmem:s13+$0x7410];
	_ =	sdelay $0x4  }
0x489: {  	(xrf2) =	vadd.scan.msk.f32 $0xffff, v1;
	_ =	sdelay $0x9  }
0x48a: {  	v1, _, _ =	vpop (xrf2)  }
0x48b: {  	v1 =	vmax.f32 v1, $1.000000000e+00  }
0x48c: {  	(erf) = vrcp.f32 v1;
	_ =	sdelay $0x3  }
0x48d: {  	s0 =	sadd.s32 $0x40, s1  }
0x48e: {  	v1 =	vld [tilespmem:s0+$0xFFFFFFE0]  }
0x48f: {  	v2 =	vld [tilespmem:s0+$0xFFFFFFF0]  }
0x490: {  	v3 =	vld [tilespmem:s0+$0x0]  }
0x491: {  	v4 =	vld [tilespmem:s0+$0x10]  }
0x492: {  	v5 =	vpop (erf)  }
0x493: {  	v1 =	vmul.f32 v5, v1  }
0x494: {  	v2 =	vmul.f32 v5, v2  }
0x495: {  	v3 =	vmul.f32 v3, v5;
	[tilespmem:s0+$0xFFFFFFE0] =	vst v1  }
0x496: {  	s15 =	sld [smem:$0x7EC];
	v1 =	vmul.f32 v4, v5;
	[tilespmem:s0+$0xFFFFFFF0] =	vst v2  }
0x497: {  	[tilespmem:s0+$0x0] =	vst v3  }
0x498: {  	[tilespmem:s0+$0x10] =	vst v1  }
0x499: {  	[hbm4b:s15+s3] =	stream.strided.scatter [tilespmem:s2], [sflag:$0x10], $0xC00, s31, s3, $0x38;
	[tilespmem:$0x13A60] =	vst v63  }
0x49a: {  	_ =	swait.ge [sflag:s11], $0xC00  }
0x49b: {  	s18 =	sld [smem:$0x7D6]  }
0x49c: {  	[sflag:s11] =	ssyncset.done $0x0  }
0x49d: {  	[sflag:s11] =	ssyncadd.s32 $0xFFFFF400  }
0x49e: {  	[tilespmem:s2], [sflag:$0x10] =	stream.linear.gather [spmem:s18], $0xC00, $0x38;
	[tilespmem:$0x13A60] =	vst v63  }
0x49f: {  	_ =	swait.ge [sflag:s11], $0xC00  }
0x4a0: {  	s19 =	sld [smem:$0x7ED]  }
0x4a1: {  	[sflag:s11] =	ssyncset.done $0x0  }
0x4a2: {  	[sflag:s11] =	ssyncadd.s32 $0xFFFFF400  }
0x4a3: {  	[tilespmem:s5], [sflag:$0x10] =	stream.linear.gather [spmem:s19], $0x300, $0x38;
	[tilespmem:$0x13A60] =	vst v63  }
0x4a4: {  	_ =	swait.ge [sflag:s11], $0x300  }
0x4a5: {  	[sflag:s11] =	ssyncset.done $0x0  }
0x4a6: {  	s21 =	simm.s32 $0x0;
	[sflag:s11] =	ssyncadd.s32 $0xFFFFFD00  }
0x4a7: {  	v1 =	vld [tilespmem:s21+$0x7410];
	_ =	sdelay $0x4  }
0x4a8: {  	(xrf2) =	vadd.scan.msk.f32 $0xffff, v1;
	_ =	sdelay $0x9  }
0x4a9: {  	v1, _, _ =	vpop (xrf2)  }
0x4aa: {  	v1 =	vmax.f32 v1, $1.000000000e+00  }
0x4ab: {  	(erf) = vrcp.f32 v1;
	_ =	sdelay $0x3  }
0x4ac: {  	s1 =	simm.s32 $0x6830  }
0x4ad: {  	v1 =	vld [tilespmem:s1+$0xFFFFFFE0]  }
0x4ae: {  	v2 =	vld [tilespmem:s1+$0xFFFFFFF0]  }
0x4af: {  	v3 =	vld [tilespmem:s1+$0x0]  }
0x4b0: {  	v62 =	vld [tilespmem:s1+$0x10]  }
0x4b1: {  	v63 =	vpop (erf)  }
0x4b2: {  	v1 =	vmul.f32 v63, v1  }
0x4b3: {  	v2 =	vmul.f32 v63, v2  }
0x4b4: {  	v3 =	vmul.f32 v3, v63;
	[tilespmem:s1+$0xFFFFFFE0] =	vst v1  }
0x4b5: {  	v1 =	vmul.f32 v62, v63;
	[tilespmem:s1+$0xFFFFFFF0] =	vst v2  }
0x4b6: {  	[tilespmem:s1+$0x0] =	vst v3  }
0x4b7: {  	s13 =	simm.s32 $0x10;
	s10 =	simm.s32 $0x80;
	[tilespmem:s1+$0x10] =	vst v1  }
.LBB2_27:
0x4b8: {  	p2 =	sne.s32 s10, $0xBC0;
	v1 =	vld [tilespmem:s13+$0x7410];
	_ =	sdelay $0x4  }
0x4b9: {  	(xrf2) =	vadd.scan.msk.f32 $0xffff, v1;
	_ =	sdelay $0x9  }
0x4ba: {  	v1, _, _ =	vpop (xrf2)  }
0x4bb: {  	v1 =	vmax.f32 v1, $1.000000000e+00  }
0x4bc: {  	(erf) = vrcp.f32 v1;
	_ =	sdelay $0x1  }
0x4bd: {  	s1 =	sadd.s32 $0x40, s1  }
0x4be: {  	v1 =	vld [tilespmem:s1+$0xFFFFFFF0]  }
0x4bf: {  	v2 =	vld [tilespmem:s1+$0x10]  }
0x4c0: {  	v3 =	vld [tilespmem:s1+$0xFFFFFFE0]  }
0x4c1: {  	v4 =	vld [tilespmem:s1+$0x0];
	_ =	sdelay $0x2  }
0x4c2: {  	v5 =	vpop (erf)  }
0x4c3: {  	v3 =	vmul.f32 v5, v3;
	v1 =	vmul.f32 v5, v1  }
.Ltmp15:
0x4c4: {  	v2 =	vmul.f32 v2, v5;
	v4 =	vmul.f32 v4, v5;
	(pc) =	sbr.rel @p2 .LBB2_27-.Ltmp15, $4  }
0x4c5: {  	[tilespmem:s1+$0xFFFFFFE0] =	vst v3  }
0x4c6: {  	[tilespmem:s1+$0xFFFFFFF0] =	vst v1  }
0x4c7: {  	[tilespmem:s1+$0x0] =	vst v4  }
0x4c8: {  	s13 =	sshra.s32 s10, $0x2;
	s10 =	sadd.s32 $0x40, s10;
	[tilespmem:s1+$0x10] =	vst v2  }
0x4c9: {  	v1 =	vld [tilespmem:s13+$0x7410];
	_ =	sdelay $0x4  }
0x4ca: {  	(xrf2) =	vadd.scan.msk.f32 $0xffff, v1;
	_ =	sdelay $0x9  }
0x4cb: {  	v1, _, _ =	vpop (xrf2)  }
0x4cc: {  	v1 =	vmax.f32 v1, $1.000000000e+00  }
0x4cd: {  	(erf) = vrcp.f32 v1;
	_ =	sdelay $0x3  }
0x4ce: {  	s0 =	sadd.s32 $0x40, s1  }
0x4cf: {  	v1 =	vld [tilespmem:s0+$0xFFFFFFE0]  }
0x4d0: {  	v2 =	vld [tilespmem:s0+$0xFFFFFFF0]  }
0x4d1: {  	v3 =	vld [tilespmem:s0+$0x0]  }
0x4d2: {  	v4 =	vld [tilespmem:s0+$0x10]  }
0x4d3: {  	v5 =	vpop (erf)  }
0x4d4: {  	v1 =	vmul.f32 v5, v1  }
0x4d5: {  	v2 =	vmul.f32 v5, v2  }
0x4d6: {  	v3 =	vmul.f32 v3, v5;
	[tilespmem:s0+$0xFFFFFFE0] =	vst v1  }
0x4d7: {  	s15 =	sld [smem:$0x7EE];
	v1 =	vmul.f32 v4, v5;
	[tilespmem:s0+$0xFFFFFFF0] =	vst v2  }
0x4d8: {  	[tilespmem:s0+$0x0] =	vst v3  }
0x4d9: {  	[tilespmem:s0+$0x10] =	vst v1  }
0x4da: {  	[hbm4b:s15+s3] =	stream.strided.scatter [tilespmem:s2], [sflag:$0x10], $0xC00, s31, s3, $0x38;
	[tilespmem:$0x13A60] =	vst v63  }
0x4db: {  	_ =	swait.ge [sflag:s11], $0xC00  }
0x4dc: {  	s18 =	sld [smem:$0x7D7]  }
0x4dd: {  	[sflag:s11] =	ssyncset.done $0x0  }
0x4de: {  	[sflag:s11] =	ssyncadd.s32 $0xFFFFF400  }
0x4df: {  	[tilespmem:s2], [sflag:$0x10] =	stream.linear.gather [spmem:s18], $0xC00, $0x38;
	[tilespmem:$0x13A60] =	vst v63  }
0x4e0: {  	_ =	swait.ge [sflag:s11], $0xC00  }
0x4e1: {  	s19 =	sld [smem:$0x7F0]  }
0x4e2: {  	[sflag:s11] =	ssyncset.done $0x0  }
0x4e3: {  	[sflag:s11] =	ssyncadd.s32 $0xFFFFF400  }
0x4e4: {  	[tilespmem:s5], [sflag:$0x10] =	stream.linear.gather [spmem:s19], $0x300, $0x38;
	[tilespmem:$0x13A60] =	vst v63  }
0x4e5: {  	_ =	swait.ge [sflag:s11], $0x300  }
0x4e6: {  	[sflag:s11] =	ssyncset.done $0x0  }
0x4e7: {  	s21 =	simm.s32 $0x0;
	[sflag:s11] =	ssyncadd.s32 $0xFFFFFD00  }
0x4e8: {  	v1 =	vld [tilespmem:s21+$0x7410];
	_ =	sdelay $0x4  }
0x4e9: {  	(xrf2) =	vadd.scan.msk.f32 $0xffff, v1;
	_ =	sdelay $0x9  }
0x4ea: {  	v1, _, _ =	vpop (xrf2)  }
0x4eb: {  	v1 =	vmax.f32 v1, $1.000000000e+00  }
0x4ec: {  	(erf) = vrcp.f32 v1;
	_ =	sdelay $0x3  }
0x4ed: {  	s1 =	simm.s32 $0x6830  }
0x4ee: {  	v1 =	vld [tilespmem:s1+$0xFFFFFFE0]  }
0x4ef: {  	v2 =	vld [tilespmem:s1+$0xFFFFFFF0]  }
0x4f0: {  	v3 =	vld [tilespmem:s1+$0x0]  }
0x4f1: {  	v62 =	vld [tilespmem:s1+$0x10]  }
0x4f2: {  	v63 =	vpop (erf)  }
0x4f3: {  	v1 =	vmul.f32 v63, v1  }
0x4f4: {  	v2 =	vmul.f32 v63, v2  }
0x4f5: {  	v3 =	vmul.f32 v3, v63;
	[tilespmem:s1+$0xFFFFFFE0] =	vst v1  }
0x4f6: {  	v1 =	vmul.f32 v62, v63;
	[tilespmem:s1+$0xFFFFFFF0] =	vst v2  }
0x4f7: {  	[tilespmem:s1+$0x0] =	vst v3  }
0x4f8: {  	s13 =	simm.s32 $0x10;
	s10 =	simm.s32 $0x80;
	[tilespmem:s1+$0x10] =	vst v1  }
.LBB2_29:
0x4f9: {  	p2 =	sne.s32 s10, $0xBC0;
	v1 =	vld [tilespmem:s13+$0x7410];
	_ =	sdelay $0x4  }
0x4fa: {  	(xrf2) =	vadd.scan.msk.f32 $0xffff, v1;
	_ =	sdelay $0x9  }
0x4fb: {  	v1, _, _ =	vpop (xrf2)  }
0x4fc: {  	v1 =	vmax.f32 v1, $1.000000000e+00  }
0x4fd: {  	(erf) = vrcp.f32 v1;
	_ =	sdelay $0x1  }
0x4fe: {  	s1 =	sadd.s32 $0x40, s1  }
0x4ff: {  	v1 =	vld [tilespmem:s1+$0xFFFFFFF0]  }
0x500: {  	v2 =	vld [tilespmem:s1+$0x10]  }
0x501: {  	v3 =	vld [tilespmem:s1+$0xFFFFFFE0]  }
0x502: {  	v4 =	vld [tilespmem:s1+$0x0];
	_ =	sdelay $0x2  }
0x503: {  	v5 =	vpop (erf)  }
0x504: {  	v3 =	vmul.f32 v5, v3;
	v1 =	vmul.f32 v5, v1  }
.Ltmp16:
0x505: {  	v2 =	vmul.f32 v2, v5;
	v4 =	vmul.f32 v4, v5;
	(pc) =	sbr.rel @p2 .LBB2_29-.Ltmp16, $4  }
0x506: {  	[tilespmem:s1+$0xFFFFFFE0] =	vst v3  }
0x507: {  	[tilespmem:s1+$0xFFFFFFF0] =	vst v1  }
0x508: {  	[tilespmem:s1+$0x0] =	vst v4  }
0x509: {  	s13 =	sshra.s32 s10, $0x2;
	s10 =	sadd.s32 $0x40, s10;
	[tilespmem:s1+$0x10] =	vst v2  }
0x50a: {  	v1 =	vld [tilespmem:s13+$0x7410];
	_ =	sdelay $0x4  }
0x50b: {  	(xrf2) =	vadd.scan.msk.f32 $0xffff, v1;
	_ =	sdelay $0x9  }
0x50c: {  	v1, _, _ =	vpop (xrf2)  }
0x50d: {  	v1 =	vmax.f32 v1, $1.000000000e+00  }
0x50e: {  	(erf) = vrcp.f32 v1;
	_ =	sdelay $0x3  }
0x50f: {  	s0 =	sadd.s32 $0x40, s1  }
0x510: {  	v1 =	vld [tilespmem:s0+$0xFFFFFFE0]  }
0x511: {  	v2 =	vld [tilespmem:s0+$0xFFFFFFF0]  }
0x512: {  	v3 =	vld [tilespmem:s0+$0x0]  }
0x513: {  	v4 =	vld [tilespmem:s0+$0x10]  }
0x514: {  	v5 =	vpop (erf)  }
0x515: {  	v1 =	vmul.f32 v5, v1  }
0x516: {  	v2 =	vmul.f32 v5, v2  }
0x517: {  	v3 =	vmul.f32 v3, v5;
	[tilespmem:s0+$0xFFFFFFE0] =	vst v1  }
0x518: {  	s21 =	sld [smem:$0x7EF];
	v1 =	vmul.f32 v4, v5;
	[tilespmem:s0+$0xFFFFFFF0] =	vst v2  }
0x519: {  	[tilespmem:s0+$0x0] =	vst v3  }
.Ltmp17:
0x51a: {  	[tilespmem:s0+$0x10] =	vst v1;
	(pc) =	sbr.rel @p1 .LBB2_34-.Ltmp17, $4  }
0x51b: {  	[hbm4b:s21+s3] =	stream.strided.scatter [tilespmem:s2], [sflag:$0x10], $0xC00, s31, s3, $0x38;
	[tilespmem:$0x13A60] =	vst v63  }
0x51c: {  	_ =	swait.ge [sflag:s11], $0xC00  }
0x51d: {  	[sflag:s11] =	ssyncset.done $0x0  }
0x51e: {  	s1 =	sld [smem:$0x7D5];
	[sflag:s11] =	ssyncadd.s32 $0xFFFFF400  }
0x51f: {  	s0 =	sld [smem:$0x7F9];
	_ =	sdelay $0x2  }
0x520: {  	[tilespmem:s2], [sflag:$0x10] =	stream.linear.gather [spmem:s0], $0x400, $0x38;
	[tilespmem:$0x13A60] =	vst v63  }
0x521: {  	_ =	swait.ge [sflag:s11], $0x400  }
0x522: {  	s19 =	sld [smem:$0x7FA]  }
0x523: {  	[sflag:s11] =	ssyncset.done $0x0  }
0x524: {  	[sflag:s11] =	ssyncadd.s32 $0xFFFFFC00  }
0x525: {  	[tilespmem:s5], [sflag:$0x10] =	stream.linear.gather [spmem:s19], $0x100, $0x38;
	[tilespmem:$0x13A60] =	vst v63  }
0x526: {  	_ =	swait.ge [sflag:s11], $0x100  }
0x527: {  	[sflag:s11] =	ssyncset.done $0x0  }
0x528: {  	s21 =	simm.s32 $0x0;
	[sflag:s11] =	ssyncadd.s32 $0xFFFFFF00  }
0x529: {  	v1 =	vld [tilespmem:s21+$0x7410];
	_ =	sdelay $0x4  }
0x52a: {  	(xrf2) =	vadd.scan.msk.f32 $0xffff, v1;
	_ =	sdelay $0x9  }
0x52b: {  	v1, _, _ =	vpop (xrf2)  }
0x52c: {  	v1 =	vmax.f32 v1, $1.000000000e+00  }
0x52d: {  	(erf) = vrcp.f32 v1;
	_ =	sdelay $0x3  }
0x52e: {  	s1 =	simm.s32 $0x6830  }
0x52f: {  	v1 =	vld [tilespmem:s1+$0xFFFFFFE0]  }
0x530: {  	v2 =	vld [tilespmem:s1+$0xFFFFFFF0]  }
0x531: {  	v3 =	vld [tilespmem:s1+$0x0]  }
0x532: {  	v4 =	vld [tilespmem:s1+$0x10]  }
0x533: {  	v5 =	vpop (erf)  }
0x534: {  	v1 =	vmul.f32 v5, v1  }
0x535: {  	v2 =	vmul.f32 v5, v2  }
0x536: {  	v3 =	vmul.f32 v3, v5;
	[tilespmem:s1+$0xFFFFFFE0] =	vst v1  }
0x537: {  	v1 =	vmul.f32 v4, v5;
	[tilespmem:s1+$0xFFFFFFF0] =	vst v2  }
0x538: {  	[tilespmem:s1+$0x0] =	vst v3  }
0x539: {  	s13 =	simm.s32 $0x10;
	s10 =	simm.s32 $0x80;
	[tilespmem:s1+$0x10] =	vst v1  }
.LBB2_32:
0x53a: {  	p2 =	sne.s32 s10, $0x3C0;
	v1 =	vld [tilespmem:s13+$0x7410];
	_ =	sdelay $0x4  }
0x53b: {  	(xrf2) =	vadd.scan.msk.f32 $0xffff, v1;
	_ =	sdelay $0x9  }
0x53c: {  	v1, _, _ =	vpop (xrf2)  }
0x53d: {  	v1 =	vmax.f32 v1, $1.000000000e+00  }
0x53e: {  	(erf) = vrcp.f32 v1;
	_ =	sdelay $0x1  }
0x53f: {  	s1 =	sadd.s32 $0x40, s1  }
0x540: {  	v1 =	vld [tilespmem:s1+$0xFFFFFFF0]  }
0x541: {  	v2 =	vld [tilespmem:s1+$0x10]  }
0x542: {  	v3 =	vld [tilespmem:s1+$0xFFFFFFE0]  }
0x543: {  	v4 =	vld [tilespmem:s1+$0x0];
	_ =	sdelay $0x2  }
0x544: {  	v5 =	vpop (erf)  }
0x545: {  	v3 =	vmul.f32 v5, v3;
	v1 =	vmul.f32 v5, v1  }
.Ltmp18:
0x546: {  	v2 =	vmul.f32 v2, v5;
	v4 =	vmul.f32 v4, v5;
	(pc) =	sbr.rel @p2 .LBB2_32-.Ltmp18, $4  }
0x547: {  	[tilespmem:s1+$0xFFFFFFE0] =	vst v3  }
0x548: {  	[tilespmem:s1+$0xFFFFFFF0] =	vst v1  }
0x549: {  	[tilespmem:s1+$0x0] =	vst v4  }
0x54a: {  	s13 =	sshra.s32 s10, $0x2;
	s10 =	sadd.s32 $0x40, s10;
	[tilespmem:s1+$0x10] =	vst v2  }
.Ltmp19:
0x54b: {  	_ = 	snop;
	(pc) =	sbr.rel .LBB2_33-.Ltmp19, $1  }
0x54c: {  	_ =	sdelay $0x3  }
.LBB2_35:
0x54d: {  	_ =	sfence.sel $0x180000  }
0x54e: {  	[bflag:$0x0] =	sbarrier.arrive $0xFFFF  }
0x54f: {  	_ =	strace $0x90000047  }
0x550: {  	s0 =	stileid.u32;
	[bflag:$0x2] =	sbarrier.arrive $0xFFFF  }
0x551: {  	p0 =	sne.s32 s0, $0x0;
	s0 =	rddreg [dreg:$0x5]  }
0x552: {  	s0 =	sadd.s32 @!p0 $0x100000, s0  }
0x553: {  	[sflag:s0] =	ssyncadd.tile.s32 @!p0 $0x1;
	_ =	shalt  }
.Lfunc_end2:
_tile_overlayer_lowered:
.L_overlay_start_2:
0x554: {  	(tag) =	ssettag $0x2  }
0x555: {  	s0 =	rddreg [dreg:$0x0];
	s2 =	stileid.u32  }
0x556: {  	s1 =	rddreg [dreg:$0x1];
	p0 =	sne.s32 s2, $0x0  }
0x557: {  	s3 =	rddreg [dreg:$0x2];
	[bflag:$0x3] =	sbarrier.arrive $0xFFFF;
	s2 =	simm.s32 @!p0 $0x1C10  }
0x558: {  	[timem:s3], [sflag:s2] =	dma.local @!p0 [hbm:s0], s1  }
0x559: {  	s0 =	simm.s32 @!p0 $0x10  }
0x55a: {  	_ =	swait.ge @!p0 [sflag:s0], s1  }
0x55b: {  	s1 =	ssub.s32 @!p0 $0x0, s1;
	[sflag:s0] =	ssyncset.done @!p0 $0x0  }
0x55c: {  	[sflag:s0] =	ssyncadd.s32 @!p0 s1  }
0x55d: {  	[bflag:$0x3] =	sbarrier.arrive $0xFFFF  }
0x55e: {  	_ =	shalt  }

</sc_bundles>
